<compile_context>
chip_gen: v7x
topology: tpu7x:2x2x1
jax: 0.10.2.dev20260603
libtpu: 0.0.44.dev20260713+nightly
codegen_flags: <defaults>
</compile_context>

<pallas_src>
import functools

import jax
import jax.numpy as jnp
from jax import lax
from jax.experimental import pallas as pl
from jax.experimental.pallas import tpu as pltpu
from jax.experimental.pallas import tpu_sc as plsc

N = 10000
E = 320000
LBL = 100000
NC, NS = 2, 16
NW = NC * NS
EB = 128
LT = 3136
NPAD = 10112
RZ = NPAD // NS
CW = 8

@functools.cache
def _mesh():
    return plsc.VectorSubcoreMesh(core_axis_name="c", subcore_axis_name="s",
                                  num_cores=NC, num_subcores=NS)


NB = 2500
NBT = 156
CNT_SPLIT = NBT // 2
NSLOT = 6
LEAD = 3


def _sc_agg(u_lo, u_hi, eidx, z32, z8, ones8, with_cnt):
    out_type = [jax.ShapeDtypeStruct((NPAD, 32), jnp.float32),
                jax.ShapeDtypeStruct((NPAD, 32), jnp.float32)]
    scratch = [pltpu.VMEM((NBT + 1, EB), jnp.int32),
               pltpu.VMEM((NBT + 1, EB), jnp.int32),
               pltpu.VMEM((NSLOT, EB, 32), jnp.float32),
               pltpu.VMEM_SHARED((NPAD, 32), jnp.float32),
               pltpu.VMEM_SHARED((N, 32), jnp.float32),
               *[pltpu.SemaphoreType.DMA] * (2 * NSLOT)]
    if with_cnt:
        out_type += [jax.ShapeDtypeStruct((NPAD, CW), jnp.float32),
                     jax.ShapeDtypeStruct((NPAD, CW), jnp.float32)]
        scratch += [pltpu.VMEM((EB, CW), jnp.float32),
                    pltpu.VMEM_SHARED((NPAD, CW), jnp.float32),
                    *[pltpu.SemaphoreType.DMA] * NSLOT]

    def body(*refs):
        if with_cnt:
            (ulo_hbm, uhi_hbm, eidx_hbm, z32_hbm, z8_hbm, ones_hbm,
             agg_lo_hbm, agg_hi_hbm, cnt0_hbm, cnt1_hbm,
             sidx, didx, rows, acc_sh, u_sh, *sems) = refs[:15 + 2 * NSLOT]
            ones_v, cnt_sh, *csem = refs[15 + 2 * NSLOT:]
        else:
            (ulo_hbm, uhi_hbm, eidx_hbm, z32_hbm,
             agg_lo_hbm, agg_hi_hbm,
             sidx, didx, rows, acc_sh, u_sh, *sems) = refs
        gsem = list(sems[:NSLOT])
        rsem = list(sems[NSLOT:2 * NSLOT])
        cid = lax.axis_index("c")
        sid = lax.axis_index("s")
        has_tail = sid < NB - NS * NBT

        pltpu.sync_copy(z32_hbm.at[pl.ds(sid * RZ, RZ)],
                        acc_sh.at[pl.ds(sid * RZ, RZ)])
        us = pl.ds(sid * (N // NS), N // NS)

        @pl.when(cid == 0)
        def _():
            pltpu.sync_copy(ulo_hbm.at[us], u_sh.at[us])

        @pl.when(cid == 1)
        def _():
            pltpu.sync_copy(uhi_hbm.at[us], u_sh.at[us])

        bs_ = pl.ds(sid * NBT, NBT)
        pltpu.sync_copy(eidx_hbm.at[0, bs_], sidx.at[pl.ds(0, NBT)])
        pltpu.sync_copy(eidx_hbm.at[1, bs_], didx.at[pl.ds(0, NBT)])

        @pl.when(has_tail)
        def _():
            ts_ = pl.ds(NS * NBT + sid, 1)
            pltpu.sync_copy(eidx_hbm.at[0, ts_], sidx.at[pl.ds(NBT, 1)])
            pltpu.sync_copy(eidx_hbm.at[1, ts_], didx.at[pl.ds(NBT, 1)])

        if with_cnt:
            pltpu.sync_copy(z8_hbm.at[pl.ds(sid * RZ, RZ)],
                            cnt_sh.at[pl.ds(sid * RZ, RZ)])
            pltpu.sync_copy(ones_hbm, ones_v)
        plsc.subcore_barrier()

        for m in range(LEAD):
            pltpu.async_copy(u_sh.at[sidx.at[m]], rows.at[m], gsem[m])

        def step(jj, carry):
            for k in range(NSLOT):
                j = jj * NSLOT + k
                k6 = (k + LEAD) % NSLOT
                pltpu.make_async_copy(u_sh.at[sidx.at[j]], rows.at[k],
                                      gsem[k]).wait()
                pltpu.async_copy(rows.at[k], acc_sh.at[didx.at[j]], rsem[k],
                                 add=True)

                @pl.when(j >= LEAD)
                def _():
                    pltpu.make_async_copy(rows.at[k6], acc_sh.at[didx.at[0]],
                                          rsem[k6]).wait()

                @pl.when(j + LEAD < NBT)
                def _():
                    pltpu.async_copy(u_sh.at[sidx.at[j + LEAD]], rows.at[k6],
                                     gsem[k6])
                if with_cnt:
                    split0 = lax.select(cid == 0, 0, CNT_SPLIT)
                    mine = lax.select(cid == 0, j < CNT_SPLIT, j >= CNT_SPLIT)

                    @pl.when(jnp.logical_and(mine, j >= split0 + NSLOT))
                    def _():
                        pltpu.make_async_copy(ones_v, cnt_sh.at[didx.at[0]],
                                              csem[k]).wait()

                    @pl.when(mine)
                    def _():
                        pltpu.async_copy(ones_v, cnt_sh.at[didx.at[j]],
                                         csem[k], add=True)
            return carry

        lax.fori_loop(0, NBT // NSLOT, step, 0)
        if with_cnt:
            for k in range(NSLOT):
                pltpu.make_async_copy(ones_v, cnt_sh.at[didx.at[0]],
                                      csem[k]).wait()
        for i in range(LEAD):
            k = (NBT - LEAD + i) % NSLOT
            pltpu.make_async_copy(rows.at[k], acc_sh.at[didx.at[0]],
                                  rsem[k]).wait()

        @pl.when(has_tail)
        def _():
            pltpu.sync_copy(u_sh.at[sidx.at[NBT]], rows.at[0])
            pltpu.sync_copy(rows.at[0], acc_sh.at[didx.at[NBT]], add=True)
            if with_cnt:
                @pl.when(cid == 1)
                def _():
                    pltpu.sync_copy(ones_v, cnt_sh.at[didx.at[NBT]],
                                    add=True)

        plsc.subcore_barrier()

        rs = pl.ds(sid * RZ, RZ)

        @pl.when(cid == 0)
        def _():
            pltpu.sync_copy(acc_sh.at[rs], agg_lo_hbm.at[rs])
            if with_cnt:
                pltpu.sync_copy(cnt_sh.at[rs], cnt0_hbm.at[rs])

        @pl.when(cid == 1)
        def _():
            pltpu.sync_copy(acc_sh.at[rs], agg_hi_hbm.at[rs])
            if with_cnt:
                pltpu.sync_copy(cnt_sh.at[rs], cnt1_hbm.at[rs])

    kern = pl.kernel(body, out_type=out_type, mesh=_mesh(), scratch_types=scratch,
                     compiler_params=pltpu.CompilerParams(
                         use_tc_tiling_on_sc=False, needs_layout_passes=False))
    if with_cnt:
        return kern(u_lo, u_hi, eidx, z32, z8, ones8)
    return kern(u_lo, u_hi, eidx, z32)


def _sc_score(pq, elbl):
    def body(pq_hbm, elbl_hbm, out_hbm,
             pq_v, si_v, di_v, out_v):
        cid = lax.axis_index("c")
        sid = lax.axis_index("s")
        wid = cid * NS + sid
        base = jnp.minimum(wid * LT, LBL - LT)
        pltpu.sync_copy(pq_hbm, pq_v)
        pltpu.sync_copy(elbl_hbm.at[0, pl.ds(base, LT)], si_v)
        pltpu.sync_copy(elbl_hbm.at[1, pl.ds(base, LT)], di_v)
        col0 = jnp.zeros((16,), jnp.int32)
        col1 = jnp.ones((16,), jnp.int32)

        def step(t, carry):
            sl = pl.ds(t * 16, 16)
            pv = plsc.load_gather(pq_v, [si_v[sl], col0])
            qv = plsc.load_gather(pq_v, [di_v[sl], col1])
            out_v[sl] = pv + qv
            return carry

        lax.fori_loop(0, LT // 16, step, 0)
        pltpu.sync_copy(out_v, out_hbm.at[pl.ds(base, LT)])

    kern = pl.kernel(
        body,
        out_type=jax.ShapeDtypeStruct((LBL,), jnp.float32),
        mesh=_mesh(),
        scratch_types=[pltpu.VMEM((N, 2), jnp.float32),
                       pltpu.VMEM((LT,), jnp.int32),
                       pltpu.VMEM((LT,), jnp.int32),
                       pltpu.VMEM((LT,), jnp.float32)],
        compiler_params=pltpu.CompilerParams(use_tc_tiling_on_sc=False,
                                             needs_layout_passes=False))
    return kern(pq, elbl)


_BR = 1000


def _dense1(x, W_l, W_r, b):
    def body(x_ref, wl_ref, wr_ref, b_ref, u_lo_ref, u_hi_ref, r_ref):
        xb = x_ref[...]
        u = jnp.dot(xb, wl_ref[...], preferred_element_type=jnp.float32)
        u_lo_ref[...] = u[:, :32]
        u_hi_ref[...] = u[:, 32:]
        r_ref[...] = (jnp.dot(xb, wr_ref[...], preferred_element_type=jnp.float32)
                      + b_ref[...])

    return pl.pallas_call(
        body,
        grid=(N // _BR,),
        in_specs=[pl.BlockSpec((_BR, 128), lambda i: (i, 0)),
                  pl.BlockSpec((128, 64), lambda i: (0, 0)),
                  pl.BlockSpec((128, 64), lambda i: (0, 0)),
                  pl.BlockSpec((1, 64), lambda i: (0, 0))],
        out_specs=[pl.BlockSpec((_BR, 32), lambda i: (i, 0)),
                   pl.BlockSpec((_BR, 32), lambda i: (i, 0)),
                   pl.BlockSpec((_BR, 64), lambda i: (i, 0))],
        out_shape=[jax.ShapeDtypeStruct((N, 32), jnp.float32),
                   jax.ShapeDtypeStruct((N, 32), jnp.float32),
                   jax.ShapeDtypeStruct((N, 64), jnp.float32)],
    )(x, W_l, W_r, b)


def _dense2(a0, a1, c0, c1, r1, W_l, W_r, b):
    def body(a0_ref, a1_ref, c0_ref, c1_ref, r1_ref, wl_ref, wr_ref, b_ref,
             u_lo_ref, u_hi_ref, r_ref, ci_ref):
        cnt = c0_ref[...][:, 0:1] + c1_ref[...][:, 0:1]
        ci = 1.0 / jnp.maximum(cnt, 1.0)
        mean = jnp.concatenate([a0_ref[...], a1_ref[...]], axis=1) * ci
        h = jnp.maximum(mean + r1_ref[...], 0.0)
        u = jnp.dot(h, wl_ref[...], preferred_element_type=jnp.float32)
        u_lo_ref[...] = u[:, :32]
        u_hi_ref[...] = u[:, 32:]
        r_ref[...] = (jnp.dot(h, wr_ref[...], preferred_element_type=jnp.float32)
                      + b_ref[...])
        ci_ref[...] = ci

    return pl.pallas_call(
        body,
        grid=(N // _BR,),
        in_specs=[pl.BlockSpec((_BR, 32), lambda i: (i, 0)),
                  pl.BlockSpec((_BR, 32), lambda i: (i, 0)),
                  pl.BlockSpec((_BR, CW), lambda i: (i, 0)),
                  pl.BlockSpec((_BR, CW), lambda i: (i, 0)),
                  pl.BlockSpec((_BR, 64), lambda i: (i, 0)),
                  pl.BlockSpec((64, 64), lambda i: (0, 0)),
                  pl.BlockSpec((64, 64), lambda i: (0, 0)),
                  pl.BlockSpec((1, 64), lambda i: (0, 0))],
        out_specs=[pl.BlockSpec((_BR, 32), lambda i: (i, 0)),
                   pl.BlockSpec((_BR, 32), lambda i: (i, 0)),
                   pl.BlockSpec((_BR, 64), lambda i: (i, 0)),
                   pl.BlockSpec((_BR, 1), lambda i: (i, 0))],
        out_shape=[jax.ShapeDtypeStruct((N, 32), jnp.float32),
                   jax.ShapeDtypeStruct((N, 32), jnp.float32),
                   jax.ShapeDtypeStruct((N, 64), jnp.float32),
                   jax.ShapeDtypeStruct((N, 1), jnp.float32)],
    )(a0, a1, c0, c1, r1, W_l, W_r, b)


def _dense3(a0, a1, ci, r2, Wsr, bsr):
    def body(a0_ref, a1_ref, ci_ref, r2_ref, ws_ref, bs_ref, pq_ref):
        mean = jnp.concatenate([a0_ref[...], a1_ref[...]], axis=1) * ci_ref[...]
        h = jnp.maximum(mean + r2_ref[...], 0.0)
        pq_ref[...] = (jnp.dot(h, ws_ref[...], preferred_element_type=jnp.float32)
                       + bs_ref[...])

    return pl.pallas_call(
        body,
        grid=(N // _BR,),
        in_specs=[pl.BlockSpec((_BR, 32), lambda i: (i, 0)),
                  pl.BlockSpec((_BR, 32), lambda i: (i, 0)),
                  pl.BlockSpec((_BR, 1), lambda i: (i, 0)),
                  pl.BlockSpec((_BR, 64), lambda i: (i, 0)),
                  pl.BlockSpec((64, 2), lambda i: (0, 0)),
                  pl.BlockSpec((1, 2), lambda i: (0, 0))],
        out_specs=pl.BlockSpec((_BR, 2), lambda i: (i, 0)),
        out_shape=jax.ShapeDtypeStruct((N, 2), jnp.float32),
    )(a0, a1, ci, r2, Wsr, bsr)


def kernel(x, edge_index, edge_label_index, W_l1, W_r1, b1, W_l2, W_r2, b2,
           Ws, bs):
    eidx = edge_index.astype(jnp.int32).reshape(2, NB, EB)
    elbl = edge_label_index.astype(jnp.int32)

    z32 = jnp.zeros((NPAD, 32), jnp.float32)
    z8 = jnp.zeros((NPAD, CW), jnp.float32)
    ones8 = jnp.ones((EB, CW), jnp.float32)

    u1lo, u1hi, r1 = _dense1(x, W_l1, W_r1, b1.reshape(1, 64))
    a0, a1, c0, c1 = _sc_agg(u1lo, u1hi, eidx, z32, z8, ones8, True)
    u2lo, u2hi, r2, ci = _dense2(a0, a1, c0, c1, r1, W_l2, W_r2,
                                 b2.reshape(1, 64))
    b0, b1_ = _sc_agg(u2lo, u2hi, eidx, z32, None, None, False)
    Wsr = jnp.concatenate([Ws[:64], Ws[64:]], axis=1)
    bsr = jnp.stack([bs[0], jnp.zeros((), jnp.float32)]).reshape(1, 2)
    pq = _dense3(b0, b1_, ci, r2, Wsr, bsr)
    return _sc_score(pq, elbl)

# --- scband reference (transcript-rebuilt; emitter-appended) ---
"""Pipeline reference for scband-graph-sagemodel-50371376447640 (READ-ONLY COPY).

The authoritative reference and input builder live on the scoring server;
editing this copy changes nothing except your own understanding.
"""

import jax, jax.numpy as jnp
import numpy as np

N_NODES = 10000
N_EDGES = 320000
N_LABEL = 100000
IN_CH = 128
HID = 64


def setup_inputs(seed: int = 0) -> dict:
    key = jax.random.key(seed)
    ks = jax.random.split(key, 12)
    x = jax.random.normal(ks[0], (N_NODES, IN_CH), dtype=jnp.float32)
    edge_index = jax.random.randint(ks[1], (2, N_EDGES), 0, N_NODES, dtype=jnp.int64)
    edge_label_index = jax.random.randint(ks[2], (2, N_LABEL), 0, N_NODES, dtype=jnp.int64)
    s1 = 1.0 / np.sqrt(IN_CH)
    s2 = 1.0 / np.sqrt(HID)
    s3 = 1.0 / np.sqrt(2 * HID)
    W_l1 = jax.random.uniform(ks[3], (IN_CH, HID), jnp.float32, -s1, s1)
    W_r1 = jax.random.uniform(ks[4], (IN_CH, HID), jnp.float32, -s1, s1)
    b1 = jax.random.uniform(ks[5], (HID,), jnp.float32, -s1, s1)
    W_l2 = jax.random.uniform(ks[6], (HID, HID), jnp.float32, -s2, s2)
    W_r2 = jax.random.uniform(ks[7], (HID, HID), jnp.float32, -s2, s2)
    b2 = jax.random.uniform(ks[8], (HID,), jnp.float32, -s2, s2)
    Ws = jax.random.uniform(ks[9], (2 * HID, 1), jnp.float32, -s3, s3)
    bs = jax.random.uniform(ks[10], (1,), jnp.float32, -s3, s3)
    return {"x": x, "edge_index": edge_index, "edge_label_index": edge_label_index,
            "W_l1": W_l1, "W_r1": W_r1, "b1": b1,
            "W_l2": W_l2, "W_r2": W_r2, "b2": b2,
            "Ws": Ws, "bs": bs}


def _sage_conv(x, edge_index, W_l, W_r, b):
    # PyG SAGEConv with mean aggregation: lin_l(mean_j x_j) + lin_r(x_i)
    src = edge_index[0]
    dst = edge_index[1]
    n = x.shape[0]
    msgs = jnp.take(x, src, axis=0)
    agg = jax.ops.segment_sum(msgs, dst, num_segments=n)
    cnt = jax.ops.segment_sum(jnp.ones((edge_index.shape[1],), dtype=x.dtype), dst, num_segments=n)
    mean = agg / jnp.clip(cnt, 1.0)[:, None]
    return mean @ W_l + x @ W_r + b


def reference(x, edge_index, edge_label_index, W_l1, W_r1, b1, W_l2, W_r2, b2, Ws, bs):
    h = jax.nn.relu(_sage_conv(x, edge_index, W_l1, W_r1, b1))
    h = jax.nn.relu(_sage_conv(h, edge_index, W_l2, W_r2, b2))
    src = edge_label_index[0]
    dst = edge_label_index[1]
    z = jnp.concatenate([jnp.take(h, src, axis=0), jnp.take(h, dst, axis=0)], axis=1)
    out = (z @ Ws + bs).squeeze(-1)
    return out

if __name__ == "__main__":
    import jax
    _d = setup_inputs()
    print(jax.jit(kernel)(*tuple(_d.values())))

</pallas_src>

<mosaic_0001>
#map = affine_map<(d0, d1) -> (0, 0)>
#map1 = affine_map<(d0, d1) -> (0, 0, 0)>
module attributes {stable_mosaic.version = 14 : i64} {
  func.func @body(%arg0: i32, %arg1: i32, %arg2: memref<10000x32xf32, #tpu.memory_space<hbm>>, %arg3: memref<10000x32xf32, #tpu.memory_space<hbm>>, %arg4: memref<2x2500x128xi32, #tpu.memory_space<hbm>>, %arg5: memref<10112x32xf32, #tpu.memory_space<hbm>>, %arg6: memref<10112x8xf32, #tpu.memory_space<hbm>>, %arg7: memref<128x8xf32, #tpu.memory_space<hbm>>, %arg8: memref<10112x32xf32, #tpu.memory_space<hbm>>, %arg9: memref<10112x32xf32, #tpu.memory_space<hbm>>, %arg10: memref<10112x8xf32, #tpu.memory_space<hbm>>, %arg11: memref<10112x8xf32, #tpu.memory_space<hbm>>, %arg12: memref<157x128xi32, #tpu.memory_space<vmem>>, %arg13: memref<157x128xi32, #tpu.memory_space<vmem>>, %arg14: memref<6x128x32xf32, #tpu.memory_space<vmem>>, %arg15: memref<10112x32xf32, #tpu.memory_space<vmem_shared>>, %arg16: memref<10000x32xf32, #tpu.memory_space<vmem_shared>>, %arg17: memref<!tpu.dma_semaphore, #tpu.memory_space<semaphore_mem>>, %arg18: memref<!tpu.dma_semaphore, #tpu.memory_space<semaphore_mem>>, %arg19: memref<!tpu.dma_semaphore, #tpu.memory_space<semaphore_mem>>, %arg20: memref<!tpu.dma_semaphore, #tpu.memory_space<semaphore_mem>>, %arg21: memref<!tpu.dma_semaphore, #tpu.memory_space<semaphore_mem>>, %arg22: memref<!tpu.dma_semaphore, #tpu.memory_space<semaphore_mem>>, %arg23: memref<!tpu.dma_semaphore, #tpu.memory_space<semaphore_mem>>, %arg24: memref<!tpu.dma_semaphore, #tpu.memory_space<semaphore_mem>>, %arg25: memref<!tpu.dma_semaphore, #tpu.memory_space<semaphore_mem>>, %arg26: memref<!tpu.dma_semaphore, #tpu.memory_space<semaphore_mem>>, %arg27: memref<!tpu.dma_semaphore, #tpu.memory_space<semaphore_mem>>, %arg28: memref<!tpu.dma_semaphore, #tpu.memory_space<semaphore_mem>>, %arg29: memref<128x8xf32, #tpu.memory_space<vmem>>, %arg30: memref<10112x8xf32, #tpu.memory_space<vmem_shared>>, %arg31: memref<!tpu.dma_semaphore, #tpu.memory_space<semaphore_mem>>, %arg32: memref<!tpu.dma_semaphore, #tpu.memory_space<semaphore_mem>>, %arg33: memref<!tpu.dma_semaphore, #tpu.memory_space<semaphore_mem>>, %arg34: memref<!tpu.dma_semaphore, #tpu.memory_space<semaphore_mem>>, %arg35: memref<!tpu.dma_semaphore, #tpu.memory_space<semaphore_mem>>, %arg36: memref<!tpu.dma_semaphore, #tpu.memory_space<semaphore_mem>>) attributes {dimension_semantics = [#tpu.dimension_semantics<core_parallel>, #tpu.dimension_semantics<subcore_parallel>], iteration_bounds = array<i64: 2, 16>, scalar_prefetch = 0 : i64, scratch_operands = 25 : i64, tpu.core_type = #tpu.core_type<sc_vector_subcore>, window_params = [{transform_indices = #map}, {transform_indices = #map}, {transform_indices = #map1}, {transform_indices = #map}, {transform_indices = #map}, {transform_indices = #map}, {transform_indices = #map}, {transform_indices = #map}, {transform_indices = #map}, {transform_indices = #map}]} {
    %lt3A = arith.constant 4 : i32
    %lt3A_0 = arith.cmpi slt, %arg1, %lt3A : i32
    %mul3A = arith.constant 632 : i32
    %mul3A_1 = arith.muli %arg1, %mul3A : i32
    %mul3A_2 = arith.constant 632 : i32
    %mul3A_3 = arith.muli %arg1, %mul3A_2 : i32
    "tpu.region"() ({
      %run_scoped3A_156 = tpu.sem_alloc : memref<!tpu.dma_semaphore, #tpu.memory_space<semaphore_mem>>
      %dma_start3A_157 = arith.constant 0 : i32
      %dma_start3A_158 = tpu.memref_slice %arg15[%mul3A_3, %dma_start3A_157] : memref<10112x32xf32, #tpu.memory_space<vmem_shared>> -> memref<632x32xf32, #tpu.memory_space<vmem_shared>>
      %dma_start3A_159 = arith.constant 0 : i32
      %dma_start3A_160 = tpu.memref_slice %arg5[%mul3A_1, %dma_start3A_159] : memref<10112x32xf32, #tpu.memory_space<hbm>> -> memref<632x32xf32, #tpu.memory_space<hbm>>
      tpu.enqueue_dma source(%dma_start3A_160 : memref<632x32xf32, #tpu.memory_space<hbm>>) target(%dma_start3A_158 : memref<632x32xf32, #tpu.memory_space<vmem_shared>>) target_semaphore(%run_scoped3A_156 : memref<!tpu.dma_semaphore, #tpu.memory_space<semaphore_mem>>)
      %dma_wait3A_161 = arith.constant 0 : i32
      %dma_wait3A_162 = tpu.memref_slice %arg15[%mul3A_3, %dma_wait3A_161] : memref<10112x32xf32, #tpu.memory_space<vmem_shared>> -> memref<632x32xf32, #tpu.memory_space<vmem_shared>>
      %dma_wait3A_163 = arith.constant 0 : i32
      %dma_wait3A_164 = tpu.memref_slice %arg5[%mul3A_1, %dma_wait3A_163] : memref<10112x32xf32, #tpu.memory_space<hbm>> -> memref<632x32xf32, #tpu.memory_space<hbm>>
      tpu.wait_dma2 semaphore(%run_scoped3A_156 : memref<!tpu.dma_semaphore, #tpu.memory_space<semaphore_mem>>) src(%dma_wait3A_164 : memref<632x32xf32, #tpu.memory_space<hbm>>) dst(%dma_wait3A_162 : memref<632x32xf32, #tpu.memory_space<vmem_shared>>)
      tpu.yield
    }) : () -> ()
    %mul3A_4 = arith.constant 625 : i32
    %mul3A_5 = arith.muli %arg1, %mul3A_4 : i32
    %eq3A = arith.constant 0 : i32
    %eq3A_6 = arith.cmpi eq, %arg0, %eq3A : i32
    %convert_element_type3A = arith.extui %eq3A_6 : i1 to i32
    %cond3A = arith.constant 0 : i32
    %cond3A_7 = arith.cmpi ne, %convert_element_type3A, %cond3A : i32
    scf.if %cond3A_7 {
      "tpu.region"() ({
        %run_scoped3A_156 = tpu.sem_alloc : memref<!tpu.dma_semaphore, #tpu.memory_space<semaphore_mem>>
        %dma_start3A_157 = arith.constant 0 : i32
        %dma_start3A_158 = tpu.memref_slice %arg16[%mul3A_5, %dma_start3A_157] : memref<10000x32xf32, #tpu.memory_space<vmem_shared>> -> memref<625x32xf32, #tpu.memory_space<vmem_shared>>
        %dma_start3A_159 = arith.constant 0 : i32
        %dma_start3A_160 = tpu.memref_slice %arg2[%mul3A_5, %dma_start3A_159] : memref<10000x32xf32, #tpu.memory_space<hbm>> -> memref<625x32xf32, #tpu.memory_space<hbm>>
        tpu.enqueue_dma source(%dma_start3A_160 : memref<625x32xf32, #tpu.memory_space<hbm>>) target(%dma_start3A_158 : memref<625x32xf32, #tpu.memory_space<vmem_shared>>) target_semaphore(%run_scoped3A_156 : memref<!tpu.dma_semaphore, #tpu.memory_space<semaphore_mem>>)
        %dma_wait3A_161 = arith.constant 0 : i32
        %dma_wait3A_162 = tpu.memref_slice %arg16[%mul3A_5, %dma_wait3A_161] : memref<10000x32xf32, #tpu.memory_space<vmem_shared>> -> memref<625x32xf32, #tpu.memory_space<vmem_shared>>
        %dma_wait3A_163 = arith.constant 0 : i32
        %dma_wait3A_164 = tpu.memref_slice %arg2[%mul3A_5, %dma_wait3A_163] : memref<10000x32xf32, #tpu.memory_space<hbm>> -> memref<625x32xf32, #tpu.memory_space<hbm>>
        tpu.wait_dma2 semaphore(%run_scoped3A_156 : memref<!tpu.dma_semaphore, #tpu.memory_space<semaphore_mem>>) src(%dma_wait3A_164 : memref<625x32xf32, #tpu.memory_space<hbm>>) dst(%dma_wait3A_162 : memref<625x32xf32, #tpu.memory_space<vmem_shared>>)
        tpu.yield
      }) : () -> ()
    } else {
    }
    %eq3A_8 = arith.constant 1 : i32
    %eq3A_9 = arith.cmpi eq, %arg0, %eq3A_8 : i32
    %convert_element_type3A_10 = arith.extui %eq3A_9 : i1 to i32
    %cond3A_11 = arith.constant 0 : i32
    %cond3A_12 = arith.cmpi ne, %convert_element_type3A_10, %cond3A_11 : i32
    scf.if %cond3A_12 {
      "tpu.region"() ({
        %run_scoped3A_156 = tpu.sem_alloc : memref<!tpu.dma_semaphore, #tpu.memory_space<semaphore_mem>>
        %dma_start3A_157 = arith.constant 0 : i32
        %dma_start3A_158 = tpu.memref_slice %arg16[%mul3A_5, %dma_start3A_157] : memref<10000x32xf32, #tpu.memory_space<vmem_shared>> -> memref<625x32xf32, #tpu.memory_space<vmem_shared>>
        %dma_start3A_159 = arith.constant 0 : i32
        %dma_start3A_160 = tpu.memref_slice %arg3[%mul3A_5, %dma_start3A_159] : memref<10000x32xf32, #tpu.memory_space<hbm>> -> memref<625x32xf32, #tpu.memory_space<hbm>>
        tpu.enqueue_dma source(%dma_start3A_160 : memref<625x32xf32, #tpu.memory_space<hbm>>) target(%dma_start3A_158 : memref<625x32xf32, #tpu.memory_space<vmem_shared>>) target_semaphore(%run_scoped3A_156 : memref<!tpu.dma_semaphore, #tpu.memory_space<semaphore_mem>>)
        %dma_wait3A_161 = arith.constant 0 : i32
        %dma_wait3A_162 = tpu.memref_slice %arg16[%mul3A_5, %dma_wait3A_161] : memref<10000x32xf32, #tpu.memory_space<vmem_shared>> -> memref<625x32xf32, #tpu.memory_space<vmem_shared>>
        %dma_wait3A_163 = arith.constant 0 : i32
        %dma_wait3A_164 = tpu.memref_slice %arg3[%mul3A_5, %dma_wait3A_163] : memref<10000x32xf32, #tpu.memory_space<hbm>> -> memref<625x32xf32, #tpu.memory_space<hbm>>
        tpu.wait_dma2 semaphore(%run_scoped3A_156 : memref<!tpu.dma_semaphore, #tpu.memory_space<semaphore_mem>>) src(%dma_wait3A_164 : memref<625x32xf32, #tpu.memory_space<hbm>>) dst(%dma_wait3A_162 : memref<625x32xf32, #tpu.memory_space<vmem_shared>>)
        tpu.yield
      }) : () -> ()
    } else {
    }
    %mul3A_13 = arith.constant 156 : i32
    %mul3A_14 = arith.muli %arg1, %mul3A_13 : i32
    %run_scoped3A = arith.constant 0 : i32
    "tpu.region"() ({
      %run_scoped3A_156 = tpu.sem_alloc : memref<!tpu.dma_semaphore, #tpu.memory_space<semaphore_mem>>
      %dma_start3A_157 = arith.constant 0 : i32
      %dma_start3A_158 = arith.constant 0 : i32
      %dma_start3A_159 = tpu.memref_slice %arg12[%dma_start3A_157, %dma_start3A_158] : memref<157x128xi32, #tpu.memory_space<vmem>> -> memref<156x128xi32, #tpu.memory_space<vmem>>
      %dma_start3A_160 = arith.constant 0 : i32
      %dma_start3A_161 = tpu.memref_slice %arg4[%run_scoped3A, %mul3A_14, %dma_start3A_160] : memref<2x2500x128xi32, #tpu.memory_space<hbm>> -> memref<1x156x128xi32, #tpu.memory_space<hbm>>
      %dma_start3A_162 = tpu.memref_squeeze %dma_start3A_161 : memref<1x156x128xi32, #tpu.memory_space<hbm>> -> memref<156x128xi32, #tpu.memory_space<hbm>>
      %dma_start3A_163 = arith.constant 0 : i32
      %dma_start3A_164 = arith.constant 0 : i32
      %dma_start3A_165 = tpu.memref_slice %arg12[%dma_start3A_163, %dma_start3A_164] : memref<157x128xi32, #tpu.memory_space<vmem>> -> memref<156x128xi32, #tpu.memory_space<vmem>>
      %dma_start3A_166 = arith.constant 0 : i32
      %dma_start3A_167 = tpu.memref_slice %arg4[%run_scoped3A, %mul3A_14, %dma_start3A_166] : memref<2x2500x128xi32, #tpu.memory_space<hbm>> -> memref<1x156x128xi32, #tpu.memory_space<hbm>>
      %dma_start3A_168 = tpu.memref_squeeze %dma_start3A_167 : memref<1x156x128xi32, #tpu.memory_space<hbm>> -> memref<156x128xi32, #tpu.memory_space<hbm>>
      tpu.enqueue_dma source(%dma_start3A_168 : memref<156x128xi32, #tpu.memory_space<hbm>>) target(%dma_start3A_165 : memref<156x128xi32, #tpu.memory_space<vmem>>) target_semaphore(%run_scoped3A_156 : memref<!tpu.dma_semaphore, #tpu.memory_space<semaphore_mem>>)
      %dma_wait3A_169 = arith.constant 0 : i32
      %dma_wait3A_170 = arith.constant 0 : i32
      %dma_wait3A_171 = tpu.memref_slice %arg12[%dma_wait3A_169, %dma_wait3A_170] : memref<157x128xi32, #tpu.memory_space<vmem>> -> memref<156x128xi32, #tpu.memory_space<vmem>>
      %dma_wait3A_172 = arith.constant 0 : i32
      %dma_wait3A_173 = tpu.memref_slice %arg4[%run_scoped3A, %mul3A_14, %dma_wait3A_172] : memref<2x2500x128xi32, #tpu.memory_space<hbm>> -> memref<1x156x128xi32, #tpu.memory_space<hbm>>
      %dma_wait3A_174 = tpu.memref_squeeze %dma_wait3A_173 : memref<1x156x128xi32, #tpu.memory_space<hbm>> -> memref<156x128xi32, #tpu.memory_space<hbm>>
      %dma_wait3A_175 = arith.constant 0 : i32
      %dma_wait3A_176 = arith.constant 0 : i32
      %dma_wait3A_177 = tpu.memref_slice %arg12[%dma_wait3A_175, %dma_wait3A_176] : memref<157x128xi32, #tpu.memory_space<vmem>> -> memref<156x128xi32, #tpu.memory_space<vmem>>
      %dma_wait3A_178 = arith.constant 0 : i32
      %dma_wait3A_179 = tpu.memref_slice %arg4[%run_scoped3A, %mul3A_14, %dma_wait3A_178] : memref<2x2500x128xi32, #tpu.memory_space<hbm>> -> memref<1x156x128xi32, #tpu.memory_space<hbm>>
      %dma_wait3A_180 = tpu.memref_squeeze %dma_wait3A_179 : memref<1x156x128xi32, #tpu.memory_space<hbm>> -> memref<156x128xi32, #tpu.memory_space<hbm>>
      tpu.wait_dma2 semaphore(%run_scoped3A_156 : memref<!tpu.dma_semaphore, #tpu.memory_space<semaphore_mem>>) src(%dma_wait3A_180 : memref<156x128xi32, #tpu.memory_space<hbm>>) dst(%dma_wait3A_177 : memref<156x128xi32, #tpu.memory_space<vmem>>)
      tpu.yield
    }) : () -> ()
    %run_scoped3A_15 = arith.constant 1 : i32
    "tpu.region"() ({
      %run_scoped3A_156 = tpu.sem_alloc : memref<!tpu.dma_semaphore, #tpu.memory_space<semaphore_mem>>
      %dma_start3A_157 = arith.constant 0 : i32
      %dma_start3A_158 = arith.constant 0 : i32
      %dma_start3A_159 = tpu.memref_slice %arg13[%dma_start3A_157, %dma_start3A_158] : memref<157x128xi32, #tpu.memory_space<vmem>> -> memref<156x128xi32, #tpu.memory_space<vmem>>
      %dma_start3A_160 = arith.constant 0 : i32
      %dma_start3A_161 = tpu.memref_slice %arg4[%run_scoped3A_15, %mul3A_14, %dma_start3A_160] : memref<2x2500x128xi32, #tpu.memory_space<hbm>> -> memref<1x156x128xi32, #tpu.memory_space<hbm>>
      %dma_start3A_162 = tpu.memref_squeeze %dma_start3A_161 : memref<1x156x128xi32, #tpu.memory_space<hbm>> -> memref<156x128xi32, #tpu.memory_space<hbm>>
      %dma_start3A_163 = arith.constant 0 : i32
      %dma_start3A_164 = arith.constant 0 : i32
      %dma_start3A_165 = tpu.memref_slice %arg13[%dma_start3A_163, %dma_start3A_164] : memref<157x128xi32, #tpu.memory_space<vmem>> -> memref<156x128xi32, #tpu.memory_space<vmem>>
      %dma_start3A_166 = arith.constant 0 : i32
      %dma_start3A_167 = tpu.memref_slice %arg4[%run_scoped3A_15, %mul3A_14, %dma_start3A_166] : memref<2x2500x128xi32, #tpu.memory_space<hbm>> -> memref<1x156x128xi32, #tpu.memory_space<hbm>>
      %dma_start3A_168 = tpu.memref_squeeze %dma_start3A_167 : memref<1x156x128xi32, #tpu.memory_space<hbm>> -> memref<156x128xi32, #tpu.memory_space<hbm>>
      tpu.enqueue_dma source(%dma_start3A_168 : memref<156x128xi32, #tpu.memory_space<hbm>>) target(%dma_start3A_165 : memref<156x128xi32, #tpu.memory_space<vmem>>) target_semaphore(%run_scoped3A_156 : memref<!tpu.dma_semaphore, #tpu.memory_space<semaphore_mem>>)
      %dma_wait3A_169 = arith.constant 0 : i32
      %dma_wait3A_170 = arith.constant 0 : i32
      %dma_wait3A_171 = tpu.memref_slice %arg13[%dma_wait3A_169, %dma_wait3A_170] : memref<157x128xi32, #tpu.memory_space<vmem>> -> memref<156x128xi32, #tpu.memory_space<vmem>>
      %dma_wait3A_172 = arith.constant 0 : i32
      %dma_wait3A_173 = tpu.memref_slice %arg4[%run_scoped3A_15, %mul3A_14, %dma_wait3A_172] : memref<2x2500x128xi32, #tpu.memory_space<hbm>> -> memref<1x156x128xi32, #tpu.memory_space<hbm>>
      %dma_wait3A_174 = tpu.memref_squeeze %dma_wait3A_173 : memref<1x156x128xi32, #tpu.memory_space<hbm>> -> memref<156x128xi32, #tpu.memory_space<hbm>>
      %dma_wait3A_175 = arith.constant 0 : i32
      %dma_wait3A_176 = arith.constant 0 : i32
      %dma_wait3A_177 = tpu.memref_slice %arg13[%dma_wait3A_175, %dma_wait3A_176] : memref<157x128xi32, #tpu.memory_space<vmem>> -> memref<156x128xi32, #tpu.memory_space<vmem>>
      %dma_wait3A_178 = arith.constant 0 : i32
      %dma_wait3A_179 = tpu.memref_slice %arg4[%run_scoped3A_15, %mul3A_14, %dma_wait3A_178] : memref<2x2500x128xi32, #tpu.memory_space<hbm>> -> memref<1x156x128xi32, #tpu.memory_space<hbm>>
      %dma_wait3A_180 = tpu.memref_squeeze %dma_wait3A_179 : memref<1x156x128xi32, #tpu.memory_space<hbm>> -> memref<156x128xi32, #tpu.memory_space<hbm>>
      tpu.wait_dma2 semaphore(%run_scoped3A_156 : memref<!tpu.dma_semaphore, #tpu.memory_space<semaphore_mem>>) src(%dma_wait3A_180 : memref<156x128xi32, #tpu.memory_space<hbm>>) dst(%dma_wait3A_177 : memref<156x128xi32, #tpu.memory_space<vmem>>)
      tpu.yield
    }) : () -> ()
    %convert_element_type3A_16 = arith.extui %lt3A_0 : i1 to i32
    %cond3A_17 = arith.constant 0 : i32
    %cond3A_18 = arith.cmpi ne, %convert_element_type3A_16, %cond3A_17 : i32
    scf.if %cond3A_18 {
      %add3A = arith.constant 2496 : i32
      %add3A_156 = arith.addi %add3A, %arg1 : i32
      %run_scoped3A_157 = arith.constant 0 : i32
      "tpu.region"() ({
        %run_scoped3A_159 = tpu.sem_alloc : memref<!tpu.dma_semaphore, #tpu.memory_space<semaphore_mem>>
        %dma_start3A_160 = arith.constant 156 : i32
        %dma_start3A_161 = arith.constant 0 : i32
        %dma_start3A_162 = tpu.memref_slice %arg12[%dma_start3A_160, %dma_start3A_161] : memref<157x128xi32, #tpu.memory_space<vmem>> -> memref<1x128xi32, #tpu.memory_space<vmem>>
        %dma_start3A_163 = arith.constant 0 : i32
        %dma_start3A_164 = tpu.memref_slice %arg4[%run_scoped3A_157, %add3A_156, %dma_start3A_163] : memref<2x2500x128xi32, #tpu.memory_space<hbm>> -> memref<1x1x128xi32, #tpu.memory_space<hbm>>
        %dma_start3A_165 = tpu.memref_squeeze %dma_start3A_164 : memref<1x1x128xi32, #tpu.memory_space<hbm>> -> memref<1x128xi32, #tpu.memory_space<hbm>>
        %dma_start3A_166 = arith.constant 156 : i32
        %dma_start3A_167 = arith.constant 0 : i32
        %dma_start3A_168 = tpu.memref_slice %arg12[%dma_start3A_166, %dma_start3A_167] : memref<157x128xi32, #tpu.memory_space<vmem>> -> memref<1x128xi32, #tpu.memory_space<vmem>>
        %dma_start3A_169 = arith.constant 0 : i32
        %dma_start3A_170 = tpu.memref_slice %arg4[%run_scoped3A_157, %add3A_156, %dma_start3A_169] : memref<2x2500x128xi32, #tpu.memory_space<hbm>> -> memref<1x1x128xi32, #tpu.memory_space<hbm>>
        %dma_start3A_171 = tpu.memref_squeeze %dma_start3A_170 : memref<1x1x128xi32, #tpu.memory_space<hbm>> -> memref<1x128xi32, #tpu.memory_space<hbm>>
        tpu.enqueue_dma source(%dma_start3A_171 : memref<1x128xi32, #tpu.memory_space<hbm>>) target(%dma_start3A_168 : memref<1x128xi32, #tpu.memory_space<vmem>>) target_semaphore(%run_scoped3A_159 : memref<!tpu.dma_semaphore, #tpu.memory_space<semaphore_mem>>)
        %dma_wait3A_172 = arith.constant 156 : i32
        %dma_wait3A_173 = arith.constant 0 : i32
        %dma_wait3A_174 = tpu.memref_slice %arg12[%dma_wait3A_172, %dma_wait3A_173] : memref<157x128xi32, #tpu.memory_space<vmem>> -> memref<1x128xi32, #tpu.memory_space<vmem>>
        %dma_wait3A_175 = arith.constant 0 : i32
        %dma_wait3A_176 = tpu.memref_slice %arg4[%run_scoped3A_157, %add3A_156, %dma_wait3A_175] : memref<2x2500x128xi32, #tpu.memory_space<hbm>> -> memref<1x1x128xi32, #tpu.memory_space<hbm>>
        %dma_wait3A_177 = tpu.memref_squeeze %dma_wait3A_176 : memref<1x1x128xi32, #tpu.memory_space<hbm>> -> memref<1x128xi32, #tpu.memory_space<hbm>>
        %dma_wait3A_178 = arith.constant 156 : i32
        %dma_wait3A_179 = arith.constant 0 : i32
        %dma_wait3A_180 = tpu.memref_slice %arg12[%dma_wait3A_178, %dma_wait3A_179] : memref<157x128xi32, #tpu.memory_space<vmem>> -> memref<1x128xi32, #tpu.memory_space<vmem>>
        %dma_wait3A_181 = arith.constant 0 : i32
        %dma_wait3A_182 = tpu.memref_slice %arg4[%run_scoped3A_157, %add3A_156, %dma_wait3A_181] : memref<2x2500x128xi32, #tpu.memory_space<hbm>> -> memref<1x1x128xi32, #tpu.memory_space<hbm>>
        %dma_wait3A_183 = tpu.memref_squeeze %dma_wait3A_182 : memref<1x1x128xi32, #tpu.memory_space<hbm>> -> memref<1x128xi32, #tpu.memory_space<hbm>>
        tpu.wait_dma2 semaphore(%run_scoped3A_159 : memref<!tpu.dma_semaphore, #tpu.memory_space<semaphore_mem>>) src(%dma_wait3A_183 : memref<1x128xi32, #tpu.memory_space<hbm>>) dst(%dma_wait3A_180 : memref<1x128xi32, #tpu.memory_space<vmem>>)
        tpu.yield
      }) : () -> ()
      %run_scoped3A_158 = arith.constant 1 : i32
      "tpu.region"() ({
        %run_scoped3A_159 = tpu.sem_alloc : memref<!tpu.dma_semaphore, #tpu.memory_space<semaphore_mem>>
        %dma_start3A_160 = arith.constant 156 : i32
        %dma_start3A_161 = arith.constant 0 : i32
        %dma_start3A_162 = tpu.memref_slice %arg13[%dma_start3A_160, %dma_start3A_161] : memref<157x128xi32, #tpu.memory_space<vmem>> -> memref<1x128xi32, #tpu.memory_space<vmem>>
        %dma_start3A_163 = arith.constant 0 : i32
        %dma_start3A_164 = tpu.memref_slice %arg4[%run_scoped3A_158, %add3A_156, %dma_start3A_163] : memref<2x2500x128xi32, #tpu.memory_space<hbm>> -> memref<1x1x128xi32, #tpu.memory_space<hbm>>
        %dma_start3A_165 = tpu.memref_squeeze %dma_start3A_164 : memref<1x1x128xi32, #tpu.memory_space<hbm>> -> memref<1x128xi32, #tpu.memory_space<hbm>>
        %dma_start3A_166 = arith.constant 156 : i32
        %dma_start3A_167 = arith.constant 0 : i32
        %dma_start3A_168 = tpu.memref_slice %arg13[%dma_start3A_166, %dma_start3A_167] : memref<157x128xi32, #tpu.memory_space<vmem>> -> memref<1x128xi32, #tpu.memory_space<vmem>>
        %dma_start3A_169 = arith.constant 0 : i32
        %dma_start3A_170 = tpu.memref_slice %arg4[%run_scoped3A_158, %add3A_156, %dma_start3A_169] : memref<2x2500x128xi32, #tpu.memory_space<hbm>> -> memref<1x1x128xi32, #tpu.memory_space<hbm>>
        %dma_start3A_171 = tpu.memref_squeeze %dma_start3A_170 : memref<1x1x128xi32, #tpu.memory_space<hbm>> -> memref<1x128xi32, #tpu.memory_space<hbm>>
        tpu.enqueue_dma source(%dma_start3A_171 : memref<1x128xi32, #tpu.memory_space<hbm>>) target(%dma_start3A_168 : memref<1x128xi32, #tpu.memory_space<vmem>>) target_semaphore(%run_scoped3A_159 : memref<!tpu.dma_semaphore, #tpu.memory_space<semaphore_mem>>)
        %dma_wait3A_172 = arith.constant 156 : i32
        %dma_wait3A_173 = arith.constant 0 : i32
        %dma_wait3A_174 = tpu.memref_slice %arg13[%dma_wait3A_172, %dma_wait3A_173] : memref<157x128xi32, #tpu.memory_space<vmem>> -> memref<1x128xi32, #tpu.memory_space<vmem>>
        %dma_wait3A_175 = arith.constant 0 : i32
        %dma_wait3A_176 = tpu.memref_slice %arg4[%run_scoped3A_158, %add3A_156, %dma_wait3A_175] : memref<2x2500x128xi32, #tpu.memory_space<hbm>> -> memref<1x1x128xi32, #tpu.memory_space<hbm>>
        %dma_wait3A_177 = tpu.memref_squeeze %dma_wait3A_176 : memref<1x1x128xi32, #tpu.memory_space<hbm>> -> memref<1x128xi32, #tpu.memory_space<hbm>>
        %dma_wait3A_178 = arith.constant 156 : i32
        %dma_wait3A_179 = arith.constant 0 : i32
        %dma_wait3A_180 = tpu.memref_slice %arg13[%dma_wait3A_178, %dma_wait3A_179] : memref<157x128xi32, #tpu.memory_space<vmem>> -> memref<1x128xi32, #tpu.memory_space<vmem>>
        %dma_wait3A_181 = arith.constant 0 : i32
        %dma_wait3A_182 = tpu.memref_slice %arg4[%run_scoped3A_158, %add3A_156, %dma_wait3A_181] : memref<2x2500x128xi32, #tpu.memory_space<hbm>> -> memref<1x1x128xi32, #tpu.memory_space<hbm>>
        %dma_wait3A_183 = tpu.memref_squeeze %dma_wait3A_182 : memref<1x1x128xi32, #tpu.memory_space<hbm>> -> memref<1x128xi32, #tpu.memory_space<hbm>>
        tpu.wait_dma2 semaphore(%run_scoped3A_159 : memref<!tpu.dma_semaphore, #tpu.memory_space<semaphore_mem>>) src(%dma_wait3A_183 : memref<1x128xi32, #tpu.memory_space<hbm>>) dst(%dma_wait3A_180 : memref<1x128xi32, #tpu.memory_space<vmem>>)
        tpu.yield
      }) : () -> ()
    } else {
    }
    %mul3A_19 = arith.constant 632 : i32
    %mul3A_20 = arith.muli %arg1, %mul3A_19 : i32
    %mul3A_21 = arith.constant 632 : i32
    %mul3A_22 = arith.muli %arg1, %mul3A_21 : i32
    "tpu.region"() ({
      %run_scoped3A_156 = tpu.sem_alloc : memref<!tpu.dma_semaphore, #tpu.memory_space<semaphore_mem>>
      %dma_start3A_157 = arith.constant 0 : i32
      %dma_start3A_158 = tpu.memref_slice %arg30[%mul3A_22, %dma_start3A_157] : memref<10112x8xf32, #tpu.memory_space<vmem_shared>> -> memref<632x8xf32, #tpu.memory_space<vmem_shared>>
      %dma_start3A_159 = arith.constant 0 : i32
      %dma_start3A_160 = tpu.memref_slice %arg6[%mul3A_20, %dma_start3A_159] : memref<10112x8xf32, #tpu.memory_space<hbm>> -> memref<632x8xf32, #tpu.memory_space<hbm>>
      tpu.enqueue_dma source(%dma_start3A_160 : memref<632x8xf32, #tpu.memory_space<hbm>>) target(%dma_start3A_158 : memref<632x8xf32, #tpu.memory_space<vmem_shared>>) target_semaphore(%run_scoped3A_156 : memref<!tpu.dma_semaphore, #tpu.memory_space<semaphore_mem>>)
      %dma_wait3A_161 = arith.constant 0 : i32
      %dma_wait3A_162 = tpu.memref_slice %arg30[%mul3A_22, %dma_wait3A_161] : memref<10112x8xf32, #tpu.memory_space<vmem_shared>> -> memref<632x8xf32, #tpu.memory_space<vmem_shared>>
      %dma_wait3A_163 = arith.constant 0 : i32
      %dma_wait3A_164 = tpu.memref_slice %arg6[%mul3A_20, %dma_wait3A_163] : memref<10112x8xf32, #tpu.memory_space<hbm>> -> memref<632x8xf32, #tpu.memory_space<hbm>>
      tpu.wait_dma2 semaphore(%run_scoped3A_156 : memref<!tpu.dma_semaphore, #tpu.memory_space<semaphore_mem>>) src(%dma_wait3A_164 : memref<632x8xf32, #tpu.memory_space<hbm>>) dst(%dma_wait3A_162 : memref<632x8xf32, #tpu.memory_space<vmem_shared>>)
      tpu.yield
    }) : () -> ()
    "tpu.region"() ({
      %run_scoped3A_156 = tpu.sem_alloc : memref<!tpu.dma_semaphore, #tpu.memory_space<semaphore_mem>>
      tpu.enqueue_dma source(%arg7 : memref<128x8xf32, #tpu.memory_space<hbm>>) target(%arg29 : memref<128x8xf32, #tpu.memory_space<vmem>>) target_semaphore(%run_scoped3A_156 : memref<!tpu.dma_semaphore, #tpu.memory_space<semaphore_mem>>)
      tpu.wait_dma2 semaphore(%run_scoped3A_156 : memref<!tpu.dma_semaphore, #tpu.memory_space<semaphore_mem>>) src(%arg7 : memref<128x8xf32, #tpu.memory_space<hbm>>) dst(%arg29 : memref<128x8xf32, #tpu.memory_space<vmem>>)
      tpu.yield
    }) : () -> ()
    %barrier3A = arith.constant 0 : index
    tpu.barrier barrier_id(%barrier3A)
    %dma_start3A = arith.constant 0 : i32
    %dma_start3A_23 = arith.constant 0 : i32
    %dma_start3A_24 = arith.constant 0 : i32
    %dma_start3A_25 = arith.constant 0 : i32
    %dma_start3A_26 = tpu.memref_slice %arg14[%dma_start3A_23, %dma_start3A_24, %dma_start3A_25] : memref<6x128x32xf32, #tpu.memory_space<vmem>> -> memref<1x128x32xf32, #tpu.memory_space<vmem>>
    %dma_start3A_27 = tpu.memref_squeeze %dma_start3A_26 : memref<1x128x32xf32, #tpu.memory_space<vmem>> -> memref<128x32xf32, #tpu.memory_space<vmem>>
    %dma_start3A_28 = arith.constant 0 : i32
    %dma_start3A_29 = tpu.memref_slice %arg12[%dma_start3A, %dma_start3A_28] : memref<157x128xi32, #tpu.memory_space<vmem>> -> memref<1x128xi32, #tpu.memory_space<vmem>>
    %dma_start3A_30 = tpu.memref_squeeze %dma_start3A_29 : memref<1x128xi32, #tpu.memory_space<vmem>> -> memref<128xi32, #tpu.memory_space<vmem>>
    %dma_start3A_31 = arith.constant 0 : i32
    %dma_start3A_32 = arith.constant 0 : i32
    %dma_start3A_33 = tpu.memref_slice %arg16[%dma_start3A_31, %dma_start3A_32] : memref<10000x32xf32, #tpu.memory_space<vmem_shared>> -> memref<10000x32xf32, #tpu.memory_space<vmem_shared>>
    tpu.enqueue_indirect_dma source(%dma_start3A_33 : memref<10000x32xf32, #tpu.memory_space<vmem_shared>>) target(%dma_start3A_27 : memref<128x32xf32, #tpu.memory_space<vmem>>) offsets(%dma_start3A_30 : memref<128xi32, #tpu.memory_space<vmem>>) semaphore(%arg17 : memref<!tpu.dma_semaphore, #tpu.memory_space<semaphore_mem>>)
    %dma_start3A_34 = arith.constant 1 : i32
    %dma_start3A_35 = arith.constant 1 : i32
    %dma_start3A_36 = arith.constant 0 : i32
    %dma_start3A_37 = arith.constant 0 : i32
    %dma_start3A_38 = tpu.memref_slice %arg14[%dma_start3A_35, %dma_start3A_36, %dma_start3A_37] : memref<6x128x32xf32, #tpu.memory_space<vmem>> -> memref<1x128x32xf32, #tpu.memory_space<vmem>>
    %dma_start3A_39 = tpu.memref_squeeze %dma_start3A_38 : memref<1x128x32xf32, #tpu.memory_space<vmem>> -> memref<128x32xf32, #tpu.memory_space<vmem>>
    %dma_start3A_40 = arith.constant 0 : i32
    %dma_start3A_41 = tpu.memref_slice %arg12[%dma_start3A_34, %dma_start3A_40] : memref<157x128xi32, #tpu.memory_space<vmem>> -> memref<1x128xi32, #tpu.memory_space<vmem>>
    %dma_start3A_42 = tpu.memref_squeeze %dma_start3A_41 : memref<1x128xi32, #tpu.memory_space<vmem>> -> memref<128xi32, #tpu.memory_space<vmem>>
    %dma_start3A_43 = arith.constant 0 : i32
    %dma_start3A_44 = arith.constant 0 : i32
    %dma_start3A_45 = tpu.memref_slice %arg16[%dma_start3A_43, %dma_start3A_44] : memref<10000x32xf32, #tpu.memory_space<vmem_shared>> -> memref<10000x32xf32, #tpu.memory_space<vmem_shared>>
    tpu.enqueue_indirect_dma source(%dma_start3A_45 : memref<10000x32xf32, #tpu.memory_space<vmem_shared>>) target(%dma_start3A_39 : memref<128x32xf32, #tpu.memory_space<vmem>>) offsets(%dma_start3A_42 : memref<128xi32, #tpu.memory_space<vmem>>) semaphore(%arg18 : memref<!tpu.dma_semaphore, #tpu.memory_space<semaphore_mem>>)
    %dma_start3A_46 = arith.constant 2 : i32
    %dma_start3A_47 = arith.constant 2 : i32
    %dma_start3A_48 = arith.constant 0 : i32
    %dma_start3A_49 = arith.constant 0 : i32
    %dma_start3A_50 = tpu.memref_slice %arg14[%dma_start3A_47, %dma_start3A_48, %dma_start3A_49] : memref<6x128x32xf32, #tpu.memory_space<vmem>> -> memref<1x128x32xf32, #tpu.memory_space<vmem>>
    %dma_start3A_51 = tpu.memref_squeeze %dma_start3A_50 : memref<1x128x32xf32, #tpu.memory_space<vmem>> -> memref<128x32xf32, #tpu.memory_space<vmem>>
    %dma_start3A_52 = arith.constant 0 : i32
    %dma_start3A_53 = tpu.memref_slice %arg12[%dma_start3A_46, %dma_start3A_52] : memref<157x128xi32, #tpu.memory_space<vmem>> -> memref<1x128xi32, #tpu.memory_space<vmem>>
    %dma_start3A_54 = tpu.memref_squeeze %dma_start3A_53 : memref<1x128xi32, #tpu.memory_space<vmem>> -> memref<128xi32, #tpu.memory_space<vmem>>
    %dma_start3A_55 = arith.constant 0 : i32
    %dma_start3A_56 = arith.constant 0 : i32
    %dma_start3A_57 = tpu.memref_slice %arg16[%dma_start3A_55, %dma_start3A_56] : memref<10000x32xf32, #tpu.memory_space<vmem_shared>> -> memref<10000x32xf32, #tpu.memory_space<vmem_shared>>
    tpu.enqueue_indirect_dma source(%dma_start3A_57 : memref<10000x32xf32, #tpu.memory_space<vmem_shared>>) target(%dma_start3A_51 : memref<128x32xf32, #tpu.memory_space<vmem>>) offsets(%dma_start3A_54 : memref<128xi32, #tpu.memory_space<vmem>>) semaphore(%arg19 : memref<!tpu.dma_semaphore, #tpu.memory_space<semaphore_mem>>)
    %scan3A = arith.constant 0 : i32
    %scan3A_58 = arith.constant 0 : i32
    %scan3A_59 = arith.constant 26 : i32
    %scan3A_60 = arith.addi %scan3A_58, %scan3A_59 : i32
    %scan3A_61 = arith.constant 1 : i32
    scf.for %scan3A_156 = %scan3A_58 to %scan3A_60 step %scan3A_61  : i32 {
      %mul3A_157 = arith.constant 6 : i32
      %mul3A_158 = arith.muli %scan3A_156, %mul3A_157 : i32
      %add3A = arith.constant 0 : i32
      %add3A_159 = arith.addi %mul3A_158, %add3A : i32
      %dma_wait3A_160 = arith.constant 0 : i32
      %dma_wait3A_161 = arith.constant 0 : i32
      %dma_wait3A_162 = arith.constant 0 : i32
      %dma_wait3A_163 = tpu.memref_slice %arg14[%dma_wait3A_160, %dma_wait3A_161, %dma_wait3A_162] : memref<6x128x32xf32, #tpu.memory_space<vmem>> -> memref<1x128x32xf32, #tpu.memory_space<vmem>>
      %dma_wait3A_164 = tpu.memref_squeeze %dma_wait3A_163 : memref<1x128x32xf32, #tpu.memory_space<vmem>> -> memref<128x32xf32, #tpu.memory_space<vmem>>
      %dma_wait3A_165 = arith.constant 0 : i32
      %dma_wait3A_166 = tpu.memref_slice %arg12[%add3A_159, %dma_wait3A_165] : memref<157x128xi32, #tpu.memory_space<vmem>> -> memref<1x128xi32, #tpu.memory_space<vmem>>
      %dma_wait3A_167 = tpu.memref_squeeze %dma_wait3A_166 : memref<1x128xi32, #tpu.memory_space<vmem>> -> memref<128xi32, #tpu.memory_space<vmem>>
      %dma_wait3A_168 = arith.constant 0 : i32
      %dma_wait3A_169 = arith.constant 0 : i32
      %dma_wait3A_170 = tpu.memref_slice %arg16[%dma_wait3A_168, %dma_wait3A_169] : memref<10000x32xf32, #tpu.memory_space<vmem_shared>> -> memref<10000x32xf32, #tpu.memory_space<vmem_shared>>
      tpu.wait_indirect_dma semaphore(%arg17 : memref<!tpu.dma_semaphore, #tpu.memory_space<semaphore_mem>>) src(%dma_wait3A_170 : memref<10000x32xf32, #tpu.memory_space<vmem_shared>>) dst(%dma_wait3A_164 : memref<128x32xf32, #tpu.memory_space<vmem>>)
      %dma_start3A_171 = arith.constant 0 : i32
      %dma_start3A_172 = arith.constant 0 : i32
      %dma_start3A_173 = arith.constant 0 : i32
      %dma_start3A_174 = tpu.memref_slice %arg14[%dma_start3A_171, %dma_start3A_172, %dma_start3A_173] : memref<6x128x32xf32, #tpu.memory_space<vmem>> -> memref<1x128x32xf32, #tpu.memory_space<vmem>>
      %dma_start3A_175 = tpu.memref_squeeze %dma_start3A_174 : memref<1x128x32xf32, #tpu.memory_space<vmem>> -> memref<128x32xf32, #tpu.memory_space<vmem>>
      %dma_start3A_176 = arith.constant 0 : i32
      %dma_start3A_177 = tpu.memref_slice %arg13[%add3A_159, %dma_start3A_176] : memref<157x128xi32, #tpu.memory_space<vmem>> -> memref<1x128xi32, #tpu.memory_space<vmem>>
      %dma_start3A_178 = tpu.memref_squeeze %dma_start3A_177 : memref<1x128xi32, #tpu.memory_space<vmem>> -> memref<128xi32, #tpu.memory_space<vmem>>
      %dma_start3A_179 = arith.constant 0 : i32
      %dma_start3A_180 = arith.constant 0 : i32
      %dma_start3A_181 = tpu.memref_slice %arg15[%dma_start3A_179, %dma_start3A_180] : memref<10112x32xf32, #tpu.memory_space<vmem_shared>> -> memref<10112x32xf32, #tpu.memory_space<vmem_shared>>
      tpu.enqueue_indirect_dma source(%dma_start3A_175 : memref<128x32xf32, #tpu.memory_space<vmem>>) target(%dma_start3A_181 : memref<10112x32xf32, #tpu.memory_space<vmem_shared>>) offsets(%dma_start3A_178 : memref<128xi32, #tpu.memory_space<vmem>>) semaphore(%arg23 : memref<!tpu.dma_semaphore, #tpu.memory_space<semaphore_mem>>) {add = true}
      %ge3A = arith.constant 3 : i32
      %ge3A_182 = arith.cmpi sge, %add3A_159, %ge3A : i32
      %convert_element_type3A_183 = arith.extui %ge3A_182 : i1 to i32
      %cond3A_184 = arith.constant 0 : i32
      %cond3A_185 = arith.cmpi ne, %convert_element_type3A_183, %cond3A_184 : i32
      scf.if %cond3A_185 {
        %dma_wait3A_513 = arith.constant 3 : i32
        %dma_wait3A_514 = arith.constant 0 : i32
        %dma_wait3A_515 = arith.constant 0 : i32
        %dma_wait3A_516 = arith.constant 0 : i32
        %dma_wait3A_517 = tpu.memref_slice %arg14[%dma_wait3A_513, %dma_wait3A_515, %dma_wait3A_516] : memref<6x128x32xf32, #tpu.memory_space<vmem>> -> memref<1x128x32xf32, #tpu.memory_space<vmem>>
        %dma_wait3A_518 = tpu.memref_squeeze %dma_wait3A_517 : memref<1x128x32xf32, #tpu.memory_space<vmem>> -> memref<128x32xf32, #tpu.memory_space<vmem>>
        %dma_wait3A_519 = arith.constant 0 : i32
        %dma_wait3A_520 = tpu.memref_slice %arg13[%dma_wait3A_514, %dma_wait3A_519] : memref<157x128xi32, #tpu.memory_space<vmem>> -> memref<1x128xi32, #tpu.memory_space<vmem>>
        %dma_wait3A_521 = tpu.memref_squeeze %dma_wait3A_520 : memref<1x128xi32, #tpu.memory_space<vmem>> -> memref<128xi32, #tpu.memory_space<vmem>>
        %dma_wait3A_522 = arith.constant 0 : i32
        %dma_wait3A_523 = arith.constant 0 : i32
        %dma_wait3A_524 = tpu.memref_slice %arg15[%dma_wait3A_522, %dma_wait3A_523] : memref<10112x32xf32, #tpu.memory_space<vmem_shared>> -> memref<10112x32xf32, #tpu.memory_space<vmem_shared>>
        tpu.wait_indirect_dma semaphore(%arg26 : memref<!tpu.dma_semaphore, #tpu.memory_space<semaphore_mem>>) src(%dma_wait3A_518 : memref<128x32xf32, #tpu.memory_space<vmem>>) dst(%dma_wait3A_524 : memref<10112x32xf32, #tpu.memory_space<vmem_shared>>)
      } else {
      }
      %add3A_186 = arith.constant 3 : i32
      %add3A_187 = arith.addi %add3A_159, %add3A_186 : i32
      %lt3A_188 = arith.constant 156 : i32
      %lt3A_189 = arith.cmpi slt, %add3A_187, %lt3A_188 : i32
      %convert_element_type3A_190 = arith.extui %lt3A_189 : i1 to i32
      %cond3A_191 = arith.constant 0 : i32
      %cond3A_192 = arith.cmpi ne, %convert_element_type3A_190, %cond3A_191 : i32
      scf.if %cond3A_192 {
        %add3A_513 = arith.constant 3 : i32
        %add3A_514 = arith.addi %add3A_159, %add3A_513 : i32
        %dma_start3A_515 = arith.constant 3 : i32
        %dma_start3A_516 = arith.constant 0 : i32
        %dma_start3A_517 = arith.constant 0 : i32
        %dma_start3A_518 = tpu.memref_slice %arg14[%dma_start3A_515, %dma_start3A_516, %dma_start3A_517] : memref<6x128x32xf32, #tpu.memory_space<vmem>> -> memref<1x128x32xf32, #tpu.memory_space<vmem>>
        %dma_start3A_519 = tpu.memref_squeeze %dma_start3A_518 : memref<1x128x32xf32, #tpu.memory_space<vmem>> -> memref<128x32xf32, #tpu.memory_space<vmem>>
        %dma_start3A_520 = arith.constant 0 : i32
        %dma_start3A_521 = tpu.memref_slice %arg12[%add3A_514, %dma_start3A_520] : memref<157x128xi32, #tpu.memory_space<vmem>> -> memref<1x128xi32, #tpu.memory_space<vmem>>
        %dma_start3A_522 = tpu.memref_squeeze %dma_start3A_521 : memref<1x128xi32, #tpu.memory_space<vmem>> -> memref<128xi32, #tpu.memory_space<vmem>>
        %dma_start3A_523 = arith.constant 0 : i32
        %dma_start3A_524 = arith.constant 0 : i32
        %dma_start3A_525 = tpu.memref_slice %arg16[%dma_start3A_523, %dma_start3A_524] : memref<10000x32xf32, #tpu.memory_space<vmem_shared>> -> memref<10000x32xf32, #tpu.memory_space<vmem_shared>>
        tpu.enqueue_indirect_dma source(%dma_start3A_525 : memref<10000x32xf32, #tpu.memory_space<vmem_shared>>) target(%dma_start3A_519 : memref<128x32xf32, #tpu.memory_space<vmem>>) offsets(%dma_start3A_522 : memref<128xi32, #tpu.memory_space<vmem>>) semaphore(%arg20 : memref<!tpu.dma_semaphore, #tpu.memory_space<semaphore_mem>>)
      } else {
      }
      %eq3A_193 = arith.constant 0 : i32
      %eq3A_194 = arith.cmpi eq, %arg0, %eq3A_193 : i32
      %select_n3A = arith.constant 78 : i32
      %select_n3A_195 = arith.constant 0 : i32
      %select_n3A_196 = arith.select %eq3A_194, %select_n3A_195, %select_n3A : i32
      %eq3A_197 = arith.constant 0 : i32
      %eq3A_198 = arith.cmpi eq, %arg0, %eq3A_197 : i32
      %lt3A_199 = arith.constant 78 : i32
      %lt3A_200 = arith.cmpi slt, %add3A_159, %lt3A_199 : i32
      %ge3A_201 = arith.constant 78 : i32
      %ge3A_202 = arith.cmpi sge, %add3A_159, %ge3A_201 : i32
      %select_n3A_203 = arith.select %eq3A_198, %lt3A_200, %ge3A_202 : i1
      %add3A_204 = arith.constant 6 : i32
      %add3A_205 = arith.addi %select_n3A_196, %add3A_204 : i32
      %ge3A_206 = arith.cmpi sge, %add3A_159, %add3A_205 : i32
      %and3A = arith.andi %select_n3A_203, %ge3A_206 : i1
      %convert_element_type3A_207 = arith.extui %and3A : i1 to i32
      %cond3A_208 = arith.constant 0 : i32
      %cond3A_209 = arith.cmpi ne, %convert_element_type3A_207, %cond3A_208 : i32
      scf.if %cond3A_209 {
        %dma_wait3A_513 = arith.constant 0 : i32
        %dma_wait3A_514 = arith.constant 0 : i32
        %dma_wait3A_515 = tpu.memref_slice %arg13[%dma_wait3A_513, %dma_wait3A_514] : memref<157x128xi32, #tpu.memory_space<vmem>> -> memref<1x128xi32, #tpu.memory_space<vmem>>
        %dma_wait3A_516 = tpu.memref_squeeze %dma_wait3A_515 : memref<1x128xi32, #tpu.memory_space<vmem>> -> memref<128xi32, #tpu.memory_space<vmem>>
        %dma_wait3A_517 = arith.constant 0 : i32
        %dma_wait3A_518 = arith.constant 0 : i32
        %dma_wait3A_519 = tpu.memref_slice %arg30[%dma_wait3A_517, %dma_wait3A_518] : memref<10112x8xf32, #tpu.memory_space<vmem_shared>> -> memref<10112x8xf32, #tpu.memory_space<vmem_shared>>
        tpu.wait_indirect_dma semaphore(%arg31 : memref<!tpu.dma_semaphore, #tpu.memory_space<semaphore_mem>>) src(%arg29 : memref<128x8xf32, #tpu.memory_space<vmem>>) dst(%dma_wait3A_519 : memref<10112x8xf32, #tpu.memory_space<vmem_shared>>)
      } else {
      }
      %convert_element_type3A_210 = arith.extui %select_n3A_203 : i1 to i32
      %cond3A_211 = arith.constant 0 : i32
      %cond3A_212 = arith.cmpi ne, %convert_element_type3A_210, %cond3A_211 : i32
      scf.if %cond3A_212 {
        %dma_start3A_513 = arith.constant 0 : i32
        %dma_start3A_514 = tpu.memref_slice %arg13[%add3A_159, %dma_start3A_513] : memref<157x128xi32, #tpu.memory_space<vmem>> -> memref<1x128xi32, #tpu.memory_space<vmem>>
        %dma_start3A_515 = tpu.memref_squeeze %dma_start3A_514 : memref<1x128xi32, #tpu.memory_space<vmem>> -> memref<128xi32, #tpu.memory_space<vmem>>
        %dma_start3A_516 = arith.constant 0 : i32
        %dma_start3A_517 = arith.constant 0 : i32
        %dma_start3A_518 = tpu.memref_slice %arg30[%dma_start3A_516, %dma_start3A_517] : memref<10112x8xf32, #tpu.memory_space<vmem_shared>> -> memref<10112x8xf32, #tpu.memory_space<vmem_shared>>
        tpu.enqueue_indirect_dma source(%arg29 : memref<128x8xf32, #tpu.memory_space<vmem>>) target(%dma_start3A_518 : memref<10112x8xf32, #tpu.memory_space<vmem_shared>>) offsets(%dma_start3A_515 : memref<128xi32, #tpu.memory_space<vmem>>) semaphore(%arg31 : memref<!tpu.dma_semaphore, #tpu.memory_space<semaphore_mem>>) {add = true}
      } else {
      }
      %mul3A_213 = arith.constant 6 : i32
      %mul3A_214 = arith.muli %scan3A_156, %mul3A_213 : i32
      %add3A_215 = arith.constant 1 : i32
      %add3A_216 = arith.addi %mul3A_214, %add3A_215 : i32
      %dma_wait3A_217 = arith.constant 1 : i32
      %dma_wait3A_218 = arith.constant 0 : i32
      %dma_wait3A_219 = arith.constant 0 : i32
      %dma_wait3A_220 = tpu.memref_slice %arg14[%dma_wait3A_217, %dma_wait3A_218, %dma_wait3A_219] : memref<6x128x32xf32, #tpu.memory_space<vmem>> -> memref<1x128x32xf32, #tpu.memory_space<vmem>>
      %dma_wait3A_221 = tpu.memref_squeeze %dma_wait3A_220 : memref<1x128x32xf32, #tpu.memory_space<vmem>> -> memref<128x32xf32, #tpu.memory_space<vmem>>
      %dma_wait3A_222 = arith.constant 0 : i32
      %dma_wait3A_223 = tpu.memref_slice %arg12[%add3A_216, %dma_wait3A_222] : memref<157x128xi32, #tpu.memory_space<vmem>> -> memref<1x128xi32, #tpu.memory_space<vmem>>
      %dma_wait3A_224 = tpu.memref_squeeze %dma_wait3A_223 : memref<1x128xi32, #tpu.memory_space<vmem>> -> memref<128xi32, #tpu.memory_space<vmem>>
      %dma_wait3A_225 = arith.constant 0 : i32
      %dma_wait3A_226 = arith.constant 0 : i32
      %dma_wait3A_227 = tpu.memref_slice %arg16[%dma_wait3A_225, %dma_wait3A_226] : memref<10000x32xf32, #tpu.memory_space<vmem_shared>> -> memref<10000x32xf32, #tpu.memory_space<vmem_shared>>
      tpu.wait_indirect_dma semaphore(%arg18 : memref<!tpu.dma_semaphore, #tpu.memory_space<semaphore_mem>>) src(%dma_wait3A_227 : memref<10000x32xf32, #tpu.memory_space<vmem_shared>>) dst(%dma_wait3A_221 : memref<128x32xf32, #tpu.memory_space<vmem>>)
      %dma_start3A_228 = arith.constant 1 : i32
      %dma_start3A_229 = arith.constant 0 : i32
      %dma_start3A_230 = arith.constant 0 : i32
      %dma_start3A_231 = tpu.memref_slice %arg14[%dma_start3A_228, %dma_start3A_229, %dma_start3A_230] : memref<6x128x32xf32, #tpu.memory_space<vmem>> -> memref<1x128x32xf32, #tpu.memory_space<vmem>>
      %dma_start3A_232 = tpu.memref_squeeze %dma_start3A_231 : memref<1x128x32xf32, #tpu.memory_space<vmem>> -> memref<128x32xf32, #tpu.memory_space<vmem>>
      %dma_start3A_233 = arith.constant 0 : i32
      %dma_start3A_234 = tpu.memref_slice %arg13[%add3A_216, %dma_start3A_233] : memref<157x128xi32, #tpu.memory_space<vmem>> -> memref<1x128xi32, #tpu.memory_space<vmem>>
      %dma_start3A_235 = tpu.memref_squeeze %dma_start3A_234 : memref<1x128xi32, #tpu.memory_space<vmem>> -> memref<128xi32, #tpu.memory_space<vmem>>
      %dma_start3A_236 = arith.constant 0 : i32
      %dma_start3A_237 = arith.constant 0 : i32
      %dma_start3A_238 = tpu.memref_slice %arg15[%dma_start3A_236, %dma_start3A_237] : memref<10112x32xf32, #tpu.memory_space<vmem_shared>> -> memref<10112x32xf32, #tpu.memory_space<vmem_shared>>
      tpu.enqueue_indirect_dma source(%dma_start3A_232 : memref<128x32xf32, #tpu.memory_space<vmem>>) target(%dma_start3A_238 : memref<10112x32xf32, #tpu.memory_space<vmem_shared>>) offsets(%dma_start3A_235 : memref<128xi32, #tpu.memory_space<vmem>>) semaphore(%arg24 : memref<!tpu.dma_semaphore, #tpu.memory_space<semaphore_mem>>) {add = true}
      %ge3A_239 = arith.constant 3 : i32
      %ge3A_240 = arith.cmpi sge, %add3A_216, %ge3A_239 : i32
      %convert_element_type3A_241 = arith.extui %ge3A_240 : i1 to i32
      %cond3A_242 = arith.constant 0 : i32
      %cond3A_243 = arith.cmpi ne, %convert_element_type3A_241, %cond3A_242 : i32
      scf.if %cond3A_243 {
        %dma_wait3A_513 = arith.constant 4 : i32
        %dma_wait3A_514 = arith.constant 0 : i32
        %dma_wait3A_515 = arith.constant 0 : i32
        %dma_wait3A_516 = arith.constant 0 : i32
        %dma_wait3A_517 = tpu.memref_slice %arg14[%dma_wait3A_513, %dma_wait3A_515, %dma_wait3A_516] : memref<6x128x32xf32, #tpu.memory_space<vmem>> -> memref<1x128x32xf32, #tpu.memory_space<vmem>>
        %dma_wait3A_518 = tpu.memref_squeeze %dma_wait3A_517 : memref<1x128x32xf32, #tpu.memory_space<vmem>> -> memref<128x32xf32, #tpu.memory_space<vmem>>
        %dma_wait3A_519 = arith.constant 0 : i32
        %dma_wait3A_520 = tpu.memref_slice %arg13[%dma_wait3A_514, %dma_wait3A_519] : memref<157x128xi32, #tpu.memory_space<vmem>> -> memref<1x128xi32, #tpu.memory_space<vmem>>
        %dma_wait3A_521 = tpu.memref_squeeze %dma_wait3A_520 : memref<1x128xi32, #tpu.memory_space<vmem>> -> memref<128xi32, #tpu.memory_space<vmem>>
        %dma_wait3A_522 = arith.constant 0 : i32
        %dma_wait3A_523 = arith.constant 0 : i32
        %dma_wait3A_524 = tpu.memref_slice %arg15[%dma_wait3A_522, %dma_wait3A_523] : memref<10112x32xf32, #tpu.memory_space<vmem_shared>> -> memref<10112x32xf32, #tpu.memory_space<vmem_shared>>
        tpu.wait_indirect_dma semaphore(%arg27 : memref<!tpu.dma_semaphore, #tpu.memory_space<semaphore_mem>>) src(%dma_wait3A_518 : memref<128x32xf32, #tpu.memory_space<vmem>>) dst(%dma_wait3A_524 : memref<10112x32xf32, #tpu.memory_space<vmem_shared>>)
      } else {
      }
      %add3A_244 = arith.constant 3 : i32
      %add3A_245 = arith.addi %add3A_216, %add3A_244 : i32
      %lt3A_246 = arith.constant 156 : i32
      %lt3A_247 = arith.cmpi slt, %add3A_245, %lt3A_246 : i32
      %convert_element_type3A_248 = arith.extui %lt3A_247 : i1 to i32
      %cond3A_249 = arith.constant 0 : i32
      %cond3A_250 = arith.cmpi ne, %convert_element_type3A_248, %cond3A_249 : i32
      scf.if %cond3A_250 {
        %add3A_513 = arith.constant 3 : i32
        %add3A_514 = arith.addi %add3A_216, %add3A_513 : i32
        %dma_start3A_515 = arith.constant 4 : i32
        %dma_start3A_516 = arith.constant 0 : i32
        %dma_start3A_517 = arith.constant 0 : i32
        %dma_start3A_518 = tpu.memref_slice %arg14[%dma_start3A_515, %dma_start3A_516, %dma_start3A_517] : memref<6x128x32xf32, #tpu.memory_space<vmem>> -> memref<1x128x32xf32, #tpu.memory_space<vmem>>
        %dma_start3A_519 = tpu.memref_squeeze %dma_start3A_518 : memref<1x128x32xf32, #tpu.memory_space<vmem>> -> memref<128x32xf32, #tpu.memory_space<vmem>>
        %dma_start3A_520 = arith.constant 0 : i32
        %dma_start3A_521 = tpu.memref_slice %arg12[%add3A_514, %dma_start3A_520] : memref<157x128xi32, #tpu.memory_space<vmem>> -> memref<1x128xi32, #tpu.memory_space<vmem>>
        %dma_start3A_522 = tpu.memref_squeeze %dma_start3A_521 : memref<1x128xi32, #tpu.memory_space<vmem>> -> memref<128xi32, #tpu.memory_space<vmem>>
        %dma_start3A_523 = arith.constant 0 : i32
        %dma_start3A_524 = arith.constant 0 : i32
        %dma_start3A_525 = tpu.memref_slice %arg16[%dma_start3A_523, %dma_start3A_524] : memref<10000x32xf32, #tpu.memory_space<vmem_shared>> -> memref<10000x32xf32, #tpu.memory_space<vmem_shared>>
        tpu.enqueue_indirect_dma source(%dma_start3A_525 : memref<10000x32xf32, #tpu.memory_space<vmem_shared>>) target(%dma_start3A_519 : memref<128x32xf32, #tpu.memory_space<vmem>>) offsets(%dma_start3A_522 : memref<128xi32, #tpu.memory_space<vmem>>) semaphore(%arg21 : memref<!tpu.dma_semaphore, #tpu.memory_space<semaphore_mem>>)
      } else {
      }
      %eq3A_251 = arith.constant 0 : i32
      %eq3A_252 = arith.cmpi eq, %arg0, %eq3A_251 : i32
      %select_n3A_253 = arith.constant 78 : i32
      %select_n3A_254 = arith.constant 0 : i32
      %select_n3A_255 = arith.select %eq3A_252, %select_n3A_254, %select_n3A_253 : i32
      %eq3A_256 = arith.constant 0 : i32
      %eq3A_257 = arith.cmpi eq, %arg0, %eq3A_256 : i32
      %lt3A_258 = arith.constant 78 : i32
      %lt3A_259 = arith.cmpi slt, %add3A_216, %lt3A_258 : i32
      %ge3A_260 = arith.constant 78 : i32
      %ge3A_261 = arith.cmpi sge, %add3A_216, %ge3A_260 : i32
      %select_n3A_262 = arith.select %eq3A_257, %lt3A_259, %ge3A_261 : i1
      %add3A_263 = arith.constant 6 : i32
      %add3A_264 = arith.addi %select_n3A_255, %add3A_263 : i32
      %ge3A_265 = arith.cmpi sge, %add3A_216, %add3A_264 : i32
      %and3A_266 = arith.andi %select_n3A_262, %ge3A_265 : i1
      %convert_element_type3A_267 = arith.extui %and3A_266 : i1 to i32
      %cond3A_268 = arith.constant 0 : i32
      %cond3A_269 = arith.cmpi ne, %convert_element_type3A_267, %cond3A_268 : i32
      scf.if %cond3A_269 {
        %dma_wait3A_513 = arith.constant 0 : i32
        %dma_wait3A_514 = arith.constant 0 : i32
        %dma_wait3A_515 = tpu.memref_slice %arg13[%dma_wait3A_513, %dma_wait3A_514] : memref<157x128xi32, #tpu.memory_space<vmem>> -> memref<1x128xi32, #tpu.memory_space<vmem>>
        %dma_wait3A_516 = tpu.memref_squeeze %dma_wait3A_515 : memref<1x128xi32, #tpu.memory_space<vmem>> -> memref<128xi32, #tpu.memory_space<vmem>>
        %dma_wait3A_517 = arith.constant 0 : i32
        %dma_wait3A_518 = arith.constant 0 : i32
        %dma_wait3A_519 = tpu.memref_slice %arg30[%dma_wait3A_517, %dma_wait3A_518] : memref<10112x8xf32, #tpu.memory_space<vmem_shared>> -> memref<10112x8xf32, #tpu.memory_space<vmem_shared>>
        tpu.wait_indirect_dma semaphore(%arg32 : memref<!tpu.dma_semaphore, #tpu.memory_space<semaphore_mem>>) src(%arg29 : memref<128x8xf32, #tpu.memory_space<vmem>>) dst(%dma_wait3A_519 : memref<10112x8xf32, #tpu.memory_space<vmem_shared>>)
      } else {
      }
      %convert_element_type3A_270 = arith.extui %select_n3A_262 : i1 to i32
      %cond3A_271 = arith.constant 0 : i32
      %cond3A_272 = arith.cmpi ne, %convert_element_type3A_270, %cond3A_271 : i32
      scf.if %cond3A_272 {
        %dma_start3A_513 = arith.constant 0 : i32
        %dma_start3A_514 = tpu.memref_slice %arg13[%add3A_216, %dma_start3A_513] : memref<157x128xi32, #tpu.memory_space<vmem>> -> memref<1x128xi32, #tpu.memory_space<vmem>>
        %dma_start3A_515 = tpu.memref_squeeze %dma_start3A_514 : memref<1x128xi32, #tpu.memory_space<vmem>> -> memref<128xi32, #tpu.memory_space<vmem>>
        %dma_start3A_516 = arith.constant 0 : i32
        %dma_start3A_517 = arith.constant 0 : i32
        %dma_start3A_518 = tpu.memref_slice %arg30[%dma_start3A_516, %dma_start3A_517] : memref<10112x8xf32, #tpu.memory_space<vmem_shared>> -> memref<10112x8xf32, #tpu.memory_space<vmem_shared>>
        tpu.enqueue_indirect_dma source(%arg29 : memref<128x8xf32, #tpu.memory_space<vmem>>) target(%dma_start3A_518 : memref<10112x8xf32, #tpu.memory_space<vmem_shared>>) offsets(%dma_start3A_515 : memref<128xi32, #tpu.memory_space<vmem>>) semaphore(%arg32 : memref<!tpu.dma_semaphore, #tpu.memory_space<semaphore_mem>>) {add = true}
      } else {
      }
      %mul3A_273 = arith.constant 6 : i32
      %mul3A_274 = arith.muli %scan3A_156, %mul3A_273 : i32
      %add3A_275 = arith.constant 2 : i32
      %add3A_276 = arith.addi %mul3A_274, %add3A_275 : i32
      %dma_wait3A_277 = arith.constant 2 : i32
      %dma_wait3A_278 = arith.constant 0 : i32
      %dma_wait3A_279 = arith.constant 0 : i32
      %dma_wait3A_280 = tpu.memref_slice %arg14[%dma_wait3A_277, %dma_wait3A_278, %dma_wait3A_279] : memref<6x128x32xf32, #tpu.memory_space<vmem>> -> memref<1x128x32xf32, #tpu.memory_space<vmem>>
      %dma_wait3A_281 = tpu.memref_squeeze %dma_wait3A_280 : memref<1x128x32xf32, #tpu.memory_space<vmem>> -> memref<128x32xf32, #tpu.memory_space<vmem>>
      %dma_wait3A_282 = arith.constant 0 : i32
      %dma_wait3A_283 = tpu.memref_slice %arg12[%add3A_276, %dma_wait3A_282] : memref<157x128xi32, #tpu.memory_space<vmem>> -> memref<1x128xi32, #tpu.memory_space<vmem>>
      %dma_wait3A_284 = tpu.memref_squeeze %dma_wait3A_283 : memref<1x128xi32, #tpu.memory_space<vmem>> -> memref<128xi32, #tpu.memory_space<vmem>>
      %dma_wait3A_285 = arith.constant 0 : i32
      %dma_wait3A_286 = arith.constant 0 : i32
      %dma_wait3A_287 = tpu.memref_slice %arg16[%dma_wait3A_285, %dma_wait3A_286] : memref<10000x32xf32, #tpu.memory_space<vmem_shared>> -> memref<10000x32xf32, #tpu.memory_space<vmem_shared>>
      tpu.wait_indirect_dma semaphore(%arg19 : memref<!tpu.dma_semaphore, #tpu.memory_space<semaphore_mem>>) src(%dma_wait3A_287 : memref<10000x32xf32, #tpu.memory_space<vmem_shared>>) dst(%dma_wait3A_281 : memref<128x32xf32, #tpu.memory_space<vmem>>)
      %dma_start3A_288 = arith.constant 2 : i32
      %dma_start3A_289 = arith.constant 0 : i32
      %dma_start3A_290 = arith.constant 0 : i32
      %dma_start3A_291 = tpu.memref_slice %arg14[%dma_start3A_288, %dma_start3A_289, %dma_start3A_290] : memref<6x128x32xf32, #tpu.memory_space<vmem>> -> memref<1x128x32xf32, #tpu.memory_space<vmem>>
      %dma_start3A_292 = tpu.memref_squeeze %dma_start3A_291 : memref<1x128x32xf32, #tpu.memory_space<vmem>> -> memref<128x32xf32, #tpu.memory_space<vmem>>
      %dma_start3A_293 = arith.constant 0 : i32
      %dma_start3A_294 = tpu.memref_slice %arg13[%add3A_276, %dma_start3A_293] : memref<157x128xi32, #tpu.memory_space<vmem>> -> memref<1x128xi32, #tpu.memory_space<vmem>>
      %dma_start3A_295 = tpu.memref_squeeze %dma_start3A_294 : memref<1x128xi32, #tpu.memory_space<vmem>> -> memref<128xi32, #tpu.memory_space<vmem>>
      %dma_start3A_296 = arith.constant 0 : i32
      %dma_start3A_297 = arith.constant 0 : i32
      %dma_start3A_298 = tpu.memref_slice %arg15[%dma_start3A_296, %dma_start3A_297] : memref<10112x32xf32, #tpu.memory_space<vmem_shared>> -> memref<10112x32xf32, #tpu.memory_space<vmem_shared>>
      tpu.enqueue_indirect_dma source(%dma_start3A_292 : memref<128x32xf32, #tpu.memory_space<vmem>>) target(%dma_start3A_298 : memref<10112x32xf32, #tpu.memory_space<vmem_shared>>) offsets(%dma_start3A_295 : memref<128xi32, #tpu.memory_space<vmem>>) semaphore(%arg25 : memref<!tpu.dma_semaphore, #tpu.memory_space<semaphore_mem>>) {add = true}
      %ge3A_299 = arith.constant 3 : i32
      %ge3A_300 = arith.cmpi sge, %add3A_276, %ge3A_299 : i32
      %convert_element_type3A_301 = arith.extui %ge3A_300 : i1 to i32
      %cond3A_302 = arith.constant 0 : i32
      %cond3A_303 = arith.cmpi ne, %convert_element_type3A_301, %cond3A_302 : i32
      scf.if %cond3A_303 {
        %dma_wait3A_513 = arith.constant 5 : i32
        %dma_wait3A_514 = arith.constant 0 : i32
        %dma_wait3A_515 = arith.constant 0 : i32
        %dma_wait3A_516 = arith.constant 0 : i32
        %dma_wait3A_517 = tpu.memref_slice %arg14[%dma_wait3A_513, %dma_wait3A_515, %dma_wait3A_516] : memref<6x128x32xf32, #tpu.memory_space<vmem>> -> memref<1x128x32xf32, #tpu.memory_space<vmem>>
        %dma_wait3A_518 = tpu.memref_squeeze %dma_wait3A_517 : memref<1x128x32xf32, #tpu.memory_space<vmem>> -> memref<128x32xf32, #tpu.memory_space<vmem>>
        %dma_wait3A_519 = arith.constant 0 : i32
        %dma_wait3A_520 = tpu.memref_slice %arg13[%dma_wait3A_514, %dma_wait3A_519] : memref<157x128xi32, #tpu.memory_space<vmem>> -> memref<1x128xi32, #tpu.memory_space<vmem>>
        %dma_wait3A_521 = tpu.memref_squeeze %dma_wait3A_520 : memref<1x128xi32, #tpu.memory_space<vmem>> -> memref<128xi32, #tpu.memory_space<vmem>>
        %dma_wait3A_522 = arith.constant 0 : i32
        %dma_wait3A_523 = arith.constant 0 : i32
        %dma_wait3A_524 = tpu.memref_slice %arg15[%dma_wait3A_522, %dma_wait3A_523] : memref<10112x32xf32, #tpu.memory_space<vmem_shared>> -> memref<10112x32xf32, #tpu.memory_space<vmem_shared>>
        tpu.wait_indirect_dma semaphore(%arg28 : memref<!tpu.dma_semaphore, #tpu.memory_space<semaphore_mem>>) src(%dma_wait3A_518 : memref<128x32xf32, #tpu.memory_space<vmem>>) dst(%dma_wait3A_524 : memref<10112x32xf32, #tpu.memory_space<vmem_shared>>)
      } else {
      }
      %add3A_304 = arith.constant 3 : i32
      %add3A_305 = arith.addi %add3A_276, %add3A_304 : i32
      %lt3A_306 = arith.constant 156 : i32
      %lt3A_307 = arith.cmpi slt, %add3A_305, %lt3A_306 : i32
      %convert_element_type3A_308 = arith.extui %lt3A_307 : i1 to i32
      %cond3A_309 = arith.constant 0 : i32
      %cond3A_310 = arith.cmpi ne, %convert_element_type3A_308, %cond3A_309 : i32
      scf.if %cond3A_310 {
        %add3A_513 = arith.constant 3 : i32
        %add3A_514 = arith.addi %add3A_276, %add3A_513 : i32
        %dma_start3A_515 = arith.constant 5 : i32
        %dma_start3A_516 = arith.constant 0 : i32
        %dma_start3A_517 = arith.constant 0 : i32
        %dma_start3A_518 = tpu.memref_slice %arg14[%dma_start3A_515, %dma_start3A_516, %dma_start3A_517] : memref<6x128x32xf32, #tpu.memory_space<vmem>> -> memref<1x128x32xf32, #tpu.memory_space<vmem>>
        %dma_start3A_519 = tpu.memref_squeeze %dma_start3A_518 : memref<1x128x32xf32, #tpu.memory_space<vmem>> -> memref<128x32xf32, #tpu.memory_space<vmem>>
        %dma_start3A_520 = arith.constant 0 : i32
        %dma_start3A_521 = tpu.memref_slice %arg12[%add3A_514, %dma_start3A_520] : memref<157x128xi32, #tpu.memory_space<vmem>> -> memref<1x128xi32, #tpu.memory_space<vmem>>
        %dma_start3A_522 = tpu.memref_squeeze %dma_start3A_521 : memref<1x128xi32, #tpu.memory_space<vmem>> -> memref<128xi32, #tpu.memory_space<vmem>>
        %dma_start3A_523 = arith.constant 0 : i32
        %dma_start3A_524 = arith.constant 0 : i32
        %dma_start3A_525 = tpu.memref_slice %arg16[%dma_start3A_523, %dma_start3A_524] : memref<10000x32xf32, #tpu.memory_space<vmem_shared>> -> memref<10000x32xf32, #tpu.memory_space<vmem_shared>>
        tpu.enqueue_indirect_dma source(%dma_start3A_525 : memref<10000x32xf32, #tpu.memory_space<vmem_shared>>) target(%dma_start3A_519 : memref<128x32xf32, #tpu.memory_space<vmem>>) offsets(%dma_start3A_522 : memref<128xi32, #tpu.memory_space<vmem>>) semaphore(%arg22 : memref<!tpu.dma_semaphore, #tpu.memory_space<semaphore_mem>>)
      } else {
      }
      %eq3A_311 = arith.constant 0 : i32
      %eq3A_312 = arith.cmpi eq, %arg0, %eq3A_311 : i32
      %select_n3A_313 = arith.constant 78 : i32
      %select_n3A_314 = arith.constant 0 : i32
      %select_n3A_315 = arith.select %eq3A_312, %select_n3A_314, %select_n3A_313 : i32
      %eq3A_316 = arith.constant 0 : i32
      %eq3A_317 = arith.cmpi eq, %arg0, %eq3A_316 : i32
      %lt3A_318 = arith.constant 78 : i32
      %lt3A_319 = arith.cmpi slt, %add3A_276, %lt3A_318 : i32
      %ge3A_320 = arith.constant 78 : i32
      %ge3A_321 = arith.cmpi sge, %add3A_276, %ge3A_320 : i32
      %select_n3A_322 = arith.select %eq3A_317, %lt3A_319, %ge3A_321 : i1
      %add3A_323 = arith.constant 6 : i32
      %add3A_324 = arith.addi %select_n3A_315, %add3A_323 : i32
      %ge3A_325 = arith.cmpi sge, %add3A_276, %add3A_324 : i32
      %and3A_326 = arith.andi %select_n3A_322, %ge3A_325 : i1
      %convert_element_type3A_327 = arith.extui %and3A_326 : i1 to i32
      %cond3A_328 = arith.constant 0 : i32
      %cond3A_329 = arith.cmpi ne, %convert_element_type3A_327, %cond3A_328 : i32
      scf.if %cond3A_329 {
        %dma_wait3A_513 = arith.constant 0 : i32
        %dma_wait3A_514 = arith.constant 0 : i32
        %dma_wait3A_515 = tpu.memref_slice %arg13[%dma_wait3A_513, %dma_wait3A_514] : memref<157x128xi32, #tpu.memory_space<vmem>> -> memref<1x128xi32, #tpu.memory_space<vmem>>
        %dma_wait3A_516 = tpu.memref_squeeze %dma_wait3A_515 : memref<1x128xi32, #tpu.memory_space<vmem>> -> memref<128xi32, #tpu.memory_space<vmem>>
        %dma_wait3A_517 = arith.constant 0 : i32
        %dma_wait3A_518 = arith.constant 0 : i32
        %dma_wait3A_519 = tpu.memref_slice %arg30[%dma_wait3A_517, %dma_wait3A_518] : memref<10112x8xf32, #tpu.memory_space<vmem_shared>> -> memref<10112x8xf32, #tpu.memory_space<vmem_shared>>
        tpu.wait_indirect_dma semaphore(%arg33 : memref<!tpu.dma_semaphore, #tpu.memory_space<semaphore_mem>>) src(%arg29 : memref<128x8xf32, #tpu.memory_space<vmem>>) dst(%dma_wait3A_519 : memref<10112x8xf32, #tpu.memory_space<vmem_shared>>)
      } else {
      }
      %convert_element_type3A_330 = arith.extui %select_n3A_322 : i1 to i32
      %cond3A_331 = arith.constant 0 : i32
      %cond3A_332 = arith.cmpi ne, %convert_element_type3A_330, %cond3A_331 : i32
      scf.if %cond3A_332 {
        %dma_start3A_513 = arith.constant 0 : i32
        %dma_start3A_514 = tpu.memref_slice %arg13[%add3A_276, %dma_start3A_513] : memref<157x128xi32, #tpu.memory_space<vmem>> -> memref<1x128xi32, #tpu.memory_space<vmem>>
        %dma_start3A_515 = tpu.memref_squeeze %dma_start3A_514 : memref<1x128xi32, #tpu.memory_space<vmem>> -> memref<128xi32, #tpu.memory_space<vmem>>
        %dma_start3A_516 = arith.constant 0 : i32
        %dma_start3A_517 = arith.constant 0 : i32
        %dma_start3A_518 = tpu.memref_slice %arg30[%dma_start3A_516, %dma_start3A_517] : memref<10112x8xf32, #tpu.memory_space<vmem_shared>> -> memref<10112x8xf32, #tpu.memory_space<vmem_shared>>
        tpu.enqueue_indirect_dma source(%arg29 : memref<128x8xf32, #tpu.memory_space<vmem>>) target(%dma_start3A_518 : memref<10112x8xf32, #tpu.memory_space<vmem_shared>>) offsets(%dma_start3A_515 : memref<128xi32, #tpu.memory_space<vmem>>) semaphore(%arg33 : memref<!tpu.dma_semaphore, #tpu.memory_space<semaphore_mem>>) {add = true}
      } else {
      }
      %mul3A_333 = arith.constant 6 : i32
      %mul3A_334 = arith.muli %scan3A_156, %mul3A_333 : i32
      %add3A_335 = arith.constant 3 : i32
      %add3A_336 = arith.addi %mul3A_334, %add3A_335 : i32
      %dma_wait3A_337 = arith.constant 3 : i32
      %dma_wait3A_338 = arith.constant 0 : i32
      %dma_wait3A_339 = arith.constant 0 : i32
      %dma_wait3A_340 = tpu.memref_slice %arg14[%dma_wait3A_337, %dma_wait3A_338, %dma_wait3A_339] : memref<6x128x32xf32, #tpu.memory_space<vmem>> -> memref<1x128x32xf32, #tpu.memory_space<vmem>>
      %dma_wait3A_341 = tpu.memref_squeeze %dma_wait3A_340 : memref<1x128x32xf32, #tpu.memory_space<vmem>> -> memref<128x32xf32, #tpu.memory_space<vmem>>
      %dma_wait3A_342 = arith.constant 0 : i32
      %dma_wait3A_343 = tpu.memref_slice %arg12[%add3A_336, %dma_wait3A_342] : memref<157x128xi32, #tpu.memory_space<vmem>> -> memref<1x128xi32, #tpu.memory_space<vmem>>
      %dma_wait3A_344 = tpu.memref_squeeze %dma_wait3A_343 : memref<1x128xi32, #tpu.memory_space<vmem>> -> memref<128xi32, #tpu.memory_space<vmem>>
      %dma_wait3A_345 = arith.constant 0 : i32
      %dma_wait3A_346 = arith.constant 0 : i32
      %dma_wait3A_347 = tpu.memref_slice %arg16[%dma_wait3A_345, %dma_wait3A_346] : memref<10000x32xf32, #tpu.memory_space<vmem_shared>> -> memref<10000x32xf32, #tpu.memory_space<vmem_shared>>
      tpu.wait_indirect_dma semaphore(%arg20 : memref<!tpu.dma_semaphore, #tpu.memory_space<semaphore_mem>>) src(%dma_wait3A_347 : memref<10000x32xf32, #tpu.memory_space<vmem_shared>>) dst(%dma_wait3A_341 : memref<128x32xf32, #tpu.memory_space<vmem>>)
      %dma_start3A_348 = arith.constant 3 : i32
      %dma_start3A_349 = arith.constant 0 : i32
      %dma_start3A_350 = arith.constant 0 : i32
      %dma_start3A_351 = tpu.memref_slice %arg14[%dma_start3A_348, %dma_start3A_349, %dma_start3A_350] : memref<6x128x32xf32, #tpu.memory_space<vmem>> -> memref<1x128x32xf32, #tpu.memory_space<vmem>>
      %dma_start3A_352 = tpu.memref_squeeze %dma_start3A_351 : memref<1x128x32xf32, #tpu.memory_space<vmem>> -> memref<128x32xf32, #tpu.memory_space<vmem>>
      %dma_start3A_353 = arith.constant 0 : i32
      %dma_start3A_354 = tpu.memref_slice %arg13[%add3A_336, %dma_start3A_353] : memref<157x128xi32, #tpu.memory_space<vmem>> -> memref<1x128xi32, #tpu.memory_space<vmem>>
      %dma_start3A_355 = tpu.memref_squeeze %dma_start3A_354 : memref<1x128xi32, #tpu.memory_space<vmem>> -> memref<128xi32, #tpu.memory_space<vmem>>
      %dma_start3A_356 = arith.constant 0 : i32
      %dma_start3A_357 = arith.constant 0 : i32
      %dma_start3A_358 = tpu.memref_slice %arg15[%dma_start3A_356, %dma_start3A_357] : memref<10112x32xf32, #tpu.memory_space<vmem_shared>> -> memref<10112x32xf32, #tpu.memory_space<vmem_shared>>
      tpu.enqueue_indirect_dma source(%dma_start3A_352 : memref<128x32xf32, #tpu.memory_space<vmem>>) target(%dma_start3A_358 : memref<10112x32xf32, #tpu.memory_space<vmem_shared>>) offsets(%dma_start3A_355 : memref<128xi32, #tpu.memory_space<vmem>>) semaphore(%arg26 : memref<!tpu.dma_semaphore, #tpu.memory_space<semaphore_mem>>) {add = true}
      %ge3A_359 = arith.constant 3 : i32
      %ge3A_360 = arith.cmpi sge, %add3A_336, %ge3A_359 : i32
      %convert_element_type3A_361 = arith.extui %ge3A_360 : i1 to i32
      %cond3A_362 = arith.constant 0 : i32
      %cond3A_363 = arith.cmpi ne, %convert_element_type3A_361, %cond3A_362 : i32
      scf.if %cond3A_363 {
        %dma_wait3A_513 = arith.constant 0 : i32
        %dma_wait3A_514 = arith.constant 0 : i32
        %dma_wait3A_515 = arith.constant 0 : i32
        %dma_wait3A_516 = arith.constant 0 : i32
        %dma_wait3A_517 = tpu.memref_slice %arg14[%dma_wait3A_513, %dma_wait3A_515, %dma_wait3A_516] : memref<6x128x32xf32, #tpu.memory_space<vmem>> -> memref<1x128x32xf32, #tpu.memory_space<vmem>>
        %dma_wait3A_518 = tpu.memref_squeeze %dma_wait3A_517 : memref<1x128x32xf32, #tpu.memory_space<vmem>> -> memref<128x32xf32, #tpu.memory_space<vmem>>
        %dma_wait3A_519 = arith.constant 0 : i32
        %dma_wait3A_520 = tpu.memref_slice %arg13[%dma_wait3A_514, %dma_wait3A_519] : memref<157x128xi32, #tpu.memory_space<vmem>> -> memref<1x128xi32, #tpu.memory_space<vmem>>
        %dma_wait3A_521 = tpu.memref_squeeze %dma_wait3A_520 : memref<1x128xi32, #tpu.memory_space<vmem>> -> memref<128xi32, #tpu.memory_space<vmem>>
        %dma_wait3A_522 = arith.constant 0 : i32
        %dma_wait3A_523 = arith.constant 0 : i32
        %dma_wait3A_524 = tpu.memref_slice %arg15[%dma_wait3A_522, %dma_wait3A_523] : memref<10112x32xf32, #tpu.memory_space<vmem_shared>> -> memref<10112x32xf32, #tpu.memory_space<vmem_shared>>
        tpu.wait_indirect_dma semaphore(%arg23 : memref<!tpu.dma_semaphore, #tpu.memory_space<semaphore_mem>>) src(%dma_wait3A_518 : memref<128x32xf32, #tpu.memory_space<vmem>>) dst(%dma_wait3A_524 : memref<10112x32xf32, #tpu.memory_space<vmem_shared>>)
      } else {
      }
      %add3A_364 = arith.constant 3 : i32
      %add3A_365 = arith.addi %add3A_336, %add3A_364 : i32
      %lt3A_366 = arith.constant 156 : i32
      %lt3A_367 = arith.cmpi slt, %add3A_365, %lt3A_366 : i32
      %convert_element_type3A_368 = arith.extui %lt3A_367 : i1 to i32
      %cond3A_369 = arith.constant 0 : i32
      %cond3A_370 = arith.cmpi ne, %convert_element_type3A_368, %cond3A_369 : i32
      scf.if %cond3A_370 {
        %add3A_513 = arith.constant 3 : i32
        %add3A_514 = arith.addi %add3A_336, %add3A_513 : i32
        %dma_start3A_515 = arith.constant 0 : i32
        %dma_start3A_516 = arith.constant 0 : i32
        %dma_start3A_517 = arith.constant 0 : i32
        %dma_start3A_518 = tpu.memref_slice %arg14[%dma_start3A_515, %dma_start3A_516, %dma_start3A_517] : memref<6x128x32xf32, #tpu.memory_space<vmem>> -> memref<1x128x32xf32, #tpu.memory_space<vmem>>
        %dma_start3A_519 = tpu.memref_squeeze %dma_start3A_518 : memref<1x128x32xf32, #tpu.memory_space<vmem>> -> memref<128x32xf32, #tpu.memory_space<vmem>>
        %dma_start3A_520 = arith.constant 0 : i32
        %dma_start3A_521 = tpu.memref_slice %arg12[%add3A_514, %dma_start3A_520] : memref<157x128xi32, #tpu.memory_space<vmem>> -> memref<1x128xi32, #tpu.memory_space<vmem>>
        %dma_start3A_522 = tpu.memref_squeeze %dma_start3A_521 : memref<1x128xi32, #tpu.memory_space<vmem>> -> memref<128xi32, #tpu.memory_space<vmem>>
        %dma_start3A_523 = arith.constant 0 : i32
        %dma_start3A_524 = arith.constant 0 : i32
        %dma_start3A_525 = tpu.memref_slice %arg16[%dma_start3A_523, %dma_start3A_524] : memref<10000x32xf32, #tpu.memory_space<vmem_shared>> -> memref<10000x32xf32, #tpu.memory_space<vmem_shared>>
        tpu.enqueue_indirect_dma source(%dma_start3A_525 : memref<10000x32xf32, #tpu.memory_space<vmem_shared>>) target(%dma_start3A_519 : memref<128x32xf32, #tpu.memory_space<vmem>>) offsets(%dma_start3A_522 : memref<128xi32, #tpu.memory_space<vmem>>) semaphore(%arg17 : memref<!tpu.dma_semaphore, #tpu.memory_space<semaphore_mem>>)
      } else {
      }
      %eq3A_371 = arith.constant 0 : i32
      %eq3A_372 = arith.cmpi eq, %arg0, %eq3A_371 : i32
      %select_n3A_373 = arith.constant 78 : i32
      %select_n3A_374 = arith.constant 0 : i32
      %select_n3A_375 = arith.select %eq3A_372, %select_n3A_374, %select_n3A_373 : i32
      %eq3A_376 = arith.constant 0 : i32
      %eq3A_377 = arith.cmpi eq, %arg0, %eq3A_376 : i32
      %lt3A_378 = arith.constant 78 : i32
      %lt3A_379 = arith.cmpi slt, %add3A_336, %lt3A_378 : i32
      %ge3A_380 = arith.constant 78 : i32
      %ge3A_381 = arith.cmpi sge, %add3A_336, %ge3A_380 : i32
      %select_n3A_382 = arith.select %eq3A_377, %lt3A_379, %ge3A_381 : i1
      %add3A_383 = arith.constant 6 : i32
      %add3A_384 = arith.addi %select_n3A_375, %add3A_383 : i32
      %ge3A_385 = arith.cmpi sge, %add3A_336, %add3A_384 : i32
      %and3A_386 = arith.andi %select_n3A_382, %ge3A_385 : i1
      %convert_element_type3A_387 = arith.extui %and3A_386 : i1 to i32
      %cond3A_388 = arith.constant 0 : i32
      %cond3A_389 = arith.cmpi ne, %convert_element_type3A_387, %cond3A_388 : i32
      scf.if %cond3A_389 {
        %dma_wait3A_513 = arith.constant 0 : i32
        %dma_wait3A_514 = arith.constant 0 : i32
        %dma_wait3A_515 = tpu.memref_slice %arg13[%dma_wait3A_513, %dma_wait3A_514] : memref<157x128xi32, #tpu.memory_space<vmem>> -> memref<1x128xi32, #tpu.memory_space<vmem>>
        %dma_wait3A_516 = tpu.memref_squeeze %dma_wait3A_515 : memref<1x128xi32, #tpu.memory_space<vmem>> -> memref<128xi32, #tpu.memory_space<vmem>>
        %dma_wait3A_517 = arith.constant 0 : i32
        %dma_wait3A_518 = arith.constant 0 : i32
        %dma_wait3A_519 = tpu.memref_slice %arg30[%dma_wait3A_517, %dma_wait3A_518] : memref<10112x8xf32, #tpu.memory_space<vmem_shared>> -> memref<10112x8xf32, #tpu.memory_space<vmem_shared>>
        tpu.wait_indirect_dma semaphore(%arg34 : memref<!tpu.dma_semaphore, #tpu.memory_space<semaphore_mem>>) src(%arg29 : memref<128x8xf32, #tpu.memory_space<vmem>>) dst(%dma_wait3A_519 : memref<10112x8xf32, #tpu.memory_space<vmem_shared>>)
      } else {
      }
      %convert_element_type3A_390 = arith.extui %select_n3A_382 : i1 to i32
      %cond3A_391 = arith.constant 0 : i32
      %cond3A_392 = arith.cmpi ne, %convert_element_type3A_390, %cond3A_391 : i32
      scf.if %cond3A_392 {
        %dma_start3A_513 = arith.constant 0 : i32
        %dma_start3A_514 = tpu.memref_slice %arg13[%add3A_336, %dma_start3A_513] : memref<157x128xi32, #tpu.memory_space<vmem>> -> memref<1x128xi32, #tpu.memory_space<vmem>>
        %dma_start3A_515 = tpu.memref_squeeze %dma_start3A_514 : memref<1x128xi32, #tpu.memory_space<vmem>> -> memref<128xi32, #tpu.memory_space<vmem>>
        %dma_start3A_516 = arith.constant 0 : i32
        %dma_start3A_517 = arith.constant 0 : i32
        %dma_start3A_518 = tpu.memref_slice %arg30[%dma_start3A_516, %dma_start3A_517] : memref<10112x8xf32, #tpu.memory_space<vmem_shared>> -> memref<10112x8xf32, #tpu.memory_space<vmem_shared>>
        tpu.enqueue_indirect_dma source(%arg29 : memref<128x8xf32, #tpu.memory_space<vmem>>) target(%dma_start3A_518 : memref<10112x8xf32, #tpu.memory_space<vmem_shared>>) offsets(%dma_start3A_515 : memref<128xi32, #tpu.memory_space<vmem>>) semaphore(%arg34 : memref<!tpu.dma_semaphore, #tpu.memory_space<semaphore_mem>>) {add = true}
      } else {
      }
      %mul3A_393 = arith.constant 6 : i32
      %mul3A_394 = arith.muli %scan3A_156, %mul3A_393 : i32
      %add3A_395 = arith.constant 4 : i32
      %add3A_396 = arith.addi %mul3A_394, %add3A_395 : i32
      %dma_wait3A_397 = arith.constant 4 : i32
      %dma_wait3A_398 = arith.constant 0 : i32
      %dma_wait3A_399 = arith.constant 0 : i32
      %dma_wait3A_400 = tpu.memref_slice %arg14[%dma_wait3A_397, %dma_wait3A_398, %dma_wait3A_399] : memref<6x128x32xf32, #tpu.memory_space<vmem>> -> memref<1x128x32xf32, #tpu.memory_space<vmem>>
      %dma_wait3A_401 = tpu.memref_squeeze %dma_wait3A_400 : memref<1x128x32xf32, #tpu.memory_space<vmem>> -> memref<128x32xf32, #tpu.memory_space<vmem>>
      %dma_wait3A_402 = arith.constant 0 : i32
      %dma_wait3A_403 = tpu.memref_slice %arg12[%add3A_396, %dma_wait3A_402] : memref<157x128xi32, #tpu.memory_space<vmem>> -> memref<1x128xi32, #tpu.memory_space<vmem>>
      %dma_wait3A_404 = tpu.memref_squeeze %dma_wait3A_403 : memref<1x128xi32, #tpu.memory_space<vmem>> -> memref<128xi32, #tpu.memory_space<vmem>>
      %dma_wait3A_405 = arith.constant 0 : i32
      %dma_wait3A_406 = arith.constant 0 : i32
      %dma_wait3A_407 = tpu.memref_slice %arg16[%dma_wait3A_405, %dma_wait3A_406] : memref<10000x32xf32, #tpu.memory_space<vmem_shared>> -> memref<10000x32xf32, #tpu.memory_space<vmem_shared>>
      tpu.wait_indirect_dma semaphore(%arg21 : memref<!tpu.dma_semaphore, #tpu.memory_space<semaphore_mem>>) src(%dma_wait3A_407 : memref<10000x32xf32, #tpu.memory_space<vmem_shared>>) dst(%dma_wait3A_401 : memref<128x32xf32, #tpu.memory_space<vmem>>)
      %dma_start3A_408 = arith.constant 4 : i32
      %dma_start3A_409 = arith.constant 0 : i32
      %dma_start3A_410 = arith.constant 0 : i32
      %dma_start3A_411 = tpu.memref_slice %arg14[%dma_start3A_408, %dma_start3A_409, %dma_start3A_410] : memref<6x128x32xf32, #tpu.memory_space<vmem>> -> memref<1x128x32xf32, #tpu.memory_space<vmem>>
      %dma_start3A_412 = tpu.memref_squeeze %dma_start3A_411 : memref<1x128x32xf32, #tpu.memory_space<vmem>> -> memref<128x32xf32, #tpu.memory_space<vmem>>
      %dma_start3A_413 = arith.constant 0 : i32
      %dma_start3A_414 = tpu.memref_slice %arg13[%add3A_396, %dma_start3A_413] : memref<157x128xi32, #tpu.memory_space<vmem>> -> memref<1x128xi32, #tpu.memory_space<vmem>>
      %dma_start3A_415 = tpu.memref_squeeze %dma_start3A_414 : memref<1x128xi32, #tpu.memory_space<vmem>> -> memref<128xi32, #tpu.memory_space<vmem>>
      %dma_start3A_416 = arith.constant 0 : i32
      %dma_start3A_417 = arith.constant 0 : i32
      %dma_start3A_418 = tpu.memref_slice %arg15[%dma_start3A_416, %dma_start3A_417] : memref<10112x32xf32, #tpu.memory_space<vmem_shared>> -> memref<10112x32xf32, #tpu.memory_space<vmem_shared>>
      tpu.enqueue_indirect_dma source(%dma_start3A_412 : memref<128x32xf32, #tpu.memory_space<vmem>>) target(%dma_start3A_418 : memref<10112x32xf32, #tpu.memory_space<vmem_shared>>) offsets(%dma_start3A_415 : memref<128xi32, #tpu.memory_space<vmem>>) semaphore(%arg27 : memref<!tpu.dma_semaphore, #tpu.memory_space<semaphore_mem>>) {add = true}
      %ge3A_419 = arith.constant 3 : i32
      %ge3A_420 = arith.cmpi sge, %add3A_396, %ge3A_419 : i32
      %convert_element_type3A_421 = arith.extui %ge3A_420 : i1 to i32
      %cond3A_422 = arith.constant 0 : i32
      %cond3A_423 = arith.cmpi ne, %convert_element_type3A_421, %cond3A_422 : i32
      scf.if %cond3A_423 {
        %dma_wait3A_513 = arith.constant 1 : i32
        %dma_wait3A_514 = arith.constant 0 : i32
        %dma_wait3A_515 = arith.constant 0 : i32
        %dma_wait3A_516 = arith.constant 0 : i32
        %dma_wait3A_517 = tpu.memref_slice %arg14[%dma_wait3A_513, %dma_wait3A_515, %dma_wait3A_516] : memref<6x128x32xf32, #tpu.memory_space<vmem>> -> memref<1x128x32xf32, #tpu.memory_space<vmem>>
        %dma_wait3A_518 = tpu.memref_squeeze %dma_wait3A_517 : memref<1x128x32xf32, #tpu.memory_space<vmem>> -> memref<128x32xf32, #tpu.memory_space<vmem>>
        %dma_wait3A_519 = arith.constant 0 : i32
        %dma_wait3A_520 = tpu.memref_slice %arg13[%dma_wait3A_514, %dma_wait3A_519] : memref<157x128xi32, #tpu.memory_space<vmem>> -> memref<1x128xi32, #tpu.memory_space<vmem>>
        %dma_wait3A_521 = tpu.memref_squeeze %dma_wait3A_520 : memref<1x128xi32, #tpu.memory_space<vmem>> -> memref<128xi32, #tpu.memory_space<vmem>>
        %dma_wait3A_522 = arith.constant 0 : i32
        %dma_wait3A_523 = arith.constant 0 : i32
        %dma_wait3A_524 = tpu.memref_slice %arg15[%dma_wait3A_522, %dma_wait3A_523] : memref<10112x32xf32, #tpu.memory_space<vmem_shared>> -> memref<10112x32xf32, #tpu.memory_space<vmem_shared>>
        tpu.wait_indirect_dma semaphore(%arg24 : memref<!tpu.dma_semaphore, #tpu.memory_space<semaphore_mem>>) src(%dma_wait3A_518 : memref<128x32xf32, #tpu.memory_space<vmem>>) dst(%dma_wait3A_524 : memref<10112x32xf32, #tpu.memory_space<vmem_shared>>)
      } else {
      }
      %add3A_424 = arith.constant 3 : i32
      %add3A_425 = arith.addi %add3A_396, %add3A_424 : i32
      %lt3A_426 = arith.constant 156 : i32
      %lt3A_427 = arith.cmpi slt, %add3A_425, %lt3A_426 : i32
      %convert_element_type3A_428 = arith.extui %lt3A_427 : i1 to i32
      %cond3A_429 = arith.constant 0 : i32
      %cond3A_430 = arith.cmpi ne, %convert_element_type3A_428, %cond3A_429 : i32
      scf.if %cond3A_430 {
        %add3A_513 = arith.constant 3 : i32
        %add3A_514 = arith.addi %add3A_396, %add3A_513 : i32
        %dma_start3A_515 = arith.constant 1 : i32
        %dma_start3A_516 = arith.constant 0 : i32
        %dma_start3A_517 = arith.constant 0 : i32
        %dma_start3A_518 = tpu.memref_slice %arg14[%dma_start3A_515, %dma_start3A_516, %dma_start3A_517] : memref<6x128x32xf32, #tpu.memory_space<vmem>> -> memref<1x128x32xf32, #tpu.memory_space<vmem>>
        %dma_start3A_519 = tpu.memref_squeeze %dma_start3A_518 : memref<1x128x32xf32, #tpu.memory_space<vmem>> -> memref<128x32xf32, #tpu.memory_space<vmem>>
        %dma_start3A_520 = arith.constant 0 : i32
        %dma_start3A_521 = tpu.memref_slice %arg12[%add3A_514, %dma_start3A_520] : memref<157x128xi32, #tpu.memory_space<vmem>> -> memref<1x128xi32, #tpu.memory_space<vmem>>
        %dma_start3A_522 = tpu.memref_squeeze %dma_start3A_521 : memref<1x128xi32, #tpu.memory_space<vmem>> -> memref<128xi32, #tpu.memory_space<vmem>>
        %dma_start3A_523 = arith.constant 0 : i32
        %dma_start3A_524 = arith.constant 0 : i32
        %dma_start3A_525 = tpu.memref_slice %arg16[%dma_start3A_523, %dma_start3A_524] : memref<10000x32xf32, #tpu.memory_space<vmem_shared>> -> memref<10000x32xf32, #tpu.memory_space<vmem_shared>>
        tpu.enqueue_indirect_dma source(%dma_start3A_525 : memref<10000x32xf32, #tpu.memory_space<vmem_shared>>) target(%dma_start3A_519 : memref<128x32xf32, #tpu.memory_space<vmem>>) offsets(%dma_start3A_522 : memref<128xi32, #tpu.memory_space<vmem>>) semaphore(%arg18 : memref<!tpu.dma_semaphore, #tpu.memory_space<semaphore_mem>>)
      } else {
      }
      %eq3A_431 = arith.constant 0 : i32
      %eq3A_432 = arith.cmpi eq, %arg0, %eq3A_431 : i32
      %select_n3A_433 = arith.constant 78 : i32
      %select_n3A_434 = arith.constant 0 : i32
      %select_n3A_435 = arith.select %eq3A_432, %select_n3A_434, %select_n3A_433 : i32
      %eq3A_436 = arith.constant 0 : i32
      %eq3A_437 = arith.cmpi eq, %arg0, %eq3A_436 : i32
      %lt3A_438 = arith.constant 78 : i32
      %lt3A_439 = arith.cmpi slt, %add3A_396, %lt3A_438 : i32
      %ge3A_440 = arith.constant 78 : i32
      %ge3A_441 = arith.cmpi sge, %add3A_396, %ge3A_440 : i32
      %select_n3A_442 = arith.select %eq3A_437, %lt3A_439, %ge3A_441 : i1
      %add3A_443 = arith.constant 6 : i32
      %add3A_444 = arith.addi %select_n3A_435, %add3A_443 : i32
      %ge3A_445 = arith.cmpi sge, %add3A_396, %add3A_444 : i32
      %and3A_446 = arith.andi %select_n3A_442, %ge3A_445 : i1
      %convert_element_type3A_447 = arith.extui %and3A_446 : i1 to i32
      %cond3A_448 = arith.constant 0 : i32
      %cond3A_449 = arith.cmpi ne, %convert_element_type3A_447, %cond3A_448 : i32
      scf.if %cond3A_449 {
        %dma_wait3A_513 = arith.constant 0 : i32
        %dma_wait3A_514 = arith.constant 0 : i32
        %dma_wait3A_515 = tpu.memref_slice %arg13[%dma_wait3A_513, %dma_wait3A_514] : memref<157x128xi32, #tpu.memory_space<vmem>> -> memref<1x128xi32, #tpu.memory_space<vmem>>
        %dma_wait3A_516 = tpu.memref_squeeze %dma_wait3A_515 : memref<1x128xi32, #tpu.memory_space<vmem>> -> memref<128xi32, #tpu.memory_space<vmem>>
        %dma_wait3A_517 = arith.constant 0 : i32
        %dma_wait3A_518 = arith.constant 0 : i32
        %dma_wait3A_519 = tpu.memref_slice %arg30[%dma_wait3A_517, %dma_wait3A_518] : memref<10112x8xf32, #tpu.memory_space<vmem_shared>> -> memref<10112x8xf32, #tpu.memory_space<vmem_shared>>
        tpu.wait_indirect_dma semaphore(%arg35 : memref<!tpu.dma_semaphore, #tpu.memory_space<semaphore_mem>>) src(%arg29 : memref<128x8xf32, #tpu.memory_space<vmem>>) dst(%dma_wait3A_519 : memref<10112x8xf32, #tpu.memory_space<vmem_shared>>)
      } else {
      }
      %convert_element_type3A_450 = arith.extui %select_n3A_442 : i1 to i32
      %cond3A_451 = arith.constant 0 : i32
      %cond3A_452 = arith.cmpi ne, %convert_element_type3A_450, %cond3A_451 : i32
      scf.if %cond3A_452 {
        %dma_start3A_513 = arith.constant 0 : i32
        %dma_start3A_514 = tpu.memref_slice %arg13[%add3A_396, %dma_start3A_513] : memref<157x128xi32, #tpu.memory_space<vmem>> -> memref<1x128xi32, #tpu.memory_space<vmem>>
        %dma_start3A_515 = tpu.memref_squeeze %dma_start3A_514 : memref<1x128xi32, #tpu.memory_space<vmem>> -> memref<128xi32, #tpu.memory_space<vmem>>
        %dma_start3A_516 = arith.constant 0 : i32
        %dma_start3A_517 = arith.constant 0 : i32
        %dma_start3A_518 = tpu.memref_slice %arg30[%dma_start3A_516, %dma_start3A_517] : memref<10112x8xf32, #tpu.memory_space<vmem_shared>> -> memref<10112x8xf32, #tpu.memory_space<vmem_shared>>
        tpu.enqueue_indirect_dma source(%arg29 : memref<128x8xf32, #tpu.memory_space<vmem>>) target(%dma_start3A_518 : memref<10112x8xf32, #tpu.memory_space<vmem_shared>>) offsets(%dma_start3A_515 : memref<128xi32, #tpu.memory_space<vmem>>) semaphore(%arg35 : memref<!tpu.dma_semaphore, #tpu.memory_space<semaphore_mem>>) {add = true}
      } else {
      }
      %mul3A_453 = arith.constant 6 : i32
      %mul3A_454 = arith.muli %scan3A_156, %mul3A_453 : i32
      %add3A_455 = arith.constant 5 : i32
      %add3A_456 = arith.addi %mul3A_454, %add3A_455 : i32
      %dma_wait3A_457 = arith.constant 5 : i32
      %dma_wait3A_458 = arith.constant 0 : i32
      %dma_wait3A_459 = arith.constant 0 : i32
      %dma_wait3A_460 = tpu.memref_slice %arg14[%dma_wait3A_457, %dma_wait3A_458, %dma_wait3A_459] : memref<6x128x32xf32, #tpu.memory_space<vmem>> -> memref<1x128x32xf32, #tpu.memory_space<vmem>>
      %dma_wait3A_461 = tpu.memref_squeeze %dma_wait3A_460 : memref<1x128x32xf32, #tpu.memory_space<vmem>> -> memref<128x32xf32, #tpu.memory_space<vmem>>
      %dma_wait3A_462 = arith.constant 0 : i32
      %dma_wait3A_463 = tpu.memref_slice %arg12[%add3A_456, %dma_wait3A_462] : memref<157x128xi32, #tpu.memory_space<vmem>> -> memref<1x128xi32, #tpu.memory_space<vmem>>
      %dma_wait3A_464 = tpu.memref_squeeze %dma_wait3A_463 : memref<1x128xi32, #tpu.memory_space<vmem>> -> memref<128xi32, #tpu.memory_space<vmem>>
      %dma_wait3A_465 = arith.constant 0 : i32
      %dma_wait3A_466 = arith.constant 0 : i32
      %dma_wait3A_467 = tpu.memref_slice %arg16[%dma_wait3A_465, %dma_wait3A_466] : memref<10000x32xf32, #tpu.memory_space<vmem_shared>> -> memref<10000x32xf32, #tpu.memory_space<vmem_shared>>
      tpu.wait_indirect_dma semaphore(%arg22 : memref<!tpu.dma_semaphore, #tpu.memory_space<semaphore_mem>>) src(%dma_wait3A_467 : memref<10000x32xf32, #tpu.memory_space<vmem_shared>>) dst(%dma_wait3A_461 : memref<128x32xf32, #tpu.memory_space<vmem>>)
      %dma_start3A_468 = arith.constant 5 : i32
      %dma_start3A_469 = arith.constant 0 : i32
      %dma_start3A_470 = arith.constant 0 : i32
      %dma_start3A_471 = tpu.memref_slice %arg14[%dma_start3A_468, %dma_start3A_469, %dma_start3A_470] : memref<6x128x32xf32, #tpu.memory_space<vmem>> -> memref<1x128x32xf32, #tpu.memory_space<vmem>>
      %dma_start3A_472 = tpu.memref_squeeze %dma_start3A_471 : memref<1x128x32xf32, #tpu.memory_space<vmem>> -> memref<128x32xf32, #tpu.memory_space<vmem>>
      %dma_start3A_473 = arith.constant 0 : i32
      %dma_start3A_474 = tpu.memref_slice %arg13[%add3A_456, %dma_start3A_473] : memref<157x128xi32, #tpu.memory_space<vmem>> -> memref<1x128xi32, #tpu.memory_space<vmem>>
      %dma_start3A_475 = tpu.memref_squeeze %dma_start3A_474 : memref<1x128xi32, #tpu.memory_space<vmem>> -> memref<128xi32, #tpu.memory_space<vmem>>
      %dma_start3A_476 = arith.constant 0 : i32
      %dma_start3A_477 = arith.constant 0 : i32
      %dma_start3A_478 = tpu.memref_slice %arg15[%dma_start3A_476, %dma_start3A_477] : memref<10112x32xf32, #tpu.memory_space<vmem_shared>> -> memref<10112x32xf32, #tpu.memory_space<vmem_shared>>
      tpu.enqueue_indirect_dma source(%dma_start3A_472 : memref<128x32xf32, #tpu.memory_space<vmem>>) target(%dma_start3A_478 : memref<10112x32xf32, #tpu.memory_space<vmem_shared>>) offsets(%dma_start3A_475 : memref<128xi32, #tpu.memory_space<vmem>>) semaphore(%arg28 : memref<!tpu.dma_semaphore, #tpu.memory_space<semaphore_mem>>) {add = true}
      %ge3A_479 = arith.constant 3 : i32
      %ge3A_480 = arith.cmpi sge, %add3A_456, %ge3A_479 : i32
      %convert_element_type3A_481 = arith.extui %ge3A_480 : i1 to i32
      %cond3A_482 = arith.constant 0 : i32
      %cond3A_483 = arith.cmpi ne, %convert_element_type3A_481, %cond3A_482 : i32
      scf.if %cond3A_483 {
        %dma_wait3A_513 = arith.constant 2 : i32
        %dma_wait3A_514 = arith.constant 0 : i32
        %dma_wait3A_515 = arith.constant 0 : i32
        %dma_wait3A_516 = arith.constant 0 : i32
        %dma_wait3A_517 = tpu.memref_slice %arg14[%dma_wait3A_513, %dma_wait3A_515, %dma_wait3A_516] : memref<6x128x32xf32, #tpu.memory_space<vmem>> -> memref<1x128x32xf32, #tpu.memory_space<vmem>>
        %dma_wait3A_518 = tpu.memref_squeeze %dma_wait3A_517 : memref<1x128x32xf32, #tpu.memory_space<vmem>> -> memref<128x32xf32, #tpu.memory_space<vmem>>
        %dma_wait3A_519 = arith.constant 0 : i32
        %dma_wait3A_520 = tpu.memref_slice %arg13[%dma_wait3A_514, %dma_wait3A_519] : memref<157x128xi32, #tpu.memory_space<vmem>> -> memref<1x128xi32, #tpu.memory_space<vmem>>
        %dma_wait3A_521 = tpu.memref_squeeze %dma_wait3A_520 : memref<1x128xi32, #tpu.memory_space<vmem>> -> memref<128xi32, #tpu.memory_space<vmem>>
        %dma_wait3A_522 = arith.constant 0 : i32
        %dma_wait3A_523 = arith.constant 0 : i32
        %dma_wait3A_524 = tpu.memref_slice %arg15[%dma_wait3A_522, %dma_wait3A_523] : memref<10112x32xf32, #tpu.memory_space<vmem_shared>> -> memref<10112x32xf32, #tpu.memory_space<vmem_shared>>
        tpu.wait_indirect_dma semaphore(%arg25 : memref<!tpu.dma_semaphore, #tpu.memory_space<semaphore_mem>>) src(%dma_wait3A_518 : memref<128x32xf32, #tpu.memory_space<vmem>>) dst(%dma_wait3A_524 : memref<10112x32xf32, #tpu.memory_space<vmem_shared>>)
      } else {
      }
      %add3A_484 = arith.constant 3 : i32
      %add3A_485 = arith.addi %add3A_456, %add3A_484 : i32
      %lt3A_486 = arith.constant 156 : i32
      %lt3A_487 = arith.cmpi slt, %add3A_485, %lt3A_486 : i32
      %convert_element_type3A_488 = arith.extui %lt3A_487 : i1 to i32
      %cond3A_489 = arith.constant 0 : i32
      %cond3A_490 = arith.cmpi ne, %convert_element_type3A_488, %cond3A_489 : i32
      scf.if %cond3A_490 {
        %add3A_513 = arith.constant 3 : i32
        %add3A_514 = arith.addi %add3A_456, %add3A_513 : i32
        %dma_start3A_515 = arith.constant 2 : i32
        %dma_start3A_516 = arith.constant 0 : i32
        %dma_start3A_517 = arith.constant 0 : i32
        %dma_start3A_518 = tpu.memref_slice %arg14[%dma_start3A_515, %dma_start3A_516, %dma_start3A_517] : memref<6x128x32xf32, #tpu.memory_space<vmem>> -> memref<1x128x32xf32, #tpu.memory_space<vmem>>
        %dma_start3A_519 = tpu.memref_squeeze %dma_start3A_518 : memref<1x128x32xf32, #tpu.memory_space<vmem>> -> memref<128x32xf32, #tpu.memory_space<vmem>>
        %dma_start3A_520 = arith.constant 0 : i32
        %dma_start3A_521 = tpu.memref_slice %arg12[%add3A_514, %dma_start3A_520] : memref<157x128xi32, #tpu.memory_space<vmem>> -> memref<1x128xi32, #tpu.memory_space<vmem>>
        %dma_start3A_522 = tpu.memref_squeeze %dma_start3A_521 : memref<1x128xi32, #tpu.memory_space<vmem>> -> memref<128xi32, #tpu.memory_space<vmem>>
        %dma_start3A_523 = arith.constant 0 : i32
        %dma_start3A_524 = arith.constant 0 : i32
        %dma_start3A_525 = tpu.memref_slice %arg16[%dma_start3A_523, %dma_start3A_524] : memref<10000x32xf32, #tpu.memory_space<vmem_shared>> -> memref<10000x32xf32, #tpu.memory_space<vmem_shared>>
        tpu.enqueue_indirect_dma source(%dma_start3A_525 : memref<10000x32xf32, #tpu.memory_space<vmem_shared>>) target(%dma_start3A_519 : memref<128x32xf32, #tpu.memory_space<vmem>>) offsets(%dma_start3A_522 : memref<128xi32, #tpu.memory_space<vmem>>) semaphore(%arg19 : memref<!tpu.dma_semaphore, #tpu.memory_space<semaphore_mem>>)
      } else {
      }
      %eq3A_491 = arith.constant 0 : i32
      %eq3A_492 = arith.cmpi eq, %arg0, %eq3A_491 : i32
      %select_n3A_493 = arith.constant 78 : i32
      %select_n3A_494 = arith.constant 0 : i32
      %select_n3A_495 = arith.select %eq3A_492, %select_n3A_494, %select_n3A_493 : i32
      %eq3A_496 = arith.constant 0 : i32
      %eq3A_497 = arith.cmpi eq, %arg0, %eq3A_496 : i32
      %lt3A_498 = arith.constant 78 : i32
      %lt3A_499 = arith.cmpi slt, %add3A_456, %lt3A_498 : i32
      %ge3A_500 = arith.constant 78 : i32
      %ge3A_501 = arith.cmpi sge, %add3A_456, %ge3A_500 : i32
      %select_n3A_502 = arith.select %eq3A_497, %lt3A_499, %ge3A_501 : i1
      %add3A_503 = arith.constant 6 : i32
      %add3A_504 = arith.addi %select_n3A_495, %add3A_503 : i32
      %ge3A_505 = arith.cmpi sge, %add3A_456, %add3A_504 : i32
      %and3A_506 = arith.andi %select_n3A_502, %ge3A_505 : i1
      %convert_element_type3A_507 = arith.extui %and3A_506 : i1 to i32
      %cond3A_508 = arith.constant 0 : i32
      %cond3A_509 = arith.cmpi ne, %convert_element_type3A_507, %cond3A_508 : i32
      scf.if %cond3A_509 {
        %dma_wait3A_513 = arith.constant 0 : i32
        %dma_wait3A_514 = arith.constant 0 : i32
        %dma_wait3A_515 = tpu.memref_slice %arg13[%dma_wait3A_513, %dma_wait3A_514] : memref<157x128xi32, #tpu.memory_space<vmem>> -> memref<1x128xi32, #tpu.memory_space<vmem>>
        %dma_wait3A_516 = tpu.memref_squeeze %dma_wait3A_515 : memref<1x128xi32, #tpu.memory_space<vmem>> -> memref<128xi32, #tpu.memory_space<vmem>>
        %dma_wait3A_517 = arith.constant 0 : i32
        %dma_wait3A_518 = arith.constant 0 : i32
        %dma_wait3A_519 = tpu.memref_slice %arg30[%dma_wait3A_517, %dma_wait3A_518] : memref<10112x8xf32, #tpu.memory_space<vmem_shared>> -> memref<10112x8xf32, #tpu.memory_space<vmem_shared>>
        tpu.wait_indirect_dma semaphore(%arg36 : memref<!tpu.dma_semaphore, #tpu.memory_space<semaphore_mem>>) src(%arg29 : memref<128x8xf32, #tpu.memory_space<vmem>>) dst(%dma_wait3A_519 : memref<10112x8xf32, #tpu.memory_space<vmem_shared>>)
      } else {
      }
      %convert_element_type3A_510 = arith.extui %select_n3A_502 : i1 to i32
      %cond3A_511 = arith.constant 0 : i32
      %cond3A_512 = arith.cmpi ne, %convert_element_type3A_510, %cond3A_511 : i32
      scf.if %cond3A_512 {
        %dma_start3A_513 = arith.constant 0 : i32
        %dma_start3A_514 = tpu.memref_slice %arg13[%add3A_456, %dma_start3A_513] : memref<157x128xi32, #tpu.memory_space<vmem>> -> memref<1x128xi32, #tpu.memory_space<vmem>>
        %dma_start3A_515 = tpu.memref_squeeze %dma_start3A_514 : memref<1x128xi32, #tpu.memory_space<vmem>> -> memref<128xi32, #tpu.memory_space<vmem>>
        %dma_start3A_516 = arith.constant 0 : i32
        %dma_start3A_517 = arith.constant 0 : i32
        %dma_start3A_518 = tpu.memref_slice %arg30[%dma_start3A_516, %dma_start3A_517] : memref<10112x8xf32, #tpu.memory_space<vmem_shared>> -> memref<10112x8xf32, #tpu.memory_space<vmem_shared>>
        tpu.enqueue_indirect_dma source(%arg29 : memref<128x8xf32, #tpu.memory_space<vmem>>) target(%dma_start3A_518 : memref<10112x8xf32, #tpu.memory_space<vmem_shared>>) offsets(%dma_start3A_515 : memref<128xi32, #tpu.memory_space<vmem>>) semaphore(%arg36 : memref<!tpu.dma_semaphore, #tpu.memory_space<semaphore_mem>>) {add = true}
      } else {
      }
    }
    %scan3A_62 = arith.constant 26 : i32
    %dma_wait3A = arith.constant 0 : i32
    %dma_wait3A_63 = arith.constant 0 : i32
    %dma_wait3A_64 = tpu.memref_slice %arg13[%dma_wait3A, %dma_wait3A_63] : memref<157x128xi32, #tpu.memory_space<vmem>> -> memref<1x128xi32, #tpu.memory_space<vmem>>
    %dma_wait3A_65 = tpu.memref_squeeze %dma_wait3A_64 : memref<1x128xi32, #tpu.memory_space<vmem>> -> memref<128xi32, #tpu.memory_space<vmem>>
    %dma_wait3A_66 = arith.constant 0 : i32
    %dma_wait3A_67 = arith.constant 0 : i32
    %dma_wait3A_68 = tpu.memref_slice %arg30[%dma_wait3A_66, %dma_wait3A_67] : memref<10112x8xf32, #tpu.memory_space<vmem_shared>> -> memref<10112x8xf32, #tpu.memory_space<vmem_shared>>
    tpu.wait_indirect_dma semaphore(%arg31 : memref<!tpu.dma_semaphore, #tpu.memory_space<semaphore_mem>>) src(%arg29 : memref<128x8xf32, #tpu.memory_space<vmem>>) dst(%dma_wait3A_68 : memref<10112x8xf32, #tpu.memory_space<vmem_shared>>)
    %dma_wait3A_69 = arith.constant 0 : i32
    %dma_wait3A_70 = arith.constant 0 : i32
    %dma_wait3A_71 = tpu.memref_slice %arg13[%dma_wait3A_69, %dma_wait3A_70] : memref<157x128xi32, #tpu.memory_space<vmem>> -> memref<1x128xi32, #tpu.memory_space<vmem>>
    %dma_wait3A_72 = tpu.memref_squeeze %dma_wait3A_71 : memref<1x128xi32, #tpu.memory_space<vmem>> -> memref<128xi32, #tpu.memory_space<vmem>>
    %dma_wait3A_73 = arith.constant 0 : i32
    %dma_wait3A_74 = arith.constant 0 : i32
    %dma_wait3A_75 = tpu.memref_slice %arg30[%dma_wait3A_73, %dma_wait3A_74] : memref<10112x8xf32, #tpu.memory_space<vmem_shared>> -> memref<10112x8xf32, #tpu.memory_space<vmem_shared>>
    tpu.wait_indirect_dma semaphore(%arg32 : memref<!tpu.dma_semaphore, #tpu.memory_space<semaphore_mem>>) src(%arg29 : memref<128x8xf32, #tpu.memory_space<vmem>>) dst(%dma_wait3A_75 : memref<10112x8xf32, #tpu.memory_space<vmem_shared>>)
    %dma_wait3A_76 = arith.constant 0 : i32
    %dma_wait3A_77 = arith.constant 0 : i32
    %dma_wait3A_78 = tpu.memref_slice %arg13[%dma_wait3A_76, %dma_wait3A_77] : memref<157x128xi32, #tpu.memory_space<vmem>> -> memref<1x128xi32, #tpu.memory_space<vmem>>
    %dma_wait3A_79 = tpu.memref_squeeze %dma_wait3A_78 : memref<1x128xi32, #tpu.memory_space<vmem>> -> memref<128xi32, #tpu.memory_space<vmem>>
    %dma_wait3A_80 = arith.constant 0 : i32
    %dma_wait3A_81 = arith.constant 0 : i32
    %dma_wait3A_82 = tpu.memref_slice %arg30[%dma_wait3A_80, %dma_wait3A_81] : memref<10112x8xf32, #tpu.memory_space<vmem_shared>> -> memref<10112x8xf32, #tpu.memory_space<vmem_shared>>
    tpu.wait_indirect_dma semaphore(%arg33 : memref<!tpu.dma_semaphore, #tpu.memory_space<semaphore_mem>>) src(%arg29 : memref<128x8xf32, #tpu.memory_space<vmem>>) dst(%dma_wait3A_82 : memref<10112x8xf32, #tpu.memory_space<vmem_shared>>)
    %dma_wait3A_83 = arith.constant 0 : i32
    %dma_wait3A_84 = arith.constant 0 : i32
    %dma_wait3A_85 = tpu.memref_slice %arg13[%dma_wait3A_83, %dma_wait3A_84] : memref<157x128xi32, #tpu.memory_space<vmem>> -> memref<1x128xi32, #tpu.memory_space<vmem>>
    %dma_wait3A_86 = tpu.memref_squeeze %dma_wait3A_85 : memref<1x128xi32, #tpu.memory_space<vmem>> -> memref<128xi32, #tpu.memory_space<vmem>>
    %dma_wait3A_87 = arith.constant 0 : i32
    %dma_wait3A_88 = arith.constant 0 : i32
    %dma_wait3A_89 = tpu.memref_slice %arg30[%dma_wait3A_87, %dma_wait3A_88] : memref<10112x8xf32, #tpu.memory_space<vmem_shared>> -> memref<10112x8xf32, #tpu.memory_space<vmem_shared>>
    tpu.wait_indirect_dma semaphore(%arg34 : memref<!tpu.dma_semaphore, #tpu.memory_space<semaphore_mem>>) src(%arg29 : memref<128x8xf32, #tpu.memory_space<vmem>>) dst(%dma_wait3A_89 : memref<10112x8xf32, #tpu.memory_space<vmem_shared>>)
    %dma_wait3A_90 = arith.constant 0 : i32
    %dma_wait3A_91 = arith.constant 0 : i32
    %dma_wait3A_92 = tpu.memref_slice %arg13[%dma_wait3A_90, %dma_wait3A_91] : memref<157x128xi32, #tpu.memory_space<vmem>> -> memref<1x128xi32, #tpu.memory_space<vmem>>
    %dma_wait3A_93 = tpu.memref_squeeze %dma_wait3A_92 : memref<1x128xi32, #tpu.memory_space<vmem>> -> memref<128xi32, #tpu.memory_space<vmem>>
    %dma_wait3A_94 = arith.constant 0 : i32
    %dma_wait3A_95 = arith.constant 0 : i32
    %dma_wait3A_96 = tpu.memref_slice %arg30[%dma_wait3A_94, %dma_wait3A_95] : memref<10112x8xf32, #tpu.memory_space<vmem_shared>> -> memref<10112x8xf32, #tpu.memory_space<vmem_shared>>
    tpu.wait_indirect_dma semaphore(%arg35 : memref<!tpu.dma_semaphore, #tpu.memory_space<semaphore_mem>>) src(%arg29 : memref<128x8xf32, #tpu.memory_space<vmem>>) dst(%dma_wait3A_96 : memref<10112x8xf32, #tpu.memory_space<vmem_shared>>)
    %dma_wait3A_97 = arith.constant 0 : i32
    %dma_wait3A_98 = arith.constant 0 : i32
    %dma_wait3A_99 = tpu.memref_slice %arg13[%dma_wait3A_97, %dma_wait3A_98] : memref<157x128xi32, #tpu.memory_space<vmem>> -> memref<1x128xi32, #tpu.memory_space<vmem>>
    %dma_wait3A_100 = tpu.memref_squeeze %dma_wait3A_99 : memref<1x128xi32, #tpu.memory_space<vmem>> -> memref<128xi32, #tpu.memory_space<vmem>>
    %dma_wait3A_101 = arith.constant 0 : i32
    %dma_wait3A_102 = arith.constant 0 : i32
    %dma_wait3A_103 = tpu.memref_slice %arg30[%dma_wait3A_101, %dma_wait3A_102] : memref<10112x8xf32, #tpu.memory_space<vmem_shared>> -> memref<10112x8xf32, #tpu.memory_space<vmem_shared>>
    tpu.wait_indirect_dma semaphore(%arg36 : memref<!tpu.dma_semaphore, #tpu.memory_space<semaphore_mem>>) src(%arg29 : memref<128x8xf32, #tpu.memory_space<vmem>>) dst(%dma_wait3A_103 : memref<10112x8xf32, #tpu.memory_space<vmem_shared>>)
    %dma_wait3A_104 = arith.constant 3 : i32
    %dma_wait3A_105 = arith.constant 0 : i32
    %dma_wait3A_106 = arith.constant 0 : i32
    %dma_wait3A_107 = arith.constant 0 : i32
    %dma_wait3A_108 = tpu.memref_slice %arg14[%dma_wait3A_104, %dma_wait3A_106, %dma_wait3A_107] : memref<6x128x32xf32, #tpu.memory_space<vmem>> -> memref<1x128x32xf32, #tpu.memory_space<vmem>>
    %dma_wait3A_109 = tpu.memref_squeeze %dma_wait3A_108 : memref<1x128x32xf32, #tpu.memory_space<vmem>> -> memref<128x32xf32, #tpu.memory_space<vmem>>
    %dma_wait3A_110 = arith.constant 0 : i32
    %dma_wait3A_111 = tpu.memref_slice %arg13[%dma_wait3A_105, %dma_wait3A_110] : memref<157x128xi32, #tpu.memory_space<vmem>> -> memref<1x128xi32, #tpu.memory_space<vmem>>
    %dma_wait3A_112 = tpu.memref_squeeze %dma_wait3A_111 : memref<1x128xi32, #tpu.memory_space<vmem>> -> memref<128xi32, #tpu.memory_space<vmem>>
    %dma_wait3A_113 = arith.constant 0 : i32
    %dma_wait3A_114 = arith.constant 0 : i32
    %dma_wait3A_115 = tpu.memref_slice %arg15[%dma_wait3A_113, %dma_wait3A_114] : memref<10112x32xf32, #tpu.memory_space<vmem_shared>> -> memref<10112x32xf32, #tpu.memory_space<vmem_shared>>
    tpu.wait_indirect_dma semaphore(%arg26 : memref<!tpu.dma_semaphore, #tpu.memory_space<semaphore_mem>>) src(%dma_wait3A_109 : memref<128x32xf32, #tpu.memory_space<vmem>>) dst(%dma_wait3A_115 : memref<10112x32xf32, #tpu.memory_space<vmem_shared>>)
    %dma_wait3A_116 = arith.constant 4 : i32
    %dma_wait3A_117 = arith.constant 0 : i32
    %dma_wait3A_118 = arith.constant 0 : i32
    %dma_wait3A_119 = arith.constant 0 : i32
    %dma_wait3A_120 = tpu.memref_slice %arg14[%dma_wait3A_116, %dma_wait3A_118, %dma_wait3A_119] : memref<6x128x32xf32, #tpu.memory_space<vmem>> -> memref<1x128x32xf32, #tpu.memory_space<vmem>>
    %dma_wait3A_121 = tpu.memref_squeeze %dma_wait3A_120 : memref<1x128x32xf32, #tpu.memory_space<vmem>> -> memref<128x32xf32, #tpu.memory_space<vmem>>
    %dma_wait3A_122 = arith.constant 0 : i32
    %dma_wait3A_123 = tpu.memref_slice %arg13[%dma_wait3A_117, %dma_wait3A_122] : memref<157x128xi32, #tpu.memory_space<vmem>> -> memref<1x128xi32, #tpu.memory_space<vmem>>
    %dma_wait3A_124 = tpu.memref_squeeze %dma_wait3A_123 : memref<1x128xi32, #tpu.memory_space<vmem>> -> memref<128xi32, #tpu.memory_space<vmem>>
    %dma_wait3A_125 = arith.constant 0 : i32
    %dma_wait3A_126 = arith.constant 0 : i32
    %dma_wait3A_127 = tpu.memref_slice %arg15[%dma_wait3A_125, %dma_wait3A_126] : memref<10112x32xf32, #tpu.memory_space<vmem_shared>> -> memref<10112x32xf32, #tpu.memory_space<vmem_shared>>
    tpu.wait_indirect_dma semaphore(%arg27 : memref<!tpu.dma_semaphore, #tpu.memory_space<semaphore_mem>>) src(%dma_wait3A_121 : memref<128x32xf32, #tpu.memory_space<vmem>>) dst(%dma_wait3A_127 : memref<10112x32xf32, #tpu.memory_space<vmem_shared>>)
    %dma_wait3A_128 = arith.constant 5 : i32
    %dma_wait3A_129 = arith.constant 0 : i32
    %dma_wait3A_130 = arith.constant 0 : i32
    %dma_wait3A_131 = arith.constant 0 : i32
    %dma_wait3A_132 = tpu.memref_slice %arg14[%dma_wait3A_128, %dma_wait3A_130, %dma_wait3A_131] : memref<6x128x32xf32, #tpu.memory_space<vmem>> -> memref<1x128x32xf32, #tpu.memory_space<vmem>>
    %dma_wait3A_133 = tpu.memref_squeeze %dma_wait3A_132 : memref<1x128x32xf32, #tpu.memory_space<vmem>> -> memref<128x32xf32, #tpu.memory_space<vmem>>
    %dma_wait3A_134 = arith.constant 0 : i32
    %dma_wait3A_135 = tpu.memref_slice %arg13[%dma_wait3A_129, %dma_wait3A_134] : memref<157x128xi32, #tpu.memory_space<vmem>> -> memref<1x128xi32, #tpu.memory_space<vmem>>
    %dma_wait3A_136 = tpu.memref_squeeze %dma_wait3A_135 : memref<1x128xi32, #tpu.memory_space<vmem>> -> memref<128xi32, #tpu.memory_space<vmem>>
    %dma_wait3A_137 = arith.constant 0 : i32
    %dma_wait3A_138 = arith.constant 0 : i32
    %dma_wait3A_139 = tpu.memref_slice %arg15[%dma_wait3A_137, %dma_wait3A_138] : memref<10112x32xf32, #tpu.memory_space<vmem_shared>> -> memref<10112x32xf32, #tpu.memory_space<vmem_shared>>
    tpu.wait_indirect_dma semaphore(%arg28 : memref<!tpu.dma_semaphore, #tpu.memory_space<semaphore_mem>>) src(%dma_wait3A_133 : memref<128x32xf32, #tpu.memory_space<vmem>>) dst(%dma_wait3A_139 : memref<10112x32xf32, #tpu.memory_space<vmem_shared>>)
    %convert_element_type3A_140 = arith.extui %lt3A_0 : i1 to i32
    %cond3A_141 = arith.constant 0 : i32
    %cond3A_142 = arith.cmpi ne, %convert_element_type3A_140, %cond3A_141 : i32
    scf.if %cond3A_142 {
      %run_scoped3A_156 = arith.constant 156 : i32
      %run_scoped3A_157 = arith.constant 0 : i32
      "tpu.region"() ({
        %run_scoped3A_165 = tpu.sem_alloc : memref<!tpu.dma_semaphore, #tpu.memory_space<semaphore_mem>>
        %dma_start3A_166 = arith.constant 0 : i32
        %dma_start3A_167 = arith.constant 0 : i32
        %dma_start3A_168 = tpu.memref_slice %arg14[%run_scoped3A_157, %dma_start3A_166, %dma_start3A_167] : memref<6x128x32xf32, #tpu.memory_space<vmem>> -> memref<1x128x32xf32, #tpu.memory_space<vmem>>
        %dma_start3A_169 = tpu.memref_squeeze %dma_start3A_168 : memref<1x128x32xf32, #tpu.memory_space<vmem>> -> memref<128x32xf32, #tpu.memory_space<vmem>>
        %dma_start3A_170 = arith.constant 0 : i32
        %dma_start3A_171 = tpu.memref_slice %arg12[%run_scoped3A_156, %dma_start3A_170] : memref<157x128xi32, #tpu.memory_space<vmem>> -> memref<1x128xi32, #tpu.memory_space<vmem>>
        %dma_start3A_172 = tpu.memref_squeeze %dma_start3A_171 : memref<1x128xi32, #tpu.memory_space<vmem>> -> memref<128xi32, #tpu.memory_space<vmem>>
        %dma_start3A_173 = arith.constant 0 : i32
        %dma_start3A_174 = arith.constant 0 : i32
        %dma_start3A_175 = tpu.memref_slice %arg16[%dma_start3A_173, %dma_start3A_174] : memref<10000x32xf32, #tpu.memory_space<vmem_shared>> -> memref<10000x32xf32, #tpu.memory_space<vmem_shared>>
        tpu.enqueue_indirect_dma source(%dma_start3A_175 : memref<10000x32xf32, #tpu.memory_space<vmem_shared>>) target(%dma_start3A_169 : memref<128x32xf32, #tpu.memory_space<vmem>>) offsets(%dma_start3A_172 : memref<128xi32, #tpu.memory_space<vmem>>) semaphore(%run_scoped3A_165 : memref<!tpu.dma_semaphore, #tpu.memory_space<semaphore_mem>>)
        %dma_wait3A_176 = arith.constant 0 : i32
        %dma_wait3A_177 = arith.constant 0 : i32
        %dma_wait3A_178 = tpu.memref_slice %arg14[%run_scoped3A_157, %dma_wait3A_176, %dma_wait3A_177] : memref<6x128x32xf32, #tpu.memory_space<vmem>> -> memref<1x128x32xf32, #tpu.memory_space<vmem>>
        %dma_wait3A_179 = tpu.memref_squeeze %dma_wait3A_178 : memref<1x128x32xf32, #tpu.memory_space<vmem>> -> memref<128x32xf32, #tpu.memory_space<vmem>>
        %dma_wait3A_180 = arith.constant 0 : i32
        %dma_wait3A_181 = tpu.memref_slice %arg12[%run_scoped3A_156, %dma_wait3A_180] : memref<157x128xi32, #tpu.memory_space<vmem>> -> memref<1x128xi32, #tpu.memory_space<vmem>>
        %dma_wait3A_182 = tpu.memref_squeeze %dma_wait3A_181 : memref<1x128xi32, #tpu.memory_space<vmem>> -> memref<128xi32, #tpu.memory_space<vmem>>
        %dma_wait3A_183 = arith.constant 0 : i32
        %dma_wait3A_184 = arith.constant 0 : i32
        %dma_wait3A_185 = tpu.memref_slice %arg16[%dma_wait3A_183, %dma_wait3A_184] : memref<10000x32xf32, #tpu.memory_space<vmem_shared>> -> memref<10000x32xf32, #tpu.memory_space<vmem_shared>>
        tpu.wait_indirect_dma semaphore(%run_scoped3A_165 : memref<!tpu.dma_semaphore, #tpu.memory_space<semaphore_mem>>) src(%dma_wait3A_185 : memref<10000x32xf32, #tpu.memory_space<vmem_shared>>) dst(%dma_wait3A_179 : memref<128x32xf32, #tpu.memory_space<vmem>>)
        tpu.yield
      }) : () -> ()
      %run_scoped3A_158 = arith.constant 0 : i32
      %run_scoped3A_159 = arith.constant 156 : i32
      "tpu.region"() ({
        %run_scoped3A_165 = tpu.sem_alloc : memref<!tpu.dma_semaphore, #tpu.memory_space<semaphore_mem>>
        %dma_start3A_166 = arith.constant 0 : i32
        %dma_start3A_167 = arith.constant 0 : i32
        %dma_start3A_168 = tpu.memref_slice %arg14[%run_scoped3A_158, %dma_start3A_166, %dma_start3A_167] : memref<6x128x32xf32, #tpu.memory_space<vmem>> -> memref<1x128x32xf32, #tpu.memory_space<vmem>>
        %dma_start3A_169 = tpu.memref_squeeze %dma_start3A_168 : memref<1x128x32xf32, #tpu.memory_space<vmem>> -> memref<128x32xf32, #tpu.memory_space<vmem>>
        %dma_start3A_170 = arith.constant 0 : i32
        %dma_start3A_171 = tpu.memref_slice %arg13[%run_scoped3A_159, %dma_start3A_170] : memref<157x128xi32, #tpu.memory_space<vmem>> -> memref<1x128xi32, #tpu.memory_space<vmem>>
        %dma_start3A_172 = tpu.memref_squeeze %dma_start3A_171 : memref<1x128xi32, #tpu.memory_space<vmem>> -> memref<128xi32, #tpu.memory_space<vmem>>
        %dma_start3A_173 = arith.constant 0 : i32
        %dma_start3A_174 = arith.constant 0 : i32
        %dma_start3A_175 = tpu.memref_slice %arg15[%dma_start3A_173, %dma_start3A_174] : memref<10112x32xf32, #tpu.memory_space<vmem_shared>> -> memref<10112x32xf32, #tpu.memory_space<vmem_shared>>
        tpu.enqueue_indirect_dma source(%dma_start3A_169 : memref<128x32xf32, #tpu.memory_space<vmem>>) target(%dma_start3A_175 : memref<10112x32xf32, #tpu.memory_space<vmem_shared>>) offsets(%dma_start3A_172 : memref<128xi32, #tpu.memory_space<vmem>>) semaphore(%run_scoped3A_165 : memref<!tpu.dma_semaphore, #tpu.memory_space<semaphore_mem>>) {add = true}
        %dma_wait3A_176 = arith.constant 0 : i32
        %dma_wait3A_177 = arith.constant 0 : i32
        %dma_wait3A_178 = tpu.memref_slice %arg14[%run_scoped3A_158, %dma_wait3A_176, %dma_wait3A_177] : memref<6x128x32xf32, #tpu.memory_space<vmem>> -> memref<1x128x32xf32, #tpu.memory_space<vmem>>
        %dma_wait3A_179 = tpu.memref_squeeze %dma_wait3A_178 : memref<1x128x32xf32, #tpu.memory_space<vmem>> -> memref<128x32xf32, #tpu.memory_space<vmem>>
        %dma_wait3A_180 = arith.constant 0 : i32
        %dma_wait3A_181 = tpu.memref_slice %arg13[%run_scoped3A_159, %dma_wait3A_180] : memref<157x128xi32, #tpu.memory_space<vmem>> -> memref<1x128xi32, #tpu.memory_space<vmem>>
        %dma_wait3A_182 = tpu.memref_squeeze %dma_wait3A_181 : memref<1x128xi32, #tpu.memory_space<vmem>> -> memref<128xi32, #tpu.memory_space<vmem>>
        %dma_wait3A_183 = arith.constant 0 : i32
        %dma_wait3A_184 = arith.constant 0 : i32
        %dma_wait3A_185 = tpu.memref_slice %arg15[%dma_wait3A_183, %dma_wait3A_184] : memref<10112x32xf32, #tpu.memory_space<vmem_shared>> -> memref<10112x32xf32, #tpu.memory_space<vmem_shared>>
        tpu.wait_indirect_dma semaphore(%run_scoped3A_165 : memref<!tpu.dma_semaphore, #tpu.memory_space<semaphore_mem>>) src(%dma_wait3A_179 : memref<128x32xf32, #tpu.memory_space<vmem>>) dst(%dma_wait3A_185 : memref<10112x32xf32, #tpu.memory_space<vmem_shared>>)
        tpu.yield
      }) : () -> ()
      %eq3A_160 = arith.constant 1 : i32
      %eq3A_161 = arith.cmpi eq, %arg0, %eq3A_160 : i32
      %convert_element_type3A_162 = arith.extui %eq3A_161 : i1 to i32
      %cond3A_163 = arith.constant 0 : i32
      %cond3A_164 = arith.cmpi ne, %convert_element_type3A_162, %cond3A_163 : i32
      scf.if %cond3A_164 {
        %run_scoped3A_165 = arith.constant 156 : i32
        "tpu.region"() ({
          %run_scoped3A_166 = tpu.sem_alloc : memref<!tpu.dma_semaphore, #tpu.memory_space<semaphore_mem>>
          %dma_start3A_167 = arith.constant 0 : i32
          %dma_start3A_168 = tpu.memref_slice %arg13[%run_scoped3A_165, %dma_start3A_167] : memref<157x128xi32, #tpu.memory_space<vmem>> -> memref<1x128xi32, #tpu.memory_space<vmem>>
          %dma_start3A_169 = tpu.memref_squeeze %dma_start3A_168 : memref<1x128xi32, #tpu.memory_space<vmem>> -> memref<128xi32, #tpu.memory_space<vmem>>
          %dma_start3A_170 = arith.constant 0 : i32
          %dma_start3A_171 = arith.constant 0 : i32
          %dma_start3A_172 = tpu.memref_slice %arg30[%dma_start3A_170, %dma_start3A_171] : memref<10112x8xf32, #tpu.memory_space<vmem_shared>> -> memref<10112x8xf32, #tpu.memory_space<vmem_shared>>
          tpu.enqueue_indirect_dma source(%arg29 : memref<128x8xf32, #tpu.memory_space<vmem>>) target(%dma_start3A_172 : memref<10112x8xf32, #tpu.memory_space<vmem_shared>>) offsets(%dma_start3A_169 : memref<128xi32, #tpu.memory_space<vmem>>) semaphore(%run_scoped3A_166 : memref<!tpu.dma_semaphore, #tpu.memory_space<semaphore_mem>>) {add = true}
          %dma_wait3A_173 = arith.constant 0 : i32
          %dma_wait3A_174 = tpu.memref_slice %arg13[%run_scoped3A_165, %dma_wait3A_173] : memref<157x128xi32, #tpu.memory_space<vmem>> -> memref<1x128xi32, #tpu.memory_space<vmem>>
          %dma_wait3A_175 = tpu.memref_squeeze %dma_wait3A_174 : memref<1x128xi32, #tpu.memory_space<vmem>> -> memref<128xi32, #tpu.memory_space<vmem>>
          %dma_wait3A_176 = arith.constant 0 : i32
          %dma_wait3A_177 = arith.constant 0 : i32
          %dma_wait3A_178 = tpu.memref_slice %arg30[%dma_wait3A_176, %dma_wait3A_177] : memref<10112x8xf32, #tpu.memory_space<vmem_shared>> -> memref<10112x8xf32, #tpu.memory_space<vmem_shared>>
          tpu.wait_indirect_dma semaphore(%run_scoped3A_166 : memref<!tpu.dma_semaphore, #tpu.memory_space<semaphore_mem>>) src(%arg29 : memref<128x8xf32, #tpu.memory_space<vmem>>) dst(%dma_wait3A_178 : memref<10112x8xf32, #tpu.memory_space<vmem_shared>>)
          tpu.yield
        }) : () -> ()
      } else {
      }
    } else {
    }
    %barrier3A_143 = arith.constant 0 : index
    tpu.barrier barrier_id(%barrier3A_143)
    %mul3A_144 = arith.constant 632 : i32
    %mul3A_145 = arith.muli %arg1, %mul3A_144 : i32
    %eq3A_146 = arith.constant 0 : i32
    %eq3A_147 = arith.cmpi eq, %arg0, %eq3A_146 : i32
    %convert_element_type3A_148 = arith.extui %eq3A_147 : i1 to i32
    %cond3A_149 = arith.constant 0 : i32
    %cond3A_150 = arith.cmpi ne, %convert_element_type3A_148, %cond3A_149 : i32
    scf.if %cond3A_150 {
      "tpu.region"() ({
        %run_scoped3A_156 = tpu.sem_alloc : memref<!tpu.dma_semaphore, #tpu.memory_space<semaphore_mem>>
        %dma_start3A_157 = arith.constant 0 : i32
        %dma_start3A_158 = tpu.memref_slice %arg8[%mul3A_145, %dma_start3A_157] : memref<10112x32xf32, #tpu.memory_space<hbm>> -> memref<632x32xf32, #tpu.memory_space<hbm>>
        %dma_start3A_159 = arith.constant 0 : i32
        %dma_start3A_160 = tpu.memref_slice %arg15[%mul3A_145, %dma_start3A_159] : memref<10112x32xf32, #tpu.memory_space<vmem_shared>> -> memref<632x32xf32, #tpu.memory_space<vmem_shared>>
        tpu.enqueue_dma source(%dma_start3A_160 : memref<632x32xf32, #tpu.memory_space<vmem_shared>>) target(%dma_start3A_158 : memref<632x32xf32, #tpu.memory_space<hbm>>) target_semaphore(%run_scoped3A_156 : memref<!tpu.dma_semaphore, #tpu.memory_space<semaphore_mem>>)
        %dma_wait3A_161 = arith.constant 0 : i32
        %dma_wait3A_162 = tpu.memref_slice %arg8[%mul3A_145, %dma_wait3A_161] : memref<10112x32xf32, #tpu.memory_space<hbm>> -> memref<632x32xf32, #tpu.memory_space<hbm>>
        %dma_wait3A_163 = arith.constant 0 : i32
        %dma_wait3A_164 = tpu.memref_slice %arg15[%mul3A_145, %dma_wait3A_163] : memref<10112x32xf32, #tpu.memory_space<vmem_shared>> -> memref<632x32xf32, #tpu.memory_space<vmem_shared>>
        tpu.wait_dma2 semaphore(%run_scoped3A_156 : memref<!tpu.dma_semaphore, #tpu.memory_space<semaphore_mem>>) src(%dma_wait3A_164 : memref<632x32xf32, #tpu.memory_space<vmem_shared>>) dst(%dma_wait3A_162 : memref<632x32xf32, #tpu.memory_space<hbm>>)
        tpu.yield
      }) : () -> ()
      "tpu.region"() ({
        %run_scoped3A_156 = tpu.sem_alloc : memref<!tpu.dma_semaphore, #tpu.memory_space<semaphore_mem>>
        %dma_start3A_157 = arith.constant 0 : i32
        %dma_start3A_158 = tpu.memref_slice %arg10[%mul3A_145, %dma_start3A_157] : memref<10112x8xf32, #tpu.memory_space<hbm>> -> memref<632x8xf32, #tpu.memory_space<hbm>>
        %dma_start3A_159 = arith.constant 0 : i32
        %dma_start3A_160 = tpu.memref_slice %arg30[%mul3A_145, %dma_start3A_159] : memref<10112x8xf32, #tpu.memory_space<vmem_shared>> -> memref<632x8xf32, #tpu.memory_space<vmem_shared>>
        tpu.enqueue_dma source(%dma_start3A_160 : memref<632x8xf32, #tpu.memory_space<vmem_shared>>) target(%dma_start3A_158 : memref<632x8xf32, #tpu.memory_space<hbm>>) target_semaphore(%run_scoped3A_156 : memref<!tpu.dma_semaphore, #tpu.memory_space<semaphore_mem>>)
        %dma_wait3A_161 = arith.constant 0 : i32
        %dma_wait3A_162 = tpu.memref_slice %arg10[%mul3A_145, %dma_wait3A_161] : memref<10112x8xf32, #tpu.memory_space<hbm>> -> memref<632x8xf32, #tpu.memory_space<hbm>>
        %dma_wait3A_163 = arith.constant 0 : i32
        %dma_wait3A_164 = tpu.memref_slice %arg30[%mul3A_145, %dma_wait3A_163] : memref<10112x8xf32, #tpu.memory_space<vmem_shared>> -> memref<632x8xf32, #tpu.memory_space<vmem_shared>>
        tpu.wait_dma2 semaphore(%run_scoped3A_156 : memref<!tpu.dma_semaphore, #tpu.memory_space<semaphore_mem>>) src(%dma_wait3A_164 : memref<632x8xf32, #tpu.memory_space<vmem_shared>>) dst(%dma_wait3A_162 : memref<632x8xf32, #tpu.memory_space<hbm>>)
        tpu.yield
      }) : () -> ()
    } else {
    }
    %eq3A_151 = arith.constant 1 : i32
    %eq3A_152 = arith.cmpi eq, %arg0, %eq3A_151 : i32
    %convert_element_type3A_153 = arith.extui %eq3A_152 : i1 to i32
    %cond3A_154 = arith.constant 0 : i32
    %cond3A_155 = arith.cmpi ne, %convert_element_type3A_153, %cond3A_154 : i32
    scf.if %cond3A_155 {
      "tpu.region"() ({
        %run_scoped3A_156 = tpu.sem_alloc : memref<!tpu.dma_semaphore, #tpu.memory_space<semaphore_mem>>
        %dma_start3A_157 = arith.constant 0 : i32
        %dma_start3A_158 = tpu.memref_slice %arg9[%mul3A_145, %dma_start3A_157] : memref<10112x32xf32, #tpu.memory_space<hbm>> -> memref<632x32xf32, #tpu.memory_space<hbm>>
        %dma_start3A_159 = arith.constant 0 : i32
        %dma_start3A_160 = tpu.memref_slice %arg15[%mul3A_145, %dma_start3A_159] : memref<10112x32xf32, #tpu.memory_space<vmem_shared>> -> memref<632x32xf32, #tpu.memory_space<vmem_shared>>
        tpu.enqueue_dma source(%dma_start3A_160 : memref<632x32xf32, #tpu.memory_space<vmem_shared>>) target(%dma_start3A_158 : memref<632x32xf32, #tpu.memory_space<hbm>>) target_semaphore(%run_scoped3A_156 : memref<!tpu.dma_semaphore, #tpu.memory_space<semaphore_mem>>)
        %dma_wait3A_161 = arith.constant 0 : i32
        %dma_wait3A_162 = tpu.memref_slice %arg9[%mul3A_145, %dma_wait3A_161] : memref<10112x32xf32, #tpu.memory_space<hbm>> -> memref<632x32xf32, #tpu.memory_space<hbm>>
        %dma_wait3A_163 = arith.constant 0 : i32
        %dma_wait3A_164 = tpu.memref_slice %arg15[%mul3A_145, %dma_wait3A_163] : memref<10112x32xf32, #tpu.memory_space<vmem_shared>> -> memref<632x32xf32, #tpu.memory_space<vmem_shared>>
        tpu.wait_dma2 semaphore(%run_scoped3A_156 : memref<!tpu.dma_semaphore, #tpu.memory_space<semaphore_mem>>) src(%dma_wait3A_164 : memref<632x32xf32, #tpu.memory_space<vmem_shared>>) dst(%dma_wait3A_162 : memref<632x32xf32, #tpu.memory_space<hbm>>)
        tpu.yield
      }) : () -> ()
      "tpu.region"() ({
        %run_scoped3A_156 = tpu.sem_alloc : memref<!tpu.dma_semaphore, #tpu.memory_space<semaphore_mem>>
        %dma_start3A_157 = arith.constant 0 : i32
        %dma_start3A_158 = tpu.memref_slice %arg11[%mul3A_145, %dma_start3A_157] : memref<10112x8xf32, #tpu.memory_space<hbm>> -> memref<632x8xf32, #tpu.memory_space<hbm>>
        %dma_start3A_159 = arith.constant 0 : i32
        %dma_start3A_160 = tpu.memref_slice %arg30[%mul3A_145, %dma_start3A_159] : memref<10112x8xf32, #tpu.memory_space<vmem_shared>> -> memref<632x8xf32, #tpu.memory_space<vmem_shared>>
        tpu.enqueue_dma source(%dma_start3A_160 : memref<632x8xf32, #tpu.memory_space<vmem_shared>>) target(%dma_start3A_158 : memref<632x8xf32, #tpu.memory_space<hbm>>) target_semaphore(%run_scoped3A_156 : memref<!tpu.dma_semaphore, #tpu.memory_space<semaphore_mem>>)
        %dma_wait3A_161 = arith.constant 0 : i32
        %dma_wait3A_162 = tpu.memref_slice %arg11[%mul3A_145, %dma_wait3A_161] : memref<10112x8xf32, #tpu.memory_space<hbm>> -> memref<632x8xf32, #tpu.memory_space<hbm>>
        %dma_wait3A_163 = arith.constant 0 : i32
        %dma_wait3A_164 = tpu.memref_slice %arg30[%mul3A_145, %dma_wait3A_163] : memref<10112x8xf32, #tpu.memory_space<vmem_shared>> -> memref<632x8xf32, #tpu.memory_space<vmem_shared>>
        tpu.wait_dma2 semaphore(%run_scoped3A_156 : memref<!tpu.dma_semaphore, #tpu.memory_space<semaphore_mem>>) src(%dma_wait3A_164 : memref<632x8xf32, #tpu.memory_space<vmem_shared>>) dst(%dma_wait3A_162 : memref<632x8xf32, #tpu.memory_space<hbm>>)
        tpu.yield
      }) : () -> ()
    } else {
    }
    return
  }
}

#map = affine_map<(d0, d1) -> (0, 0)>
#map1 = affine_map<(d0, d1) -> (0, 0, 0)>
module attributes {stable_mosaic.version = 14 : i64} {
  func.func @body(%arg0: i32, %arg1: i32, %arg2: memref<10000x32xf32, #tpu.memory_space<hbm>>, %arg3: memref<10000x32xf32, #tpu.memory_space<hbm>>, %arg4: memref<2x2500x128xi32, #tpu.memory_space<hbm>>, %arg5: memref<10112x32xf32, #tpu.memory_space<hbm>>, %arg6: memref<10112x32xf32, #tpu.memory_space<hbm>>, %arg7: memref<10112x32xf32, #tpu.memory_space<hbm>>, %arg8: memref<157x128xi32, #tpu.memory_space<vmem>>, %arg9: memref<157x128xi32, #tpu.memory_space<vmem>>, %arg10: memref<6x128x32xf32, #tpu.memory_space<vmem>>, %arg11: memref<10112x32xf32, #tpu.memory_space<vmem_shared>>, %arg12: memref<10000x32xf32, #tpu.memory_space<vmem_shared>>, %arg13: memref<!tpu.dma_semaphore, #tpu.memory_space<semaphore_mem>>, %arg14: memref<!tpu.dma_semaphore, #tpu.memory_space<semaphore_mem>>, %arg15: memref<!tpu.dma_semaphore, #tpu.memory_space<semaphore_mem>>, %arg16: memref<!tpu.dma_semaphore, #tpu.memory_space<semaphore_mem>>, %arg17: memref<!tpu.dma_semaphore, #tpu.memory_space<semaphore_mem>>, %arg18: memref<!tpu.dma_semaphore, #tpu.memory_space<semaphore_mem>>, %arg19: memref<!tpu.dma_semaphore, #tpu.memory_space<semaphore_mem>>, %arg20: memref<!tpu.dma_semaphore, #tpu.memory_space<semaphore_mem>>, %arg21: memref<!tpu.dma_semaphore, #tpu.memory_space<semaphore_mem>>, %arg22: memref<!tpu.dma_semaphore, #tpu.memory_space<semaphore_mem>>, %arg23: memref<!tpu.dma_semaphore, #tpu.memory_space<semaphore_mem>>, %arg24: memref<!tpu.dma_semaphore, #tpu.memory_space<semaphore_mem>>) attributes {dimension_semantics = [#tpu.dimension_semantics<core_parallel>, #tpu.dimension_semantics<subcore_parallel>], iteration_bounds = array<i64: 2, 16>, scalar_prefetch = 0 : i64, scratch_operands = 17 : i64, tpu.core_type = #tpu.core_type<sc_vector_subcore>, window_params = [{transform_indices = #map}, {transform_indices = #map}, {transform_indices = #map1}, {transform_indices = #map}, {transform_indices = #map}, {transform_indices = #map}]} {
    %lt3A = arith.constant 4 : i32
    %lt3A_0 = arith.cmpi slt, %arg1, %lt3A : i32
    %mul3A = arith.constant 632 : i32
    %mul3A_1 = arith.muli %arg1, %mul3A : i32
    %mul3A_2 = arith.constant 632 : i32
    %mul3A_3 = arith.muli %arg1, %mul3A_2 : i32
    "tpu.region"() ({
      %run_scoped3A_110 = tpu.sem_alloc : memref<!tpu.dma_semaphore, #tpu.memory_space<semaphore_mem>>
      %dma_start3A_111 = arith.constant 0 : i32
      %dma_start3A_112 = tpu.memref_slice %arg11[%mul3A_3, %dma_start3A_111] : memref<10112x32xf32, #tpu.memory_space<vmem_shared>> -> memref<632x32xf32, #tpu.memory_space<vmem_shared>>
      %dma_start3A_113 = arith.constant 0 : i32
      %dma_start3A_114 = tpu.memref_slice %arg5[%mul3A_1, %dma_start3A_113] : memref<10112x32xf32, #tpu.memory_space<hbm>> -> memref<632x32xf32, #tpu.memory_space<hbm>>
      tpu.enqueue_dma source(%dma_start3A_114 : memref<632x32xf32, #tpu.memory_space<hbm>>) target(%dma_start3A_112 : memref<632x32xf32, #tpu.memory_space<vmem_shared>>) target_semaphore(%run_scoped3A_110 : memref<!tpu.dma_semaphore, #tpu.memory_space<semaphore_mem>>)
      %dma_wait3A_115 = arith.constant 0 : i32
      %dma_wait3A_116 = tpu.memref_slice %arg11[%mul3A_3, %dma_wait3A_115] : memref<10112x32xf32, #tpu.memory_space<vmem_shared>> -> memref<632x32xf32, #tpu.memory_space<vmem_shared>>
      %dma_wait3A_117 = arith.constant 0 : i32
      %dma_wait3A_118 = tpu.memref_slice %arg5[%mul3A_1, %dma_wait3A_117] : memref<10112x32xf32, #tpu.memory_space<hbm>> -> memref<632x32xf32, #tpu.memory_space<hbm>>
      tpu.wait_dma2 semaphore(%run_scoped3A_110 : memref<!tpu.dma_semaphore, #tpu.memory_space<semaphore_mem>>) src(%dma_wait3A_118 : memref<632x32xf32, #tpu.memory_space<hbm>>) dst(%dma_wait3A_116 : memref<632x32xf32, #tpu.memory_space<vmem_shared>>)
      tpu.yield
    }) : () -> ()
    %mul3A_4 = arith.constant 625 : i32
    %mul3A_5 = arith.muli %arg1, %mul3A_4 : i32
    %eq3A = arith.constant 0 : i32
    %eq3A_6 = arith.cmpi eq, %arg0, %eq3A : i32
    %convert_element_type3A = arith.extui %eq3A_6 : i1 to i32
    %cond3A = arith.constant 0 : i32
    %cond3A_7 = arith.cmpi ne, %convert_element_type3A, %cond3A : i32
    scf.if %cond3A_7 {
      "tpu.region"() ({
        %run_scoped3A_110 = tpu.sem_alloc : memref<!tpu.dma_semaphore, #tpu.memory_space<semaphore_mem>>
        %dma_start3A_111 = arith.constant 0 : i32
        %dma_start3A_112 = tpu.memref_slice %arg12[%mul3A_5, %dma_start3A_111] : memref<10000x32xf32, #tpu.memory_space<vmem_shared>> -> memref<625x32xf32, #tpu.memory_space<vmem_shared>>
        %dma_start3A_113 = arith.constant 0 : i32
        %dma_start3A_114 = tpu.memref_slice %arg2[%mul3A_5, %dma_start3A_113] : memref<10000x32xf32, #tpu.memory_space<hbm>> -> memref<625x32xf32, #tpu.memory_space<hbm>>
        tpu.enqueue_dma source(%dma_start3A_114 : memref<625x32xf32, #tpu.memory_space<hbm>>) target(%dma_start3A_112 : memref<625x32xf32, #tpu.memory_space<vmem_shared>>) target_semaphore(%run_scoped3A_110 : memref<!tpu.dma_semaphore, #tpu.memory_space<semaphore_mem>>)
        %dma_wait3A_115 = arith.constant 0 : i32
        %dma_wait3A_116 = tpu.memref_slice %arg12[%mul3A_5, %dma_wait3A_115] : memref<10000x32xf32, #tpu.memory_space<vmem_shared>> -> memref<625x32xf32, #tpu.memory_space<vmem_shared>>
        %dma_wait3A_117 = arith.constant 0 : i32
        %dma_wait3A_118 = tpu.memref_slice %arg2[%mul3A_5, %dma_wait3A_117] : memref<10000x32xf32, #tpu.memory_space<hbm>> -> memref<625x32xf32, #tpu.memory_space<hbm>>
        tpu.wait_dma2 semaphore(%run_scoped3A_110 : memref<!tpu.dma_semaphore, #tpu.memory_space<semaphore_mem>>) src(%dma_wait3A_118 : memref<625x32xf32, #tpu.memory_space<hbm>>) dst(%dma_wait3A_116 : memref<625x32xf32, #tpu.memory_space<vmem_shared>>)
        tpu.yield
      }) : () -> ()
    } else {
    }
    %eq3A_8 = arith.constant 1 : i32
    %eq3A_9 = arith.cmpi eq, %arg0, %eq3A_8 : i32
    %convert_element_type3A_10 = arith.extui %eq3A_9 : i1 to i32
    %cond3A_11 = arith.constant 0 : i32
    %cond3A_12 = arith.cmpi ne, %convert_element_type3A_10, %cond3A_11 : i32
    scf.if %cond3A_12 {
      "tpu.region"() ({
        %run_scoped3A_110 = tpu.sem_alloc : memref<!tpu.dma_semaphore, #tpu.memory_space<semaphore_mem>>
        %dma_start3A_111 = arith.constant 0 : i32
        %dma_start3A_112 = tpu.memref_slice %arg12[%mul3A_5, %dma_start3A_111] : memref<10000x32xf32, #tpu.memory_space<vmem_shared>> -> memref<625x32xf32, #tpu.memory_space<vmem_shared>>
        %dma_start3A_113 = arith.constant 0 : i32
        %dma_start3A_114 = tpu.memref_slice %arg3[%mul3A_5, %dma_start3A_113] : memref<10000x32xf32, #tpu.memory_space<hbm>> -> memref<625x32xf32, #tpu.memory_space<hbm>>
        tpu.enqueue_dma source(%dma_start3A_114 : memref<625x32xf32, #tpu.memory_space<hbm>>) target(%dma_start3A_112 : memref<625x32xf32, #tpu.memory_space<vmem_shared>>) target_semaphore(%run_scoped3A_110 : memref<!tpu.dma_semaphore, #tpu.memory_space<semaphore_mem>>)
        %dma_wait3A_115 = arith.constant 0 : i32
        %dma_wait3A_116 = tpu.memref_slice %arg12[%mul3A_5, %dma_wait3A_115] : memref<10000x32xf32, #tpu.memory_space<vmem_shared>> -> memref<625x32xf32, #tpu.memory_space<vmem_shared>>
        %dma_wait3A_117 = arith.constant 0 : i32
        %dma_wait3A_118 = tpu.memref_slice %arg3[%mul3A_5, %dma_wait3A_117] : memref<10000x32xf32, #tpu.memory_space<hbm>> -> memref<625x32xf32, #tpu.memory_space<hbm>>
        tpu.wait_dma2 semaphore(%run_scoped3A_110 : memref<!tpu.dma_semaphore, #tpu.memory_space<semaphore_mem>>) src(%dma_wait3A_118 : memref<625x32xf32, #tpu.memory_space<hbm>>) dst(%dma_wait3A_116 : memref<625x32xf32, #tpu.memory_space<vmem_shared>>)
        tpu.yield
      }) : () -> ()
    } else {
    }
    %mul3A_13 = arith.constant 156 : i32
    %mul3A_14 = arith.muli %arg1, %mul3A_13 : i32
    %run_scoped3A = arith.constant 0 : i32
    "tpu.region"() ({
      %run_scoped3A_110 = tpu.sem_alloc : memref<!tpu.dma_semaphore, #tpu.memory_space<semaphore_mem>>
      %dma_start3A_111 = arith.constant 0 : i32
      %dma_start3A_112 = arith.constant 0 : i32
      %dma_start3A_113 = tpu.memref_slice %arg8[%dma_start3A_111, %dma_start3A_112] : memref<157x128xi32, #tpu.memory_space<vmem>> -> memref<156x128xi32, #tpu.memory_space<vmem>>
      %dma_start3A_114 = arith.constant 0 : i32
      %dma_start3A_115 = tpu.memref_slice %arg4[%run_scoped3A, %mul3A_14, %dma_start3A_114] : memref<2x2500x128xi32, #tpu.memory_space<hbm>> -> memref<1x156x128xi32, #tpu.memory_space<hbm>>
      %dma_start3A_116 = tpu.memref_squeeze %dma_start3A_115 : memref<1x156x128xi32, #tpu.memory_space<hbm>> -> memref<156x128xi32, #tpu.memory_space<hbm>>
      %dma_start3A_117 = arith.constant 0 : i32
      %dma_start3A_118 = arith.constant 0 : i32
      %dma_start3A_119 = tpu.memref_slice %arg8[%dma_start3A_117, %dma_start3A_118] : memref<157x128xi32, #tpu.memory_space<vmem>> -> memref<156x128xi32, #tpu.memory_space<vmem>>
      %dma_start3A_120 = arith.constant 0 : i32
      %dma_start3A_121 = tpu.memref_slice %arg4[%run_scoped3A, %mul3A_14, %dma_start3A_120] : memref<2x2500x128xi32, #tpu.memory_space<hbm>> -> memref<1x156x128xi32, #tpu.memory_space<hbm>>
      %dma_start3A_122 = tpu.memref_squeeze %dma_start3A_121 : memref<1x156x128xi32, #tpu.memory_space<hbm>> -> memref<156x128xi32, #tpu.memory_space<hbm>>
      tpu.enqueue_dma source(%dma_start3A_122 : memref<156x128xi32, #tpu.memory_space<hbm>>) target(%dma_start3A_119 : memref<156x128xi32, #tpu.memory_space<vmem>>) target_semaphore(%run_scoped3A_110 : memref<!tpu.dma_semaphore, #tpu.memory_space<semaphore_mem>>)
      %dma_wait3A_123 = arith.constant 0 : i32
      %dma_wait3A_124 = arith.constant 0 : i32
      %dma_wait3A_125 = tpu.memref_slice %arg8[%dma_wait3A_123, %dma_wait3A_124] : memref<157x128xi32, #tpu.memory_space<vmem>> -> memref<156x128xi32, #tpu.memory_space<vmem>>
      %dma_wait3A_126 = arith.constant 0 : i32
      %dma_wait3A_127 = tpu.memref_slice %arg4[%run_scoped3A, %mul3A_14, %dma_wait3A_126] : memref<2x2500x128xi32, #tpu.memory_space<hbm>> -> memref<1x156x128xi32, #tpu.memory_space<hbm>>
      %dma_wait3A_128 = tpu.memref_squeeze %dma_wait3A_127 : memref<1x156x128xi32, #tpu.memory_space<hbm>> -> memref<156x128xi32, #tpu.memory_space<hbm>>
      %dma_wait3A_129 = arith.constant 0 : i32
      %dma_wait3A_130 = arith.constant 0 : i32
      %dma_wait3A_131 = tpu.memref_slice %arg8[%dma_wait3A_129, %dma_wait3A_130] : memref<157x128xi32, #tpu.memory_space<vmem>> -> memref<156x128xi32, #tpu.memory_space<vmem>>
      %dma_wait3A_132 = arith.constant 0 : i32
      %dma_wait3A_133 = tpu.memref_slice %arg4[%run_scoped3A, %mul3A_14, %dma_wait3A_132] : memref<2x2500x128xi32, #tpu.memory_space<hbm>> -> memref<1x156x128xi32, #tpu.memory_space<hbm>>
      %dma_wait3A_134 = tpu.memref_squeeze %dma_wait3A_133 : memref<1x156x128xi32, #tpu.memory_space<hbm>> -> memref<156x128xi32, #tpu.memory_space<hbm>>
      tpu.wait_dma2 semaphore(%run_scoped3A_110 : memref<!tpu.dma_semaphore, #tpu.memory_space<semaphore_mem>>) src(%dma_wait3A_134 : memref<156x128xi32, #tpu.memory_space<hbm>>) dst(%dma_wait3A_131 : memref<156x128xi32, #tpu.memory_space<vmem>>)
      tpu.yield
    }) : () -> ()
    %run_scoped3A_15 = arith.constant 1 : i32
    "tpu.region"() ({
      %run_scoped3A_110 = tpu.sem_alloc : memref<!tpu.dma_semaphore, #tpu.memory_space<semaphore_mem>>
      %dma_start3A_111 = arith.constant 0 : i32
      %dma_start3A_112 = arith.constant 0 : i32
      %dma_start3A_113 = tpu.memref_slice %arg9[%dma_start3A_111, %dma_start3A_112] : memref<157x128xi32, #tpu.memory_space<vmem>> -> memref<156x128xi32, #tpu.memory_space<vmem>>
      %dma_start3A_114 = arith.constant 0 : i32
      %dma_start3A_115 = tpu.memref_slice %arg4[%run_scoped3A_15, %mul3A_14, %dma_start3A_114] : memref<2x2500x128xi32, #tpu.memory_space<hbm>> -> memref<1x156x128xi32, #tpu.memory_space<hbm>>
      %dma_start3A_116 = tpu.memref_squeeze %dma_start3A_115 : memref<1x156x128xi32, #tpu.memory_space<hbm>> -> memref<156x128xi32, #tpu.memory_space<hbm>>
      %dma_start3A_117 = arith.constant 0 : i32
      %dma_start3A_118 = arith.constant 0 : i32
      %dma_start3A_119 = tpu.memref_slice %arg9[%dma_start3A_117, %dma_start3A_118] : memref<157x128xi32, #tpu.memory_space<vmem>> -> memref<156x128xi32, #tpu.memory_space<vmem>>
      %dma_start3A_120 = arith.constant 0 : i32
      %dma_start3A_121 = tpu.memref_slice %arg4[%run_scoped3A_15, %mul3A_14, %dma_start3A_120] : memref<2x2500x128xi32, #tpu.memory_space<hbm>> -> memref<1x156x128xi32, #tpu.memory_space<hbm>>
      %dma_start3A_122 = tpu.memref_squeeze %dma_start3A_121 : memref<1x156x128xi32, #tpu.memory_space<hbm>> -> memref<156x128xi32, #tpu.memory_space<hbm>>
      tpu.enqueue_dma source(%dma_start3A_122 : memref<156x128xi32, #tpu.memory_space<hbm>>) target(%dma_start3A_119 : memref<156x128xi32, #tpu.memory_space<vmem>>) target_semaphore(%run_scoped3A_110 : memref<!tpu.dma_semaphore, #tpu.memory_space<semaphore_mem>>)
      %dma_wait3A_123 = arith.constant 0 : i32
      %dma_wait3A_124 = arith.constant 0 : i32
      %dma_wait3A_125 = tpu.memref_slice %arg9[%dma_wait3A_123, %dma_wait3A_124] : memref<157x128xi32, #tpu.memory_space<vmem>> -> memref<156x128xi32, #tpu.memory_space<vmem>>
      %dma_wait3A_126 = arith.constant 0 : i32
      %dma_wait3A_127 = tpu.memref_slice %arg4[%run_scoped3A_15, %mul3A_14, %dma_wait3A_126] : memref<2x2500x128xi32, #tpu.memory_space<hbm>> -> memref<1x156x128xi32, #tpu.memory_space<hbm>>
      %dma_wait3A_128 = tpu.memref_squeeze %dma_wait3A_127 : memref<1x156x128xi32, #tpu.memory_space<hbm>> -> memref<156x128xi32, #tpu.memory_space<hbm>>
      %dma_wait3A_129 = arith.constant 0 : i32
      %dma_wait3A_130 = arith.constant 0 : i32
      %dma_wait3A_131 = tpu.memref_slice %arg9[%dma_wait3A_129, %dma_wait3A_130] : memref<157x128xi32, #tpu.memory_space<vmem>> -> memref<156x128xi32, #tpu.memory_space<vmem>>
      %dma_wait3A_132 = arith.constant 0 : i32
      %dma_wait3A_133 = tpu.memref_slice %arg4[%run_scoped3A_15, %mul3A_14, %dma_wait3A_132] : memref<2x2500x128xi32, #tpu.memory_space<hbm>> -> memref<1x156x128xi32, #tpu.memory_space<hbm>>
      %dma_wait3A_134 = tpu.memref_squeeze %dma_wait3A_133 : memref<1x156x128xi32, #tpu.memory_space<hbm>> -> memref<156x128xi32, #tpu.memory_space<hbm>>
      tpu.wait_dma2 semaphore(%run_scoped3A_110 : memref<!tpu.dma_semaphore, #tpu.memory_space<semaphore_mem>>) src(%dma_wait3A_134 : memref<156x128xi32, #tpu.memory_space<hbm>>) dst(%dma_wait3A_131 : memref<156x128xi32, #tpu.memory_space<vmem>>)
      tpu.yield
    }) : () -> ()
    %convert_element_type3A_16 = arith.extui %lt3A_0 : i1 to i32
    %cond3A_17 = arith.constant 0 : i32
    %cond3A_18 = arith.cmpi ne, %convert_element_type3A_16, %cond3A_17 : i32
    scf.if %cond3A_18 {
      %add3A = arith.constant 2496 : i32
      %add3A_110 = arith.addi %add3A, %arg1 : i32
      %run_scoped3A_111 = arith.constant 0 : i32
      "tpu.region"() ({
        %run_scoped3A_113 = tpu.sem_alloc : memref<!tpu.dma_semaphore, #tpu.memory_space<semaphore_mem>>
        %dma_start3A_114 = arith.constant 156 : i32
        %dma_start3A_115 = arith.constant 0 : i32
        %dma_start3A_116 = tpu.memref_slice %arg8[%dma_start3A_114, %dma_start3A_115] : memref<157x128xi32, #tpu.memory_space<vmem>> -> memref<1x128xi32, #tpu.memory_space<vmem>>
        %dma_start3A_117 = arith.constant 0 : i32
        %dma_start3A_118 = tpu.memref_slice %arg4[%run_scoped3A_111, %add3A_110, %dma_start3A_117] : memref<2x2500x128xi32, #tpu.memory_space<hbm>> -> memref<1x1x128xi32, #tpu.memory_space<hbm>>
        %dma_start3A_119 = tpu.memref_squeeze %dma_start3A_118 : memref<1x1x128xi32, #tpu.memory_space<hbm>> -> memref<1x128xi32, #tpu.memory_space<hbm>>
        %dma_start3A_120 = arith.constant 156 : i32
        %dma_start3A_121 = arith.constant 0 : i32
        %dma_start3A_122 = tpu.memref_slice %arg8[%dma_start3A_120, %dma_start3A_121] : memref<157x128xi32, #tpu.memory_space<vmem>> -> memref<1x128xi32, #tpu.memory_space<vmem>>
        %dma_start3A_123 = arith.constant 0 : i32
        %dma_start3A_124 = tpu.memref_slice %arg4[%run_scoped3A_111, %add3A_110, %dma_start3A_123] : memref<2x2500x128xi32, #tpu.memory_space<hbm>> -> memref<1x1x128xi32, #tpu.memory_space<hbm>>
        %dma_start3A_125 = tpu.memref_squeeze %dma_start3A_124 : memref<1x1x128xi32, #tpu.memory_space<hbm>> -> memref<1x128xi32, #tpu.memory_space<hbm>>
        tpu.enqueue_dma source(%dma_start3A_125 : memref<1x128xi32, #tpu.memory_space<hbm>>) target(%dma_start3A_122 : memref<1x128xi32, #tpu.memory_space<vmem>>) target_semaphore(%run_scoped3A_113 : memref<!tpu.dma_semaphore, #tpu.memory_space<semaphore_mem>>)
        %dma_wait3A_126 = arith.constant 156 : i32
        %dma_wait3A_127 = arith.constant 0 : i32
        %dma_wait3A_128 = tpu.memref_slice %arg8[%dma_wait3A_126, %dma_wait3A_127] : memref<157x128xi32, #tpu.memory_space<vmem>> -> memref<1x128xi32, #tpu.memory_space<vmem>>
        %dma_wait3A_129 = arith.constant 0 : i32
        %dma_wait3A_130 = tpu.memref_slice %arg4[%run_scoped3A_111, %add3A_110, %dma_wait3A_129] : memref<2x2500x128xi32, #tpu.memory_space<hbm>> -> memref<1x1x128xi32, #tpu.memory_space<hbm>>
        %dma_wait3A_131 = tpu.memref_squeeze %dma_wait3A_130 : memref<1x1x128xi32, #tpu.memory_space<hbm>> -> memref<1x128xi32, #tpu.memory_space<hbm>>
        %dma_wait3A_132 = arith.constant 156 : i32
        %dma_wait3A_133 = arith.constant 0 : i32
        %dma_wait3A_134 = tpu.memref_slice %arg8[%dma_wait3A_132, %dma_wait3A_133] : memref<157x128xi32, #tpu.memory_space<vmem>> -> memref<1x128xi32, #tpu.memory_space<vmem>>
        %dma_wait3A_135 = arith.constant 0 : i32
        %dma_wait3A_136 = tpu.memref_slice %arg4[%run_scoped3A_111, %add3A_110, %dma_wait3A_135] : memref<2x2500x128xi32, #tpu.memory_space<hbm>> -> memref<1x1x128xi32, #tpu.memory_space<hbm>>
        %dma_wait3A_137 = tpu.memref_squeeze %dma_wait3A_136 : memref<1x1x128xi32, #tpu.memory_space<hbm>> -> memref<1x128xi32, #tpu.memory_space<hbm>>
        tpu.wait_dma2 semaphore(%run_scoped3A_113 : memref<!tpu.dma_semaphore, #tpu.memory_space<semaphore_mem>>) src(%dma_wait3A_137 : memref<1x128xi32, #tpu.memory_space<hbm>>) dst(%dma_wait3A_134 : memref<1x128xi32, #tpu.memory_space<vmem>>)
        tpu.yield
      }) : () -> ()
      %run_scoped3A_112 = arith.constant 1 : i32
      "tpu.region"() ({
        %run_scoped3A_113 = tpu.sem_alloc : memref<!tpu.dma_semaphore, #tpu.memory_space<semaphore_mem>>
        %dma_start3A_114 = arith.constant 156 : i32
        %dma_start3A_115 = arith.constant 0 : i32
        %dma_start3A_116 = tpu.memref_slice %arg9[%dma_start3A_114, %dma_start3A_115] : memref<157x128xi32, #tpu.memory_space<vmem>> -> memref<1x128xi32, #tpu.memory_space<vmem>>
        %dma_start3A_117 = arith.constant 0 : i32
        %dma_start3A_118 = tpu.memref_slice %arg4[%run_scoped3A_112, %add3A_110, %dma_start3A_117] : memref<2x2500x128xi32, #tpu.memory_space<hbm>> -> memref<1x1x128xi32, #tpu.memory_space<hbm>>
        %dma_start3A_119 = tpu.memref_squeeze %dma_start3A_118 : memref<1x1x128xi32, #tpu.memory_space<hbm>> -> memref<1x128xi32, #tpu.memory_space<hbm>>
        %dma_start3A_120 = arith.constant 156 : i32
        %dma_start3A_121 = arith.constant 0 : i32
        %dma_start3A_122 = tpu.memref_slice %arg9[%dma_start3A_120, %dma_start3A_121] : memref<157x128xi32, #tpu.memory_space<vmem>> -> memref<1x128xi32, #tpu.memory_space<vmem>>
        %dma_start3A_123 = arith.constant 0 : i32
        %dma_start3A_124 = tpu.memref_slice %arg4[%run_scoped3A_112, %add3A_110, %dma_start3A_123] : memref<2x2500x128xi32, #tpu.memory_space<hbm>> -> memref<1x1x128xi32, #tpu.memory_space<hbm>>
        %dma_start3A_125 = tpu.memref_squeeze %dma_start3A_124 : memref<1x1x128xi32, #tpu.memory_space<hbm>> -> memref<1x128xi32, #tpu.memory_space<hbm>>
        tpu.enqueue_dma source(%dma_start3A_125 : memref<1x128xi32, #tpu.memory_space<hbm>>) target(%dma_start3A_122 : memref<1x128xi32, #tpu.memory_space<vmem>>) target_semaphore(%run_scoped3A_113 : memref<!tpu.dma_semaphore, #tpu.memory_space<semaphore_mem>>)
        %dma_wait3A_126 = arith.constant 156 : i32
        %dma_wait3A_127 = arith.constant 0 : i32
        %dma_wait3A_128 = tpu.memref_slice %arg9[%dma_wait3A_126, %dma_wait3A_127] : memref<157x128xi32, #tpu.memory_space<vmem>> -> memref<1x128xi32, #tpu.memory_space<vmem>>
        %dma_wait3A_129 = arith.constant 0 : i32
        %dma_wait3A_130 = tpu.memref_slice %arg4[%run_scoped3A_112, %add3A_110, %dma_wait3A_129] : memref<2x2500x128xi32, #tpu.memory_space<hbm>> -> memref<1x1x128xi32, #tpu.memory_space<hbm>>
        %dma_wait3A_131 = tpu.memref_squeeze %dma_wait3A_130 : memref<1x1x128xi32, #tpu.memory_space<hbm>> -> memref<1x128xi32, #tpu.memory_space<hbm>>
        %dma_wait3A_132 = arith.constant 156 : i32
        %dma_wait3A_133 = arith.constant 0 : i32
        %dma_wait3A_134 = tpu.memref_slice %arg9[%dma_wait3A_132, %dma_wait3A_133] : memref<157x128xi32, #tpu.memory_space<vmem>> -> memref<1x128xi32, #tpu.memory_space<vmem>>
        %dma_wait3A_135 = arith.constant 0 : i32
        %dma_wait3A_136 = tpu.memref_slice %arg4[%run_scoped3A_112, %add3A_110, %dma_wait3A_135] : memref<2x2500x128xi32, #tpu.memory_space<hbm>> -> memref<1x1x128xi32, #tpu.memory_space<hbm>>
        %dma_wait3A_137 = tpu.memref_squeeze %dma_wait3A_136 : memref<1x1x128xi32, #tpu.memory_space<hbm>> -> memref<1x128xi32, #tpu.memory_space<hbm>>
        tpu.wait_dma2 semaphore(%run_scoped3A_113 : memref<!tpu.dma_semaphore, #tpu.memory_space<semaphore_mem>>) src(%dma_wait3A_137 : memref<1x128xi32, #tpu.memory_space<hbm>>) dst(%dma_wait3A_134 : memref<1x128xi32, #tpu.memory_space<vmem>>)
        tpu.yield
      }) : () -> ()
    } else {
    }
    %barrier3A = arith.constant 0 : index
    tpu.barrier barrier_id(%barrier3A)
    %dma_start3A = arith.constant 0 : i32
    %dma_start3A_19 = arith.constant 0 : i32
    %dma_start3A_20 = arith.constant 0 : i32
    %dma_start3A_21 = arith.constant 0 : i32
    %dma_start3A_22 = tpu.memref_slice %arg10[%dma_start3A_19, %dma_start3A_20, %dma_start3A_21] : memref<6x128x32xf32, #tpu.memory_space<vmem>> -> memref<1x128x32xf32, #tpu.memory_space<vmem>>
    %dma_start3A_23 = tpu.memref_squeeze %dma_start3A_22 : memref<1x128x32xf32, #tpu.memory_space<vmem>> -> memref<128x32xf32, #tpu.memory_space<vmem>>
    %dma_start3A_24 = arith.constant 0 : i32
    %dma_start3A_25 = tpu.memref_slice %arg8[%dma_start3A, %dma_start3A_24] : memref<157x128xi32, #tpu.memory_space<vmem>> -> memref<1x128xi32, #tpu.memory_space<vmem>>
    %dma_start3A_26 = tpu.memref_squeeze %dma_start3A_25 : memref<1x128xi32, #tpu.memory_space<vmem>> -> memref<128xi32, #tpu.memory_space<vmem>>
    %dma_start3A_27 = arith.constant 0 : i32
    %dma_start3A_28 = arith.constant 0 : i32
    %dma_start3A_29 = tpu.memref_slice %arg12[%dma_start3A_27, %dma_start3A_28] : memref<10000x32xf32, #tpu.memory_space<vmem_shared>> -> memref<10000x32xf32, #tpu.memory_space<vmem_shared>>
    tpu.enqueue_indirect_dma source(%dma_start3A_29 : memref<10000x32xf32, #tpu.memory_space<vmem_shared>>) target(%dma_start3A_23 : memref<128x32xf32, #tpu.memory_space<vmem>>) offsets(%dma_start3A_26 : memref<128xi32, #tpu.memory_space<vmem>>) semaphore(%arg13 : memref<!tpu.dma_semaphore, #tpu.memory_space<semaphore_mem>>)
    %dma_start3A_30 = arith.constant 1 : i32
    %dma_start3A_31 = arith.constant 1 : i32
    %dma_start3A_32 = arith.constant 0 : i32
    %dma_start3A_33 = arith.constant 0 : i32
    %dma_start3A_34 = tpu.memref_slice %arg10[%dma_start3A_31, %dma_start3A_32, %dma_start3A_33] : memref<6x128x32xf32, #tpu.memory_space<vmem>> -> memref<1x128x32xf32, #tpu.memory_space<vmem>>
    %dma_start3A_35 = tpu.memref_squeeze %dma_start3A_34 : memref<1x128x32xf32, #tpu.memory_space<vmem>> -> memref<128x32xf32, #tpu.memory_space<vmem>>
    %dma_start3A_36 = arith.constant 0 : i32
    %dma_start3A_37 = tpu.memref_slice %arg8[%dma_start3A_30, %dma_start3A_36] : memref<157x128xi32, #tpu.memory_space<vmem>> -> memref<1x128xi32, #tpu.memory_space<vmem>>
    %dma_start3A_38 = tpu.memref_squeeze %dma_start3A_37 : memref<1x128xi32, #tpu.memory_space<vmem>> -> memref<128xi32, #tpu.memory_space<vmem>>
    %dma_start3A_39 = arith.constant 0 : i32
    %dma_start3A_40 = arith.constant 0 : i32
    %dma_start3A_41 = tpu.memref_slice %arg12[%dma_start3A_39, %dma_start3A_40] : memref<10000x32xf32, #tpu.memory_space<vmem_shared>> -> memref<10000x32xf32, #tpu.memory_space<vmem_shared>>
    tpu.enqueue_indirect_dma source(%dma_start3A_41 : memref<10000x32xf32, #tpu.memory_space<vmem_shared>>) target(%dma_start3A_35 : memref<128x32xf32, #tpu.memory_space<vmem>>) offsets(%dma_start3A_38 : memref<128xi32, #tpu.memory_space<vmem>>) semaphore(%arg14 : memref<!tpu.dma_semaphore, #tpu.memory_space<semaphore_mem>>)
    %dma_start3A_42 = arith.constant 2 : i32
    %dma_start3A_43 = arith.constant 2 : i32
    %dma_start3A_44 = arith.constant 0 : i32
    %dma_start3A_45 = arith.constant 0 : i32
    %dma_start3A_46 = tpu.memref_slice %arg10[%dma_start3A_43, %dma_start3A_44, %dma_start3A_45] : memref<6x128x32xf32, #tpu.memory_space<vmem>> -> memref<1x128x32xf32, #tpu.memory_space<vmem>>
    %dma_start3A_47 = tpu.memref_squeeze %dma_start3A_46 : memref<1x128x32xf32, #tpu.memory_space<vmem>> -> memref<128x32xf32, #tpu.memory_space<vmem>>
    %dma_start3A_48 = arith.constant 0 : i32
    %dma_start3A_49 = tpu.memref_slice %arg8[%dma_start3A_42, %dma_start3A_48] : memref<157x128xi32, #tpu.memory_space<vmem>> -> memref<1x128xi32, #tpu.memory_space<vmem>>
    %dma_start3A_50 = tpu.memref_squeeze %dma_start3A_49 : memref<1x128xi32, #tpu.memory_space<vmem>> -> memref<128xi32, #tpu.memory_space<vmem>>
    %dma_start3A_51 = arith.constant 0 : i32
    %dma_start3A_52 = arith.constant 0 : i32
    %dma_start3A_53 = tpu.memref_slice %arg12[%dma_start3A_51, %dma_start3A_52] : memref<10000x32xf32, #tpu.memory_space<vmem_shared>> -> memref<10000x32xf32, #tpu.memory_space<vmem_shared>>
    tpu.enqueue_indirect_dma source(%dma_start3A_53 : memref<10000x32xf32, #tpu.memory_space<vmem_shared>>) target(%dma_start3A_47 : memref<128x32xf32, #tpu.memory_space<vmem>>) offsets(%dma_start3A_50 : memref<128xi32, #tpu.memory_space<vmem>>) semaphore(%arg15 : memref<!tpu.dma_semaphore, #tpu.memory_space<semaphore_mem>>)
    %scan3A = arith.constant 0 : i32
    %scan3A_54 = arith.constant 0 : i32
    %scan3A_55 = arith.constant 26 : i32
    %scan3A_56 = arith.addi %scan3A_54, %scan3A_55 : i32
    %scan3A_57 = arith.constant 1 : i32
    scf.for %scan3A_110 = %scan3A_54 to %scan3A_56 step %scan3A_57  : i32 {
      %mul3A_111 = arith.constant 6 : i32
      %mul3A_112 = arith.muli %scan3A_110, %mul3A_111 : i32
      %add3A = arith.constant 0 : i32
      %add3A_113 = arith.addi %mul3A_112, %add3A : i32
      %dma_wait3A_114 = arith.constant 0 : i32
      %dma_wait3A_115 = arith.constant 0 : i32
      %dma_wait3A_116 = arith.constant 0 : i32
      %dma_wait3A_117 = tpu.memref_slice %arg10[%dma_wait3A_114, %dma_wait3A_115, %dma_wait3A_116] : memref<6x128x32xf32, #tpu.memory_space<vmem>> -> memref<1x128x32xf32, #tpu.memory_space<vmem>>
      %dma_wait3A_118 = tpu.memref_squeeze %dma_wait3A_117 : memref<1x128x32xf32, #tpu.memory_space<vmem>> -> memref<128x32xf32, #tpu.memory_space<vmem>>
      %dma_wait3A_119 = arith.constant 0 : i32
      %dma_wait3A_120 = tpu.memref_slice %arg8[%add3A_113, %dma_wait3A_119] : memref<157x128xi32, #tpu.memory_space<vmem>> -> memref<1x128xi32, #tpu.memory_space<vmem>>
      %dma_wait3A_121 = tpu.memref_squeeze %dma_wait3A_120 : memref<1x128xi32, #tpu.memory_space<vmem>> -> memref<128xi32, #tpu.memory_space<vmem>>
      %dma_wait3A_122 = arith.constant 0 : i32
      %dma_wait3A_123 = arith.constant 0 : i32
      %dma_wait3A_124 = tpu.memref_slice %arg12[%dma_wait3A_122, %dma_wait3A_123] : memref<10000x32xf32, #tpu.memory_space<vmem_shared>> -> memref<10000x32xf32, #tpu.memory_space<vmem_shared>>
      tpu.wait_indirect_dma semaphore(%arg13 : memref<!tpu.dma_semaphore, #tpu.memory_space<semaphore_mem>>) src(%dma_wait3A_124 : memref<10000x32xf32, #tpu.memory_space<vmem_shared>>) dst(%dma_wait3A_118 : memref<128x32xf32, #tpu.memory_space<vmem>>)
      %dma_start3A_125 = arith.constant 0 : i32
      %dma_start3A_126 = arith.constant 0 : i32
      %dma_start3A_127 = arith.constant 0 : i32
      %dma_start3A_128 = tpu.memref_slice %arg10[%dma_start3A_125, %dma_start3A_126, %dma_start3A_127] : memref<6x128x32xf32, #tpu.memory_space<vmem>> -> memref<1x128x32xf32, #tpu.memory_space<vmem>>
      %dma_start3A_129 = tpu.memref_squeeze %dma_start3A_128 : memref<1x128x32xf32, #tpu.memory_space<vmem>> -> memref<128x32xf32, #tpu.memory_space<vmem>>
      %dma_start3A_130 = arith.constant 0 : i32
      %dma_start3A_131 = tpu.memref_slice %arg9[%add3A_113, %dma_start3A_130] : memref<157x128xi32, #tpu.memory_space<vmem>> -> memref<1x128xi32, #tpu.memory_space<vmem>>
      %dma_start3A_132 = tpu.memref_squeeze %dma_start3A_131 : memref<1x128xi32, #tpu.memory_space<vmem>> -> memref<128xi32, #tpu.memory_space<vmem>>
      %dma_start3A_133 = arith.constant 0 : i32
      %dma_start3A_134 = arith.constant 0 : i32
      %dma_start3A_135 = tpu.memref_slice %arg11[%dma_start3A_133, %dma_start3A_134] : memref<10112x32xf32, #tpu.memory_space<vmem_shared>> -> memref<10112x32xf32, #tpu.memory_space<vmem_shared>>
      tpu.enqueue_indirect_dma source(%dma_start3A_129 : memref<128x32xf32, #tpu.memory_space<vmem>>) target(%dma_start3A_135 : memref<10112x32xf32, #tpu.memory_space<vmem_shared>>) offsets(%dma_start3A_132 : memref<128xi32, #tpu.memory_space<vmem>>) semaphore(%arg19 : memref<!tpu.dma_semaphore, #tpu.memory_space<semaphore_mem>>) {add = true}
      %ge3A = arith.constant 3 : i32
      %ge3A_136 = arith.cmpi sge, %add3A_113, %ge3A : i32
      %convert_element_type3A_137 = arith.extui %ge3A_136 : i1 to i32
      %cond3A_138 = arith.constant 0 : i32
      %cond3A_139 = arith.cmpi ne, %convert_element_type3A_137, %cond3A_138 : i32
      scf.if %cond3A_139 {
        %dma_wait3A_337 = arith.constant 3 : i32
        %dma_wait3A_338 = arith.constant 0 : i32
        %dma_wait3A_339 = arith.constant 0 : i32
        %dma_wait3A_340 = arith.constant 0 : i32
        %dma_wait3A_341 = tpu.memref_slice %arg10[%dma_wait3A_337, %dma_wait3A_339, %dma_wait3A_340] : memref<6x128x32xf32, #tpu.memory_space<vmem>> -> memref<1x128x32xf32, #tpu.memory_space<vmem>>
        %dma_wait3A_342 = tpu.memref_squeeze %dma_wait3A_341 : memref<1x128x32xf32, #tpu.memory_space<vmem>> -> memref<128x32xf32, #tpu.memory_space<vmem>>
        %dma_wait3A_343 = arith.constant 0 : i32
        %dma_wait3A_344 = tpu.memref_slice %arg9[%dma_wait3A_338, %dma_wait3A_343] : memref<157x128xi32, #tpu.memory_space<vmem>> -> memref<1x128xi32, #tpu.memory_space<vmem>>
        %dma_wait3A_345 = tpu.memref_squeeze %dma_wait3A_344 : memref<1x128xi32, #tpu.memory_space<vmem>> -> memref<128xi32, #tpu.memory_space<vmem>>
        %dma_wait3A_346 = arith.constant 0 : i32
        %dma_wait3A_347 = arith.constant 0 : i32
        %dma_wait3A_348 = tpu.memref_slice %arg11[%dma_wait3A_346, %dma_wait3A_347] : memref<10112x32xf32, #tpu.memory_space<vmem_shared>> -> memref<10112x32xf32, #tpu.memory_space<vmem_shared>>
        tpu.wait_indirect_dma semaphore(%arg22 : memref<!tpu.dma_semaphore, #tpu.memory_space<semaphore_mem>>) src(%dma_wait3A_342 : memref<128x32xf32, #tpu.memory_space<vmem>>) dst(%dma_wait3A_348 : memref<10112x32xf32, #tpu.memory_space<vmem_shared>>)
      } else {
      }
      %add3A_140 = arith.constant 3 : i32
      %add3A_141 = arith.addi %add3A_113, %add3A_140 : i32
      %lt3A_142 = arith.constant 156 : i32
      %lt3A_143 = arith.cmpi slt, %add3A_141, %lt3A_142 : i32
      %convert_element_type3A_144 = arith.extui %lt3A_143 : i1 to i32
      %cond3A_145 = arith.constant 0 : i32
      %cond3A_146 = arith.cmpi ne, %convert_element_type3A_144, %cond3A_145 : i32
      scf.if %cond3A_146 {
        %add3A_337 = arith.constant 3 : i32
        %add3A_338 = arith.addi %add3A_113, %add3A_337 : i32
        %dma_start3A_339 = arith.constant 3 : i32
        %dma_start3A_340 = arith.constant 0 : i32
        %dma_start3A_341 = arith.constant 0 : i32
        %dma_start3A_342 = tpu.memref_slice %arg10[%dma_start3A_339, %dma_start3A_340, %dma_start3A_341] : memref<6x128x32xf32, #tpu.memory_space<vmem>> -> memref<1x128x32xf32, #tpu.memory_space<vmem>>
        %dma_start3A_343 = tpu.memref_squeeze %dma_start3A_342 : memref<1x128x32xf32, #tpu.memory_space<vmem>> -> memref<128x32xf32, #tpu.memory_space<vmem>>
        %dma_start3A_344 = arith.constant 0 : i32
        %dma_start3A_345 = tpu.memref_slice %arg8[%add3A_338, %dma_start3A_344] : memref<157x128xi32, #tpu.memory_space<vmem>> -> memref<1x128xi32, #tpu.memory_space<vmem>>
        %dma_start3A_346 = tpu.memref_squeeze %dma_start3A_345 : memref<1x128xi32, #tpu.memory_space<vmem>> -> memref<128xi32, #tpu.memory_space<vmem>>
        %dma_start3A_347 = arith.constant 0 : i32
        %dma_start3A_348 = arith.constant 0 : i32
        %dma_start3A_349 = tpu.memref_slice %arg12[%dma_start3A_347, %dma_start3A_348] : memref<10000x32xf32, #tpu.memory_space<vmem_shared>> -> memref<10000x32xf32, #tpu.memory_space<vmem_shared>>
        tpu.enqueue_indirect_dma source(%dma_start3A_349 : memref<10000x32xf32, #tpu.memory_space<vmem_shared>>) target(%dma_start3A_343 : memref<128x32xf32, #tpu.memory_space<vmem>>) offsets(%dma_start3A_346 : memref<128xi32, #tpu.memory_space<vmem>>) semaphore(%arg16 : memref<!tpu.dma_semaphore, #tpu.memory_space<semaphore_mem>>)
      } else {
      }
      %mul3A_147 = arith.constant 6 : i32
      %mul3A_148 = arith.muli %scan3A_110, %mul3A_147 : i32
      %add3A_149 = arith.constant 1 : i32
      %add3A_150 = arith.addi %mul3A_148, %add3A_149 : i32
      %dma_wait3A_151 = arith.constant 1 : i32
      %dma_wait3A_152 = arith.constant 0 : i32
      %dma_wait3A_153 = arith.constant 0 : i32
      %dma_wait3A_154 = tpu.memref_slice %arg10[%dma_wait3A_151, %dma_wait3A_152, %dma_wait3A_153] : memref<6x128x32xf32, #tpu.memory_space<vmem>> -> memref<1x128x32xf32, #tpu.memory_space<vmem>>
      %dma_wait3A_155 = tpu.memref_squeeze %dma_wait3A_154 : memref<1x128x32xf32, #tpu.memory_space<vmem>> -> memref<128x32xf32, #tpu.memory_space<vmem>>
      %dma_wait3A_156 = arith.constant 0 : i32
      %dma_wait3A_157 = tpu.memref_slice %arg8[%add3A_150, %dma_wait3A_156] : memref<157x128xi32, #tpu.memory_space<vmem>> -> memref<1x128xi32, #tpu.memory_space<vmem>>
      %dma_wait3A_158 = tpu.memref_squeeze %dma_wait3A_157 : memref<1x128xi32, #tpu.memory_space<vmem>> -> memref<128xi32, #tpu.memory_space<vmem>>
      %dma_wait3A_159 = arith.constant 0 : i32
      %dma_wait3A_160 = arith.constant 0 : i32
      %dma_wait3A_161 = tpu.memref_slice %arg12[%dma_wait3A_159, %dma_wait3A_160] : memref<10000x32xf32, #tpu.memory_space<vmem_shared>> -> memref<10000x32xf32, #tpu.memory_space<vmem_shared>>
      tpu.wait_indirect_dma semaphore(%arg14 : memref<!tpu.dma_semaphore, #tpu.memory_space<semaphore_mem>>) src(%dma_wait3A_161 : memref<10000x32xf32, #tpu.memory_space<vmem_shared>>) dst(%dma_wait3A_155 : memref<128x32xf32, #tpu.memory_space<vmem>>)
      %dma_start3A_162 = arith.constant 1 : i32
      %dma_start3A_163 = arith.constant 0 : i32
      %dma_start3A_164 = arith.constant 0 : i32
      %dma_start3A_165 = tpu.memref_slice %arg10[%dma_start3A_162, %dma_start3A_163, %dma_start3A_164] : memref<6x128x32xf32, #tpu.memory_space<vmem>> -> memref<1x128x32xf32, #tpu.memory_space<vmem>>
      %dma_start3A_166 = tpu.memref_squeeze %dma_start3A_165 : memref<1x128x32xf32, #tpu.memory_space<vmem>> -> memref<128x32xf32, #tpu.memory_space<vmem>>
      %dma_start3A_167 = arith.constant 0 : i32
      %dma_start3A_168 = tpu.memref_slice %arg9[%add3A_150, %dma_start3A_167] : memref<157x128xi32, #tpu.memory_space<vmem>> -> memref<1x128xi32, #tpu.memory_space<vmem>>
      %dma_start3A_169 = tpu.memref_squeeze %dma_start3A_168 : memref<1x128xi32, #tpu.memory_space<vmem>> -> memref<128xi32, #tpu.memory_space<vmem>>
      %dma_start3A_170 = arith.constant 0 : i32
      %dma_start3A_171 = arith.constant 0 : i32
      %dma_start3A_172 = tpu.memref_slice %arg11[%dma_start3A_170, %dma_start3A_171] : memref<10112x32xf32, #tpu.memory_space<vmem_shared>> -> memref<10112x32xf32, #tpu.memory_space<vmem_shared>>
      tpu.enqueue_indirect_dma source(%dma_start3A_166 : memref<128x32xf32, #tpu.memory_space<vmem>>) target(%dma_start3A_172 : memref<10112x32xf32, #tpu.memory_space<vmem_shared>>) offsets(%dma_start3A_169 : memref<128xi32, #tpu.memory_space<vmem>>) semaphore(%arg20 : memref<!tpu.dma_semaphore, #tpu.memory_space<semaphore_mem>>) {add = true}
      %ge3A_173 = arith.constant 3 : i32
      %ge3A_174 = arith.cmpi sge, %add3A_150, %ge3A_173 : i32
      %convert_element_type3A_175 = arith.extui %ge3A_174 : i1 to i32
      %cond3A_176 = arith.constant 0 : i32
      %cond3A_177 = arith.cmpi ne, %convert_element_type3A_175, %cond3A_176 : i32
      scf.if %cond3A_177 {
        %dma_wait3A_337 = arith.constant 4 : i32
        %dma_wait3A_338 = arith.constant 0 : i32
        %dma_wait3A_339 = arith.constant 0 : i32
        %dma_wait3A_340 = arith.constant 0 : i32
        %dma_wait3A_341 = tpu.memref_slice %arg10[%dma_wait3A_337, %dma_wait3A_339, %dma_wait3A_340] : memref<6x128x32xf32, #tpu.memory_space<vmem>> -> memref<1x128x32xf32, #tpu.memory_space<vmem>>
        %dma_wait3A_342 = tpu.memref_squeeze %dma_wait3A_341 : memref<1x128x32xf32, #tpu.memory_space<vmem>> -> memref<128x32xf32, #tpu.memory_space<vmem>>
        %dma_wait3A_343 = arith.constant 0 : i32
        %dma_wait3A_344 = tpu.memref_slice %arg9[%dma_wait3A_338, %dma_wait3A_343] : memref<157x128xi32, #tpu.memory_space<vmem>> -> memref<1x128xi32, #tpu.memory_space<vmem>>
        %dma_wait3A_345 = tpu.memref_squeeze %dma_wait3A_344 : memref<1x128xi32, #tpu.memory_space<vmem>> -> memref<128xi32, #tpu.memory_space<vmem>>
        %dma_wait3A_346 = arith.constant 0 : i32
        %dma_wait3A_347 = arith.constant 0 : i32
        %dma_wait3A_348 = tpu.memref_slice %arg11[%dma_wait3A_346, %dma_wait3A_347] : memref<10112x32xf32, #tpu.memory_space<vmem_shared>> -> memref<10112x32xf32, #tpu.memory_space<vmem_shared>>
        tpu.wait_indirect_dma semaphore(%arg23 : memref<!tpu.dma_semaphore, #tpu.memory_space<semaphore_mem>>) src(%dma_wait3A_342 : memref<128x32xf32, #tpu.memory_space<vmem>>) dst(%dma_wait3A_348 : memref<10112x32xf32, #tpu.memory_space<vmem_shared>>)
      } else {
      }
      %add3A_178 = arith.constant 3 : i32
      %add3A_179 = arith.addi %add3A_150, %add3A_178 : i32
      %lt3A_180 = arith.constant 156 : i32
      %lt3A_181 = arith.cmpi slt, %add3A_179, %lt3A_180 : i32
      %convert_element_type3A_182 = arith.extui %lt3A_181 : i1 to i32
      %cond3A_183 = arith.constant 0 : i32
      %cond3A_184 = arith.cmpi ne, %convert_element_type3A_182, %cond3A_183 : i32
      scf.if %cond3A_184 {
        %add3A_337 = arith.constant 3 : i32
        %add3A_338 = arith.addi %add3A_150, %add3A_337 : i32
        %dma_start3A_339 = arith.constant 4 : i32
        %dma_start3A_340 = arith.constant 0 : i32
        %dma_start3A_341 = arith.constant 0 : i32
        %dma_start3A_342 = tpu.memref_slice %arg10[%dma_start3A_339, %dma_start3A_340, %dma_start3A_341] : memref<6x128x32xf32, #tpu.memory_space<vmem>> -> memref<1x128x32xf32, #tpu.memory_space<vmem>>
        %dma_start3A_343 = tpu.memref_squeeze %dma_start3A_342 : memref<1x128x32xf32, #tpu.memory_space<vmem>> -> memref<128x32xf32, #tpu.memory_space<vmem>>
        %dma_start3A_344 = arith.constant 0 : i32
        %dma_start3A_345 = tpu.memref_slice %arg8[%add3A_338, %dma_start3A_344] : memref<157x128xi32, #tpu.memory_space<vmem>> -> memref<1x128xi32, #tpu.memory_space<vmem>>
        %dma_start3A_346 = tpu.memref_squeeze %dma_start3A_345 : memref<1x128xi32, #tpu.memory_space<vmem>> -> memref<128xi32, #tpu.memory_space<vmem>>
        %dma_start3A_347 = arith.constant 0 : i32
        %dma_start3A_348 = arith.constant 0 : i32
        %dma_start3A_349 = tpu.memref_slice %arg12[%dma_start3A_347, %dma_start3A_348] : memref<10000x32xf32, #tpu.memory_space<vmem_shared>> -> memref<10000x32xf32, #tpu.memory_space<vmem_shared>>
        tpu.enqueue_indirect_dma source(%dma_start3A_349 : memref<10000x32xf32, #tpu.memory_space<vmem_shared>>) target(%dma_start3A_343 : memref<128x32xf32, #tpu.memory_space<vmem>>) offsets(%dma_start3A_346 : memref<128xi32, #tpu.memory_space<vmem>>) semaphore(%arg17 : memref<!tpu.dma_semaphore, #tpu.memory_space<semaphore_mem>>)
      } else {
      }
      %mul3A_185 = arith.constant 6 : i32
      %mul3A_186 = arith.muli %scan3A_110, %mul3A_185 : i32
      %add3A_187 = arith.constant 2 : i32
      %add3A_188 = arith.addi %mul3A_186, %add3A_187 : i32
      %dma_wait3A_189 = arith.constant 2 : i32
      %dma_wait3A_190 = arith.constant 0 : i32
      %dma_wait3A_191 = arith.constant 0 : i32
      %dma_wait3A_192 = tpu.memref_slice %arg10[%dma_wait3A_189, %dma_wait3A_190, %dma_wait3A_191] : memref<6x128x32xf32, #tpu.memory_space<vmem>> -> memref<1x128x32xf32, #tpu.memory_space<vmem>>
      %dma_wait3A_193 = tpu.memref_squeeze %dma_wait3A_192 : memref<1x128x32xf32, #tpu.memory_space<vmem>> -> memref<128x32xf32, #tpu.memory_space<vmem>>
      %dma_wait3A_194 = arith.constant 0 : i32
      %dma_wait3A_195 = tpu.memref_slice %arg8[%add3A_188, %dma_wait3A_194] : memref<157x128xi32, #tpu.memory_space<vmem>> -> memref<1x128xi32, #tpu.memory_space<vmem>>
      %dma_wait3A_196 = tpu.memref_squeeze %dma_wait3A_195 : memref<1x128xi32, #tpu.memory_space<vmem>> -> memref<128xi32, #tpu.memory_space<vmem>>
      %dma_wait3A_197 = arith.constant 0 : i32
      %dma_wait3A_198 = arith.constant 0 : i32
      %dma_wait3A_199 = tpu.memref_slice %arg12[%dma_wait3A_197, %dma_wait3A_198] : memref<10000x32xf32, #tpu.memory_space<vmem_shared>> -> memref<10000x32xf32, #tpu.memory_space<vmem_shared>>
      tpu.wait_indirect_dma semaphore(%arg15 : memref<!tpu.dma_semaphore, #tpu.memory_space<semaphore_mem>>) src(%dma_wait3A_199 : memref<10000x32xf32, #tpu.memory_space<vmem_shared>>) dst(%dma_wait3A_193 : memref<128x32xf32, #tpu.memory_space<vmem>>)
      %dma_start3A_200 = arith.constant 2 : i32
      %dma_start3A_201 = arith.constant 0 : i32
      %dma_start3A_202 = arith.constant 0 : i32
      %dma_start3A_203 = tpu.memref_slice %arg10[%dma_start3A_200, %dma_start3A_201, %dma_start3A_202] : memref<6x128x32xf32, #tpu.memory_space<vmem>> -> memref<1x128x32xf32, #tpu.memory_space<vmem>>
      %dma_start3A_204 = tpu.memref_squeeze %dma_start3A_203 : memref<1x128x32xf32, #tpu.memory_space<vmem>> -> memref<128x32xf32, #tpu.memory_space<vmem>>
      %dma_start3A_205 = arith.constant 0 : i32
      %dma_start3A_206 = tpu.memref_slice %arg9[%add3A_188, %dma_start3A_205] : memref<157x128xi32, #tpu.memory_space<vmem>> -> memref<1x128xi32, #tpu.memory_space<vmem>>
      %dma_start3A_207 = tpu.memref_squeeze %dma_start3A_206 : memref<1x128xi32, #tpu.memory_space<vmem>> -> memref<128xi32, #tpu.memory_space<vmem>>
      %dma_start3A_208 = arith.constant 0 : i32
      %dma_start3A_209 = arith.constant 0 : i32
      %dma_start3A_210 = tpu.memref_slice %arg11[%dma_start3A_208, %dma_start3A_209] : memref<10112x32xf32, #tpu.memory_space<vmem_shared>> -> memref<10112x32xf32, #tpu.memory_space<vmem_shared>>
      tpu.enqueue_indirect_dma source(%dma_start3A_204 : memref<128x32xf32, #tpu.memory_space<vmem>>) target(%dma_start3A_210 : memref<10112x32xf32, #tpu.memory_space<vmem_shared>>) offsets(%dma_start3A_207 : memref<128xi32, #tpu.memory_space<vmem>>) semaphore(%arg21 : memref<!tpu.dma_semaphore, #tpu.memory_space<semaphore_mem>>) {add = true}
      %ge3A_211 = arith.constant 3 : i32
      %ge3A_212 = arith.cmpi sge, %add3A_188, %ge3A_211 : i32
      %convert_element_type3A_213 = arith.extui %ge3A_212 : i1 to i32
      %cond3A_214 = arith.constant 0 : i32
      %cond3A_215 = arith.cmpi ne, %convert_element_type3A_213, %cond3A_214 : i32
      scf.if %cond3A_215 {
        %dma_wait3A_337 = arith.constant 5 : i32
        %dma_wait3A_338 = arith.constant 0 : i32
        %dma_wait3A_339 = arith.constant 0 : i32
        %dma_wait3A_340 = arith.constant 0 : i32
        %dma_wait3A_341 = tpu.memref_slice %arg10[%dma_wait3A_337, %dma_wait3A_339, %dma_wait3A_340] : memref<6x128x32xf32, #tpu.memory_space<vmem>> -> memref<1x128x32xf32, #tpu.memory_space<vmem>>
        %dma_wait3A_342 = tpu.memref_squeeze %dma_wait3A_341 : memref<1x128x32xf32, #tpu.memory_space<vmem>> -> memref<128x32xf32, #tpu.memory_space<vmem>>
        %dma_wait3A_343 = arith.constant 0 : i32
        %dma_wait3A_344 = tpu.memref_slice %arg9[%dma_wait3A_338, %dma_wait3A_343] : memref<157x128xi32, #tpu.memory_space<vmem>> -> memref<1x128xi32, #tpu.memory_space<vmem>>
        %dma_wait3A_345 = tpu.memref_squeeze %dma_wait3A_344 : memref<1x128xi32, #tpu.memory_space<vmem>> -> memref<128xi32, #tpu.memory_space<vmem>>
        %dma_wait3A_346 = arith.constant 0 : i32
        %dma_wait3A_347 = arith.constant 0 : i32
        %dma_wait3A_348 = tpu.memref_slice %arg11[%dma_wait3A_346, %dma_wait3A_347] : memref<10112x32xf32, #tpu.memory_space<vmem_shared>> -> memref<10112x32xf32, #tpu.memory_space<vmem_shared>>
        tpu.wait_indirect_dma semaphore(%arg24 : memref<!tpu.dma_semaphore, #tpu.memory_space<semaphore_mem>>) src(%dma_wait3A_342 : memref<128x32xf32, #tpu.memory_space<vmem>>) dst(%dma_wait3A_348 : memref<10112x32xf32, #tpu.memory_space<vmem_shared>>)
      } else {
      }
      %add3A_216 = arith.constant 3 : i32
      %add3A_217 = arith.addi %add3A_188, %add3A_216 : i32
      %lt3A_218 = arith.constant 156 : i32
      %lt3A_219 = arith.cmpi slt, %add3A_217, %lt3A_218 : i32
      %convert_element_type3A_220 = arith.extui %lt3A_219 : i1 to i32
      %cond3A_221 = arith.constant 0 : i32
      %cond3A_222 = arith.cmpi ne, %convert_element_type3A_220, %cond3A_221 : i32
      scf.if %cond3A_222 {
        %add3A_337 = arith.constant 3 : i32
        %add3A_338 = arith.addi %add3A_188, %add3A_337 : i32
        %dma_start3A_339 = arith.constant 5 : i32
        %dma_start3A_340 = arith.constant 0 : i32
        %dma_start3A_341 = arith.constant 0 : i32
        %dma_start3A_342 = tpu.memref_slice %arg10[%dma_start3A_339, %dma_start3A_340, %dma_start3A_341] : memref<6x128x32xf32, #tpu.memory_space<vmem>> -> memref<1x128x32xf32, #tpu.memory_space<vmem>>
        %dma_start3A_343 = tpu.memref_squeeze %dma_start3A_342 : memref<1x128x32xf32, #tpu.memory_space<vmem>> -> memref<128x32xf32, #tpu.memory_space<vmem>>
        %dma_start3A_344 = arith.constant 0 : i32
        %dma_start3A_345 = tpu.memref_slice %arg8[%add3A_338, %dma_start3A_344] : memref<157x128xi32, #tpu.memory_space<vmem>> -> memref<1x128xi32, #tpu.memory_space<vmem>>
        %dma_start3A_346 = tpu.memref_squeeze %dma_start3A_345 : memref<1x128xi32, #tpu.memory_space<vmem>> -> memref<128xi32, #tpu.memory_space<vmem>>
        %dma_start3A_347 = arith.constant 0 : i32
        %dma_start3A_348 = arith.constant 0 : i32
        %dma_start3A_349 = tpu.memref_slice %arg12[%dma_start3A_347, %dma_start3A_348] : memref<10000x32xf32, #tpu.memory_space<vmem_shared>> -> memref<10000x32xf32, #tpu.memory_space<vmem_shared>>
        tpu.enqueue_indirect_dma source(%dma_start3A_349 : memref<10000x32xf32, #tpu.memory_space<vmem_shared>>) target(%dma_start3A_343 : memref<128x32xf32, #tpu.memory_space<vmem>>) offsets(%dma_start3A_346 : memref<128xi32, #tpu.memory_space<vmem>>) semaphore(%arg18 : memref<!tpu.dma_semaphore, #tpu.memory_space<semaphore_mem>>)
      } else {
      }
      %mul3A_223 = arith.constant 6 : i32
      %mul3A_224 = arith.muli %scan3A_110, %mul3A_223 : i32
      %add3A_225 = arith.constant 3 : i32
      %add3A_226 = arith.addi %mul3A_224, %add3A_225 : i32
      %dma_wait3A_227 = arith.constant 3 : i32
      %dma_wait3A_228 = arith.constant 0 : i32
      %dma_wait3A_229 = arith.constant 0 : i32
      %dma_wait3A_230 = tpu.memref_slice %arg10[%dma_wait3A_227, %dma_wait3A_228, %dma_wait3A_229] : memref<6x128x32xf32, #tpu.memory_space<vmem>> -> memref<1x128x32xf32, #tpu.memory_space<vmem>>
      %dma_wait3A_231 = tpu.memref_squeeze %dma_wait3A_230 : memref<1x128x32xf32, #tpu.memory_space<vmem>> -> memref<128x32xf32, #tpu.memory_space<vmem>>
      %dma_wait3A_232 = arith.constant 0 : i32
      %dma_wait3A_233 = tpu.memref_slice %arg8[%add3A_226, %dma_wait3A_232] : memref<157x128xi32, #tpu.memory_space<vmem>> -> memref<1x128xi32, #tpu.memory_space<vmem>>
      %dma_wait3A_234 = tpu.memref_squeeze %dma_wait3A_233 : memref<1x128xi32, #tpu.memory_space<vmem>> -> memref<128xi32, #tpu.memory_space<vmem>>
      %dma_wait3A_235 = arith.constant 0 : i32
      %dma_wait3A_236 = arith.constant 0 : i32
      %dma_wait3A_237 = tpu.memref_slice %arg12[%dma_wait3A_235, %dma_wait3A_236] : memref<10000x32xf32, #tpu.memory_space<vmem_shared>> -> memref<10000x32xf32, #tpu.memory_space<vmem_shared>>
      tpu.wait_indirect_dma semaphore(%arg16 : memref<!tpu.dma_semaphore, #tpu.memory_space<semaphore_mem>>) src(%dma_wait3A_237 : memref<10000x32xf32, #tpu.memory_space<vmem_shared>>) dst(%dma_wait3A_231 : memref<128x32xf32, #tpu.memory_space<vmem>>)
      %dma_start3A_238 = arith.constant 3 : i32
      %dma_start3A_239 = arith.constant 0 : i32
      %dma_start3A_240 = arith.constant 0 : i32
      %dma_start3A_241 = tpu.memref_slice %arg10[%dma_start3A_238, %dma_start3A_239, %dma_start3A_240] : memref<6x128x32xf32, #tpu.memory_space<vmem>> -> memref<1x128x32xf32, #tpu.memory_space<vmem>>
      %dma_start3A_242 = tpu.memref_squeeze %dma_start3A_241 : memref<1x128x32xf32, #tpu.memory_space<vmem>> -> memref<128x32xf32, #tpu.memory_space<vmem>>
      %dma_start3A_243 = arith.constant 0 : i32
      %dma_start3A_244 = tpu.memref_slice %arg9[%add3A_226, %dma_start3A_243] : memref<157x128xi32, #tpu.memory_space<vmem>> -> memref<1x128xi32, #tpu.memory_space<vmem>>
      %dma_start3A_245 = tpu.memref_squeeze %dma_start3A_244 : memref<1x128xi32, #tpu.memory_space<vmem>> -> memref<128xi32, #tpu.memory_space<vmem>>
      %dma_start3A_246 = arith.constant 0 : i32
      %dma_start3A_247 = arith.constant 0 : i32
      %dma_start3A_248 = tpu.memref_slice %arg11[%dma_start3A_246, %dma_start3A_247] : memref<10112x32xf32, #tpu.memory_space<vmem_shared>> -> memref<10112x32xf32, #tpu.memory_space<vmem_shared>>
      tpu.enqueue_indirect_dma source(%dma_start3A_242 : memref<128x32xf32, #tpu.memory_space<vmem>>) target(%dma_start3A_248 : memref<10112x32xf32, #tpu.memory_space<vmem_shared>>) offsets(%dma_start3A_245 : memref<128xi32, #tpu.memory_space<vmem>>) semaphore(%arg22 : memref<!tpu.dma_semaphore, #tpu.memory_space<semaphore_mem>>) {add = true}
      %ge3A_249 = arith.constant 3 : i32
      %ge3A_250 = arith.cmpi sge, %add3A_226, %ge3A_249 : i32
      %convert_element_type3A_251 = arith.extui %ge3A_250 : i1 to i32
      %cond3A_252 = arith.constant 0 : i32
      %cond3A_253 = arith.cmpi ne, %convert_element_type3A_251, %cond3A_252 : i32
      scf.if %cond3A_253 {
        %dma_wait3A_337 = arith.constant 0 : i32
        %dma_wait3A_338 = arith.constant 0 : i32
        %dma_wait3A_339 = arith.constant 0 : i32
        %dma_wait3A_340 = arith.constant 0 : i32
        %dma_wait3A_341 = tpu.memref_slice %arg10[%dma_wait3A_337, %dma_wait3A_339, %dma_wait3A_340] : memref<6x128x32xf32, #tpu.memory_space<vmem>> -> memref<1x128x32xf32, #tpu.memory_space<vmem>>
        %dma_wait3A_342 = tpu.memref_squeeze %dma_wait3A_341 : memref<1x128x32xf32, #tpu.memory_space<vmem>> -> memref<128x32xf32, #tpu.memory_space<vmem>>
        %dma_wait3A_343 = arith.constant 0 : i32
        %dma_wait3A_344 = tpu.memref_slice %arg9[%dma_wait3A_338, %dma_wait3A_343] : memref<157x128xi32, #tpu.memory_space<vmem>> -> memref<1x128xi32, #tpu.memory_space<vmem>>
        %dma_wait3A_345 = tpu.memref_squeeze %dma_wait3A_344 : memref<1x128xi32, #tpu.memory_space<vmem>> -> memref<128xi32, #tpu.memory_space<vmem>>
        %dma_wait3A_346 = arith.constant 0 : i32
        %dma_wait3A_347 = arith.constant 0 : i32
        %dma_wait3A_348 = tpu.memref_slice %arg11[%dma_wait3A_346, %dma_wait3A_347] : memref<10112x32xf32, #tpu.memory_space<vmem_shared>> -> memref<10112x32xf32, #tpu.memory_space<vmem_shared>>
        tpu.wait_indirect_dma semaphore(%arg19 : memref<!tpu.dma_semaphore, #tpu.memory_space<semaphore_mem>>) src(%dma_wait3A_342 : memref<128x32xf32, #tpu.memory_space<vmem>>) dst(%dma_wait3A_348 : memref<10112x32xf32, #tpu.memory_space<vmem_shared>>)
      } else {
      }
      %add3A_254 = arith.constant 3 : i32
      %add3A_255 = arith.addi %add3A_226, %add3A_254 : i32
      %lt3A_256 = arith.constant 156 : i32
      %lt3A_257 = arith.cmpi slt, %add3A_255, %lt3A_256 : i32
      %convert_element_type3A_258 = arith.extui %lt3A_257 : i1 to i32
      %cond3A_259 = arith.constant 0 : i32
      %cond3A_260 = arith.cmpi ne, %convert_element_type3A_258, %cond3A_259 : i32
      scf.if %cond3A_260 {
        %add3A_337 = arith.constant 3 : i32
        %add3A_338 = arith.addi %add3A_226, %add3A_337 : i32
        %dma_start3A_339 = arith.constant 0 : i32
        %dma_start3A_340 = arith.constant 0 : i32
        %dma_start3A_341 = arith.constant 0 : i32
        %dma_start3A_342 = tpu.memref_slice %arg10[%dma_start3A_339, %dma_start3A_340, %dma_start3A_341] : memref<6x128x32xf32, #tpu.memory_space<vmem>> -> memref<1x128x32xf32, #tpu.memory_space<vmem>>
        %dma_start3A_343 = tpu.memref_squeeze %dma_start3A_342 : memref<1x128x32xf32, #tpu.memory_space<vmem>> -> memref<128x32xf32, #tpu.memory_space<vmem>>
        %dma_start3A_344 = arith.constant 0 : i32
        %dma_start3A_345 = tpu.memref_slice %arg8[%add3A_338, %dma_start3A_344] : memref<157x128xi32, #tpu.memory_space<vmem>> -> memref<1x128xi32, #tpu.memory_space<vmem>>
        %dma_start3A_346 = tpu.memref_squeeze %dma_start3A_345 : memref<1x128xi32, #tpu.memory_space<vmem>> -> memref<128xi32, #tpu.memory_space<vmem>>
        %dma_start3A_347 = arith.constant 0 : i32
        %dma_start3A_348 = arith.constant 0 : i32
        %dma_start3A_349 = tpu.memref_slice %arg12[%dma_start3A_347, %dma_start3A_348] : memref<10000x32xf32, #tpu.memory_space<vmem_shared>> -> memref<10000x32xf32, #tpu.memory_space<vmem_shared>>
        tpu.enqueue_indirect_dma source(%dma_start3A_349 : memref<10000x32xf32, #tpu.memory_space<vmem_shared>>) target(%dma_start3A_343 : memref<128x32xf32, #tpu.memory_space<vmem>>) offsets(%dma_start3A_346 : memref<128xi32, #tpu.memory_space<vmem>>) semaphore(%arg13 : memref<!tpu.dma_semaphore, #tpu.memory_space<semaphore_mem>>)
      } else {
      }
      %mul3A_261 = arith.constant 6 : i32
      %mul3A_262 = arith.muli %scan3A_110, %mul3A_261 : i32
      %add3A_263 = arith.constant 4 : i32
      %add3A_264 = arith.addi %mul3A_262, %add3A_263 : i32
      %dma_wait3A_265 = arith.constant 4 : i32
      %dma_wait3A_266 = arith.constant 0 : i32
      %dma_wait3A_267 = arith.constant 0 : i32
      %dma_wait3A_268 = tpu.memref_slice %arg10[%dma_wait3A_265, %dma_wait3A_266, %dma_wait3A_267] : memref<6x128x32xf32, #tpu.memory_space<vmem>> -> memref<1x128x32xf32, #tpu.memory_space<vmem>>
      %dma_wait3A_269 = tpu.memref_squeeze %dma_wait3A_268 : memref<1x128x32xf32, #tpu.memory_space<vmem>> -> memref<128x32xf32, #tpu.memory_space<vmem>>
      %dma_wait3A_270 = arith.constant 0 : i32
      %dma_wait3A_271 = tpu.memref_slice %arg8[%add3A_264, %dma_wait3A_270] : memref<157x128xi32, #tpu.memory_space<vmem>> -> memref<1x128xi32, #tpu.memory_space<vmem>>
      %dma_wait3A_272 = tpu.memref_squeeze %dma_wait3A_271 : memref<1x128xi32, #tpu.memory_space<vmem>> -> memref<128xi32, #tpu.memory_space<vmem>>
      %dma_wait3A_273 = arith.constant 0 : i32
      %dma_wait3A_274 = arith.constant 0 : i32
      %dma_wait3A_275 = tpu.memref_slice %arg12[%dma_wait3A_273, %dma_wait3A_274] : memref<10000x32xf32, #tpu.memory_space<vmem_shared>> -> memref<10000x32xf32, #tpu.memory_space<vmem_shared>>
      tpu.wait_indirect_dma semaphore(%arg17 : memref<!tpu.dma_semaphore, #tpu.memory_space<semaphore_mem>>) src(%dma_wait3A_275 : memref<10000x32xf32, #tpu.memory_space<vmem_shared>>) dst(%dma_wait3A_269 : memref<128x32xf32, #tpu.memory_space<vmem>>)
      %dma_start3A_276 = arith.constant 4 : i32
      %dma_start3A_277 = arith.constant 0 : i32
      %dma_start3A_278 = arith.constant 0 : i32
      %dma_start3A_279 = tpu.memref_slice %arg10[%dma_start3A_276, %dma_start3A_277, %dma_start3A_278] : memref<6x128x32xf32, #tpu.memory_space<vmem>> -> memref<1x128x32xf32, #tpu.memory_space<vmem>>
      %dma_start3A_280 = tpu.memref_squeeze %dma_start3A_279 : memref<1x128x32xf32, #tpu.memory_space<vmem>> -> memref<128x32xf32, #tpu.memory_space<vmem>>
      %dma_start3A_281 = arith.constant 0 : i32
      %dma_start3A_282 = tpu.memref_slice %arg9[%add3A_264, %dma_start3A_281] : memref<157x128xi32, #tpu.memory_space<vmem>> -> memref<1x128xi32, #tpu.memory_space<vmem>>
      %dma_start3A_283 = tpu.memref_squeeze %dma_start3A_282 : memref<1x128xi32, #tpu.memory_space<vmem>> -> memref<128xi32, #tpu.memory_space<vmem>>
      %dma_start3A_284 = arith.constant 0 : i32
      %dma_start3A_285 = arith.constant 0 : i32
      %dma_start3A_286 = tpu.memref_slice %arg11[%dma_start3A_284, %dma_start3A_285] : memref<10112x32xf32, #tpu.memory_space<vmem_shared>> -> memref<10112x32xf32, #tpu.memory_space<vmem_shared>>
      tpu.enqueue_indirect_dma source(%dma_start3A_280 : memref<128x32xf32, #tpu.memory_space<vmem>>) target(%dma_start3A_286 : memref<10112x32xf32, #tpu.memory_space<vmem_shared>>) offsets(%dma_start3A_283 : memref<128xi32, #tpu.memory_space<vmem>>) semaphore(%arg23 : memref<!tpu.dma_semaphore, #tpu.memory_space<semaphore_mem>>) {add = true}
      %ge3A_287 = arith.constant 3 : i32
      %ge3A_288 = arith.cmpi sge, %add3A_264, %ge3A_287 : i32
      %convert_element_type3A_289 = arith.extui %ge3A_288 : i1 to i32
      %cond3A_290 = arith.constant 0 : i32
      %cond3A_291 = arith.cmpi ne, %convert_element_type3A_289, %cond3A_290 : i32
      scf.if %cond3A_291 {
        %dma_wait3A_337 = arith.constant 1 : i32
        %dma_wait3A_338 = arith.constant 0 : i32
        %dma_wait3A_339 = arith.constant 0 : i32
        %dma_wait3A_340 = arith.constant 0 : i32
        %dma_wait3A_341 = tpu.memref_slice %arg10[%dma_wait3A_337, %dma_wait3A_339, %dma_wait3A_340] : memref<6x128x32xf32, #tpu.memory_space<vmem>> -> memref<1x128x32xf32, #tpu.memory_space<vmem>>
        %dma_wait3A_342 = tpu.memref_squeeze %dma_wait3A_341 : memref<1x128x32xf32, #tpu.memory_space<vmem>> -> memref<128x32xf32, #tpu.memory_space<vmem>>
        %dma_wait3A_343 = arith.constant 0 : i32
        %dma_wait3A_344 = tpu.memref_slice %arg9[%dma_wait3A_338, %dma_wait3A_343] : memref<157x128xi32, #tpu.memory_space<vmem>> -> memref<1x128xi32, #tpu.memory_space<vmem>>
        %dma_wait3A_345 = tpu.memref_squeeze %dma_wait3A_344 : memref<1x128xi32, #tpu.memory_space<vmem>> -> memref<128xi32, #tpu.memory_space<vmem>>
        %dma_wait3A_346 = arith.constant 0 : i32
        %dma_wait3A_347 = arith.constant 0 : i32
        %dma_wait3A_348 = tpu.memref_slice %arg11[%dma_wait3A_346, %dma_wait3A_347] : memref<10112x32xf32, #tpu.memory_space<vmem_shared>> -> memref<10112x32xf32, #tpu.memory_space<vmem_shared>>
        tpu.wait_indirect_dma semaphore(%arg20 : memref<!tpu.dma_semaphore, #tpu.memory_space<semaphore_mem>>) src(%dma_wait3A_342 : memref<128x32xf32, #tpu.memory_space<vmem>>) dst(%dma_wait3A_348 : memref<10112x32xf32, #tpu.memory_space<vmem_shared>>)
      } else {
      }
      %add3A_292 = arith.constant 3 : i32
      %add3A_293 = arith.addi %add3A_264, %add3A_292 : i32
      %lt3A_294 = arith.constant 156 : i32
      %lt3A_295 = arith.cmpi slt, %add3A_293, %lt3A_294 : i32
      %convert_element_type3A_296 = arith.extui %lt3A_295 : i1 to i32
      %cond3A_297 = arith.constant 0 : i32
      %cond3A_298 = arith.cmpi ne, %convert_element_type3A_296, %cond3A_297 : i32
      scf.if %cond3A_298 {
        %add3A_337 = arith.constant 3 : i32
        %add3A_338 = arith.addi %add3A_264, %add3A_337 : i32
        %dma_start3A_339 = arith.constant 1 : i32
        %dma_start3A_340 = arith.constant 0 : i32
        %dma_start3A_341 = arith.constant 0 : i32
        %dma_start3A_342 = tpu.memref_slice %arg10[%dma_start3A_339, %dma_start3A_340, %dma_start3A_341] : memref<6x128x32xf32, #tpu.memory_space<vmem>> -> memref<1x128x32xf32, #tpu.memory_space<vmem>>
        %dma_start3A_343 = tpu.memref_squeeze %dma_start3A_342 : memref<1x128x32xf32, #tpu.memory_space<vmem>> -> memref<128x32xf32, #tpu.memory_space<vmem>>
        %dma_start3A_344 = arith.constant 0 : i32
        %dma_start3A_345 = tpu.memref_slice %arg8[%add3A_338, %dma_start3A_344] : memref<157x128xi32, #tpu.memory_space<vmem>> -> memref<1x128xi32, #tpu.memory_space<vmem>>
        %dma_start3A_346 = tpu.memref_squeeze %dma_start3A_345 : memref<1x128xi32, #tpu.memory_space<vmem>> -> memref<128xi32, #tpu.memory_space<vmem>>
        %dma_start3A_347 = arith.constant 0 : i32
        %dma_start3A_348 = arith.constant 0 : i32
        %dma_start3A_349 = tpu.memref_slice %arg12[%dma_start3A_347, %dma_start3A_348] : memref<10000x32xf32, #tpu.memory_space<vmem_shared>> -> memref<10000x32xf32, #tpu.memory_space<vmem_shared>>
        tpu.enqueue_indirect_dma source(%dma_start3A_349 : memref<10000x32xf32, #tpu.memory_space<vmem_shared>>) target(%dma_start3A_343 : memref<128x32xf32, #tpu.memory_space<vmem>>) offsets(%dma_start3A_346 : memref<128xi32, #tpu.memory_space<vmem>>) semaphore(%arg14 : memref<!tpu.dma_semaphore, #tpu.memory_space<semaphore_mem>>)
      } else {
      }
      %mul3A_299 = arith.constant 6 : i32
      %mul3A_300 = arith.muli %scan3A_110, %mul3A_299 : i32
      %add3A_301 = arith.constant 5 : i32
      %add3A_302 = arith.addi %mul3A_300, %add3A_301 : i32
      %dma_wait3A_303 = arith.constant 5 : i32
      %dma_wait3A_304 = arith.constant 0 : i32
      %dma_wait3A_305 = arith.constant 0 : i32
      %dma_wait3A_306 = tpu.memref_slice %arg10[%dma_wait3A_303, %dma_wait3A_304, %dma_wait3A_305] : memref<6x128x32xf32, #tpu.memory_space<vmem>> -> memref<1x128x32xf32, #tpu.memory_space<vmem>>
      %dma_wait3A_307 = tpu.memref_squeeze %dma_wait3A_306 : memref<1x128x32xf32, #tpu.memory_space<vmem>> -> memref<128x32xf32, #tpu.memory_space<vmem>>
      %dma_wait3A_308 = arith.constant 0 : i32
      %dma_wait3A_309 = tpu.memref_slice %arg8[%add3A_302, %dma_wait3A_308] : memref<157x128xi32, #tpu.memory_space<vmem>> -> memref<1x128xi32, #tpu.memory_space<vmem>>
      %dma_wait3A_310 = tpu.memref_squeeze %dma_wait3A_309 : memref<1x128xi32, #tpu.memory_space<vmem>> -> memref<128xi32, #tpu.memory_space<vmem>>
      %dma_wait3A_311 = arith.constant 0 : i32
      %dma_wait3A_312 = arith.constant 0 : i32
      %dma_wait3A_313 = tpu.memref_slice %arg12[%dma_wait3A_311, %dma_wait3A_312] : memref<10000x32xf32, #tpu.memory_space<vmem_shared>> -> memref<10000x32xf32, #tpu.memory_space<vmem_shared>>
      tpu.wait_indirect_dma semaphore(%arg18 : memref<!tpu.dma_semaphore, #tpu.memory_space<semaphore_mem>>) src(%dma_wait3A_313 : memref<10000x32xf32, #tpu.memory_space<vmem_shared>>) dst(%dma_wait3A_307 : memref<128x32xf32, #tpu.memory_space<vmem>>)
      %dma_start3A_314 = arith.constant 5 : i32
      %dma_start3A_315 = arith.constant 0 : i32
      %dma_start3A_316 = arith.constant 0 : i32
      %dma_start3A_317 = tpu.memref_slice %arg10[%dma_start3A_314, %dma_start3A_315, %dma_start3A_316] : memref<6x128x32xf32, #tpu.memory_space<vmem>> -> memref<1x128x32xf32, #tpu.memory_space<vmem>>
      %dma_start3A_318 = tpu.memref_squeeze %dma_start3A_317 : memref<1x128x32xf32, #tpu.memory_space<vmem>> -> memref<128x32xf32, #tpu.memory_space<vmem>>
      %dma_start3A_319 = arith.constant 0 : i32
      %dma_start3A_320 = tpu.memref_slice %arg9[%add3A_302, %dma_start3A_319] : memref<157x128xi32, #tpu.memory_space<vmem>> -> memref<1x128xi32, #tpu.memory_space<vmem>>
      %dma_start3A_321 = tpu.memref_squeeze %dma_start3A_320 : memref<1x128xi32, #tpu.memory_space<vmem>> -> memref<128xi32, #tpu.memory_space<vmem>>
      %dma_start3A_322 = arith.constant 0 : i32
      %dma_start3A_323 = arith.constant 0 : i32
      %dma_start3A_324 = tpu.memref_slice %arg11[%dma_start3A_322, %dma_start3A_323] : memref<10112x32xf32, #tpu.memory_space<vmem_shared>> -> memref<10112x32xf32, #tpu.memory_space<vmem_shared>>
      tpu.enqueue_indirect_dma source(%dma_start3A_318 : memref<128x32xf32, #tpu.memory_space<vmem>>) target(%dma_start3A_324 : memref<10112x32xf32, #tpu.memory_space<vmem_shared>>) offsets(%dma_start3A_321 : memref<128xi32, #tpu.memory_space<vmem>>) semaphore(%arg24 : memref<!tpu.dma_semaphore, #tpu.memory_space<semaphore_mem>>) {add = true}
      %ge3A_325 = arith.constant 3 : i32
      %ge3A_326 = arith.cmpi sge, %add3A_302, %ge3A_325 : i32
      %convert_element_type3A_327 = arith.extui %ge3A_326 : i1 to i32
      %cond3A_328 = arith.constant 0 : i32
      %cond3A_329 = arith.cmpi ne, %convert_element_type3A_327, %cond3A_328 : i32
      scf.if %cond3A_329 {
        %dma_wait3A_337 = arith.constant 2 : i32
        %dma_wait3A_338 = arith.constant 0 : i32
        %dma_wait3A_339 = arith.constant 0 : i32
        %dma_wait3A_340 = arith.constant 0 : i32
        %dma_wait3A_341 = tpu.memref_slice %arg10[%dma_wait3A_337, %dma_wait3A_339, %dma_wait3A_340] : memref<6x128x32xf32, #tpu.memory_space<vmem>> -> memref<1x128x32xf32, #tpu.memory_space<vmem>>
        %dma_wait3A_342 = tpu.memref_squeeze %dma_wait3A_341 : memref<1x128x32xf32, #tpu.memory_space<vmem>> -> memref<128x32xf32, #tpu.memory_space<vmem>>
        %dma_wait3A_343 = arith.constant 0 : i32
        %dma_wait3A_344 = tpu.memref_slice %arg9[%dma_wait3A_338, %dma_wait3A_343] : memref<157x128xi32, #tpu.memory_space<vmem>> -> memref<1x128xi32, #tpu.memory_space<vmem>>
        %dma_wait3A_345 = tpu.memref_squeeze %dma_wait3A_344 : memref<1x128xi32, #tpu.memory_space<vmem>> -> memref<128xi32, #tpu.memory_space<vmem>>
        %dma_wait3A_346 = arith.constant 0 : i32
        %dma_wait3A_347 = arith.constant 0 : i32
        %dma_wait3A_348 = tpu.memref_slice %arg11[%dma_wait3A_346, %dma_wait3A_347] : memref<10112x32xf32, #tpu.memory_space<vmem_shared>> -> memref<10112x32xf32, #tpu.memory_space<vmem_shared>>
        tpu.wait_indirect_dma semaphore(%arg21 : memref<!tpu.dma_semaphore, #tpu.memory_space<semaphore_mem>>) src(%dma_wait3A_342 : memref<128x32xf32, #tpu.memory_space<vmem>>) dst(%dma_wait3A_348 : memref<10112x32xf32, #tpu.memory_space<vmem_shared>>)
      } else {
      }
      %add3A_330 = arith.constant 3 : i32
      %add3A_331 = arith.addi %add3A_302, %add3A_330 : i32
      %lt3A_332 = arith.constant 156 : i32
      %lt3A_333 = arith.cmpi slt, %add3A_331, %lt3A_332 : i32
      %convert_element_type3A_334 = arith.extui %lt3A_333 : i1 to i32
      %cond3A_335 = arith.constant 0 : i32
      %cond3A_336 = arith.cmpi ne, %convert_element_type3A_334, %cond3A_335 : i32
      scf.if %cond3A_336 {
        %add3A_337 = arith.constant 3 : i32
        %add3A_338 = arith.addi %add3A_302, %add3A_337 : i32
        %dma_start3A_339 = arith.constant 2 : i32
        %dma_start3A_340 = arith.constant 0 : i32
        %dma_start3A_341 = arith.constant 0 : i32
        %dma_start3A_342 = tpu.memref_slice %arg10[%dma_start3A_339, %dma_start3A_340, %dma_start3A_341] : memref<6x128x32xf32, #tpu.memory_space<vmem>> -> memref<1x128x32xf32, #tpu.memory_space<vmem>>
        %dma_start3A_343 = tpu.memref_squeeze %dma_start3A_342 : memref<1x128x32xf32, #tpu.memory_space<vmem>> -> memref<128x32xf32, #tpu.memory_space<vmem>>
        %dma_start3A_344 = arith.constant 0 : i32
        %dma_start3A_345 = tpu.memref_slice %arg8[%add3A_338, %dma_start3A_344] : memref<157x128xi32, #tpu.memory_space<vmem>> -> memref<1x128xi32, #tpu.memory_space<vmem>>
        %dma_start3A_346 = tpu.memref_squeeze %dma_start3A_345 : memref<1x128xi32, #tpu.memory_space<vmem>> -> memref<128xi32, #tpu.memory_space<vmem>>
        %dma_start3A_347 = arith.constant 0 : i32
        %dma_start3A_348 = arith.constant 0 : i32
        %dma_start3A_349 = tpu.memref_slice %arg12[%dma_start3A_347, %dma_start3A_348] : memref<10000x32xf32, #tpu.memory_space<vmem_shared>> -> memref<10000x32xf32, #tpu.memory_space<vmem_shared>>
        tpu.enqueue_indirect_dma source(%dma_start3A_349 : memref<10000x32xf32, #tpu.memory_space<vmem_shared>>) target(%dma_start3A_343 : memref<128x32xf32, #tpu.memory_space<vmem>>) offsets(%dma_start3A_346 : memref<128xi32, #tpu.memory_space<vmem>>) semaphore(%arg15 : memref<!tpu.dma_semaphore, #tpu.memory_space<semaphore_mem>>)
      } else {
      }
    }
    %scan3A_58 = arith.constant 26 : i32
    %dma_wait3A = arith.constant 3 : i32
    %dma_wait3A_59 = arith.constant 0 : i32
    %dma_wait3A_60 = arith.constant 0 : i32
    %dma_wait3A_61 = arith.constant 0 : i32
    %dma_wait3A_62 = tpu.memref_slice %arg10[%dma_wait3A, %dma_wait3A_60, %dma_wait3A_61] : memref<6x128x32xf32, #tpu.memory_space<vmem>> -> memref<1x128x32xf32, #tpu.memory_space<vmem>>
    %dma_wait3A_63 = tpu.memref_squeeze %dma_wait3A_62 : memref<1x128x32xf32, #tpu.memory_space<vmem>> -> memref<128x32xf32, #tpu.memory_space<vmem>>
    %dma_wait3A_64 = arith.constant 0 : i32
    %dma_wait3A_65 = tpu.memref_slice %arg9[%dma_wait3A_59, %dma_wait3A_64] : memref<157x128xi32, #tpu.memory_space<vmem>> -> memref<1x128xi32, #tpu.memory_space<vmem>>
    %dma_wait3A_66 = tpu.memref_squeeze %dma_wait3A_65 : memref<1x128xi32, #tpu.memory_space<vmem>> -> memref<128xi32, #tpu.memory_space<vmem>>
    %dma_wait3A_67 = arith.constant 0 : i32
    %dma_wait3A_68 = arith.constant 0 : i32
    %dma_wait3A_69 = tpu.memref_slice %arg11[%dma_wait3A_67, %dma_wait3A_68] : memref<10112x32xf32, #tpu.memory_space<vmem_shared>> -> memref<10112x32xf32, #tpu.memory_space<vmem_shared>>
    tpu.wait_indirect_dma semaphore(%arg22 : memref<!tpu.dma_semaphore, #tpu.memory_space<semaphore_mem>>) src(%dma_wait3A_63 : memref<128x32xf32, #tpu.memory_space<vmem>>) dst(%dma_wait3A_69 : memref<10112x32xf32, #tpu.memory_space<vmem_shared>>)
    %dma_wait3A_70 = arith.constant 4 : i32
    %dma_wait3A_71 = arith.constant 0 : i32
    %dma_wait3A_72 = arith.constant 0 : i32
    %dma_wait3A_73 = arith.constant 0 : i32
    %dma_wait3A_74 = tpu.memref_slice %arg10[%dma_wait3A_70, %dma_wait3A_72, %dma_wait3A_73] : memref<6x128x32xf32, #tpu.memory_space<vmem>> -> memref<1x128x32xf32, #tpu.memory_space<vmem>>
    %dma_wait3A_75 = tpu.memref_squeeze %dma_wait3A_74 : memref<1x128x32xf32, #tpu.memory_space<vmem>> -> memref<128x32xf32, #tpu.memory_space<vmem>>
    %dma_wait3A_76 = arith.constant 0 : i32
    %dma_wait3A_77 = tpu.memref_slice %arg9[%dma_wait3A_71, %dma_wait3A_76] : memref<157x128xi32, #tpu.memory_space<vmem>> -> memref<1x128xi32, #tpu.memory_space<vmem>>
    %dma_wait3A_78 = tpu.memref_squeeze %dma_wait3A_77 : memref<1x128xi32, #tpu.memory_space<vmem>> -> memref<128xi32, #tpu.memory_space<vmem>>
    %dma_wait3A_79 = arith.constant 0 : i32
    %dma_wait3A_80 = arith.constant 0 : i32
    %dma_wait3A_81 = tpu.memref_slice %arg11[%dma_wait3A_79, %dma_wait3A_80] : memref<10112x32xf32, #tpu.memory_space<vmem_shared>> -> memref<10112x32xf32, #tpu.memory_space<vmem_shared>>
    tpu.wait_indirect_dma semaphore(%arg23 : memref<!tpu.dma_semaphore, #tpu.memory_space<semaphore_mem>>) src(%dma_wait3A_75 : memref<128x32xf32, #tpu.memory_space<vmem>>) dst(%dma_wait3A_81 : memref<10112x32xf32, #tpu.memory_space<vmem_shared>>)
    %dma_wait3A_82 = arith.constant 5 : i32
    %dma_wait3A_83 = arith.constant 0 : i32
    %dma_wait3A_84 = arith.constant 0 : i32
    %dma_wait3A_85 = arith.constant 0 : i32
    %dma_wait3A_86 = tpu.memref_slice %arg10[%dma_wait3A_82, %dma_wait3A_84, %dma_wait3A_85] : memref<6x128x32xf32, #tpu.memory_space<vmem>> -> memref<1x128x32xf32, #tpu.memory_space<vmem>>
    %dma_wait3A_87 = tpu.memref_squeeze %dma_wait3A_86 : memref<1x128x32xf32, #tpu.memory_space<vmem>> -> memref<128x32xf32, #tpu.memory_space<vmem>>
    %dma_wait3A_88 = arith.constant 0 : i32
    %dma_wait3A_89 = tpu.memref_slice %arg9[%dma_wait3A_83, %dma_wait3A_88] : memref<157x128xi32, #tpu.memory_space<vmem>> -> memref<1x128xi32, #tpu.memory_space<vmem>>
    %dma_wait3A_90 = tpu.memref_squeeze %dma_wait3A_89 : memref<1x128xi32, #tpu.memory_space<vmem>> -> memref<128xi32, #tpu.memory_space<vmem>>
    %dma_wait3A_91 = arith.constant 0 : i32
    %dma_wait3A_92 = arith.constant 0 : i32
    %dma_wait3A_93 = tpu.memref_slice %arg11[%dma_wait3A_91, %dma_wait3A_92] : memref<10112x32xf32, #tpu.memory_space<vmem_shared>> -> memref<10112x32xf32, #tpu.memory_space<vmem_shared>>
    tpu.wait_indirect_dma semaphore(%arg24 : memref<!tpu.dma_semaphore, #tpu.memory_space<semaphore_mem>>) src(%dma_wait3A_87 : memref<128x32xf32, #tpu.memory_space<vmem>>) dst(%dma_wait3A_93 : memref<10112x32xf32, #tpu.memory_space<vmem_shared>>)
    %convert_element_type3A_94 = arith.extui %lt3A_0 : i1 to i32
    %cond3A_95 = arith.constant 0 : i32
    %cond3A_96 = arith.cmpi ne, %convert_element_type3A_94, %cond3A_95 : i32
    scf.if %cond3A_96 {
      %run_scoped3A_110 = arith.constant 156 : i32
      %run_scoped3A_111 = arith.constant 0 : i32
      "tpu.region"() ({
        %run_scoped3A_114 = tpu.sem_alloc : memref<!tpu.dma_semaphore, #tpu.memory_space<semaphore_mem>>
        %dma_start3A_115 = arith.constant 0 : i32
        %dma_start3A_116 = arith.constant 0 : i32
        %dma_start3A_117 = tpu.memref_slice %arg10[%run_scoped3A_111, %dma_start3A_115, %dma_start3A_116] : memref<6x128x32xf32, #tpu.memory_space<vmem>> -> memref<1x128x32xf32, #tpu.memory_space<vmem>>
        %dma_start3A_118 = tpu.memref_squeeze %dma_start3A_117 : memref<1x128x32xf32, #tpu.memory_space<vmem>> -> memref<128x32xf32, #tpu.memory_space<vmem>>
        %dma_start3A_119 = arith.constant 0 : i32
        %dma_start3A_120 = tpu.memref_slice %arg8[%run_scoped3A_110, %dma_start3A_119] : memref<157x128xi32, #tpu.memory_space<vmem>> -> memref<1x128xi32, #tpu.memory_space<vmem>>
        %dma_start3A_121 = tpu.memref_squeeze %dma_start3A_120 : memref<1x128xi32, #tpu.memory_space<vmem>> -> memref<128xi32, #tpu.memory_space<vmem>>
        %dma_start3A_122 = arith.constant 0 : i32
        %dma_start3A_123 = arith.constant 0 : i32
        %dma_start3A_124 = tpu.memref_slice %arg12[%dma_start3A_122, %dma_start3A_123] : memref<10000x32xf32, #tpu.memory_space<vmem_shared>> -> memref<10000x32xf32, #tpu.memory_space<vmem_shared>>
        tpu.enqueue_indirect_dma source(%dma_start3A_124 : memref<10000x32xf32, #tpu.memory_space<vmem_shared>>) target(%dma_start3A_118 : memref<128x32xf32, #tpu.memory_space<vmem>>) offsets(%dma_start3A_121 : memref<128xi32, #tpu.memory_space<vmem>>) semaphore(%run_scoped3A_114 : memref<!tpu.dma_semaphore, #tpu.memory_space<semaphore_mem>>)
        %dma_wait3A_125 = arith.constant 0 : i32
        %dma_wait3A_126 = arith.constant 0 : i32
        %dma_wait3A_127 = tpu.memref_slice %arg10[%run_scoped3A_111, %dma_wait3A_125, %dma_wait3A_126] : memref<6x128x32xf32, #tpu.memory_space<vmem>> -> memref<1x128x32xf32, #tpu.memory_space<vmem>>
        %dma_wait3A_128 = tpu.memref_squeeze %dma_wait3A_127 : memref<1x128x32xf32, #tpu.memory_space<vmem>> -> memref<128x32xf32, #tpu.memory_space<vmem>>
        %dma_wait3A_129 = arith.constant 0 : i32
        %dma_wait3A_130 = tpu.memref_slice %arg8[%run_scoped3A_110, %dma_wait3A_129] : memref<157x128xi32, #tpu.memory_space<vmem>> -> memref<1x128xi32, #tpu.memory_space<vmem>>
        %dma_wait3A_131 = tpu.memref_squeeze %dma_wait3A_130 : memref<1x128xi32, #tpu.memory_space<vmem>> -> memref<128xi32, #tpu.memory_space<vmem>>
        %dma_wait3A_132 = arith.constant 0 : i32
        %dma_wait3A_133 = arith.constant 0 : i32
        %dma_wait3A_134 = tpu.memref_slice %arg12[%dma_wait3A_132, %dma_wait3A_133] : memref<10000x32xf32, #tpu.memory_space<vmem_shared>> -> memref<10000x32xf32, #tpu.memory_space<vmem_shared>>
        tpu.wait_indirect_dma semaphore(%run_scoped3A_114 : memref<!tpu.dma_semaphore, #tpu.memory_space<semaphore_mem>>) src(%dma_wait3A_134 : memref<10000x32xf32, #tpu.memory_space<vmem_shared>>) dst(%dma_wait3A_128 : memref<128x32xf32, #tpu.memory_space<vmem>>)
        tpu.yield
      }) : () -> ()
      %run_scoped3A_112 = arith.constant 0 : i32
      %run_scoped3A_113 = arith.constant 156 : i32
      "tpu.region"() ({
        %run_scoped3A_114 = tpu.sem_alloc : memref<!tpu.dma_semaphore, #tpu.memory_space<semaphore_mem>>
        %dma_start3A_115 = arith.constant 0 : i32
        %dma_start3A_116 = arith.constant 0 : i32
        %dma_start3A_117 = tpu.memref_slice %arg10[%run_scoped3A_112, %dma_start3A_115, %dma_start3A_116] : memref<6x128x32xf32, #tpu.memory_space<vmem>> -> memref<1x128x32xf32, #tpu.memory_space<vmem>>
        %dma_start3A_118 = tpu.memref_squeeze %dma_start3A_117 : memref<1x128x32xf32, #tpu.memory_space<vmem>> -> memref<128x32xf32, #tpu.memory_space<vmem>>
        %dma_start3A_119 = arith.constant 0 : i32
        %dma_start3A_120 = tpu.memref_slice %arg9[%run_scoped3A_113, %dma_start3A_119] : memref<157x128xi32, #tpu.memory_space<vmem>> -> memref<1x128xi32, #tpu.memory_space<vmem>>
        %dma_start3A_121 = tpu.memref_squeeze %dma_start3A_120 : memref<1x128xi32, #tpu.memory_space<vmem>> -> memref<128xi32, #tpu.memory_space<vmem>>
        %dma_start3A_122 = arith.constant 0 : i32
        %dma_start3A_123 = arith.constant 0 : i32
        %dma_start3A_124 = tpu.memref_slice %arg11[%dma_start3A_122, %dma_start3A_123] : memref<10112x32xf32, #tpu.memory_space<vmem_shared>> -> memref<10112x32xf32, #tpu.memory_space<vmem_shared>>
        tpu.enqueue_indirect_dma source(%dma_start3A_118 : memref<128x32xf32, #tpu.memory_space<vmem>>) target(%dma_start3A_124 : memref<10112x32xf32, #tpu.memory_space<vmem_shared>>) offsets(%dma_start3A_121 : memref<128xi32, #tpu.memory_space<vmem>>) semaphore(%run_scoped3A_114 : memref<!tpu.dma_semaphore, #tpu.memory_space<semaphore_mem>>) {add = true}
        %dma_wait3A_125 = arith.constant 0 : i32
        %dma_wait3A_126 = arith.constant 0 : i32
        %dma_wait3A_127 = tpu.memref_slice %arg10[%run_scoped3A_112, %dma_wait3A_125, %dma_wait3A_126] : memref<6x128x32xf32, #tpu.memory_space<vmem>> -> memref<1x128x32xf32, #tpu.memory_space<vmem>>
        %dma_wait3A_128 = tpu.memref_squeeze %dma_wait3A_127 : memref<1x128x32xf32, #tpu.memory_space<vmem>> -> memref<128x32xf32, #tpu.memory_space<vmem>>
        %dma_wait3A_129 = arith.constant 0 : i32
        %dma_wait3A_130 = tpu.memref_slice %arg9[%run_scoped3A_113, %dma_wait3A_129] : memref<157x128xi32, #tpu.memory_space<vmem>> -> memref<1x128xi32, #tpu.memory_space<vmem>>
        %dma_wait3A_131 = tpu.memref_squeeze %dma_wait3A_130 : memref<1x128xi32, #tpu.memory_space<vmem>> -> memref<128xi32, #tpu.memory_space<vmem>>
        %dma_wait3A_132 = arith.constant 0 : i32
        %dma_wait3A_133 = arith.constant 0 : i32
        %dma_wait3A_134 = tpu.memref_slice %arg11[%dma_wait3A_132, %dma_wait3A_133] : memref<10112x32xf32, #tpu.memory_space<vmem_shared>> -> memref<10112x32xf32, #tpu.memory_space<vmem_shared>>
        tpu.wait_indirect_dma semaphore(%run_scoped3A_114 : memref<!tpu.dma_semaphore, #tpu.memory_space<semaphore_mem>>) src(%dma_wait3A_128 : memref<128x32xf32, #tpu.memory_space<vmem>>) dst(%dma_wait3A_134 : memref<10112x32xf32, #tpu.memory_space<vmem_shared>>)
        tpu.yield
      }) : () -> ()
    } else {
    }
    %barrier3A_97 = arith.constant 0 : index
    tpu.barrier barrier_id(%barrier3A_97)
    %mul3A_98 = arith.constant 632 : i32
    %mul3A_99 = arith.muli %arg1, %mul3A_98 : i32
    %eq3A_100 = arith.constant 0 : i32
    %eq3A_101 = arith.cmpi eq, %arg0, %eq3A_100 : i32
    %convert_element_type3A_102 = arith.extui %eq3A_101 : i1 to i32
    %cond3A_103 = arith.constant 0 : i32
    %cond3A_104 = arith.cmpi ne, %convert_element_type3A_102, %cond3A_103 : i32
    scf.if %cond3A_104 {
      "tpu.region"() ({
        %run_scoped3A_110 = tpu.sem_alloc : memref<!tpu.dma_semaphore, #tpu.memory_space<semaphore_mem>>
        %dma_start3A_111 = arith.constant 0 : i32
        %dma_start3A_112 = tpu.memref_slice %arg6[%mul3A_99, %dma_start3A_111] : memref<10112x32xf32, #tpu.memory_space<hbm>> -> memref<632x32xf32, #tpu.memory_space<hbm>>
        %dma_start3A_113 = arith.constant 0 : i32
        %dma_start3A_114 = tpu.memref_slice %arg11[%mul3A_99, %dma_start3A_113] : memref<10112x32xf32, #tpu.memory_space<vmem_shared>> -> memref<632x32xf32, #tpu.memory_space<vmem_shared>>
        tpu.enqueue_dma source(%dma_start3A_114 : memref<632x32xf32, #tpu.memory_space<vmem_shared>>) target(%dma_start3A_112 : memref<632x32xf32, #tpu.memory_space<hbm>>) target_semaphore(%run_scoped3A_110 : memref<!tpu.dma_semaphore, #tpu.memory_space<semaphore_mem>>)
        %dma_wait3A_115 = arith.constant 0 : i32
        %dma_wait3A_116 = tpu.memref_slice %arg6[%mul3A_99, %dma_wait3A_115] : memref<10112x32xf32, #tpu.memory_space<hbm>> -> memref<632x32xf32, #tpu.memory_space<hbm>>
        %dma_wait3A_117 = arith.constant 0 : i32
        %dma_wait3A_118 = tpu.memref_slice %arg11[%mul3A_99, %dma_wait3A_117] : memref<10112x32xf32, #tpu.memory_space<vmem_shared>> -> memref<632x32xf32, #tpu.memory_space<vmem_shared>>
        tpu.wait_dma2 semaphore(%run_scoped3A_110 : memref<!tpu.dma_semaphore, #tpu.memory_space<semaphore_mem>>) src(%dma_wait3A_118 : memref<632x32xf32, #tpu.memory_space<vmem_shared>>) dst(%dma_wait3A_116 : memref<632x32xf32, #tpu.memory_space<hbm>>)
        tpu.yield
      }) : () -> ()
    } else {
    }
    %eq3A_105 = arith.constant 1 : i32
    %eq3A_106 = arith.cmpi eq, %arg0, %eq3A_105 : i32
    %convert_element_type3A_107 = arith.extui %eq3A_106 : i1 to i32
    %cond3A_108 = arith.constant 0 : i32
    %cond3A_109 = arith.cmpi ne, %convert_element_type3A_107, %cond3A_108 : i32
    scf.if %cond3A_109 {
      "tpu.region"() ({
        %run_scoped3A_110 = tpu.sem_alloc : memref<!tpu.dma_semaphore, #tpu.memory_space<semaphore_mem>>
        %dma_start3A_111 = arith.constant 0 : i32
        %dma_start3A_112 = tpu.memref_slice %arg7[%mul3A_99, %dma_start3A_111] : memref<10112x32xf32, #tpu.memory_space<hbm>> -> memref<632x32xf32, #tpu.memory_space<hbm>>
        %dma_start3A_113 = arith.constant 0 : i32
        %dma_start3A_114 = tpu.memref_slice %arg11[%mul3A_99, %dma_start3A_113] : memref<10112x32xf32, #tpu.memory_space<vmem_shared>> -> memref<632x32xf32, #tpu.memory_space<vmem_shared>>
        tpu.enqueue_dma source(%dma_start3A_114 : memref<632x32xf32, #tpu.memory_space<vmem_shared>>) target(%dma_start3A_112 : memref<632x32xf32, #tpu.memory_space<hbm>>) target_semaphore(%run_scoped3A_110 : memref<!tpu.dma_semaphore, #tpu.memory_space<semaphore_mem>>)
        %dma_wait3A_115 = arith.constant 0 : i32
        %dma_wait3A_116 = tpu.memref_slice %arg7[%mul3A_99, %dma_wait3A_115] : memref<10112x32xf32, #tpu.memory_space<hbm>> -> memref<632x32xf32, #tpu.memory_space<hbm>>
        %dma_wait3A_117 = arith.constant 0 : i32
        %dma_wait3A_118 = tpu.memref_slice %arg11[%mul3A_99, %dma_wait3A_117] : memref<10112x32xf32, #tpu.memory_space<vmem_shared>> -> memref<632x32xf32, #tpu.memory_space<vmem_shared>>
        tpu.wait_dma2 semaphore(%run_scoped3A_110 : memref<!tpu.dma_semaphore, #tpu.memory_space<semaphore_mem>>) src(%dma_wait3A_118 : memref<632x32xf32, #tpu.memory_space<vmem_shared>>) dst(%dma_wait3A_116 : memref<632x32xf32, #tpu.memory_space<hbm>>)
        tpu.yield
      }) : () -> ()
    } else {
    }
    return
  }
}

#map = affine_map<(d0, d1) -> (0, 0)>
#map1 = affine_map<(d0, d1) -> (0)>
module attributes {stable_mosaic.version = 14 : i64} {
  func.func @body(%arg0: i32, %arg1: i32, %arg2: memref<10000x2xf32, #tpu.memory_space<hbm>>, %arg3: memref<2x100000xi32, #tpu.memory_space<hbm>>, %arg4: memref<100000xf32, #tpu.memory_space<hbm>>, %arg5: memref<10000x2xf32, #tpu.memory_space<vmem>>, %arg6: memref<3136xi32, #tpu.memory_space<vmem>>, %arg7: memref<3136xi32, #tpu.memory_space<vmem>>, %arg8: memref<3136xf32, #tpu.memory_space<vmem>>) attributes {dimension_semantics = [#tpu.dimension_semantics<core_parallel>, #tpu.dimension_semantics<subcore_parallel>], iteration_bounds = array<i64: 2, 16>, scalar_prefetch = 0 : i64, scratch_operands = 4 : i64, tpu.core_type = #tpu.core_type<sc_vector_subcore>, window_params = [{transform_indices = #map}, {transform_indices = #map}, {transform_indices = #map1}]} {
    %mul3A = arith.constant 16 : i32
    %mul3A_0 = arith.muli %arg0, %mul3A : i32
    %add3A = arith.addi %mul3A_0, %arg1 : i32
    %mul3A_1 = arith.constant 3136 : i32
    %mul3A_2 = arith.muli %add3A, %mul3A_1 : i32
    %min3A = arith.constant 96864 : i32
    %min3A_3 = arith.minsi %mul3A_2, %min3A : i32
    "tpu.region"() ({
      %run_scoped3A_13 = tpu.sem_alloc : memref<!tpu.dma_semaphore, #tpu.memory_space<semaphore_mem>>
      tpu.enqueue_dma source(%arg2 : memref<10000x2xf32, #tpu.memory_space<hbm>>) target(%arg5 : memref<10000x2xf32, #tpu.memory_space<vmem>>) target_semaphore(%run_scoped3A_13 : memref<!tpu.dma_semaphore, #tpu.memory_space<semaphore_mem>>)
      tpu.wait_dma2 semaphore(%run_scoped3A_13 : memref<!tpu.dma_semaphore, #tpu.memory_space<semaphore_mem>>) src(%arg2 : memref<10000x2xf32, #tpu.memory_space<hbm>>) dst(%arg5 : memref<10000x2xf32, #tpu.memory_space<vmem>>)
      tpu.yield
    }) : () -> ()
    %run_scoped3A = arith.constant 0 : i32
    "tpu.region"() ({
      %run_scoped3A_13 = tpu.sem_alloc : memref<!tpu.dma_semaphore, #tpu.memory_space<semaphore_mem>>
      %dma_start3A = tpu.memref_slice %arg3[%run_scoped3A, %min3A_3] : memref<2x100000xi32, #tpu.memory_space<hbm>> -> memref<1x3136xi32, #tpu.memory_space<hbm>>
      %dma_start3A_14 = tpu.memref_squeeze %dma_start3A : memref<1x3136xi32, #tpu.memory_space<hbm>> -> memref<3136xi32, #tpu.memory_space<hbm>>
      %dma_start3A_15 = tpu.memref_slice %arg3[%run_scoped3A, %min3A_3] : memref<2x100000xi32, #tpu.memory_space<hbm>> -> memref<1x3136xi32, #tpu.memory_space<hbm>>
      %dma_start3A_16 = tpu.memref_squeeze %dma_start3A_15 : memref<1x3136xi32, #tpu.memory_space<hbm>> -> memref<3136xi32, #tpu.memory_space<hbm>>
      tpu.enqueue_dma source(%dma_start3A_16 : memref<3136xi32, #tpu.memory_space<hbm>>) target(%arg6 : memref<3136xi32, #tpu.memory_space<vmem>>) target_semaphore(%run_scoped3A_13 : memref<!tpu.dma_semaphore, #tpu.memory_space<semaphore_mem>>)
      %dma_wait3A = tpu.memref_slice %arg3[%run_scoped3A, %min3A_3] : memref<2x100000xi32, #tpu.memory_space<hbm>> -> memref<1x3136xi32, #tpu.memory_space<hbm>>
      %dma_wait3A_17 = tpu.memref_squeeze %dma_wait3A : memref<1x3136xi32, #tpu.memory_space<hbm>> -> memref<3136xi32, #tpu.memory_space<hbm>>
      %dma_wait3A_18 = tpu.memref_slice %arg3[%run_scoped3A, %min3A_3] : memref<2x100000xi32, #tpu.memory_space<hbm>> -> memref<1x3136xi32, #tpu.memory_space<hbm>>
      %dma_wait3A_19 = tpu.memref_squeeze %dma_wait3A_18 : memref<1x3136xi32, #tpu.memory_space<hbm>> -> memref<3136xi32, #tpu.memory_space<hbm>>
      tpu.wait_dma2 semaphore(%run_scoped3A_13 : memref<!tpu.dma_semaphore, #tpu.memory_space<semaphore_mem>>) src(%dma_wait3A_19 : memref<3136xi32, #tpu.memory_space<hbm>>) dst(%arg6 : memref<3136xi32, #tpu.memory_space<vmem>>)
      tpu.yield
    }) : () -> ()
    %run_scoped3A_4 = arith.constant 1 : i32
    "tpu.region"() ({
      %run_scoped3A_13 = tpu.sem_alloc : memref<!tpu.dma_semaphore, #tpu.memory_space<semaphore_mem>>
      %dma_start3A = tpu.memref_slice %arg3[%run_scoped3A_4, %min3A_3] : memref<2x100000xi32, #tpu.memory_space<hbm>> -> memref<1x3136xi32, #tpu.memory_space<hbm>>
      %dma_start3A_14 = tpu.memref_squeeze %dma_start3A : memref<1x3136xi32, #tpu.memory_space<hbm>> -> memref<3136xi32, #tpu.memory_space<hbm>>
      %dma_start3A_15 = tpu.memref_slice %arg3[%run_scoped3A_4, %min3A_3] : memref<2x100000xi32, #tpu.memory_space<hbm>> -> memref<1x3136xi32, #tpu.memory_space<hbm>>
      %dma_start3A_16 = tpu.memref_squeeze %dma_start3A_15 : memref<1x3136xi32, #tpu.memory_space<hbm>> -> memref<3136xi32, #tpu.memory_space<hbm>>
      tpu.enqueue_dma source(%dma_start3A_16 : memref<3136xi32, #tpu.memory_space<hbm>>) target(%arg7 : memref<3136xi32, #tpu.memory_space<vmem>>) target_semaphore(%run_scoped3A_13 : memref<!tpu.dma_semaphore, #tpu.memory_space<semaphore_mem>>)
      %dma_wait3A = tpu.memref_slice %arg3[%run_scoped3A_4, %min3A_3] : memref<2x100000xi32, #tpu.memory_space<hbm>> -> memref<1x3136xi32, #tpu.memory_space<hbm>>
      %dma_wait3A_17 = tpu.memref_squeeze %dma_wait3A : memref<1x3136xi32, #tpu.memory_space<hbm>> -> memref<3136xi32, #tpu.memory_space<hbm>>
      %dma_wait3A_18 = tpu.memref_slice %arg3[%run_scoped3A_4, %min3A_3] : memref<2x100000xi32, #tpu.memory_space<hbm>> -> memref<1x3136xi32, #tpu.memory_space<hbm>>
      %dma_wait3A_19 = tpu.memref_squeeze %dma_wait3A_18 : memref<1x3136xi32, #tpu.memory_space<hbm>> -> memref<3136xi32, #tpu.memory_space<hbm>>
      tpu.wait_dma2 semaphore(%run_scoped3A_13 : memref<!tpu.dma_semaphore, #tpu.memory_space<semaphore_mem>>) src(%dma_wait3A_19 : memref<3136xi32, #tpu.memory_space<hbm>>) dst(%arg7 : memref<3136xi32, #tpu.memory_space<vmem>>)
      tpu.yield
    }) : () -> ()
    %broadcast_in_dim3A = arith.constant 0 : i32
    %broadcast_in_dim3A_5 = vector.broadcast %broadcast_in_dim3A : i32 to vector<16xi32>
    %broadcast_in_dim3A_6 = arith.constant 1 : i32
    %broadcast_in_dim3A_7 = vector.broadcast %broadcast_in_dim3A_6 : i32 to vector<16xi32>
    %scan3A = arith.constant 0 : i32
    %scan3A_8 = arith.constant 0 : i32
    %scan3A_9 = arith.constant 196 : i32
    %scan3A_10 = arith.addi %scan3A_8, %scan3A_9 : i32
    %scan3A_11 = arith.constant 1 : i32
    scf.for %scan3A_13 = %scan3A_8 to %scan3A_10 step %scan3A_11  : i32 {
      %mul3A_14 = arith.constant 16 : i32
      %mul3A_15 = arith.muli %scan3A_13, %mul3A_14 : i32
      %get3A = arith.index_cast %mul3A_15 : i32 to index
      %get3A_16 = tpu.vector_load %arg6[%get3A] {strides = array<i32>} : memref<3136xi32, #tpu.memory_space<vmem>>, vector<16xi32>,
      %gather3A = tpu.vector_load_idx %arg5[%get3A_16, %broadcast_in_dim3A_5] : memref<10000x2xf32, #tpu.memory_space<vmem>>[vector<16xi32>, vector<16xi32>], vector<16xf32>,
      %get3A_17 = arith.index_cast %mul3A_15 : i32 to index
      %get3A_18 = tpu.vector_load %arg7[%get3A_17] {strides = array<i32>} : memref<3136xi32, #tpu.memory_space<vmem>>, vector<16xi32>,
      %gather3A_19 = tpu.vector_load_idx %arg5[%get3A_18, %broadcast_in_dim3A_7] : memref<10000x2xf32, #tpu.memory_space<vmem>>[vector<16xi32>, vector<16xi32>], vector<16xf32>,
      %add3A_20 = arith.addf %gather3A, %gather3A_19 : vector<16xf32>
      %swap3A = arith.index_cast %mul3A_15 : i32 to index
      %swap3A_21 = tpu.vector_load %arg8[%swap3A] {strides = array<i32>} : memref<3136xf32, #tpu.memory_space<vmem>>, vector<16xf32>,
      tpu.vector_store %arg8[%swap3A], %add3A_20 {strides = array<i32>} : memref<3136xf32, #tpu.memory_space<vmem>>, vector<16xf32>,
    }
    %scan3A_12 = arith.constant 196 : i32
    "tpu.region"() ({
      %run_scoped3A_13 = tpu.sem_alloc : memref<!tpu.dma_semaphore, #tpu.memory_space<semaphore_mem>>
      %dma_start3A = tpu.memref_slice %arg4[%min3A_3] : memref<100000xf32, #tpu.memory_space<hbm>> -> memref<3136xf32, #tpu.memory_space<hbm>>
      %dma_start3A_14 = tpu.memref_slice %arg4[%min3A_3] : memref<100000xf32, #tpu.memory_space<hbm>> -> memref<3136xf32, #tpu.memory_space<hbm>>
      tpu.enqueue_dma source(%arg8 : memref<3136xf32, #tpu.memory_space<vmem>>) target(%dma_start3A_14 : memref<3136xf32, #tpu.memory_space<hbm>>) target_semaphore(%run_scoped3A_13 : memref<!tpu.dma_semaphore, #tpu.memory_space<semaphore_mem>>)
      %dma_wait3A = tpu.memref_slice %arg4[%min3A_3] : memref<100000xf32, #tpu.memory_space<hbm>> -> memref<3136xf32, #tpu.memory_space<hbm>>
      %dma_wait3A_15 = tpu.memref_slice %arg4[%min3A_3] : memref<100000xf32, #tpu.memory_space<hbm>> -> memref<3136xf32, #tpu.memory_space<hbm>>
      tpu.wait_dma2 semaphore(%run_scoped3A_13 : memref<!tpu.dma_semaphore, #tpu.memory_space<semaphore_mem>>) src(%arg8 : memref<3136xf32, #tpu.memory_space<vmem>>) dst(%dma_wait3A_15 : memref<3136xf32, #tpu.memory_space<hbm>>)
      tpu.yield
    }) : () -> ()
    return
  }
}

module attributes {stable_mosaic.version = 14 : i64} {
  func.func @body(%arg0: i32, %arg1: memref<1000x128xf32, #tpu.memory_space<vmem>>, %arg2: memref<128x64xf32, #tpu.memory_space<vmem>>, %arg3: memref<128x64xf32, #tpu.memory_space<vmem>>, %arg4: memref<1x64xf32, #tpu.memory_space<vmem>>, %arg5: memref<1000x32xf32, #tpu.memory_space<vmem>>, %arg6: memref<1000x32xf32, #tpu.memory_space<vmem>>, %arg7: memref<1000x64xf32, #tpu.memory_space<vmem>>) attributes {dimension_semantics = [#tpu.dimension_semantics<arbitrary>], iteration_bounds = array<i64: 10>, scalar_prefetch = 0 : i64, scratch_operands = 0 : i64, tpu.core_type = #tpu.core_type<tc>, window_params = [{transform_indices = @transform_0, window_bounds = array<i64: 1000, 128>}, {pipeline_mode = #tpu.pipeline_mode<synchronous>, transform_indices = @transform_1, window_bounds = array<i64: 128, 64>}, {pipeline_mode = #tpu.pipeline_mode<synchronous>, transform_indices = @transform_2, window_bounds = array<i64: 128, 64>}, {pipeline_mode = #tpu.pipeline_mode<synchronous>, transform_indices = @transform_3, window_bounds = array<i64: 1, 64>}, {transform_indices = @transform_4, window_bounds = array<i64: 1000, 32>}, {transform_indices = @transform_5, window_bounds = array<i64: 1000, 32>}, {transform_indices = @transform_6, window_bounds = array<i64: 1000, 64>}]} {
    %get3A = arith.constant 0 : index
    %get3A_0 = arith.constant 0 : index
    %get3A_1 = vector.load %arg1[%get3A, %get3A_0] : memref<1000x128xf32, #tpu.memory_space<vmem>>, vector<1000x128xf32>
    %get3A_2 = arith.constant 0 : index
    %get3A_3 = arith.constant 0 : index
    %get3A_4 = vector.load %arg2[%get3A_2, %get3A_3] : memref<128x64xf32, #tpu.memory_space<vmem>>, vector<128x64xf32>
    %dot_general3A = arith.constant dense<0.000000e+00> : vector<1000x64xf32>
    %dot_general3A_5 = tpu.matmul %get3A_1, %get3A_4, %dot_general3A {dimension_numbers = #tpu.dot_dimension_numbers<[1], [0], [0], [1], [0, 0, 1, 1], [], []>, transpose_lhs_hint = false} : vector<1000x128xf32>, vector<128x64xf32>, vector<1000x64xf32> -> vector<1000x64xf32>
    %slice3A = vector.extract_strided_slice %dot_general3A_5 {offsets = [0, 0], sizes = [1000, 32], strides = [1, 1]} : vector<1000x64xf32> to vector<1000x32xf32>
    %swap3A = arith.constant 0 : index
    %swap3A_6 = arith.constant 0 : index
    %swap3A_7 = vector.load %arg5[%swap3A, %swap3A_6] : memref<1000x32xf32, #tpu.memory_space<vmem>>, vector<1000x32xf32>
    tpu.vector_store %arg5[%swap3A, %swap3A_6], %slice3A {strides = array<i32>} : memref<1000x32xf32, #tpu.memory_space<vmem>>, vector<1000x32xf32>,
    %slice3A_8 = vector.extract_strided_slice %dot_general3A_5 {offsets = [0, 32], sizes = [1000, 32], strides = [1, 1]} : vector<1000x64xf32> to vector<1000x32xf32>
    %swap3A_9 = arith.constant 0 : index
    %swap3A_10 = arith.constant 0 : index
    %swap3A_11 = vector.load %arg6[%swap3A_9, %swap3A_10] : memref<1000x32xf32, #tpu.memory_space<vmem>>, vector<1000x32xf32>
    tpu.vector_store %arg6[%swap3A_9, %swap3A_10], %slice3A_8 {strides = array<i32>} : memref<1000x32xf32, #tpu.memory_space<vmem>>, vector<1000x32xf32>,
    %get3A_12 = arith.constant 0 : index
    %get3A_13 = arith.constant 0 : index
    %get3A_14 = vector.load %arg3[%get3A_12, %get3A_13] : memref<128x64xf32, #tpu.memory_space<vmem>>, vector<128x64xf32>
    %dot_general3A_15 = arith.constant dense<0.000000e+00> : vector<1000x64xf32>
    %dot_general3A_16 = tpu.matmul %get3A_1, %get3A_14, %dot_general3A_15 {dimension_numbers = #tpu.dot_dimension_numbers<[1], [0], [0], [1], [0, 0, 1, 1], [], []>, transpose_lhs_hint = false} : vector<1000x128xf32>, vector<128x64xf32>, vector<1000x64xf32> -> vector<1000x64xf32>
    %get3A_17 = arith.constant 0 : index
    %get3A_18 = arith.constant 0 : index
    %get3A_19 = vector.load %arg4[%get3A_17, %get3A_18] : memref<1x64xf32, #tpu.memory_space<vmem>>, vector<1x64xf32>
    %add3A = vector.broadcast %get3A_19 : vector<1x64xf32> to vector<1000x64xf32>
    %add3A_20 = arith.addf %dot_general3A_16, %add3A : vector<1000x64xf32>
    %swap3A_21 = arith.constant 0 : index
    %swap3A_22 = arith.constant 0 : index
    %swap3A_23 = vector.load %arg7[%swap3A_21, %swap3A_22] : memref<1000x64xf32, #tpu.memory_space<vmem>>, vector<1000x64xf32>
    tpu.vector_store %arg7[%swap3A_21, %swap3A_22], %add3A_20 {strides = array<i32>} : memref<1000x64xf32, #tpu.memory_space<vmem>>, vector<1000x64xf32>,
    return
  }
  func.func @transform_0(%arg0: i32) -> (i32, i32) {
    %c0_i32 = arith.constant 0 : i32
    %c0_i32_0 = arith.constant 0 : i32
    return %arg0, %c0_i32 : i32, i32
  }
  func.func @transform_1(%arg0: i32) -> (i32, i32) {
    %c0_i32 = arith.constant 0 : i32
    %c0_i32_0 = arith.constant 0 : i32
    %c0_i32_1 = arith.constant 0 : i32
    return %c0_i32, %c0_i32_0 : i32, i32
  }
  func.func @transform_2(%arg0: i32) -> (i32, i32) {
    %c0_i32 = arith.constant 0 : i32
    %c0_i32_0 = arith.constant 0 : i32
    %c0_i32_1 = arith.constant 0 : i32
    return %c0_i32, %c0_i32_0 : i32, i32
  }
  func.func @transform_3(%arg0: i32) -> (i32, i32) {
    %c0_i32 = arith.constant 0 : i32
    %c0_i32_0 = arith.constant 0 : i32
    %c0_i32_1 = arith.constant 0 : i32
    return %c0_i32, %c0_i32_0 : i32, i32
  }
  func.func @transform_4(%arg0: i32) -> (i32, i32) {
    %c0_i32 = arith.constant 0 : i32
    %c0_i32_0 = arith.constant 0 : i32
    return %arg0, %c0_i32 : i32, i32
  }
  func.func @transform_5(%arg0: i32) -> (i32, i32) {
    %c0_i32 = arith.constant 0 : i32
    %c0_i32_0 = arith.constant 0 : i32
    return %arg0, %c0_i32 : i32, i32
  }
  func.func @transform_6(%arg0: i32) -> (i32, i32) {
    %c0_i32 = arith.constant 0 : i32
    %c0_i32_0 = arith.constant 0 : i32
    return %arg0, %c0_i32 : i32, i32
  }
}

module attributes {stable_mosaic.version = 14 : i64} {
  func.func @body(%arg0: i32, %arg1: memref<1000x32xf32, #tpu.memory_space<vmem>>, %arg2: memref<1000x32xf32, #tpu.memory_space<vmem>>, %arg3: memref<1000x8xf32, #tpu.memory_space<vmem>>, %arg4: memref<1000x8xf32, #tpu.memory_space<vmem>>, %arg5: memref<1000x64xf32, #tpu.memory_space<vmem>>, %arg6: memref<64x64xf32, #tpu.memory_space<vmem>>, %arg7: memref<64x64xf32, #tpu.memory_space<vmem>>, %arg8: memref<1x64xf32, #tpu.memory_space<vmem>>, %arg9: memref<1000x32xf32, #tpu.memory_space<vmem>>, %arg10: memref<1000x32xf32, #tpu.memory_space<vmem>>, %arg11: memref<1000x64xf32, #tpu.memory_space<vmem>>, %arg12: memref<1000x1xf32, #tpu.memory_space<vmem>>) attributes {dimension_semantics = [#tpu.dimension_semantics<arbitrary>], iteration_bounds = array<i64: 10>, scalar_prefetch = 0 : i64, scratch_operands = 0 : i64, tpu.core_type = #tpu.core_type<tc>, window_params = [{transform_indices = @transform_0, window_bounds = array<i64: 1000, 32>}, {transform_indices = @transform_1, window_bounds = array<i64: 1000, 32>}, {transform_indices = @transform_2, window_bounds = array<i64: 1000, 8>}, {transform_indices = @transform_3, window_bounds = array<i64: 1000, 8>}, {transform_indices = @transform_4, window_bounds = array<i64: 1000, 64>}, {pipeline_mode = #tpu.pipeline_mode<synchronous>, transform_indices = @transform_5, window_bounds = array<i64: 64, 64>}, {pipeline_mode = #tpu.pipeline_mode<synchronous>, transform_indices = @transform_6, window_bounds = array<i64: 64, 64>}, {pipeline_mode = #tpu.pipeline_mode<synchronous>, transform_indices = @transform_7, window_bounds = array<i64: 1, 64>}, {transform_indices = @transform_8, window_bounds = array<i64: 1000, 32>}, {transform_indices = @transform_9, window_bounds = array<i64: 1000, 32>}, {transform_indices = @transform_10, window_bounds = array<i64: 1000, 64>}, {transform_indices = @transform_11, window_bounds = array<i64: 1000, 1>}]} {
    %get3A = arith.constant 0 : index
    %get3A_0 = arith.constant 0 : index
    %get3A_1 = vector.load %arg3[%get3A, %get3A_0] : memref<1000x8xf32, #tpu.memory_space<vmem>>, vector<1000x8xf32>
    %slice3A = vector.extract_strided_slice %get3A_1 {offsets = [0, 0], sizes = [1000, 1], strides = [1, 1]} : vector<1000x8xf32> to vector<1000x1xf32>
    %get3A_2 = arith.constant 0 : index
    %get3A_3 = arith.constant 0 : index
    %get3A_4 = vector.load %arg4[%get3A_2, %get3A_3] : memref<1000x8xf32, #tpu.memory_space<vmem>>, vector<1000x8xf32>
    %slice3A_5 = vector.extract_strided_slice %get3A_4 {offsets = [0, 0], sizes = [1000, 1], strides = [1, 1]} : vector<1000x8xf32> to vector<1000x1xf32>
    %add3A = arith.addf %slice3A, %slice3A_5 : vector<1000x1xf32>
    %max3A = arith.constant 1.000000e+00 : f32
    %max3A_6 = vector.broadcast %max3A : f32 to vector<1000x1xf32>
    %max3A_7 = arith.maximumf %add3A, %max3A_6 : vector<1000x1xf32>
    %div3A = arith.constant 1.000000e+00 : f32
    %div3A_8 = vector.broadcast %div3A : f32 to vector<1000x1xf32>
    %div3A_9 = arith.divf %div3A_8, %max3A_7 : vector<1000x1xf32>
    %get3A_10 = arith.constant 0 : index
    %get3A_11 = arith.constant 0 : index
    %get3A_12 = vector.load %arg1[%get3A_10, %get3A_11] : memref<1000x32xf32, #tpu.memory_space<vmem>>, vector<1000x32xf32>
    %get3A_13 = arith.constant 0 : index
    %get3A_14 = arith.constant 0 : index
    %get3A_15 = vector.load %arg2[%get3A_13, %get3A_14] : memref<1000x32xf32, #tpu.memory_space<vmem>>, vector<1000x32xf32>
    %concatenate3A = tpu.concatenate %get3A_12, %get3A_15 in 1 : vector<1000x32xf32>, vector<1000x32xf32> -> vector<1000x64xf32>
    %mul3A = vector.broadcast %div3A_9 : vector<1000x1xf32> to vector<1000x64xf32>
    %mul3A_16 = arith.mulf %concatenate3A, %mul3A : vector<1000x64xf32>
    %get3A_17 = arith.constant 0 : index
    %get3A_18 = arith.constant 0 : index
    %get3A_19 = vector.load %arg5[%get3A_17, %get3A_18] : memref<1000x64xf32, #tpu.memory_space<vmem>>, vector<1000x64xf32>
    %add3A_20 = arith.addf %mul3A_16, %get3A_19 : vector<1000x64xf32>
    %max3A_21 = arith.constant 0.000000e+00 : f32
    %max3A_22 = vector.broadcast %max3A_21 : f32 to vector<1000x64xf32>
    %max3A_23 = arith.maximumf %add3A_20, %max3A_22 : vector<1000x64xf32>
    %get3A_24 = arith.constant 0 : index
    %get3A_25 = arith.constant 0 : index
    %get3A_26 = vector.load %arg6[%get3A_24, %get3A_25] : memref<64x64xf32, #tpu.memory_space<vmem>>, vector<64x64xf32>
    %dot_general3A = arith.constant dense<0.000000e+00> : vector<1000x64xf32>
    %dot_general3A_27 = tpu.matmul %max3A_23, %get3A_26, %dot_general3A {dimension_numbers = #tpu.dot_dimension_numbers<[1], [0], [0], [1], [0, 0, 1, 1], [], []>, transpose_lhs_hint = false} : vector<1000x64xf32>, vector<64x64xf32>, vector<1000x64xf32> -> vector<1000x64xf32>
    %slice3A_28 = vector.extract_strided_slice %dot_general3A_27 {offsets = [0, 0], sizes = [1000, 32], strides = [1, 1]} : vector<1000x64xf32> to vector<1000x32xf32>
    %swap3A = arith.constant 0 : index
    %swap3A_29 = arith.constant 0 : index
    %swap3A_30 = vector.load %arg9[%swap3A, %swap3A_29] : memref<1000x32xf32, #tpu.memory_space<vmem>>, vector<1000x32xf32>
    tpu.vector_store %arg9[%swap3A, %swap3A_29], %slice3A_28 {strides = array<i32>} : memref<1000x32xf32, #tpu.memory_space<vmem>>, vector<1000x32xf32>,
    %slice3A_31 = vector.extract_strided_slice %dot_general3A_27 {offsets = [0, 32], sizes = [1000, 32], strides = [1, 1]} : vector<1000x64xf32> to vector<1000x32xf32>
    %swap3A_32 = arith.constant 0 : index
    %swap3A_33 = arith.constant 0 : index
    %swap3A_34 = vector.load %arg10[%swap3A_32, %swap3A_33] : memref<1000x32xf32, #tpu.memory_space<vmem>>, vector<1000x32xf32>
    tpu.vector_store %arg10[%swap3A_32, %swap3A_33], %slice3A_31 {strides = array<i32>} : memref<1000x32xf32, #tpu.memory_space<vmem>>, vector<1000x32xf32>,
    %get3A_35 = arith.constant 0 : index
    %get3A_36 = arith.constant 0 : index
    %get3A_37 = vector.load %arg7[%get3A_35, %get3A_36] : memref<64x64xf32, #tpu.memory_space<vmem>>, vector<64x64xf32>
    %dot_general3A_38 = arith.constant dense<0.000000e+00> : vector<1000x64xf32>
    %dot_general3A_39 = tpu.matmul %max3A_23, %get3A_37, %dot_general3A_38 {dimension_numbers = #tpu.dot_dimension_numbers<[1], [0], [0], [1], [0, 0, 1, 1], [], []>, transpose_lhs_hint = false} : vector<1000x64xf32>, vector<64x64xf32>, vector<1000x64xf32> -> vector<1000x64xf32>
    %get3A_40 = arith.constant 0 : index
    %get3A_41 = arith.constant 0 : index
    %get3A_42 = vector.load %arg8[%get3A_40, %get3A_41] : memref<1x64xf32, #tpu.memory_space<vmem>>, vector<1x64xf32>
    %add3A_43 = vector.broadcast %get3A_42 : vector<1x64xf32> to vector<1000x64xf32>
    %add3A_44 = arith.addf %dot_general3A_39, %add3A_43 : vector<1000x64xf32>
    %swap3A_45 = arith.constant 0 : index
    %swap3A_46 = arith.constant 0 : index
    %swap3A_47 = vector.load %arg11[%swap3A_45, %swap3A_46] : memref<1000x64xf32, #tpu.memory_space<vmem>>, vector<1000x64xf32>
    tpu.vector_store %arg11[%swap3A_45, %swap3A_46], %add3A_44 {strides = array<i32>} : memref<1000x64xf32, #tpu.memory_space<vmem>>, vector<1000x64xf32>,
    %swap3A_48 = arith.constant 0 : index
    %swap3A_49 = arith.constant 0 : index
    %swap3A_50 = vector.load %arg12[%swap3A_48, %swap3A_49] : memref<1000x1xf32, #tpu.memory_space<vmem>>, vector<1000x1xf32>
    tpu.vector_store %arg12[%swap3A_48, %swap3A_49], %div3A_9 {strides = array<i32>} : memref<1000x1xf32, #tpu.memory_space<vmem>>, vector<1000x1xf32>,
    return
  }
  func.func @transform_0(%arg0: i32) -> (i32, i32) {
    %c0_i32 = arith.constant 0 : i32
    %c0_i32_0 = arith.constant 0 : i32
    return %arg0, %c0_i32 : i32, i32
  }
  func.func @transform_1(%arg0: i32) -> (i32, i32) {
    %c0_i32 = arith.constant 0 : i32
    %c0_i32_0 = arith.constant 0 : i32
    return %arg0, %c0_i32 : i32, i32
  }
  func.func @transform_2(%arg0: i32) -> (i32, i32) {
    %c0_i32 = arith.constant 0 : i32
    %c0_i32_0 = arith.constant 0 : i32
    return %arg0, %c0_i32 : i32, i32
  }
  func.func @transform_3(%arg0: i32) -> (i32, i32) {
    %c0_i32 = arith.constant 0 : i32
    %c0_i32_0 = arith.constant 0 : i32
    return %arg0, %c0_i32 : i32, i32
  }
  func.func @transform_4(%arg0: i32) -> (i32, i32) {
    %c0_i32 = arith.constant 0 : i32
    %c0_i32_0 = arith.constant 0 : i32
    return %arg0, %c0_i32 : i32, i32
  }
  func.func @transform_5(%arg0: i32) -> (i32, i32) {
    %c0_i32 = arith.constant 0 : i32
    %c0_i32_0 = arith.constant 0 : i32
    %c0_i32_1 = arith.constant 0 : i32
    return %c0_i32, %c0_i32_0 : i32, i32
  }
  func.func @transform_6(%arg0: i32) -> (i32, i32) {
    %c0_i32 = arith.constant 0 : i32
    %c0_i32_0 = arith.constant 0 : i32
    %c0_i32_1 = arith.constant 0 : i32
    return %c0_i32, %c0_i32_0 : i32, i32
  }
  func.func @transform_7(%arg0: i32) -> (i32, i32) {
    %c0_i32 = arith.constant 0 : i32
    %c0_i32_0 = arith.constant 0 : i32
    %c0_i32_1 = arith.constant 0 : i32
    return %c0_i32, %c0_i32_0 : i32, i32
  }
  func.func @transform_8(%arg0: i32) -> (i32, i32) {
    %c0_i32 = arith.constant 0 : i32
    %c0_i32_0 = arith.constant 0 : i32
    return %arg0, %c0_i32 : i32, i32
  }
  func.func @transform_9(%arg0: i32) -> (i32, i32) {
    %c0_i32 = arith.constant 0 : i32
    %c0_i32_0 = arith.constant 0 : i32
    return %arg0, %c0_i32 : i32, i32
  }
  func.func @transform_10(%arg0: i32) -> (i32, i32) {
    %c0_i32 = arith.constant 0 : i32
    %c0_i32_0 = arith.constant 0 : i32
    return %arg0, %c0_i32 : i32, i32
  }
  func.func @transform_11(%arg0: i32) -> (i32, i32) {
    %c0_i32 = arith.constant 0 : i32
    %c0_i32_0 = arith.constant 0 : i32
    return %arg0, %c0_i32 : i32, i32
  }
}

module attributes {stable_mosaic.version = 14 : i64} {
  func.func @body(%arg0: i32, %arg1: memref<1000x32xf32, #tpu.memory_space<vmem>>, %arg2: memref<1000x32xf32, #tpu.memory_space<vmem>>, %arg3: memref<1000x1xf32, #tpu.memory_space<vmem>>, %arg4: memref<1000x64xf32, #tpu.memory_space<vmem>>, %arg5: memref<64x2xf32, #tpu.memory_space<vmem>>, %arg6: memref<1x2xf32, #tpu.memory_space<vmem>>, %arg7: memref<1000x2xf32, #tpu.memory_space<vmem>>) attributes {dimension_semantics = [#tpu.dimension_semantics<arbitrary>], iteration_bounds = array<i64: 10>, scalar_prefetch = 0 : i64, scratch_operands = 0 : i64, tpu.core_type = #tpu.core_type<tc>, window_params = [{transform_indices = @transform_0, window_bounds = array<i64: 1000, 32>}, {transform_indices = @transform_1, window_bounds = array<i64: 1000, 32>}, {transform_indices = @transform_2, window_bounds = array<i64: 1000, 1>}, {transform_indices = @transform_3, window_bounds = array<i64: 1000, 64>}, {pipeline_mode = #tpu.pipeline_mode<synchronous>, transform_indices = @transform_4, window_bounds = array<i64: 64, 2>}, {pipeline_mode = #tpu.pipeline_mode<synchronous>, transform_indices = @transform_5, window_bounds = array<i64: 1, 2>}, {transform_indices = @transform_6, window_bounds = array<i64: 1000, 2>}]} {
    %get3A = arith.constant 0 : index
    %get3A_0 = arith.constant 0 : index
    %get3A_1 = vector.load %arg1[%get3A, %get3A_0] : memref<1000x32xf32, #tpu.memory_space<vmem>>, vector<1000x32xf32>
    %get3A_2 = arith.constant 0 : index
    %get3A_3 = arith.constant 0 : index
    %get3A_4 = vector.load %arg2[%get3A_2, %get3A_3] : memref<1000x32xf32, #tpu.memory_space<vmem>>, vector<1000x32xf32>
    %concatenate3A = tpu.concatenate %get3A_1, %get3A_4 in 1 : vector<1000x32xf32>, vector<1000x32xf32> -> vector<1000x64xf32>
    %get3A_5 = arith.constant 0 : index
    %get3A_6 = arith.constant 0 : index
    %get3A_7 = vector.load %arg3[%get3A_5, %get3A_6] : memref<1000x1xf32, #tpu.memory_space<vmem>>, vector<1000x1xf32>
    %mul3A = vector.broadcast %get3A_7 : vector<1000x1xf32> to vector<1000x64xf32>
    %mul3A_8 = arith.mulf %concatenate3A, %mul3A : vector<1000x64xf32>
    %get3A_9 = arith.constant 0 : index
    %get3A_10 = arith.constant 0 : index
    %get3A_11 = vector.load %arg4[%get3A_9, %get3A_10] : memref<1000x64xf32, #tpu.memory_space<vmem>>, vector<1000x64xf32>
    %add3A = arith.addf %mul3A_8, %get3A_11 : vector<1000x64xf32>
    %max3A = arith.constant 0.000000e+00 : f32
    %max3A_12 = vector.broadcast %max3A : f32 to vector<1000x64xf32>
    %max3A_13 = arith.maximumf %add3A, %max3A_12 : vector<1000x64xf32>
    %get3A_14 = arith.constant 0 : index
    %get3A_15 = arith.constant 0 : index
    %get3A_16 = vector.load %arg5[%get3A_14, %get3A_15] : memref<64x2xf32, #tpu.memory_space<vmem>>, vector<64x2xf32>
    %dot_general3A = arith.constant dense<0.000000e+00> : vector<1000x2xf32>
    %dot_general3A_17 = tpu.matmul %max3A_13, %get3A_16, %dot_general3A {dimension_numbers = #tpu.dot_dimension_numbers<[1], [0], [0], [1], [0, 0, 1, 1], [], []>, transpose_lhs_hint = false} : vector<1000x64xf32>, vector<64x2xf32>, vector<1000x2xf32> -> vector<1000x2xf32>
    %get3A_18 = arith.constant 0 : index
    %get3A_19 = arith.constant 0 : index
    %get3A_20 = vector.load %arg6[%get3A_18, %get3A_19] : memref<1x2xf32, #tpu.memory_space<vmem>>, vector<1x2xf32>
    %add3A_21 = vector.broadcast %get3A_20 : vector<1x2xf32> to vector<1000x2xf32>
    %add3A_22 = arith.addf %dot_general3A_17, %add3A_21 : vector<1000x2xf32>
    %swap3A = arith.constant 0 : index
    %swap3A_23 = arith.constant 0 : index
    %swap3A_24 = vector.load %arg7[%swap3A, %swap3A_23] : memref<1000x2xf32, #tpu.memory_space<vmem>>, vector<1000x2xf32>
    tpu.vector_store %arg7[%swap3A, %swap3A_23], %add3A_22 {strides = array<i32>} : memref<1000x2xf32, #tpu.memory_space<vmem>>, vector<1000x2xf32>,
    return
  }
  func.func @transform_0(%arg0: i32) -> (i32, i32) {
    %c0_i32 = arith.constant 0 : i32
    %c0_i32_0 = arith.constant 0 : i32
    return %arg0, %c0_i32 : i32, i32
  }
  func.func @transform_1(%arg0: i32) -> (i32, i32) {
    %c0_i32 = arith.constant 0 : i32
    %c0_i32_0 = arith.constant 0 : i32
    return %arg0, %c0_i32 : i32, i32
  }
  func.func @transform_2(%arg0: i32) -> (i32, i32) {
    %c0_i32 = arith.constant 0 : i32
    %c0_i32_0 = arith.constant 0 : i32
    return %arg0, %c0_i32 : i32, i32
  }
  func.func @transform_3(%arg0: i32) -> (i32, i32) {
    %c0_i32 = arith.constant 0 : i32
    %c0_i32_0 = arith.constant 0 : i32
    return %arg0, %c0_i32 : i32, i32
  }
  func.func @transform_4(%arg0: i32) -> (i32, i32) {
    %c0_i32 = arith.constant 0 : i32
    %c0_i32_0 = arith.constant 0 : i32
    %c0_i32_1 = arith.constant 0 : i32
    return %c0_i32, %c0_i32_0 : i32, i32
  }
  func.func @transform_5(%arg0: i32) -> (i32, i32) {
    %c0_i32 = arith.constant 0 : i32
    %c0_i32_0 = arith.constant 0 : i32
    %c0_i32_1 = arith.constant 0 : i32
    return %c0_i32, %c0_i32_0 : i32, i32
  }
  func.func @transform_6(%arg0: i32) -> (i32, i32) {
    %c0_i32 = arith.constant 0 : i32
    %c0_i32_0 = arith.constant 0 : i32
    return %arg0, %c0_i32 : i32, i32
  }
}

</mosaic_0001>

<sc_bundles>
// kernel: kernel.11.cloned.1.call-start
scs
__scs_entry_jumppad:
0x0: {  	(pc) =	sbr.rel $0x88, $3  }
0x1: {  	(tag) =	ssettag $0x0;
	lr =	simm.s32 $0x1  }
0x2: {  	[smem:$0x3F96] =	sst lr;
	_ =	strace $0xD0000000  }
0x3: {  	_ = 	snop  }
0x4: {  	_ = 	snop  }
0x5: {  	_ = 	snop  }
0x6: {  	_ = 	snop  }
0x7: {  	_ = 	snop  }
__scs_overlays_trampoline_lowered:
0x8: {  	[smem:$0x3FA5] =	sst s0  }
0x9: {  	[smem:$0x3FA6] =	sst s1  }
0xa: {  	[smem:$0x3FA7] =	sst s2  }
0xb: {  	[smem:$0x3FA8] =	sst s3  }
0xc: {  	[smem:$0x3FA9] =	sst s4  }
0xd: {  	[smem:$0x3FAA] =	sst s5  }
0xe: {  	[smem:$0x3FAB] =	sst s6  }
0xf: {  	[smem:$0x3FAC] =	sst s7  }
0x10: {  	[smem:$0x3FAD] =	sst s8  }
0x11: {  	[smem:$0x3FAE] =	sst s9;
	s0 =	simm.s32 @!p0 $0x0  }
0x12: {  	s1 =	sld [smem:$0x3F94];
	s0 =	simm.s32 @p0 $0x1  }
0x13: {  	[smem:$0x3FAF] =	sst s0;
	s0 =	simm.s32 @!p1 $0x0  }
0x14: {  	s2 =	sld [smem:$0x3F93];
	s0 =	simm.s32 @p1 $0x1  }
0x15: {  	[smem:$0x3FB0] =	sst s0;
	s0 =	simm.s32 @!p2 $0x0  }
0x16: {  	s3 =	sld [smem:$0x3FDB];
	s0 =	simm.s32 @p2 $0x1  }
0x17: {  	s4 =	simm.s32 $0x1BF5;
	[smem:$0x3FB2] =	sst s0  }
0x18: {  	s0 =	sld [smem:$0x3F95];
	_ =	swait.ge [sflag:s4], $0x0  }
0x19: {  	s7 =	sld [smem:$0x3F96]  }
0x1a: {  	s8 =	sadd.s32 $0xFFFFE003, lr  }
0x1b: {  	s9 =	sadd.s32 $0xFFFFFEF7, lr;
	s5 =	simm.s32 $0xFFFFFFFF;
	p2 =	slt.u32 s8, $0xFFFFF086  }
0x1c: {  	p1 =	slt.u32 s9, $0xF7A;
	s5 =	simm.s32 @!p2 $0x0  }
0x1d: {  	s5 =	simm.s32 @p1 $0x1;
	p0 =	seq.s32 s7, s2  }
0x1e: {  	s7 =	smul.u32 @!p0 $0xF7A, s2;
	p2 =	seq.s32 @!p0 s5, $0x0  }
0x1f: {  	s9 =	smul.u32 $0xF7A, s1;
	s8 =	simm.s32 @!p0 $0x1BF5;
	p2 =	por !p2, p0  }
0x20: {  	[sflag:s8] =	ssyncset.s32 @!p0 $0xFFFFF086;
	s6 =	sadd.s32 @!p0 s3, s7;
	s7 =	simm.s32 @!p0 $0x108  }
0x21: {  	s3 =	sadd.s32 s3, s9;
	s6 =	sadd.s32 @!p0 $0x88, s6;
	s7 =	simm.s32 @p2 $0x1082  }
0x22: {  	[simem:s7], [sflag:s8] =	dma.local @!p0 [hbm:s6], $0xF7A  }
0x23: {  	s9 =	sor.u32 $0xD0000000, s2;
	s6 =	simm.s32 $0x108;
	_ =	swait.ge @!p0 [sflag:s8], $0x0  }
0x24: {  	s3 =	sadd.s32 $0x88, s3;
	s6 =	simm.s32 @!p1 $0x1082;
	[sflag:s4] =	ssyncset.s32 $0xFFFFF086  }
0x25: {  	[simem:s6], [sflag:s4] =	dma.local [hbm:s3], $0xF7A  }
0x26: {  	[smem:$0x3F96] =	sst s1;
	(tag) =	ssettag s2;
	_ =	strace s9  }
0x27: {  	s1 =	sld [smem:$0x3FA6]  }
0x28: {  	s2 =	sld [smem:$0x3FA7]  }
0x29: {  	s4 =	sld [smem:$0x3FA9]  }
0x2a: {  	p0 =	seq.s32 s5, $0x0;
	s5 =	sld [smem:$0x3FAA]  }
0x2b: {  	s6 =	sld [smem:$0x3FAB]  }
0x2c: {  	s7 =	sld [smem:$0x3FAC]  }
0x2d: {  	s3 =	simm.s32 $0x108;
	s8 =	sld [smem:$0x3FAD]  }
0x2e: {  	s3 =	simm.s32 @!p0 $0x1082;
	s9 =	sld [smem:$0x3FAE]  }
0x2f: {  	lr =	sadd.s32 s0, s3;
	s0 =	sld [smem:$0x3FA5]  }
0x30: {  	s3 =	sld [smem:$0x3FA8]  }
0x31: {  	[smem:$0x3FB1] =	sst s10  }
0x32: {  	s10 =	sld [smem:$0x3FAF];
	_ =	sdelay $0x3  }
0x33: {  	p0 =	seq.s32 s10, $0x1;
	s10 =	sld [smem:$0x3FB1];
	_ =	sdelay $0x3  }
0x34: {  	[smem:$0x3FB1] =	sst s10  }
0x35: {  	s10 =	sld [smem:$0x3FB0];
	_ =	sdelay $0x3  }
0x36: {  	p1 =	seq.s32 s10, $0x1;
	s10 =	sld [smem:$0x3FB1];
	_ =	sdelay $0x3  }
0x37: {  	[smem:$0x3FB1] =	sst s10  }
0x38: {  	s10 =	sld [smem:$0x3FB2]  }
0x39: {  	_ = 	snop;
	(pc) =	sbr.ind lr, $3  }
0x3a: {  	_ = 	snop  }
0x3b: {  	_ = 	snop  }
0x3c: {  	p2 =	seq.s32 s10, $0x1;
	s10 =	sld [smem:$0x3FB1]  }
0x3d: {  	_ =	shalt  }
0x3e: {  	_ =	shalt  }
0x3f: {  	_ =	shalt  }
0x40: {  	_ =	shalt  }
0x41: {  	_ =	shalt  }
0x42: {  	_ =	shalt  }
0x43: {  	_ =	shalt  }
0x44: {  	_ =	shalt  }
0x45: {  	_ =	shalt  }
0x46: {  	_ =	shalt  }
0x47: {  	_ =	shalt  }
0x48: {  	_ =	shalt  }
0x49: {  	_ =	shalt  }
0x4a: {  	_ =	shalt  }
0x4b: {  	_ =	shalt  }
0x4c: {  	_ =	shalt  }
0x4d: {  	_ =	shalt  }
0x4e: {  	_ =	shalt  }
0x4f: {  	_ =	shalt  }
0x50: {  	_ =	shalt  }
0x51: {  	_ =	shalt  }
0x52: {  	_ =	shalt  }
0x53: {  	_ =	shalt  }
0x54: {  	_ =	shalt  }
0x55: {  	_ =	shalt  }
0x56: {  	_ =	shalt  }
0x57: {  	_ =	shalt  }
0x58: {  	_ =	shalt  }
0x59: {  	_ =	shalt  }
0x5a: {  	_ =	shalt  }
0x5b: {  	_ =	shalt  }
0x5c: {  	_ =	shalt  }
0x5d: {  	_ =	shalt  }
0x5e: {  	_ =	shalt  }
0x5f: {  	_ =	shalt  }
0x60: {  	_ =	shalt  }
0x61: {  	_ =	shalt  }
0x62: {  	_ =	shalt  }
0x63: {  	_ =	shalt  }
0x64: {  	_ =	shalt  }
0x65: {  	_ =	shalt  }
0x66: {  	_ =	shalt  }
0x67: {  	_ =	shalt  }
0x68: {  	_ =	shalt  }
0x69: {  	_ =	shalt  }
0x6a: {  	_ =	shalt  }
0x6b: {  	_ =	shalt  }
0x6c: {  	_ =	shalt  }
0x6d: {  	_ =	shalt  }
0x6e: {  	_ =	shalt  }
0x6f: {  	_ =	shalt  }
0x70: {  	_ =	shalt  }
0x71: {  	_ =	shalt  }
0x72: {  	_ =	shalt  }
0x73: {  	_ =	shalt  }
0x74: {  	_ =	shalt  }
0x75: {  	_ =	shalt  }
0x76: {  	_ =	shalt  }
0x77: {  	_ =	shalt  }
0x78: {  	_ =	shalt  }
0x79: {  	_ =	shalt  }
0x7a: {  	_ =	shalt  }
0x7b: {  	_ =	shalt  }
0x7c: {  	_ =	shalt  }
0x7d: {  	_ =	shalt  }
0x7e: {  	_ =	shalt  }
0x7f: {  	_ =	shalt  }
0x80: {  	_ =	shalt  }
0x81: {  	_ =	shalt  }
0x82: {  	_ =	shalt  }
0x83: {  	_ =	shalt  }
0x84: {  	_ =	shalt  }
0x85: {  	_ =	shalt  }
0x86: {  	_ =	shalt  }
0x87: {  	_ =	shalt  }
.Lfunc_end0:
.L_simem_size_0:
called_computation.1_lowered:
.L_overlay_start_0:
0x88: {  	s2 =	sld [smem:$0x3FD9]  }
0x89: {  	s3 =	sld [smem:$0x3FFE];
	_ =	sdelay $0x1  }
0x8a: {  	s1 =	srdreg.scid  }
0x8b: {  	s0 =	sand.u32 $0x1, s1  }
0x8c: {  	s16 =	sshll.u32 s0, $0xA;
	s2 =	sadd.s32 s3, s2  }
0x8d: {  	s2 =	sadd.s32 s2, s16  }
0x8e: {  	[smem:$0x3FBD] =	sst s2  }
0x8f: {  	_ = 	snop  }
0x90: {  	(tm) =	ssettm $0x1  }
0x91: {  	s17 =	sld [smem:$0x3FFB];
	_ =	sdelay $0x3  }
0x92: {  	_ =	strace s17  }
0x93: {  	s2 =	sld [smem:$0x3FFC];
	_ =	sdelay $0x3  }
0x94: {  	_ =	strace s2  }
0x95: {  	s2 =	sld [smem:$0x3FFD];
	_ =	sdelay $0x3  }
0x96: {  	_ =	strace s2  }
0x97: {  	_ =	strace $0x8FFFFFFF  }
0x98: {  	s18 =	sld [smem:$0x3FDB];
	_ =	sdelay $0x1  }
0x99: {  	s19 =	simm.s32 $_scs_section_size  }
0x9a: {  	s4 =	simm.s32 $_size__tile_overlayer_lowered;
	s5 =	simm.s32 $_tile_overlayer_lowered  }
0x9b: {  	s22 =	simm.s32 $0x1BFF;
	s21 =	sshll.u32 s5, $0x1;
	s2 =	sadd.s32 s19, s18  }
0x9c: {  	s6 =	simm.s32 $0x0;
	s20 =	sshll.u32 s4, $0x1;
	s4 =	sadd.s32 s21, s2  }
0x9d: {  	[timem:s6], [sflag:s22] =	dma.local [hbm:s4], s20  }
0x9e: {  	_ =	swait.ge [sflag:s22], s20  }
0x9f: {  	s3 =	ssub.s32 $0x0, s20;
	[sflag:s22] =	ssyncset.done $0x0  }
0xa0: {  	[sflag:s22] =	ssyncadd.s32 s3;
	_ =	sdelay $0x1  }
0xa1: {  	s23 =	simm.s32 $0x1B8B  }
0xa2: {  	_ =	swait.ge [sflag:s23], $0x1  }
0xa3: {  	[sflag:s23] =	ssyncset.done $0x0  }
0xa4: {  	s25 =	simm.s32 $0x1B8E;
	s24 =	sld [smem:$0x3FFE];
	[sflag:s23] =	ssyncadd.s32 $0xFFFFFFFF  }
0xa5: {  	s26 =	simm.s32 $execute0_lowered;
	[smem:$0x3FD2] =	sst s25  }
0xa6: {  	s4 =	sshll.u32 s26, $0x1;
	_ =	strace $0x80000049;
	[dreg:$0x1] =	wrdreg $0xFFFFFFFF  }
0xa7: {  	s28 =	simm.s32 $_size_execute0_lowered;
	s2 =	sadd.s32 s2, s4;
	[dreg:$0x0] =	wrdreg $0x0  }
0xa8: {  	s4 =	sshll.u32 s28, $0x1;
	[dreg:$0x2] =	wrdreg s2  }
0xa9: {  	[dreg:$0x3] =	wrdreg s4  }
0xaa: {  	[dreg:$0x4] =	wrdreg $0xC0  }
0xab: {  	_ =	task [dreg:s6], $0x5FFFF  }
0xac: {  	[dreg:$0x1] =	wrdreg $0xFFFFFFFF  }
0xad: {  	[dreg:$0x0] =	wrdreg $0x60  }
0xae: {  	[dreg:$0x2] =	wrdreg s24  }
0xaf: {  	[dreg:$0x3] =	wrdreg $0xFD000  }
0xb0: {  	[dreg:$0x4] =	wrdreg $0x14C000  }
0xb1: {  	[dreg:$0x5] =	wrdreg $0x9  }
0xb2: {  	_ =	task.clear_ibuf [dreg:s6], $0x6FFFF;
	_ =	strace $0x90000049  }
0xb3: {  	s29 =	simm.s32 $0x9;
	_ =	strace $0x8000004B  }
0xb4: {  	_ =	swait.ge [sflag:s29], $0x1  }
0xb5: {  	[sflag:s29] =	ssyncadd.s32 $0xFFFFFFFF  }
0xb6: {  	_ =	strace $0x9000004B  }
0xb7: {  	_ =	sfence  }
0xb8: {  	s30 =	sld [smem:$0x0];
	_ =	sdelay $0x2  }
0xb9: {  	s31 =	sshll.u32 s1, $0xD;
	s1 =	sshrl.u32 s1, $0x2  }
0xba: {  	s3 =	sand.u32 $0x4000, s31;
	s1 =	sadd.s32 s1, s30  }
0xbb: {  	s0 =	sor.u32 s3, s0;
	s1 =	sshll.u32 s1, $0x11  }
0xbc: {  	s0 =	sor.u32 s1, s0  }
0xbd: {  	s0 =	sadd.s32 $0x8F2B, s0  }
0xbe: {  	[sflag:s0] =	ssyncadd.remote.s32 $0x1  }
0xbf: {  	_ =	sfence.sel $0xFFFF  }
0xc0: {  	[dreg:$0x0] =	wrdreg $0xFFFFFFFF;
	(pc) =	sbr.abs _section_cstart, $3  }
0xc1: {  	[dreg:$0x1] =	wrdreg $0xFFFFFFFF  }
0xc2: {  	_ =	task.clear_ibuf [dreg:s6], $0x2FFFF;
	_ =	strace $0x9FFFFFFF  }
0xc3: {  	(tm) =	ssettm $0x7FFFFFFF  }
tec
execute0_lowered:
.L_overlay_start_1:
0x0: {  	(tag) =	ssettag $0x1  }
0x1: {  	s0 =	rddreg [dreg:$0x0]  }
0x2: {  	s1 =	rddreg [dreg:$0x1]  }
0x3: {  	s3 =	rddreg [dreg:$0x2]  }
0x4: {  	s2 =	simm.s32 $0x0;
	s4 =	stileid.u32;
	s5 =	srdreg.scid  }
0x5: {  	s18 =	simm.s32 $0x80;
	s30 =	simm.s32 $0xDD00;
	s31 =	simm.s32 $0x3  }
0x6: {  	s29 =	simm.s32 $0x7;
	s28 =	simm.s32 $0x6;
	[smem:$0x7FF] =	sst s2  }
0x7: {  	s19 =	smul.u32 $0x4F00, s4;
	s7 =	sadd.s32 $0xD200, s0;
	s8 =	sadd.s32 $0x3400, s0  }
0x8: {  	s5 =	sand.u32 $0x1, s5;
	s9 =	sadd.s32 $0x3E200, s0;
	s14 =	smul.u32 $0x4E20, s4  }
0x9: {  	s12 =	sadd.s32 $0x20E00, s0;
	s20 =	sshll.u32 s4, $0x6;
	s15 =	smul.u32 $0x4E00, s4  }
0xa: {  	s23 =	sshll.u32 s4, $0x4;
	_ =	strace $0x8000004A;
	s6 =	ssub.s32 $0x2, s5  }
0xb: {  	p0 =	seq.s32 s5, $0x0;
	s5 =	simm.s32 $0x9;
	s10 =	sshrl.u32 s19, $0x3  }
0xc: {  	s13 =	sshrl.u32 s6, $0x1;
	s2 =	sadd.s32 s19, s1;
	s21 =	sadd.s32 s14, s3  }
0xd: {  	s22 =	sshrl.u32 s15, $0x3;
	s14 =	sshrl.u32 s14, $0x3;
	s8 =	smov.u32 @p0 s7  }
0xe: {  	s15 =	simm.s32 $0xD;
	s19 =	simm.s32 $0x9D00;
	s11 =	sadd.s32 s10, s0  }
0xf: {  	s0 =	sadd.s32 $0x17000, s0;
	s13 =	ssub.s32 s6, s13;
	s6 =	sor.u32 $0x1C0D, s20  }
0x10: {  	s7 =	sadd.s32 s8, s14;
	s14 =	sshrl.u32 s2, $0x3;
	s26 =	sshrl.u32 s21, $0x3  }
0x11: {  	s20 =	simm.s32 $0xAD00;
	s21 =	simm.s32 $0xED00;
	s2 =	simm.s32 $0x5  }
0x12: {  	s8 =	simm.s32 $0xA;
	s11 =	sadd.s32 $0x51C00, s11;
	[dreg:$0xa] =	wrdreg s7  }
0x13: {  	s25 =	smax.u32 s13, $0x1;
	s0 =	smov.u32 @p0 s12;
	[dreg:$0xc] =	wrdreg s26  }
0x14: {  	p0 =	sgt.u32 s4, $0x3;
	s26 =	simm.s32 $0x2;
	[dreg:$0x4] =	wrdreg s11  }
0x15: {  	s11 =	sadd.s32 s9, s22;
	s9 =	sadd.s32 s23, s9;
	[dreg:$0x9] =	wrdreg s25  }
0x16: {  	s0 =	sadd.s32 s0, s10;
	s22 =	simm.s32 $0xBD00;
	[dreg:$0x5] =	wrdreg s11  }
.Ltmp0:
0x17: {  	s11 =	sadd.s32 $0x9C40, s11;
	[dreg:$0xb] =	wrdreg s0;
	(pc) =	sbr.rel .LBB2_1-.Ltmp0, $4  }
0x18: {  	s23 =	simm.s32 $0x1;
	s24 =	sadd.s32 $0x9C00, s9;
	[dreg:$0x6] =	wrdreg s11  }
0x19: {  	s25 =	simm.s32 $0xCD00;
	s9 =	sadd.s32 $0x13840, s9;
	[dreg:$0x7] =	wrdreg s24  }
0x1a: {  	s10 =	simm.s32 $0xC;
	s0 =	simm.s32 $0x8;
	[dreg:$0x8] =	wrdreg s9  }
0x1b: {  	s24 =	simm.s32 $0x4;
	s9 =	simm.s32 $0xB;
	s11 =	simm.s32 $0x0  }
.LBB2_4:
0x1c: {  	_ =	swait.ge [sflag:s8], $0x1000  }
0x1d: {  	[sflag:s8] =	ssyncset.done $0x0  }
0x1e: {  	[sflag:s8] =	ssyncadd.s32 $0xFFFFF000  }
0x1f: {  	_ =	swait.ge [sflag:s9], $0x1000  }
0x20: {  	[sflag:s9] =	ssyncset.done $0x0  }
0x21: {  	[sflag:s9] =	ssyncadd.s32 $0xFFFFF000  }
0x22: {  	_ =	swait.ge [sflag:s10], $0x1000  }
0x23: {  	s4 =	simm.s32 @!p0 $0x80;
	[sflag:s10] =	ssyncset.done $0x0  }
0x24: {  	s7 =	simm.s32 @!p0 $0x4E00;
	s12 =	simm.s32 @!p0 $0x9D00;
	[sflag:s10] =	ssyncadd.s32 $0xFFFFF000  }
0x25: {  	[tilespmem:s12], [sflag:$0xD] =	stream.indirect.gather @!p0 [spmem:s3], $0x20, s7, s4, $0xb8;
	[tilespmem:$0x19A20] =	vst v63  }
0x26: {  	s7 =	simm.s32 @!p0 $0xD  }
0x27: {  	_ =	swait.ge @!p0 [sflag:s7], $0x1000  }
0x28: {  	[sflag:s7] =	ssyncset.done @!p0 $0x0  }
0x29: {  	s13 =	simm.s32 @!p0 $0x9C80;
	[sflag:s7] =	ssyncadd.s32 @!p0 $0xFFFFF000  }
0x2a: {  	[spmem:s1] =	stream.indirect.scatter.add.f32 @!p0 [tilespmem:s12], [sflag:$0xD], $0x20, s13, s4, $0xb8;
	[tilespmem:$0x19A20] =	vst v63  }
0x2b: {  	_ =	swait.ge @!p0 [sflag:s7], $0x1000  }
0x2c: {  	[sflag:s7] =	ssyncset.done @!p0 $0x0  }
0x2d: {  	[sflag:s7] =	ssyncadd.s32 @!p0 $0xFFFFF000  }
0x2e: {  	[bflag:$0x0] =	sbarrier.arrive $0xFFFF  }
0x2f: {  	s16 =	rddreg [dreg:$0xb]  }
0x30: {  	[hbm:s16], [sflag:s6] =	dma.local [spmem:s14], $0x9E0  }
0x31: {  	_ =	swait.ge [sflag:s15], $0x9E0  }
0x32: {  	s11 =	sadd.s32 $0x1, s11;
	s17 =	rddreg [dreg:$0x9]  }
0x33: {  	p1 =	sne.s32 s11, s17  }
.Ltmp1:
0x34: {  	_ = 	snop;
	(pc) =	sbr.rel @!p1 .LBB2_5-.Ltmp1, $3  }
0x35: {  	_ =	sdelay $0x1  }
0x36: {  	[sflag:s15] =	ssyncset.done $0x0  }
0x37: {  	[sflag:s15] =	ssyncadd.s32 $0xFFFFF620  }
.LBB2_1:
0x38: {  	s4 =	rddreg [dreg:$0x4]  }
0x39: {  	[spmem:s14], [sflag:s6] =	dma.local [hbm:s4], $0x9E0  }
0x3a: {  	_ =	swait.ge [sflag:s15], $0x9E0  }
0x3b: {  	[sflag:s15] =	ssyncset.done $0x0;
	s17 =	rddreg [dreg:$0xa]  }
0x3c: {  	s7 =	rddreg [dreg:$0xc];
	[sflag:s15] =	ssyncadd.s32 $0xFFFFF620  }
0x3d: {  	[spmem:s7], [sflag:s6] =	dma.local [hbm:s17], $0x9C4  }
0x3e: {  	_ =	swait.ge [sflag:s15], $0x9C4  }
0x3f: {  	[sflag:s15] =	ssyncset.done $0x0  }
0x40: {  	s4 =	simm.s32 $0x0;
	s12 =	rddreg [dreg:$0x5];
	[sflag:s15] =	ssyncadd.s32 $0xFFFFF63C  }
0x41: {  	[tilespmem:s4], [sflag:$0xD] =	stream.linear.gather [hbm4b:s12+s4], $0x4E00, $0x38;
	[tilespmem:$0x19A20] =	vst v63  }
0x42: {  	_ =	swait.ge [sflag:s15], $0x4E00  }
0x43: {  	[sflag:s15] =	ssyncset.done $0x0  }
0x44: {  	s17 =	simm.s32 $0x4E80;
	s13 =	rddreg [dreg:$0x6];
	[sflag:s15] =	ssyncadd.s32 $0xFFFFB200  }
0x45: {  	[tilespmem:s17], [sflag:$0xD] =	stream.linear.gather [hbm4b:s13+s4], $0x4E00, $0x38;
	[tilespmem:$0x19A20] =	vst v63  }
0x46: {  	_ =	swait.ge [sflag:s15], $0x4E00  }
0x47: {  	s7 =	simm.s32 @!p0 $0x0;
	[sflag:s15] =	ssyncset.done $0x0  }
0x48: {  	s12 =	simm.s32 @!p0 $0x4E00;
	s13 =	rddreg [dreg:$0x7];
	[sflag:s15] =	ssyncadd.s32 $0xFFFFB200  }
0x49: {  	[tilespmem:s12], [sflag:$0xD] =	stream.linear.gather @!p0 [hbm4b:s13+s7], $0x80, $0x38;
	[tilespmem:$0x19A20] =	vst v63  }
0x4a: {  	s12 =	simm.s32 @!p0 $0xD  }
0x4b: {  	_ =	swait.ge @!p0 [sflag:s12], $0x80  }
0x4c: {  	[sflag:s12] =	ssyncset.done @!p0 $0x0  }
0x4d: {  	s13 =	simm.s32 @!p0 $0x9C80;
	s16 =	rddreg [dreg:$0x8];
	[sflag:s12] =	ssyncadd.s32 @!p0 $0xFFFFFF80  }
0x4e: {  	[tilespmem:s13], [sflag:$0xD] =	stream.linear.gather @!p0 [hbm4b:s16+s7], $0x80, $0x38;
	[tilespmem:$0x19A20] =	vst v63  }
0x4f: {  	_ =	swait.ge @!p0 [sflag:s12], $0x80  }
0x50: {  	[sflag:s12] =	ssyncset.done @!p0 $0x0  }
0x51: {  	[sflag:s12] =	ssyncadd.s32 @!p0 $0xFFFFFF80  }
0x52: {  	[bflag:$0x0] =	sbarrier.arrive $0xFFFF  }
0x53: {  	[tilespmem:s19], [sflag:$0x1] =	stream.indirect.gather [spmem:s3], $0x20, s4, s18, $0xb8;
	[tilespmem:$0x19A20] =	vst v63  }
0x54: {  	_ = 	snop  }
0x55: {  	[tilespmem:s20], [sflag:$0x2] =	stream.indirect.gather [spmem:s3], $0x20, s18, s18, $0xb8;
	[tilespmem:$0x19A20] =	vst v63  }
0x56: {  	s16 =	simm.s32 $0x100  }
0x57: {  	[tilespmem:s22], [sflag:$0x3] =	stream.indirect.gather [spmem:s3], $0x20, s16, s18, $0xb8;
	[tilespmem:$0x19A20] =	vst v63  }
0x58: {  	_ =	swait.ge [sflag:s23], $0x1000  }
0x59: {  	[sflag:s23] =	ssyncset.done $0x0  }
0x5a: {  	[sflag:s23] =	ssyncadd.s32 $0xFFFFF000  }
0x5b: {  	[spmem:s1] =	stream.indirect.scatter.add.f32 [tilespmem:s19], [sflag:$0x7], $0x20, s17, s18, $0xb8;
	[tilespmem:$0x19A20] =	vst v63  }
0x5c: {  	s17 =	simm.s32 $0x180  }
0x5d: {  	[tilespmem:s25], [sflag:$0x4] =	stream.indirect.gather [spmem:s3], $0x20, s17, s18, $0xb8;
	[tilespmem:$0x19A20] =	vst v63  }
0x5e: {  	_ =	swait.ge [sflag:s26], $0x1000  }
0x5f: {  	[sflag:s26] =	ssyncset.done $0x0  }
0x60: {  	s7 =	simm.s32 $0x4F00;
	[sflag:s26] =	ssyncadd.s32 $0xFFFFF000  }
0x61: {  	[spmem:s1] =	stream.indirect.scatter.add.f32 [tilespmem:s20], [sflag:$0x8], $0x20, s7, s18, $0xb8;
	[tilespmem:$0x19A20] =	vst v63  }
0x62: {  	s12 =	simm.s32 $0x200  }
0x63: {  	[tilespmem:s30], [sflag:$0x5] =	stream.indirect.gather [spmem:s3], $0x20, s12, s18, $0xb8;
	[tilespmem:$0x19A20] =	vst v63  }
0x64: {  	_ =	swait.ge [sflag:s31], $0x1000  }
0x65: {  	[sflag:s31] =	ssyncset.done $0x0  }
0x66: {  	s13 =	simm.s32 $0x4F80;
	[sflag:s31] =	ssyncadd.s32 $0xFFFFF000  }
0x67: {  	[spmem:s1] =	stream.indirect.scatter.add.f32 [tilespmem:s22], [sflag:$0x9], $0x20, s13, s18, $0xb8;
	[tilespmem:$0x19A20] =	vst v63  }
0x68: {  	s16 =	simm.s32 $0x280  }
0x69: {  	[tilespmem:s21], [sflag:$0x6] =	stream.indirect.gather [spmem:s3], $0x20, s16, s18, $0xb8;
	[tilespmem:$0x19A20] =	vst v63  }
0x6a: {  	_ =	swait.ge [sflag:s24], $0x1000  }
0x6b: {  	[sflag:s24] =	ssyncset.done $0x0  }
0x6c: {  	s17 =	simm.s32 $0x5000;
	[sflag:s24] =	ssyncadd.s32 $0xFFFFF000  }
0x6d: {  	[spmem:s1] =	stream.indirect.scatter.add.f32 [tilespmem:s25], [sflag:$0xA], $0x20, s17, s18, $0xb8;
	[tilespmem:$0x19A20] =	vst v63  }
0x6e: {  	_ =	swait.ge [sflag:s29], $0x1000  }
0x6f: {  	[sflag:s29] =	ssyncset.done $0x0  }
0x70: {  	s7 =	simm.s32 $0x300;
	[sflag:s29] =	ssyncadd.s32 $0xFFFFF000  }
0x71: {  	[tilespmem:s19], [sflag:$0x1] =	stream.indirect.gather [spmem:s3], $0x20, s7, s18, $0xb8;
	[tilespmem:$0x19A20] =	vst v63  }
0x72: {  	_ =	swait.ge [sflag:s2], $0x1000  }
0x73: {  	[sflag:s2] =	ssyncset.done $0x0  }
0x74: {  	s12 =	simm.s32 $0x5080;
	[sflag:s2] =	ssyncadd.s32 $0xFFFFF000  }
0x75: {  	[spmem:s1] =	stream.indirect.scatter.add.f32 [tilespmem:s30], [sflag:$0xB], $0x20, s12, s18, $0xb8;
	[tilespmem:$0x19A20] =	vst v63  }
0x76: {  	_ =	swait.ge [sflag:s0], $0x1000  }
0x77: {  	[sflag:s0] =	ssyncset.done $0x0  }
0x78: {  	s13 =	simm.s32 $0x380;
	[sflag:s0] =	ssyncadd.s32 $0xFFFFF000  }
0x79: {  	[tilespmem:s20], [sflag:$0x2] =	stream.indirect.gather [spmem:s3], $0x20, s13, s18, $0xb8;
	[tilespmem:$0x19A20] =	vst v63  }
0x7a: {  	_ =	swait.ge [sflag:s28], $0x1000  }
0x7b: {  	[sflag:s28] =	ssyncset.done $0x0  }
0x7c: {  	s16 =	simm.s32 $0x5100;
	[sflag:s28] =	ssyncadd.s32 $0xFFFFF000  }
0x7d: {  	[spmem:s1] =	stream.indirect.scatter.add.f32 [tilespmem:s21], [sflag:$0xC], $0x20, s16, s18, $0xb8;
	[tilespmem:$0x19A20] =	vst v63  }
0x7e: {  	_ =	swait.ge [sflag:s5], $0x1000  }
0x7f: {  	[sflag:s5] =	ssyncset.done $0x0  }
0x80: {  	s17 =	simm.s32 $0x400;
	s7 =	simm.s32 $0x0;
	[sflag:s5] =	ssyncadd.s32 $0xFFFFF000  }
0x81: {  	[tilespmem:s22], [sflag:$0x3] =	stream.indirect.gather [spmem:s3], $0x20, s17, s18, $0xb8;
	[tilespmem:$0x19A20] =	vst v63  }
.LBB2_2:
0x82: {  	_ =	swait.ge [sflag:s23], $0x1000  }
0x83: {  	s12 =	sshra.s32 s7, $0x2;
	[sflag:s23] =	ssyncset.done $0x0  }
0x84: {  	s13 =	sadd.s32 $0x5180, s12;
	[sflag:s23] =	ssyncadd.s32 $0xFFFFF000  }
0x85: {  	[spmem:s1] =	stream.indirect.scatter.add.f32 [tilespmem:s19], [sflag:$0x7], $0x20, s13, s18, $0xb8;
	[tilespmem:$0x19A20] =	vst v63  }
0x86: {  	_ =	swait.ge [sflag:s8], $0x1000  }
0x87: {  	[sflag:s8] =	ssyncset.done $0x0  }
0x88: {  	s17 =	sadd.s32 $0x480, s12;
	[sflag:s8] =	ssyncadd.s32 $0xFFFFF000  }
0x89: {  	[tilespmem:s25], [sflag:$0x4] =	stream.indirect.gather [spmem:s3], $0x20, s17, s18, $0xb8;
	[tilespmem:$0x19A20] =	vst v63  }
0x8a: {  	_ =	swait.ge [sflag:s26], $0x1000  }
0x8b: {  	[sflag:s26] =	ssyncset.done $0x0  }
0x8c: {  	s4 =	sadd.s32 $0x5200, s12;
	[sflag:s26] =	ssyncadd.s32 $0xFFFFF000  }
0x8d: {  	[spmem:s1] =	stream.indirect.scatter.add.f32 [tilespmem:s20], [sflag:$0x8], $0x20, s4, s18, $0xb8;
	[tilespmem:$0x19A20] =	vst v63  }
0x8e: {  	_ =	swait.ge [sflag:s9], $0x1000  }
0x8f: {  	[sflag:s9] =	ssyncset.done $0x0  }
0x90: {  	s16 =	sadd.s32 $0x500, s12;
	[sflag:s9] =	ssyncadd.s32 $0xFFFFF000  }
0x91: {  	[tilespmem:s30], [sflag:$0x5] =	stream.indirect.gather [spmem:s3], $0x20, s16, s18, $0xb8;
	[tilespmem:$0x19A20] =	vst v63  }
0x92: {  	_ =	swait.ge [sflag:s31], $0x1000  }
0x93: {  	[sflag:s31] =	ssyncset.done $0x0  }
0x94: {  	s17 =	sadd.s32 $0x5280, s12;
	[sflag:s31] =	ssyncadd.s32 $0xFFFFF000  }
0x95: {  	[spmem:s1] =	stream.indirect.scatter.add.f32 [tilespmem:s22], [sflag:$0x9], $0x20, s17, s18, $0xb8;
	[tilespmem:$0x19A20] =	vst v63  }
0x96: {  	_ =	swait.ge [sflag:s10], $0x1000  }
0x97: {  	[sflag:s10] =	ssyncset.done $0x0  }
0x98: {  	s4 =	sadd.s32 $0x580, s12;
	[sflag:s10] =	ssyncadd.s32 $0xFFFFF000  }
0x99: {  	[tilespmem:s21], [sflag:$0x6] =	stream.indirect.gather [spmem:s3], $0x20, s4, s18, $0xb8;
	[tilespmem:$0x19A20] =	vst v63  }
0x9a: {  	_ =	swait.ge [sflag:s24], $0x1000  }
0x9b: {  	[sflag:s24] =	ssyncset.done $0x0  }
0x9c: {  	s16 =	sadd.s32 $0x5300, s12;
	[sflag:s24] =	ssyncadd.s32 $0xFFFFF000  }
0x9d: {  	[spmem:s1] =	stream.indirect.scatter.add.f32 [tilespmem:s25], [sflag:$0xA], $0x20, s16, s18, $0xb8;
	[tilespmem:$0x19A20] =	vst v63  }
0x9e: {  	_ =	swait.ge [sflag:s29], $0x1000  }
0x9f: {  	p1 =	seq.s32 s7, $0x12000;
	[sflag:s29] =	ssyncset.done $0x0  }
0xa0: {  	s13 =	simm.s32 @p1 $0x5;
	[sflag:s29] =	ssyncadd.s32 $0xFFFFF000  }
0xa1: {  	_ =	swait.ge @p1 [sflag:s13], $0x1000  }
0xa2: {  	[sflag:s13] =	ssyncset.done @p1 $0x0  }
0xa3: {  	[sflag:s13] =	ssyncadd.s32 @p1 $0xFFFFF000;
	s13 =	sshra.s32 @p1 s7, $0x2  }
0xa4: {  	s17 =	simm.s32 @p1 $0x80;
	s16 =	simm.s32 @p1 $0xDD00;
	s13 =	sadd.s32 @p1 $0x5380, s13  }
0xa5: {  	[spmem:s1] =	stream.indirect.scatter.add.f32 @p1 [tilespmem:s16], [sflag:$0xB], $0x20, s13, s17, $0xb8;
	[tilespmem:$0x19A20] =	vst v63  }
0xa6: {  	s13 =	simm.s32 @p1 $0x8  }
0xa7: {  	_ =	swait.ge @p1 [sflag:s13], $0x1000  }
0xa8: {  	[sflag:s13] =	ssyncset.done @p1 $0x0  }
0xa9: {  	[sflag:s13] =	ssyncadd.s32 @p1 $0xFFFFF000;
	s13 =	sshra.s32 @!p1 s7, $0x2  }
0xaa: {  	s4 =	simm.s32 @!p1 $0x9D00;
	s17 =	simm.s32 @!p1 $0x80;
	s16 =	sadd.s32 @!p1 $0x600, s13  }
0xab: {  	[tilespmem:s4], [sflag:$0x1] =	stream.indirect.gather @!p1 [spmem:s3], $0x20, s16, s17, $0xb8;
	[tilespmem:$0x19A20] =	vst v63  }
0xac: {  	s4 =	simm.s32 @!p1 $0x5  }
0xad: {  	_ =	swait.ge @!p1 [sflag:s4], $0x1000  }
0xae: {  	[sflag:s4] =	ssyncset.done @!p1 $0x0  }
0xaf: {  	s16 =	simm.s32 @!p1 $0xDD00;
	[sflag:s4] =	ssyncadd.s32 @!p1 $0xFFFFF000;
	s4 =	sadd.s32 @!p1 $0x5380, s13  }
0xb0: {  	[spmem:s1] =	stream.indirect.scatter.add.f32 @!p1 [tilespmem:s16], [sflag:$0xB], $0x20, s4, s17, $0xb8;
	[tilespmem:$0x19A20] =	vst v63  }
0xb1: {  	s4 =	simm.s32 @!p1 $0x8  }
0xb2: {  	_ =	swait.ge @!p1 [sflag:s4], $0x1000  }
0xb3: {  	[sflag:s4] =	ssyncset.done @!p1 $0x0  }
0xb4: {  	[sflag:s4] =	ssyncadd.s32 @!p1 $0xFFFFF000;
	s4 =	sadd.s32 @!p1 $0x680, s13;
	s13 =	simm.s32 @!p1 $0xAD00  }
0xb5: {  	[tilespmem:s13], [sflag:$0x2] =	stream.indirect.gather @!p1 [spmem:s3], $0x20, s4, s17, $0xb8;
	[tilespmem:$0x19A20] =	vst v63  }
0xb6: {  	_ =	swait.ge [sflag:s28], $0x1000  }
0xb7: {  	[sflag:s28] =	ssyncset.done $0x0  }
.Ltmp2:
0xb8: {  	s17 =	sadd.s32 $0x5400, s12;
	[sflag:s28] =	ssyncadd.s32 $0xFFFFF000;
	(pc) =	sbr.rel @p1 .LBB2_4-.Ltmp2, $4  }
0xb9: {  	[spmem:s1] =	stream.indirect.scatter.add.f32 [tilespmem:s21], [sflag:$0xC], $0x20, s17, s18, $0xb8;
	[tilespmem:$0x19A20] =	vst v63  }
0xba: {  	_ =	swait.ge [sflag:s5], $0x1000  }
0xbb: {  	[sflag:s5] =	ssyncset.done $0x0  }
0xbc: {  	[sflag:s5] =	ssyncadd.s32 $0xFFFFF000  }
.Ltmp3:
0xbd: {  	(pc) =	sbr.rel .LBB2_2-.Ltmp3, $3  }
0xbe: {  	_ =	sdelay $0x1  }
0xbf: {  	s4 =	sadd.s32 $0x700, s12;
	s7 =	sadd.s32 $0xC00, s7  }
0xc0: {  	[tilespmem:s22], [sflag:$0x3] =	stream.indirect.gather [spmem:s3], $0x20, s4, s18, $0xb8;
	[tilespmem:$0x19A20] =	vst v63  }
.LBB2_5:
0xc1: {  	_ =	sfence.sel $0x180000  }
0xc2: {  	[bflag:$0x0] =	sbarrier.arrive $0xFFFF  }
0xc3: {  	_ =	strace $0x9000004A  }
0xc4: {  	s0 =	stileid.u32;
	[bflag:$0x2] =	sbarrier.arrive $0xFFFF  }
0xc5: {  	p0 =	sne.s32 s0, $0x0;
	s0 =	rddreg [dreg:$0x3]  }
0xc6: {  	s0 =	sadd.s32 @!p0 $0x100000, s0  }
0xc7: {  	[sflag:s0] =	ssyncadd.tile.s32 @!p0 $0x1;
	_ =	shalt  }
.Lfunc_end2:
_tile_overlayer_lowered:
.L_overlay_start_2:
0xc8: {  	(tag) =	ssettag $0x2  }
0xc9: {  	s0 =	rddreg [dreg:$0x0];
	s2 =	stileid.u32  }
0xca: {  	s1 =	rddreg [dreg:$0x1];
	p0 =	sne.s32 s2, $0x0  }
0xcb: {  	s3 =	rddreg [dreg:$0x2];
	[bflag:$0x3] =	sbarrier.arrive $0xFFFF;
	s2 =	simm.s32 @!p0 $0x1C0D  }
0xcc: {  	[timem:s3], [sflag:s2] =	dma.local @!p0 [hbm:s0], s1  }
0xcd: {  	s0 =	simm.s32 @!p0 $0xD  }
0xce: {  	_ =	swait.ge @!p0 [sflag:s0], s1  }
0xcf: {  	s1 =	ssub.s32 @!p0 $0x0, s1;
	[sflag:s0] =	ssyncset.done @!p0 $0x0  }
0xd0: {  	[sflag:s0] =	ssyncadd.s32 @!p0 s1  }
0xd1: {  	[bflag:$0x3] =	sbarrier.arrive $0xFFFF  }
0xd2: {  	_ =	shalt  }

// kernel: kernel.14.cloned.1.call-start
scs
__scs_entry_jumppad:
0x0: {  	(pc) =	sbr.rel $0x88, $3  }
0x1: {  	(tag) =	ssettag $0x0;
	lr =	simm.s32 $0x1  }
0x2: {  	[smem:$0x3F96] =	sst lr;
	_ =	strace $0xD0000000  }
0x3: {  	_ = 	snop  }
0x4: {  	_ = 	snop  }
0x5: {  	_ = 	snop  }
0x6: {  	_ = 	snop  }
0x7: {  	_ = 	snop  }
__scs_overlays_trampoline_lowered:
0x8: {  	[smem:$0x3FA5] =	sst s0  }
0x9: {  	[smem:$0x3FA6] =	sst s1  }
0xa: {  	[smem:$0x3FA7] =	sst s2  }
0xb: {  	[smem:$0x3FA8] =	sst s3  }
0xc: {  	[smem:$0x3FA9] =	sst s4  }
0xd: {  	[smem:$0x3FAA] =	sst s5  }
0xe: {  	[smem:$0x3FAB] =	sst s6  }
0xf: {  	[smem:$0x3FAC] =	sst s7  }
0x10: {  	[smem:$0x3FAD] =	sst s8  }
0x11: {  	[smem:$0x3FAE] =	sst s9;
	s0 =	simm.s32 @!p0 $0x0  }
0x12: {  	s1 =	sld [smem:$0x3F94];
	s0 =	simm.s32 @p0 $0x1  }
0x13: {  	[smem:$0x3FAF] =	sst s0;
	s0 =	simm.s32 @!p1 $0x0  }
0x14: {  	s2 =	sld [smem:$0x3F93];
	s0 =	simm.s32 @p1 $0x1  }
0x15: {  	[smem:$0x3FB0] =	sst s0;
	s0 =	simm.s32 @!p2 $0x0  }
0x16: {  	s3 =	sld [smem:$0x3FDB];
	s0 =	simm.s32 @p2 $0x1  }
0x17: {  	s4 =	simm.s32 $0x1BF5;
	[smem:$0x3FB2] =	sst s0  }
0x18: {  	s0 =	sld [smem:$0x3F95];
	_ =	swait.ge [sflag:s4], $0x0  }
0x19: {  	s7 =	sld [smem:$0x3F96]  }
0x1a: {  	s8 =	sadd.s32 $0xFFFFE003, lr  }
0x1b: {  	s9 =	sadd.s32 $0xFFFFFEF7, lr;
	s5 =	simm.s32 $0xFFFFFFFF;
	p2 =	slt.u32 s8, $0xFFFFF086  }
0x1c: {  	p1 =	slt.u32 s9, $0xF7A;
	s5 =	simm.s32 @!p2 $0x0  }
0x1d: {  	s5 =	simm.s32 @p1 $0x1;
	p0 =	seq.s32 s7, s2  }
0x1e: {  	s7 =	smul.u32 @!p0 $0xF7A, s2;
	p2 =	seq.s32 @!p0 s5, $0x0  }
0x1f: {  	s9 =	smul.u32 $0xF7A, s1;
	s8 =	simm.s32 @!p0 $0x1BF5;
	p2 =	por !p2, p0  }
0x20: {  	[sflag:s8] =	ssyncset.s32 @!p0 $0xFFFFF086;
	s6 =	sadd.s32 @!p0 s3, s7;
	s7 =	simm.s32 @!p0 $0x108  }
0x21: {  	s3 =	sadd.s32 s3, s9;
	s6 =	sadd.s32 @!p0 $0x88, s6;
	s7 =	simm.s32 @p2 $0x1082  }
0x22: {  	[simem:s7], [sflag:s8] =	dma.local @!p0 [hbm:s6], $0xF7A  }
0x23: {  	s9 =	sor.u32 $0xD0000000, s2;
	s6 =	simm.s32 $0x108;
	_ =	swait.ge @!p0 [sflag:s8], $0x0  }
0x24: {  	s3 =	sadd.s32 $0x88, s3;
	s6 =	simm.s32 @!p1 $0x1082;
	[sflag:s4] =	ssyncset.s32 $0xFFFFF086  }
0x25: {  	[simem:s6], [sflag:s4] =	dma.local [hbm:s3], $0xF7A  }
0x26: {  	[smem:$0x3F96] =	sst s1;
	(tag) =	ssettag s2;
	_ =	strace s9  }
0x27: {  	s1 =	sld [smem:$0x3FA6]  }
0x28: {  	s2 =	sld [smem:$0x3FA7]  }
0x29: {  	s4 =	sld [smem:$0x3FA9]  }
0x2a: {  	p0 =	seq.s32 s5, $0x0;
	s5 =	sld [smem:$0x3FAA]  }
0x2b: {  	s6 =	sld [smem:$0x3FAB]  }
0x2c: {  	s7 =	sld [smem:$0x3FAC]  }
0x2d: {  	s3 =	simm.s32 $0x108;
	s8 =	sld [smem:$0x3FAD]  }
0x2e: {  	s3 =	simm.s32 @!p0 $0x1082;
	s9 =	sld [smem:$0x3FAE]  }
0x2f: {  	lr =	sadd.s32 s0, s3;
	s0 =	sld [smem:$0x3FA5]  }
0x30: {  	s3 =	sld [smem:$0x3FA8]  }
0x31: {  	[smem:$0x3FB1] =	sst s10  }
0x32: {  	s10 =	sld [smem:$0x3FAF];
	_ =	sdelay $0x3  }
0x33: {  	p0 =	seq.s32 s10, $0x1;
	s10 =	sld [smem:$0x3FB1];
	_ =	sdelay $0x3  }
0x34: {  	[smem:$0x3FB1] =	sst s10  }
0x35: {  	s10 =	sld [smem:$0x3FB0];
	_ =	sdelay $0x3  }
0x36: {  	p1 =	seq.s32 s10, $0x1;
	s10 =	sld [smem:$0x3FB1];
	_ =	sdelay $0x3  }
0x37: {  	[smem:$0x3FB1] =	sst s10  }
0x38: {  	s10 =	sld [smem:$0x3FB2]  }
0x39: {  	_ = 	snop;
	(pc) =	sbr.ind lr, $3  }
0x3a: {  	_ = 	snop  }
0x3b: {  	_ = 	snop  }
0x3c: {  	p2 =	seq.s32 s10, $0x1;
	s10 =	sld [smem:$0x3FB1]  }
0x3d: {  	_ =	shalt  }
0x3e: {  	_ =	shalt  }
0x3f: {  	_ =	shalt  }
0x40: {  	_ =	shalt  }
0x41: {  	_ =	shalt  }
0x42: {  	_ =	shalt  }
0x43: {  	_ =	shalt  }
0x44: {  	_ =	shalt  }
0x45: {  	_ =	shalt  }
0x46: {  	_ =	shalt  }
0x47: {  	_ =	shalt  }
0x48: {  	_ =	shalt  }
0x49: {  	_ =	shalt  }
0x4a: {  	_ =	shalt  }
0x4b: {  	_ =	shalt  }
0x4c: {  	_ =	shalt  }
0x4d: {  	_ =	shalt  }
0x4e: {  	_ =	shalt  }
0x4f: {  	_ =	shalt  }
0x50: {  	_ =	shalt  }
0x51: {  	_ =	shalt  }
0x52: {  	_ =	shalt  }
0x53: {  	_ =	shalt  }
0x54: {  	_ =	shalt  }
0x55: {  	_ =	shalt  }
0x56: {  	_ =	shalt  }
0x57: {  	_ =	shalt  }
0x58: {  	_ =	shalt  }
0x59: {  	_ =	shalt  }
0x5a: {  	_ =	shalt  }
0x5b: {  	_ =	shalt  }
0x5c: {  	_ =	shalt  }
0x5d: {  	_ =	shalt  }
0x5e: {  	_ =	shalt  }
0x5f: {  	_ =	shalt  }
0x60: {  	_ =	shalt  }
0x61: {  	_ =	shalt  }
0x62: {  	_ =	shalt  }
0x63: {  	_ =	shalt  }
0x64: {  	_ =	shalt  }
0x65: {  	_ =	shalt  }
0x66: {  	_ =	shalt  }
0x67: {  	_ =	shalt  }
0x68: {  	_ =	shalt  }
0x69: {  	_ =	shalt  }
0x6a: {  	_ =	shalt  }
0x6b: {  	_ =	shalt  }
0x6c: {  	_ =	shalt  }
0x6d: {  	_ =	shalt  }
0x6e: {  	_ =	shalt  }
0x6f: {  	_ =	shalt  }
0x70: {  	_ =	shalt  }
0x71: {  	_ =	shalt  }
0x72: {  	_ =	shalt  }
0x73: {  	_ =	shalt  }
0x74: {  	_ =	shalt  }
0x75: {  	_ =	shalt  }
0x76: {  	_ =	shalt  }
0x77: {  	_ =	shalt  }
0x78: {  	_ =	shalt  }
0x79: {  	_ =	shalt  }
0x7a: {  	_ =	shalt  }
0x7b: {  	_ =	shalt  }
0x7c: {  	_ =	shalt  }
0x7d: {  	_ =	shalt  }
0x7e: {  	_ =	shalt  }
0x7f: {  	_ =	shalt  }
0x80: {  	_ =	shalt  }
0x81: {  	_ =	shalt  }
0x82: {  	_ =	shalt  }
0x83: {  	_ =	shalt  }
0x84: {  	_ =	shalt  }
0x85: {  	_ =	shalt  }
0x86: {  	_ =	shalt  }
0x87: {  	_ =	shalt  }
.Lfunc_end0:
.L_simem_size_0:
called_computation.2_lowered:
.L_overlay_start_0:
0x88: {  	s2 =	sld [smem:$0x3FD9]  }
0x89: {  	s3 =	sld [smem:$0x3FFE];
	_ =	sdelay $0x1  }
0x8a: {  	s1 =	srdreg.scid  }
0x8b: {  	s0 =	sand.u32 $0x1, s1  }
0x8c: {  	s17 =	sshll.u32 s0, $0xA;
	s2 =	sadd.s32 s3, s2  }
0x8d: {  	s2 =	sadd.s32 s2, s17  }
0x8e: {  	[smem:$0x3FBD] =	sst s2  }
0x8f: {  	_ = 	snop  }
0x90: {  	s2 =	sld [smem:$0x3FD0];
	(tm) =	ssettm $0x1  }
0x91: {  	s18 =	sld [smem:$0x3FFB];
	_ =	sdelay $0x3  }
0x92: {  	_ =	strace s18  }
0x93: {  	s3 =	sld [smem:$0x3FFC];
	_ =	sdelay $0x3  }
0x94: {  	_ =	strace s3  }
0x95: {  	s3 =	sld [smem:$0x3FFD];
	_ =	sdelay $0x3  }
0x96: {  	_ =	strace s3  }
0x97: {  	_ =	strace $0x8FFFFFFF  }
0x98: {  	s19 =	sld [smem:$0x3FDB];
	_ =	sdelay $0x1  }
0x99: {  	s4 =	simm.s32 $_scs_section_size  }
0x9a: {  	s5 =	simm.s32 $_size__tile_overlayer_lowered;
	s6 =	simm.s32 $_tile_overlayer_lowered  }
0x9b: {  	s22 =	simm.s32 $0x1BFF;
	s21 =	sshll.u32 s6, $0x1;
	s3 =	sadd.s32 s4, s19  }
0x9c: {  	s7 =	simm.s32 $0x0;
	s20 =	sshll.u32 s5, $0x1;
	s5 =	sadd.s32 s21, s3  }
0x9d: {  	[timem:s7], [sflag:s22] =	dma.local [hbm:s5], s20  }
0x9e: {  	_ =	swait.ge [sflag:s22], s20  }
0x9f: {  	s4 =	ssub.s32 $0x0, s20;
	[sflag:s22] =	ssyncset.done $0x0  }
0xa0: {  	[sflag:s22] =	ssyncadd.s32 s4;
	_ =	sdelay $0x1  }
0xa1: {  	s23 =	simm.s32 $0x1B8B  }
0xa2: {  	_ =	swait.ge [sflag:s23], $0x1  }
0xa3: {  	[sflag:s23] =	ssyncset.done $0x0  }
0xa4: {  	s25 =	simm.s32 $0x1B8E;
	s24 =	sld [smem:$0x3FFE];
	[sflag:s23] =	ssyncadd.s32 $0xFFFFFFFF  }
0xa5: {  	s26 =	simm.s32 $execute0_lowered;
	[smem:$0x3FD2] =	sst s25  }
0xa6: {  	s5 =	sshll.u32 s26, $0x1;
	_ =	strace $0x8000004C;
	[dreg:$0x1] =	wrdreg $0xFFFFFFFF  }
0xa7: {  	s28 =	simm.s32 $_size_execute0_lowered;
	s3 =	sadd.s32 s3, s5;
	[dreg:$0x0] =	wrdreg $0x0  }
0xa8: {  	s5 =	sshll.u32 s28, $0x1;
	[dreg:$0x2] =	wrdreg s3  }
0xa9: {  	[dreg:$0x3] =	wrdreg s5  }
0xaa: {  	[dreg:$0x4] =	wrdreg $0xC0  }
0xab: {  	_ =	task [dreg:s7], $0x5FFFF  }
0xac: {  	[dreg:$0x1] =	wrdreg $0xFFFFFFFF  }
0xad: {  	[dreg:$0x0] =	wrdreg $0x60  }
0xae: {  	[dreg:$0x2] =	wrdreg s24  }
0xaf: {  	[dreg:$0x3] =	wrdreg s2  }
0xb0: {  	[dreg:$0x4] =	wrdreg $0x9  }
0xb1: {  	_ =	task.clear_ibuf [dreg:s7], $0x5FFFF;
	_ =	strace $0x9000004C  }
0xb2: {  	s29 =	simm.s32 $0x9;
	_ =	strace $0x8000004E  }
0xb3: {  	_ =	swait.ge [sflag:s29], $0x1  }
0xb4: {  	[sflag:s29] =	ssyncadd.s32 $0xFFFFFFFF  }
0xb5: {  	_ =	strace $0x9000004E  }
0xb6: {  	_ =	sfence  }
0xb7: {  	s30 =	sld [smem:$0x0];
	_ =	sdelay $0x2  }
0xb8: {  	s31 =	sshll.u32 s1, $0xD;
	s1 =	sshrl.u32 s1, $0x2  }
0xb9: {  	s3 =	sand.u32 $0x4000, s31;
	s1 =	sadd.s32 s1, s30  }
0xba: {  	s0 =	sor.u32 s3, s0;
	s1 =	sshll.u32 s1, $0x11  }
0xbb: {  	s0 =	sor.u32 s1, s0  }
0xbc: {  	s0 =	sadd.s32 $0x8F2B, s0  }
0xbd: {  	[sflag:s0] =	ssyncadd.remote.s32 $0x1  }
0xbe: {  	_ =	sfence.sel $0xFFFF  }
0xbf: {  	[dreg:$0x0] =	wrdreg $0xFFFFFFFF;
	(pc) =	sbr.abs _section_cstart, $3  }
0xc0: {  	[dreg:$0x1] =	wrdreg $0xFFFFFFFF  }
0xc1: {  	_ =	task.clear_ibuf [dreg:s7], $0x2FFFF;
	_ =	strace $0x9FFFFFFF  }
0xc2: {  	(tm) =	ssettm $0x7FFFFFFF  }
0xc3: {  	_ =	shalt  }
tec
execute0_lowered:
.L_overlay_start_1:
0x0: {  	(tag) =	ssettag $0x1  }
0x1: {  	s0 =	srdreg.scid;
	s4 =	rddreg [dreg:$0x0]  }
0x2: {  	s6 =	rddreg [dreg:$0x1];
	s3 =	sand.u32 $0x1, s0  }
0x3: {  	s2 =	simm.s32 $0x0;
	s0 =	stileid.u32;
	s1 =	sshll.u32 s3, $0x4  }
0x4: {  	s10 =	simm.s32 $0x144C0;
	s11 =	simm.s32 $0x15100;
	s1 =	sor.u32 s0, s1  }
0x5: {  	s12 =	simm.s32 $0x0;
	s7 =	ssub.s32 $0x2, s3;
	s5 =	smul.u32 $0xC40, s1  }
0x6: {  	[smem:$0x7FF] =	sst s2;
	s3 =	sadd.s32 $0x3400, s4;
	s31 =	sshrl.u32 s7, $0x1  }
0x7: {  	s1 =	rddreg [dreg:$0x2];
	s7 =	ssub.s32 s7, s31;
	s5 =	smin.u32 s5, $0x17A60  }
0x8: {  	_ =	strace $0x8000004D;
	s7 =	smax.u32 s7, $0x1;
	s8 =	sshrl.u32 s5, $0x3  }
0x9: {  	s9 =	sadd.s32 s8, s4;
	s6 =	sadd.s32 s6, s8;
	s8 =	simm.s32 $0x1  }
0xa: {  	s4 =	sadd.s32 $0x2AC00, s9;
	s5 =	sadd.s32 $0x2DCD4, s9;
	s9 =	simm.s32 $0x13880  }
.LBB2_1:
0xb: {  	[tilespmem:s2], [sflag:$0x1] =	stream.linear.gather [hbm4b:s3+s2], $0x13880, $0x38;
	[tilespmem:$0x15D40] =	vst v63  }
0xc: {  	_ =	swait.ge [sflag:s8], $0x13880  }
0xd: {  	[sflag:s8] =	ssyncset.done $0x0  }
0xe: {  	[sflag:s8] =	ssyncadd.s32 $0xFFFEC780  }
0xf: {  	[tilespmem:s9], [sflag:$0x1] =	stream.linear.gather [hbm4b:s4+s2], $0xC40, $0x38;
	[tilespmem:$0x15D40] =	vst v63  }
0x10: {  	_ =	swait.ge [sflag:s8], $0xC40  }
0x11: {  	[sflag:s8] =	ssyncset.done $0x0  }
0x12: {  	[sflag:s8] =	ssyncadd.s32 $0xFFFFF3C0  }
0x13: {  	[tilespmem:s10], [sflag:$0x1] =	stream.linear.gather [hbm4b:s5+s2], $0xC40, $0x38;
	[tilespmem:$0x15D40] =	vst v63  }
0x14: {  	_ =	swait.ge [sflag:s8], $0xC40  }
0x15: {  	[sflag:s8] =	ssyncset.done $0x0  }
0x16: {  	s14 =	simm.s32 $0x0;
	[sflag:s8] =	ssyncadd.s32 $0xFFFFF3C0  }
0x17: {  	v0 =	vld [tilespmem:s14+$0x144C0];
	_ =	sdelay $0x1  }
0x18: {  	v2 =	vld [tilespmem:s14+$0x13880];
	_ =	sdelay $0x2  }
0x19: {  	v1 =	vshll.u32 v0, $0x3  }
0x1a: {  	v1 =	vor.u32 $0x1, v1  }
0x1b: {  	v2 =	vshll.u32 v2, $0x3  }
0x1c: {  	s13 =	simm.s32 $0x10  }
0x1d: {  	v3 =	vld [tilespmem:s13+$0x144C0]  }
0x1e: {  	s15 =	simm.s32 $0x80;
	v0 =	vld [tilespmem:s13+$0x13880]  }
.LBB2_2:
0x1f: {  	p0 =	sne.s32 s15, $0x30C0;
	v4 =	vld.idx.msk [tilespmem:v1+s2+$0x0], $0xffff  }
0x20: {  	v5 =	vld.idx.msk [tilespmem:v2+s2+$0x0], $0xffff;
	_ =	sdelay $0x2  }
0x21: {  	v1 =	vshll.u32 v3, $0x3  }
.Ltmp0:
0x22: {  	v1 =	vor.u32 $0x1, v1;
	(pc) =	sbr.rel @p0 .LBB2_2-.Ltmp0, $4  }
0x23: {  	v2 =	vshll.u32 v0, $0x3  }
0x24: {  	s16 =	sshra.s32 s15, $0x2;
	v4 =	vadd.f32 v4, v5  }
0x25: {  	v0 =	vld [tilespmem:s16+$0x13880]  }
0x26: {  	s15 =	sadd.s32 $0x40, s15;
	v3 =	vld [tilespmem:s16+$0x144C0];
	[tilespmem:s14+$0x15100] =	vst v4;
	s14 =	smov.u32 s13;
	s13 =	smov.u32 s16  }
0x27: {  	_ =	sdelay $0x3  }
0x28: {  	v1 =	vld.idx.msk [tilespmem:v1+s2+$0x0], $0xffff  }
0x29: {  	v2 =	vld.idx.msk [tilespmem:v2+s2+$0x0], $0xffff;
	_ =	sdelay $0x2  }
0x2a: {  	v0 =	vshll.u32 v0, $0x3;
	v3 =	vshll.u32 v3, $0x3  }
0x2b: {  	v3 =	vor.u32 $0x1, v3  }
0x2c: {  	v1 =	vadd.f32 v1, v2;
	_ =	sdelay $0x1  }
0x2d: {  	[tilespmem:s14+$0x15100] =	vst v1  }
0x2e: {  	v0 =	vld.idx.msk [tilespmem:v0+s2+$0x0], $0xffff  }
0x2f: {  	v1 =	vld.idx.msk [tilespmem:v3+s2+$0x0], $0xffff;
	_ =	sdelay $0x4  }
0x30: {  	s12 =	sadd.s32 $0x1, s12;
	v0 =	vadd.f32 v1, v0  }
0x31: {  	p0 =	sne.s32 s12, s7  }
.Ltmp1:
0x32: {  	[tilespmem:s13+$0x15100] =	vst v0;
	(pc) =	sbr.rel @p0 .LBB2_1-.Ltmp1, $4  }
0x33: {  	[hbm4b:s6+s2] =	stream.linear.scatter [tilespmem:s11], [sflag:$0x1], $0xC40, $0x38;
	[tilespmem:$0x15D40] =	vst v63  }
0x34: {  	_ =	swait.ge [sflag:s8], $0xC40  }
0x35: {  	[sflag:s8] =	ssyncset.done $0x0  }
0x36: {  	[sflag:s8] =	ssyncadd.s32 $0xFFFFF3C0  }
0x37: {  	_ =	sfence.sel $0x180000  }
0x38: {  	[bflag:$0x0] =	sbarrier.arrive $0xFFFF  }
0x39: {  	p0 =	sne.s32 s0, $0x0;
	_ =	strace $0x9000004D  }
0x3a: {  	s0 =	sadd.s32 @!p0 $0x100000, s1;
	[bflag:$0x2] =	sbarrier.arrive $0xFFFF  }
0x3b: {  	[sflag:s0] =	ssyncadd.tile.s32 @!p0 $0x1;
	_ =	shalt  }
.Lfunc_end2:
_tile_overlayer_lowered:
.L_overlay_start_2:
0x3c: {  	(tag) =	ssettag $0x2  }
0x3d: {  	s0 =	rddreg [dreg:$0x0];
	s2 =	stileid.u32  }
0x3e: {  	s1 =	rddreg [dreg:$0x1];
	p0 =	sne.s32 s2, $0x0  }
0x3f: {  	s3 =	rddreg [dreg:$0x2];
	[bflag:$0x3] =	sbarrier.arrive $0xFFFF;
	s2 =	simm.s32 @!p0 $0x1C01  }
0x40: {  	[timem:s3], [sflag:s2] =	dma.local @!p0 [hbm:s0], s1  }
0x41: {  	s0 =	simm.s32 @!p0 $0x1  }
0x42: {  	_ =	swait.ge @!p0 [sflag:s0], s1  }
0x43: {  	s1 =	ssub.s32 @!p0 $0x0, s1;
	[sflag:s0] =	ssyncset.done @!p0 $0x0  }
0x44: {  	[sflag:s0] =	ssyncadd.s32 @!p0 s1  }
0x45: {  	[bflag:$0x3] =	sbarrier.arrive $0xFFFF  }
0x46: {  	_ =	shalt  }

// kernel: kernel.8.cloned.1.call-start
scs
__scs_entry_jumppad:
0x0: {  	(pc) =	sbr.rel $0x88, $3  }
0x1: {  	(tag) =	ssettag $0x0;
	lr =	simm.s32 $0x1  }
0x2: {  	[smem:$0x3F96] =	sst lr;
	_ =	strace $0xD0000000  }
0x3: {  	_ = 	snop  }
0x4: {  	_ = 	snop  }
0x5: {  	_ = 	snop  }
0x6: {  	_ = 	snop  }
0x7: {  	_ = 	snop  }
__scs_overlays_trampoline_lowered:
0x8: {  	[smem:$0x3FA5] =	sst s0  }
0x9: {  	[smem:$0x3FA6] =	sst s1  }
0xa: {  	[smem:$0x3FA7] =	sst s2  }
0xb: {  	[smem:$0x3FA8] =	sst s3  }
0xc: {  	[smem:$0x3FA9] =	sst s4  }
0xd: {  	[smem:$0x3FAA] =	sst s5  }
0xe: {  	[smem:$0x3FAB] =	sst s6  }
0xf: {  	[smem:$0x3FAC] =	sst s7  }
0x10: {  	[smem:$0x3FAD] =	sst s8  }
0x11: {  	[smem:$0x3FAE] =	sst s9;
	s0 =	simm.s32 @!p0 $0x0  }
0x12: {  	s1 =	sld [smem:$0x3F94];
	s0 =	simm.s32 @p0 $0x1  }
0x13: {  	[smem:$0x3FAF] =	sst s0;
	s0 =	simm.s32 @!p1 $0x0  }
0x14: {  	s2 =	sld [smem:$0x3F93];
	s0 =	simm.s32 @p1 $0x1  }
0x15: {  	[smem:$0x3FB0] =	sst s0;
	s0 =	simm.s32 @!p2 $0x0  }
0x16: {  	s3 =	sld [smem:$0x3FDB];
	s0 =	simm.s32 @p2 $0x1  }
0x17: {  	s4 =	simm.s32 $0x1BF5;
	[smem:$0x3FB2] =	sst s0  }
0x18: {  	s0 =	sld [smem:$0x3F95];
	_ =	swait.ge [sflag:s4], $0x0  }
0x19: {  	s7 =	sld [smem:$0x3F96]  }
0x1a: {  	s8 =	sadd.s32 $0xFFFFE003, lr  }
0x1b: {  	s9 =	sadd.s32 $0xFFFFFEF7, lr;
	s5 =	simm.s32 $0xFFFFFFFF;
	p2 =	slt.u32 s8, $0xFFFFF086  }
0x1c: {  	p1 =	slt.u32 s9, $0xF7A;
	s5 =	simm.s32 @!p2 $0x0  }
0x1d: {  	s5 =	simm.s32 @p1 $0x1;
	p0 =	seq.s32 s7, s2  }
0x1e: {  	s7 =	smul.u32 @!p0 $0xF7A, s2;
	p2 =	seq.s32 @!p0 s5, $0x0  }
0x1f: {  	s9 =	smul.u32 $0xF7A, s1;
	s8 =	simm.s32 @!p0 $0x1BF5;
	p2 =	por !p2, p0  }
0x20: {  	[sflag:s8] =	ssyncset.s32 @!p0 $0xFFFFF086;
	s6 =	sadd.s32 @!p0 s3, s7;
	s7 =	simm.s32 @!p0 $0x108  }
0x21: {  	s3 =	sadd.s32 s3, s9;
	s6 =	sadd.s32 @!p0 $0x88, s6;
	s7 =	simm.s32 @p2 $0x1082  }
0x22: {  	[simem:s7], [sflag:s8] =	dma.local @!p0 [hbm:s6], $0xF7A  }
0x23: {  	s9 =	sor.u32 $0xD0000000, s2;
	s6 =	simm.s32 $0x108;
	_ =	swait.ge @!p0 [sflag:s8], $0x0  }
0x24: {  	s3 =	sadd.s32 $0x88, s3;
	s6 =	simm.s32 @!p1 $0x1082;
	[sflag:s4] =	ssyncset.s32 $0xFFFFF086  }
0x25: {  	[simem:s6], [sflag:s4] =	dma.local [hbm:s3], $0xF7A  }
0x26: {  	[smem:$0x3F96] =	sst s1;
	(tag) =	ssettag s2;
	_ =	strace s9  }
0x27: {  	s1 =	sld [smem:$0x3FA6]  }
0x28: {  	s2 =	sld [smem:$0x3FA7]  }
0x29: {  	s4 =	sld [smem:$0x3FA9]  }
0x2a: {  	p0 =	seq.s32 s5, $0x0;
	s5 =	sld [smem:$0x3FAA]  }
0x2b: {  	s6 =	sld [smem:$0x3FAB]  }
0x2c: {  	s7 =	sld [smem:$0x3FAC]  }
0x2d: {  	s3 =	simm.s32 $0x108;
	s8 =	sld [smem:$0x3FAD]  }
0x2e: {  	s3 =	simm.s32 @!p0 $0x1082;
	s9 =	sld [smem:$0x3FAE]  }
0x2f: {  	lr =	sadd.s32 s0, s3;
	s0 =	sld [smem:$0x3FA5]  }
0x30: {  	s3 =	sld [smem:$0x3FA8]  }
0x31: {  	[smem:$0x3FB1] =	sst s10  }
0x32: {  	s10 =	sld [smem:$0x3FAF];
	_ =	sdelay $0x3  }
0x33: {  	p0 =	seq.s32 s10, $0x1;
	s10 =	sld [smem:$0x3FB1];
	_ =	sdelay $0x3  }
0x34: {  	[smem:$0x3FB1] =	sst s10  }
0x35: {  	s10 =	sld [smem:$0x3FB0];
	_ =	sdelay $0x3  }
0x36: {  	p1 =	seq.s32 s10, $0x1;
	s10 =	sld [smem:$0x3FB1];
	_ =	sdelay $0x3  }
0x37: {  	[smem:$0x3FB1] =	sst s10  }
0x38: {  	s10 =	sld [smem:$0x3FB2]  }
0x39: {  	_ = 	snop;
	(pc) =	sbr.ind lr, $3  }
0x3a: {  	_ = 	snop  }
0x3b: {  	_ = 	snop  }
0x3c: {  	p2 =	seq.s32 s10, $0x1;
	s10 =	sld [smem:$0x3FB1]  }
0x3d: {  	_ =	shalt  }
0x3e: {  	_ =	shalt  }
0x3f: {  	_ =	shalt  }
0x40: {  	_ =	shalt  }
0x41: {  	_ =	shalt  }
0x42: {  	_ =	shalt  }
0x43: {  	_ =	shalt  }
0x44: {  	_ =	shalt  }
0x45: {  	_ =	shalt  }
0x46: {  	_ =	shalt  }
0x47: {  	_ =	shalt  }
0x48: {  	_ =	shalt  }
0x49: {  	_ =	shalt  }
0x4a: {  	_ =	shalt  }
0x4b: {  	_ =	shalt  }
0x4c: {  	_ =	shalt  }
0x4d: {  	_ =	shalt  }
0x4e: {  	_ =	shalt  }
0x4f: {  	_ =	shalt  }
0x50: {  	_ =	shalt  }
0x51: {  	_ =	shalt  }
0x52: {  	_ =	shalt  }
0x53: {  	_ =	shalt  }
0x54: {  	_ =	shalt  }
0x55: {  	_ =	shalt  }
0x56: {  	_ =	shalt  }
0x57: {  	_ =	shalt  }
0x58: {  	_ =	shalt  }
0x59: {  	_ =	shalt  }
0x5a: {  	_ =	shalt  }
0x5b: {  	_ =	shalt  }
0x5c: {  	_ =	shalt  }
0x5d: {  	_ =	shalt  }
0x5e: {  	_ =	shalt  }
0x5f: {  	_ =	shalt  }
0x60: {  	_ =	shalt  }
0x61: {  	_ =	shalt  }
0x62: {  	_ =	shalt  }
0x63: {  	_ =	shalt  }
0x64: {  	_ =	shalt  }
0x65: {  	_ =	shalt  }
0x66: {  	_ =	shalt  }
0x67: {  	_ =	shalt  }
0x68: {  	_ =	shalt  }
0x69: {  	_ =	shalt  }
0x6a: {  	_ =	shalt  }
0x6b: {  	_ =	shalt  }
0x6c: {  	_ =	shalt  }
0x6d: {  	_ =	shalt  }
0x6e: {  	_ =	shalt  }
0x6f: {  	_ =	shalt  }
0x70: {  	_ =	shalt  }
0x71: {  	_ =	shalt  }
0x72: {  	_ =	shalt  }
0x73: {  	_ =	shalt  }
0x74: {  	_ =	shalt  }
0x75: {  	_ =	shalt  }
0x76: {  	_ =	shalt  }
0x77: {  	_ =	shalt  }
0x78: {  	_ =	shalt  }
0x79: {  	_ =	shalt  }
0x7a: {  	_ =	shalt  }
0x7b: {  	_ =	shalt  }
0x7c: {  	_ =	shalt  }
0x7d: {  	_ =	shalt  }
0x7e: {  	_ =	shalt  }
0x7f: {  	_ =	shalt  }
0x80: {  	_ =	shalt  }
0x81: {  	_ =	shalt  }
0x82: {  	_ =	shalt  }
0x83: {  	_ =	shalt  }
0x84: {  	_ =	shalt  }
0x85: {  	_ =	shalt  }
0x86: {  	_ =	shalt  }
0x87: {  	_ =	shalt  }
.Lfunc_end0:
.L_simem_size_0:
called_computation_lowered:
.L_overlay_start_0:
0x88: {  	s2 =	sld [smem:$0x3FD9]  }
0x89: {  	s3 =	sld [smem:$0x3FFE];
	_ =	sdelay $0x1  }
0x8a: {  	s1 =	srdreg.scid  }
0x8b: {  	s0 =	sand.u32 $0x1, s1  }
0x8c: {  	s17 =	sshll.u32 s0, $0xA;
	s2 =	sadd.s32 s3, s2  }
0x8d: {  	s2 =	sadd.s32 s2, s17  }
0x8e: {  	[smem:$0x3FBD] =	sst s2  }
0x8f: {  	_ = 	snop  }
0x90: {  	s2 =	sld [smem:$0x3FD0];
	(tm) =	ssettm $0x1  }
0x91: {  	s18 =	sld [smem:$0x3FFB];
	_ =	sdelay $0x3  }
0x92: {  	_ =	strace s18  }
0x93: {  	s3 =	sld [smem:$0x3FFC];
	_ =	sdelay $0x3  }
0x94: {  	_ =	strace s3  }
0x95: {  	s3 =	sld [smem:$0x3FFD];
	_ =	sdelay $0x3  }
0x96: {  	_ =	strace s3  }
0x97: {  	_ =	strace $0x8FFFFFFF  }
0x98: {  	s19 =	sld [smem:$0x3FDB];
	_ =	sdelay $0x1  }
0x99: {  	s4 =	simm.s32 $_scs_section_size  }
0x9a: {  	s5 =	simm.s32 $_size__tile_overlayer_lowered;
	s6 =	simm.s32 $_tile_overlayer_lowered  }
0x9b: {  	s22 =	simm.s32 $0x1BFF;
	s21 =	sshll.u32 s6, $0x1;
	s3 =	sadd.s32 s4, s19  }
0x9c: {  	s7 =	simm.s32 $0x0;
	s20 =	sshll.u32 s5, $0x1;
	s5 =	sadd.s32 s21, s3  }
0x9d: {  	[timem:s7], [sflag:s22] =	dma.local [hbm:s5], s20  }
0x9e: {  	_ =	swait.ge [sflag:s22], s20  }
0x9f: {  	s4 =	ssub.s32 $0x0, s20;
	[sflag:s22] =	ssyncset.done $0x0  }
0xa0: {  	[sflag:s22] =	ssyncadd.s32 s4;
	_ =	sdelay $0x1  }
0xa1: {  	s23 =	simm.s32 $0x1B8B  }
0xa2: {  	_ =	swait.ge [sflag:s23], $0x1  }
0xa3: {  	[sflag:s23] =	ssyncset.done $0x0  }
0xa4: {  	s25 =	simm.s32 $0x1B8E;
	s24 =	sld [smem:$0x3FFE];
	[sflag:s23] =	ssyncadd.s32 $0xFFFFFFFF  }
0xa5: {  	s26 =	simm.s32 $execute0_lowered;
	[smem:$0x3FD2] =	sst s25  }
0xa6: {  	s5 =	sshll.u32 s26, $0x1;
	_ =	strace $0x80000046;
	[dreg:$0x1] =	wrdreg $0xFFFFFFFF  }
0xa7: {  	s28 =	simm.s32 $_size_execute0_lowered;
	s3 =	sadd.s32 s3, s5;
	[dreg:$0x0] =	wrdreg $0x0  }
0xa8: {  	s5 =	sshll.u32 s28, $0x1;
	[dreg:$0x2] =	wrdreg s3  }
0xa9: {  	[dreg:$0x3] =	wrdreg s5  }
0xaa: {  	[dreg:$0x4] =	wrdreg $0xC0  }
0xab: {  	_ =	task [dreg:s7], $0x5FFFF  }
0xac: {  	[dreg:$0x1] =	wrdreg $0xFFFFFFFF  }
0xad: {  	[dreg:$0x0] =	wrdreg $0x60  }
0xae: {  	[dreg:$0x2] =	wrdreg s24  }
0xaf: {  	[dreg:$0x3] =	wrdreg s2  }
0xb0: {  	[dreg:$0x4] =	wrdreg $0xFD000  }
0xb1: {  	[dreg:$0x5] =	wrdreg $0x14C000  }
0xb2: {  	[dreg:$0x6] =	wrdreg $0x19E200  }
0xb3: {  	[dreg:$0x7] =	wrdreg $0x9  }
0xb4: {  	_ =	task.clear_ibuf [dreg:s7], $0x8FFFF;
	_ =	strace $0x90000046  }
0xb5: {  	s29 =	simm.s32 $0x9;
	_ =	strace $0x80000048  }
0xb6: {  	_ =	swait.ge [sflag:s29], $0x1  }
0xb7: {  	[sflag:s29] =	ssyncadd.s32 $0xFFFFFFFF  }
0xb8: {  	_ =	strace $0x90000048  }
0xb9: {  	_ =	sfence  }
0xba: {  	s30 =	sld [smem:$0x0];
	_ =	sdelay $0x2  }
0xbb: {  	s31 =	sshll.u32 s1, $0xD;
	s1 =	sshrl.u32 s1, $0x2  }
0xbc: {  	s3 =	sand.u32 $0x4000, s31;
	s1 =	sadd.s32 s1, s30  }
0xbd: {  	s0 =	sor.u32 s3, s0;
	s1 =	sshll.u32 s1, $0x11  }
0xbe: {  	s0 =	sor.u32 s1, s0  }
0xbf: {  	s0 =	sadd.s32 $0x8F2B, s0  }
0xc0: {  	[sflag:s0] =	ssyncadd.remote.s32 $0x1  }
0xc1: {  	_ =	sfence.sel $0xFFFF  }
0xc2: {  	[dreg:$0x0] =	wrdreg $0xFFFFFFFF;
	(pc) =	sbr.abs _section_cstart, $3  }
0xc3: {  	[dreg:$0x1] =	wrdreg $0xFFFFFFFF  }
0xc4: {  	_ =	task.clear_ibuf [dreg:s7], $0x2FFFF;
	_ =	strace $0x9FFFFFFF  }
0xc5: {  	(tm) =	ssettm $0x7FFFFFFF  }
tec
execute0_lowered:
.L_overlay_start_1:
0x0: {  	(tag) =	ssettag $0x1  }
0x1: {  	s0 =	rddreg [dreg:$0x0]  }
0x2: {  	s2 =	rddreg [dreg:$0x1]  }
0x3: {  	s1 =	rddreg [dreg:$0x2]  }
0x4: {  	s3 =	rddreg [dreg:$0x3]  }
0x5: {  	s4 =	rddreg [dreg:$0x4];
	s5 =	simm.s32 $0x0;
	s14 =	stileid.u32  }
0x6: {  	s10 =	srdreg.scid;
	s31 =	simm.s32 $0x80;
	s29 =	simm.s32 $0x1  }
0x7: {  	s30 =	simm.s32 $0x2;
	[smem:$0x7FF] =	sst s5;
	s21 =	smul.u32 $0x4F00, s14  }
0x8: {  	s6 =	sadd.s32 $0x34400, s0;
	s7 =	sadd.s32 $0x2A600, s0;
	s8 =	sadd.s32 $0x3E200, s0  }
0x9: {  	s11 =	sadd.s32 $0x5BA00, s0;
	s22 =	sadd.s32 $0x6AA00, s0;
	s10 =	sand.u32 $0x1, s10  }
0xa: {  	s23 =	sadd.s32 $0x60C00, s0;
	_ =	strace $0x80000047;
	[dreg:$0x8] =	wrdreg s11  }
0xb: {  	s24 =	sadd.s32 $0x5E400, s0;
	s12 =	smul.u32 $0x4E20, s14;
	[dreg:$0x9] =	wrdreg s22  }
0xc: {  	s28 =	sshll.u32 s14, $0x6;
	s13 =	smul.u32 $0x4E00, s14;
	[dreg:$0xa] =	wrdreg s23  }
0xd: {  	s20 =	sshll.u32 s14, $0x4;
	p2 =	sgt.u32 s14, $0x3;
	[dreg:$0xb] =	wrdreg s24  }
0xe: {  	s25 =	ssub.s32 $0x2, s10;
	s18 =	sor.u32 $0x1C13, s28;
	p0 =	seq.s32 s10, $0x0  }
0xf: {  	p1 =	sne.s32 s10, $0x0;
	s11 =	simm.s32 $0x9D00;
	s10 =	simm.s32 $0x3  }
0x10: {  	s9 =	sshrl.u32 s21, $0x3;
	s26 =	sshrl.u32 s25, $0x1;
	s5 =	sadd.s32 s21, s1  }
0x11: {  	s15 =	sadd.s32 s12, s3;
	s16 =	sshrl.u32 s13, $0x3;
	s17 =	sshrl.u32 s12, $0x3  }
0x12: {  	s21 =	smul.u32 $0x13C0, s14;
	s7 =	smov.u32 @p0 s6;
	[dreg:$0xf] =	wrdreg s18  }
0x13: {  	s6 =	simm.s32 $0x7;
	s13 =	simm.s32 $0x5;
	[dreg:$0x7] =	wrdreg s9  }
0x14: {  	s9 =	sadd.s32 s9, s0;
	s0 =	sadd.s32 $0x5BC00, s0;
	[dreg:$0xd] =	wrdreg s5  }
0x15: {  	s19 =	sadd.s32 s8, s16;
	s8 =	sadd.s32 s20, s8;
	[dreg:$0xc] =	wrdreg s0  }
0x16: {  	s24 =	sadd.s32 s7, s17;
	s28 =	sshrl.u32 s15, $0x3;
	[dreg:$0x10] =	wrdreg s19  }
0x17: {  	s20 =	simm.s32 $0xBD00;
	s7 =	simm.s32 $0xDD00;
	[dreg:$0x14] =	wrdreg s24  }
0x18: {  	s16 =	simm.s32 $0x8;
	s9 =	sadd.s32 $0x51C00, s9;
	[dreg:$0x19] =	wrdreg s28  }
0x19: {  	s17 =	simm.s32 $0x9;
	s12 =	sadd.s32 $0x9C40, s19;
	[dreg:$0xe] =	wrdreg s9  }
0x1a: {  	s0 =	ssub.s32 s25, s26;
	s22 =	sadd.s32 $0x9C00, s8;
	[dreg:$0x11] =	wrdreg s12  }
0x1b: {  	s23 =	sadd.s32 $0x13840, s8;
	s25 =	sadd.s32 s21, s4;
	[dreg:$0x12] =	wrdreg s22  }
0x1c: {  	s26 =	sshrl.u32 s21, $0x3;
	s8 =	simm.s32 $0xCD00;
	[dreg:$0x13] =	wrdreg s23  }
0x1d: {  	s21 =	simm.s32 $0xED00;
	s24 =	simm.s32 $0xED00;
	[dreg:$0x15] =	wrdreg s25  }
.Ltmp0:
0x1e: {  	[dreg:$0x16] =	wrdreg s26;
	s2 =	sadd.s32 s2, s26;
	(pc) =	sbr.rel .LBB2_1-.Ltmp0, $4  }
0x1f: {  	s23 =	simm.s32 $0x6;
	s0 =	smax.u32 s0, $0x1;
	s26 =	simm.s32 $0x6  }
0x20: {  	s9 =	simm.s32 $0x13;
	[dreg:$0x17] =	wrdreg s2;
	s2 =	simm.s32 @!p1 $0x0  }
0x21: {  	s12 =	simm.s32 $0x4;
	[dreg:$0x18] =	wrdreg s0;
	s2 =	simm.s32 @p1 $0x1  }
0x22: {  	s23 =	simm.s32 @!p0 $0x54;
	[smem:$0x7FD] =	sst s2;
	s2 =	simm.s32 $0x0  }
.LBB2_6:
0x23: {  	s0 =	simm.s32 $0x19A20  }
0x24: {  	[spmem:s4] =	stream.indirect.scatter.add.f32 [tilespmem:s0], [sflag:$0x13], $0x8, s2, s31, $0xb8;
	[tilespmem:$0x1B1E0] =	vst v63  }
0x25: {  	_ =	swait.ge [sflag:s9], $0x400  }
0x26: {  	[sflag:s9] =	ssyncset.done $0x0  }
0x27: {  	[sflag:s9] =	ssyncadd.s32 $0xFFFFFC00  }
0x28: {  	[bflag:$0x0] =	sbarrier.arrive $0xFFFF  }
0x29: {  	s2 =	rddreg [dreg:$0x1a]  }
.LBB2_8:
0x2a: {  	s14 =	rddreg [dreg:$0xa]  }
0x2b: {  	s5 =	rddreg [dreg:$0xc]  }
.LBB2_9:
0x2c: {  	s0 =	rddreg [dreg:$0x7]  }
0x2d: {  	s19 =	rddreg [dreg:$0x1b];
	s0 =	sadd.s32 s14, s0  }
0x2e: {  	[hbm:s0], [sflag:s18] =	dma.local [spmem:s19], $0x9E0  }
0x2f: {  	_ =	swait.ge [sflag:s9], $0x9E0  }
0x30: {  	[sflag:s9] =	ssyncset.done $0x0;
	s22 =	rddreg [dreg:$0x16]  }
0x31: {  	s25 =	rddreg [dreg:$0x1c];
	s0 =	sadd.s32 s5, s22;
	[sflag:s9] =	ssyncadd.s32 $0xFFFFF620  }
0x32: {  	[hbm:s0], [sflag:s18] =	dma.local [spmem:s25], $0x278  }
0x33: {  	_ =	swait.ge [sflag:s9], $0x278  }
0x34: {  	s2 =	sadd.s32 $0x1, s2;
	s28 =	rddreg [dreg:$0x18]  }
0x35: {  	p1 =	sne.s32 s2, s28  }
.Ltmp1:
0x36: {  	_ = 	snop;
	(pc) =	sbr.rel @!p1 .LBB2_10-.Ltmp1, $3  }
0x37: {  	_ =	sdelay $0x1  }
0x38: {  	[sflag:s9] =	ssyncset.done $0x0  }
0x39: {  	[sflag:s9] =	ssyncadd.s32 $0xFFFFFD88  }
.LBB2_1:
0x3a: {  	[dreg:$0x1a] =	wrdreg s2  }
0x3b: {  	s0 =	rddreg [dreg:$0xd]  }
0x3c: {  	s14 =	rddreg [dreg:$0xe];
	s5 =	sshrl.u32 s0, $0x3  }
0x3d: {  	[dreg:$0x1b] =	wrdreg s5  }
0x3e: {  	[spmem:s5], [sflag:s18] =	dma.local [hbm:s14], $0x9E0  }
0x3f: {  	_ =	swait.ge [sflag:s9], $0x9E0  }
0x40: {  	[sflag:s9] =	ssyncset.done $0x0;
	s15 =	rddreg [dreg:$0x14]  }
0x41: {  	s19 =	rddreg [dreg:$0x19];
	[sflag:s9] =	ssyncadd.s32 $0xFFFFF620  }
0x42: {  	[spmem:s19], [sflag:s18] =	dma.local [hbm:s15], $0x9C4  }
0x43: {  	_ =	swait.ge [sflag:s9], $0x9C4  }
0x44: {  	[sflag:s9] =	ssyncset.done $0x0  }
0x45: {  	s0 =	simm.s32 $0x0;
	s22 =	rddreg [dreg:$0x10];
	[sflag:s9] =	ssyncadd.s32 $0xFFFFF63C  }
0x46: {  	[tilespmem:s0], [sflag:$0x13] =	stream.linear.gather [hbm4b:s22+s0], $0x4E00, $0x38;
	[tilespmem:$0x1B1E0] =	vst v63  }
0x47: {  	_ =	swait.ge [sflag:s9], $0x4E00  }
0x48: {  	[sflag:s9] =	ssyncset.done $0x0  }
0x49: {  	s5 =	simm.s32 $0x4E80;
	s25 =	rddreg [dreg:$0x11];
	[sflag:s9] =	ssyncadd.s32 $0xFFFFB200  }
0x4a: {  	[tilespmem:s5], [sflag:$0x13] =	stream.linear.gather [hbm4b:s25+s0], $0x4E00, $0x38;
	[tilespmem:$0x1B1E0] =	vst v63  }
0x4b: {  	_ =	swait.ge [sflag:s9], $0x4E00  }
0x4c: {  	s14 =	simm.s32 @!p2 $0x4E00;
	[sflag:s9] =	ssyncset.done $0x0  }
0x4d: {  	s5 =	simm.s32 @!p2 $0x0;
	s2 =	rddreg [dreg:$0x12];
	[sflag:s9] =	ssyncadd.s32 $0xFFFFB200  }
0x4e: {  	[tilespmem:s14], [sflag:$0x13] =	stream.linear.gather @!p2 [hbm4b:s2+s5], $0x80, $0x38;
	[tilespmem:$0x1B1E0] =	vst v63  }
0x4f: {  	s14 =	simm.s32 @!p2 $0x13  }
0x50: {  	_ =	swait.ge @!p2 [sflag:s14], $0x80  }
0x51: {  	[sflag:s14] =	ssyncset.done @!p2 $0x0  }
0x52: {  	s15 =	simm.s32 @!p2 $0x9C80;
	s2 =	rddreg [dreg:$0x13];
	[sflag:s14] =	ssyncadd.s32 @!p2 $0xFFFFFF80  }
0x53: {  	[tilespmem:s15], [sflag:$0x13] =	stream.linear.gather @!p2 [hbm4b:s2+s5], $0x80, $0x38;
	[tilespmem:$0x1B1E0] =	vst v63  }
0x54: {  	_ =	swait.ge @!p2 [sflag:s14], $0x80  }
0x55: {  	[sflag:s14] =	ssyncset.done @!p2 $0x0;
	s5 =	rddreg [dreg:$0x15]  }
0x56: {  	s15 =	rddreg [dreg:$0x17];
	[sflag:s14] =	ssyncadd.s32 @!p2 $0xFFFFFF80;
	s14 =	sshrl.u32 s5, $0x3  }
0x57: {  	[dreg:$0x1c] =	wrdreg s14  }
0x58: {  	[spmem:s14], [sflag:s18] =	dma.local [hbm:s15], $0x278  }
0x59: {  	_ =	swait.ge [sflag:s9], $0x278  }
0x5a: {  	[sflag:s9] =	ssyncset.done $0x0  }
0x5b: {  	s22 =	simm.s32 $0x19A20;
	s19 =	rddreg [dreg:$0x8];
	[sflag:s9] =	ssyncadd.s32 $0xFFFFFD88  }
0x5c: {  	[tilespmem:s22], [sflag:$0x13] =	stream.linear.gather [hbm4b:s19+s0], $0x400, $0x38;
	[tilespmem:$0x1B1E0] =	vst v63  }
0x5d: {  	_ =	swait.ge [sflag:s9], $0x400  }
0x5e: {  	[sflag:s9] =	ssyncset.done $0x0  }
0x5f: {  	[sflag:s9] =	ssyncadd.s32 $0xFFFFFC00  }
0x60: {  	[bflag:$0x0] =	sbarrier.arrive $0xFFFF  }
0x61: {  	[tilespmem:s11], [sflag:$0x1] =	stream.indirect.gather [spmem:s3], $0x20, s0, s31, $0xb8;
	[tilespmem:$0x1B1E0] =	vst v63  }
0x62: {  	p1 =	por $0x0, $0x0;
	p5 =	por $0x1, $0x1;
	s2 =	simm.s32 $0xAD00  }
0x63: {  	[tilespmem:s2], [sflag:$0x2] =	stream.indirect.gather [spmem:s3], $0x20, s31, s31, $0xb8;
	[tilespmem:$0x1B1E0] =	vst v63  }
0x64: {  	s25 =	simm.s32 $0x100;
	s14 =	simm.s32 $0x1;
	s0 =	simm.s32 $0x1  }
0x65: {  	[tilespmem:s20], [sflag:$0x3] =	stream.indirect.gather [spmem:s3], $0x20, s25, s31, $0xb8;
	[tilespmem:$0x1B1E0] =	vst v63  }
0x66: {  	s14 =	simm.s32 @!p1 $0x0;
	s0 =	simm.s32 @!p0 $0x0;
	_ =	swait.ge [sflag:s29], $0x1000  }
0x67: {  	s5 =	simm.s32 $0x4E80;
	p3 =	seq.s32 s0, s14;
	[sflag:s29] =	ssyncset.done $0x0  }
0x68: {  	s14 =	simm.s32 @!p5 $0xA;
	[dreg:$0x6] =	wrdreg s0;
	[sflag:s29] =	ssyncadd.s32 $0xFFFFF000  }
0x69: {  	[spmem:s1] =	stream.indirect.scatter.add.f32 [tilespmem:s11], [sflag:$0x7], $0x20, s5, s31, $0xb8;
	[tilespmem:$0x1B1E0] =	vst v63  }
0x6a: {  	p4 =	sgt.u32 @!p3 s23, $0x0;
	_ =	swait.ge @!p5 [sflag:s14], $0x1000  }
0x6b: {  	p4 =	por p4, p3;
	[sflag:s14] =	ssyncset.done @!p5 $0x0  }
0x6c: {  	s0 =	simm.s32 $0x180;
	s18 =	simm.s32 @!p4 $0xD;
	[sflag:s14] =	ssyncadd.s32 @!p5 $0xFFFFF000  }
0x6d: {  	[tilespmem:s8], [sflag:$0x4] =	stream.indirect.gather [spmem:s3], $0x20, s0, s31, $0xb8;
	[tilespmem:$0x1B1E0] =	vst v63  }
0x6e: {  	p3 =	por !p1, !p1;
	_ =	swait.ge @!p4 [sflag:s18], $0x400  }
0x6f: {  	p3 =	por @!p0 p1, p1;
	[sflag:s18] =	ssyncset.done @!p4 $0x0  }
0x70: {  	s15 =	simm.s32 @p3 $0x80;
	s25 =	simm.s32 @p3 $0x19A20;
	[sflag:s18] =	ssyncadd.s32 @!p4 $0xFFFFFC00  }
0x71: {  	[spmem:s4] =	stream.indirect.scatter.add.f32 @p3 [tilespmem:s25], [sflag:$0xD], $0x8, s5, s15, $0xb8;
	[tilespmem:$0x1B1E0] =	vst v63  }
0x72: {  	_ =	swait.ge [sflag:s30], $0x1000  }
0x73: {  	[sflag:s30] =	ssyncset.done $0x0  }
0x74: {  	s14 =	simm.s32 @!p5 $0xB;
	s5 =	simm.s32 $0x4F00;
	[sflag:s30] =	ssyncadd.s32 $0xFFFFF000  }
0x75: {  	[spmem:s1] =	stream.indirect.scatter.add.f32 [tilespmem:s2], [sflag:$0x8], $0x20, s5, s31, $0xb8;
	[tilespmem:$0x1B1E0] =	vst v63  }
0x76: {  	p6 =	sgt.u32 s23, $0x1;
	p4 =	por !p3, !p3;
	_ =	swait.ge @!p5 [sflag:s14], $0x1000  }
0x77: {  	p1 =	por p4, p6;
	[sflag:s14] =	ssyncset.done @!p5 $0x0  }
0x78: {  	s9 =	simm.s32 $0x200;
	s19 =	simm.s32 @!p1 $0xE;
	[sflag:s14] =	ssyncadd.s32 @!p5 $0xFFFFF000  }
0x79: {  	[tilespmem:s7], [sflag:$0x5] =	stream.indirect.gather [spmem:s3], $0x20, s9, s31, $0xb8;
	[tilespmem:$0x1B1E0] =	vst v63  }
0x7a: {  	_ =	swait.ge @!p1 [sflag:s19], $0x400  }
0x7b: {  	[sflag:s19] =	ssyncset.done @!p1 $0x0  }
0x7c: {  	[sflag:s19] =	ssyncadd.s32 @!p1 $0xFFFFFC00  }
0x7d: {  	[spmem:s4] =	stream.indirect.scatter.add.f32 @p3 [tilespmem:s25], [sflag:$0xE], $0x8, s5, s15, $0xb8;
	[tilespmem:$0x1B1E0] =	vst v63  }
0x7e: {  	_ =	swait.ge [sflag:s10], $0x1000  }
0x7f: {  	[sflag:s10] =	ssyncset.done $0x0  }
0x80: {  	s14 =	simm.s32 @!p5 $0xC;
	s5 =	simm.s32 $0x4F80;
	[sflag:s10] =	ssyncadd.s32 $0xFFFFF000  }
0x81: {  	[spmem:s1] =	stream.indirect.scatter.add.f32 [tilespmem:s20], [sflag:$0x9], $0x20, s5, s31, $0xb8;
	[tilespmem:$0x1B1E0] =	vst v63  }
0x82: {  	p6 =	sgt.u32 s23, $0x2;
	_ =	swait.ge @!p5 [sflag:s14], $0x1000  }
0x83: {  	p1 =	por p4, p6;
	[sflag:s14] =	ssyncset.done @!p5 $0x0  }
0x84: {  	s22 =	simm.s32 $0x280;
	s19 =	simm.s32 @!p1 $0xF;
	[sflag:s14] =	ssyncadd.s32 @!p5 $0xFFFFF000  }
0x85: {  	[tilespmem:s21], [sflag:$0x6] =	stream.indirect.gather [spmem:s3], $0x20, s22, s31, $0xb8;
	[tilespmem:$0x1B1E0] =	vst v63  }
0x86: {  	_ =	swait.ge @!p1 [sflag:s19], $0x400  }
0x87: {  	[sflag:s19] =	ssyncset.done @!p1 $0x0  }
0x88: {  	[sflag:s19] =	ssyncadd.s32 @!p1 $0xFFFFFC00  }
0x89: {  	[spmem:s4] =	stream.indirect.scatter.add.f32 @p3 [tilespmem:s25], [sflag:$0xF], $0x8, s5, s15, $0xb8;
	[tilespmem:$0x1B1E0] =	vst v63  }
0x8a: {  	_ =	swait.ge [sflag:s12], $0x1000  }
0x8b: {  	[sflag:s12] =	ssyncset.done $0x0  }
0x8c: {  	p5 =	por $0x0, $0x0;
	s5 =	simm.s32 $0x5000;
	[sflag:s12] =	ssyncadd.s32 $0xFFFFF000  }
0x8d: {  	[spmem:s1] =	stream.indirect.scatter.add.f32 [tilespmem:s8], [sflag:$0xA], $0x20, s5, s31, $0xb8;
	[tilespmem:$0x1B1E0] =	vst v63  }
0x8e: {  	p6 =	sgt.u32 s23, $0x3;
	s14 =	simm.s32 @!p5 $0x9D00;
	_ =	swait.ge [sflag:s6], $0x1000  }
0x8f: {  	s18 =	simm.s32 @!p5 $0x300;
	p1 =	por p4, p6;
	[sflag:s6] =	ssyncset.done $0x0  }
0x90: {  	s20 =	simm.s32 @!p5 $0x80;
	s19 =	simm.s32 @!p1 $0x10;
	[sflag:s6] =	ssyncadd.s32 $0xFFFFF000  }
0x91: {  	[tilespmem:s14], [sflag:$0x1] =	stream.indirect.gather @!p5 [spmem:s3], $0x20, s18, s20, $0xb8;
	[tilespmem:$0x1B1E0] =	vst v63  }
0x92: {  	_ =	swait.ge @!p1 [sflag:s19], $0x400  }
0x93: {  	[sflag:s19] =	ssyncset.done @!p1 $0x0  }
0x94: {  	[sflag:s19] =	ssyncadd.s32 @!p1 $0xFFFFFC00  }
0x95: {  	[spmem:s4] =	stream.indirect.scatter.add.f32 @p3 [tilespmem:s25], [sflag:$0x10], $0x8, s5, s15, $0xb8;
	[tilespmem:$0x1B1E0] =	vst v63  }
0x96: {  	_ =	swait.ge [sflag:s13], $0x1000  }
0x97: {  	[sflag:s13] =	ssyncset.done $0x0  }
0x98: {  	s5 =	simm.s32 $0x5080;
	[sflag:s13] =	ssyncadd.s32 $0xFFFFF000  }
0x99: {  	[spmem:s1] =	stream.indirect.scatter.add.f32 [tilespmem:s7], [sflag:$0xB], $0x20, s5, s31, $0xb8;
	[tilespmem:$0x1B1E0] =	vst v63  }
0x9a: {  	p6 =	sgt.u32 s23, $0x4;
	_ =	swait.ge [sflag:s16], $0x1000  }
0x9b: {  	s14 =	simm.s32 @!p5 $0x380;
	p1 =	por p4, p6;
	[sflag:s16] =	ssyncset.done $0x0  }
0x9c: {  	s18 =	simm.s32 @!p5 $0xAD00;
	s19 =	simm.s32 @!p1 $0x11;
	[sflag:s16] =	ssyncadd.s32 $0xFFFFF000  }
0x9d: {  	[tilespmem:s18], [sflag:$0x2] =	stream.indirect.gather @!p5 [spmem:s3], $0x20, s14, s20, $0xb8;
	[tilespmem:$0x1B1E0] =	vst v63  }
0x9e: {  	_ =	swait.ge @!p1 [sflag:s19], $0x400  }
0x9f: {  	[sflag:s19] =	ssyncset.done @!p1 $0x0  }
0xa0: {  	[sflag:s19] =	ssyncadd.s32 @!p1 $0xFFFFFC00  }
0xa1: {  	[spmem:s4] =	stream.indirect.scatter.add.f32 @p3 [tilespmem:s25], [sflag:$0x11], $0x8, s5, s15, $0xb8;
	[tilespmem:$0x1B1E0] =	vst v63  }
0xa2: {  	_ =	swait.ge [sflag:s26], $0x1000  }
0xa3: {  	[sflag:s26] =	ssyncset.done $0x0  }
0xa4: {  	s8 =	simm.s32 $0xCD00;
	s19 =	simm.s32 $0x5100;
	[sflag:s26] =	ssyncadd.s32 $0xFFFFF000  }
0xa5: {  	[spmem:s1] =	stream.indirect.scatter.add.f32 [tilespmem:s21], [sflag:$0xC], $0x20, s19, s31, $0xb8;
	[tilespmem:$0x1B1E0] =	vst v63  }
0xa6: {  	p6 =	sgt.u32 s23, $0x5;
	s7 =	simm.s32 $0xDD00;
	_ =	swait.ge [sflag:s17], $0x1000  }
0xa7: {  	s14 =	simm.s32 @!p5 $0xBD00;
	s18 =	simm.s32 $0x6;
	[sflag:s17] =	ssyncset.done $0x0  }
0xa8: {  	p1 =	por p4, p6;
	s5 =	simm.s32 @!p5 $0x400;
	[sflag:s17] =	ssyncadd.s32 $0xFFFFF000  }
0xa9: {  	[tilespmem:s14], [sflag:$0x3] =	stream.indirect.gather @!p5 [spmem:s3], $0x20, s5, s20, $0xb8;
	[tilespmem:$0x1B1E0] =	vst v63  }
0xaa: {  	s28 =	simm.s32 @!p1 $0x12;
	s21 =	simm.s32 $0xC00;
	s5 =	simm.s32 $0x0  }
.LBB2_2:
0xab: {  	_ =	swait.ge @!p1 [sflag:s28], $0x400;
	s22 =	smov.u32 s21  }
0xac: {  	s5 =	sadd.s32 $0x1, s5;
	[sflag:s28] =	ssyncset.done @!p1 $0x0;
	s20 =	sshra.s32 s22, $0x2  }
0xad: {  	p5 =	sgt.u32 s5, $0xC;
	p6 =	seq.s32 s22, $0x0;
	[sflag:s28] =	ssyncadd.s32 @!p1 $0xFFFFFC00  }
0xae: {  	[spmem:s4] =	stream.indirect.scatter.add.f32 @p3 [tilespmem:s25], [sflag:$0x12], $0x8, s19, s15, $0xb8;
	[tilespmem:$0x1B1E0] =	vst v63  }
0xaf: {  	s14 =	sadd.s32 $0x4E80, s20;
	s15 =	simm.s32 $0x1;
	_ =	swait.ge [sflag:s29], $0x1000  }
0xb0: {  	s15 =	simm.s32 @!p5 $0x0;
	[sflag:s29] =	ssyncset.done $0x0;
	s0 =	rddreg [dreg:$0x6]  }
0xb1: {  	p1 =	seq.s32 s0, s15;
	[sflag:s29] =	ssyncadd.s32 $0xFFFFF000;
	s15 =	simm.s32 @!p6 $0xA  }
0xb2: {  	[spmem:s1] =	stream.indirect.scatter.add.f32 [tilespmem:s11], [sflag:$0x7], $0x20, s14, s31, $0xb8;
	[tilespmem:$0x1B1E0] =	vst v63  }
0xb3: {  	p3 =	slt.u32 @!p1 s18, s23;
	_ =	swait.ge @!p6 [sflag:s15], $0x1000  }
0xb4: {  	p1 =	por p3, p1;
	[sflag:s15] =	ssyncset.done @!p6 $0x0  }
0xb5: {  	s25 =	sadd.s32 $0x180, s20;
	s28 =	simm.s32 @!p1 $0xD;
	[sflag:s15] =	ssyncadd.s32 @!p6 $0xFFFFF000  }
0xb6: {  	[tilespmem:s8], [sflag:$0x4] =	stream.indirect.gather [spmem:s3], $0x20, s25, s31, $0xb8;
	[tilespmem:$0x1B1E0] =	vst v63  }
0xb7: {  	p3 =	por !p5, !p5;
	_ =	swait.ge @!p1 [sflag:s28], $0x400  }
0xb8: {  	p3 =	por @!p0 p5, p5;
	[sflag:s28] =	ssyncset.done @!p1 $0x0  }
0xb9: {  	s15 =	simm.s32 @p3 $0x80;
	s25 =	simm.s32 @p3 $0x19A20;
	[sflag:s28] =	ssyncadd.s32 @!p1 $0xFFFFFC00  }
0xba: {  	[spmem:s4] =	stream.indirect.scatter.add.f32 @p3 [tilespmem:s25], [sflag:$0xD], $0x8, s14, s15, $0xb8;
	[tilespmem:$0x1B1E0] =	vst v63  }
0xbb: {  	_ =	swait.ge [sflag:s30], $0x1000  }
0xbc: {  	s0 =	sadd.s32 $0x1, s18;
	[sflag:s30] =	ssyncset.done $0x0  }
0xbd: {  	s28 =	simm.s32 @!p6 $0xB;
	s14 =	sadd.s32 $0x4F00, s20;
	[sflag:s30] =	ssyncadd.s32 $0xFFFFF000  }
0xbe: {  	[spmem:s1] =	stream.indirect.scatter.add.f32 [tilespmem:s2], [sflag:$0x8], $0x20, s14, s31, $0xb8;
	[tilespmem:$0x1B1E0] =	vst v63  }
0xbf: {  	p5 =	por !p3, !p3;
	p1 =	slt.u32 s0, s23;
	_ =	swait.ge @!p6 [sflag:s28], $0x1000  }
0xc0: {  	p1 =	por p5, p1;
	[sflag:s28] =	ssyncset.done @!p6 $0x0  }
0xc1: {  	s9 =	sadd.s32 $0x200, s20;
	s0 =	simm.s32 @!p1 $0xE;
	[sflag:s28] =	ssyncadd.s32 @!p6 $0xFFFFF000  }
0xc2: {  	[tilespmem:s7], [sflag:$0x5] =	stream.indirect.gather [spmem:s3], $0x20, s9, s31, $0xb8;
	[tilespmem:$0x1B1E0] =	vst v63  }
0xc3: {  	_ =	swait.ge @!p1 [sflag:s0], $0x400  }
0xc4: {  	[sflag:s0] =	ssyncset.done @!p1 $0x0  }
0xc5: {  	[sflag:s0] =	ssyncadd.s32 @!p1 $0xFFFFFC00  }
0xc6: {  	[spmem:s4] =	stream.indirect.scatter.add.f32 @p3 [tilespmem:s25], [sflag:$0xE], $0x8, s14, s15, $0xb8;
	[tilespmem:$0x1B1E0] =	vst v63  }
0xc7: {  	_ =	swait.ge [sflag:s10], $0x1000  }
0xc8: {  	s19 =	simm.s32 @!p6 $0xC;
	s11 =	sadd.s32 $0x2, s18;
	[sflag:s10] =	ssyncset.done $0x0  }
0xc9: {  	s0 =	sadd.s32 $0x4F80, s20;
	s14 =	simm.s32 $0xBD00;
	[sflag:s10] =	ssyncadd.s32 $0xFFFFF000  }
0xca: {  	[spmem:s1] =	stream.indirect.scatter.add.f32 [tilespmem:s14], [sflag:$0x9], $0x20, s0, s31, $0xb8;
	[tilespmem:$0x1B1E0] =	vst v63  }
0xcb: {  	p1 =	slt.u32 s11, s23;
	_ =	swait.ge @!p6 [sflag:s19], $0x1000  }
0xcc: {  	p1 =	por p5, p1;
	[sflag:s19] =	ssyncset.done @!p6 $0x0  }
0xcd: {  	s9 =	sadd.s32 $0x280, s20;
	s28 =	simm.s32 @!p1 $0xF;
	[sflag:s19] =	ssyncadd.s32 @!p6 $0xFFFFF000  }
0xce: {  	[tilespmem:s24], [sflag:$0x6] =	stream.indirect.gather [spmem:s3], $0x20, s9, s31, $0xb8;
	[tilespmem:$0x1B1E0] =	vst v63  }
0xcf: {  	_ =	swait.ge @!p1 [sflag:s28], $0x400  }
0xd0: {  	[sflag:s28] =	ssyncset.done @!p1 $0x0  }
0xd1: {  	[sflag:s28] =	ssyncadd.s32 @!p1 $0xFFFFFC00  }
0xd2: {  	[spmem:s4] =	stream.indirect.scatter.add.f32 @p3 [tilespmem:s25], [sflag:$0xF], $0x8, s0, s15, $0xb8;
	[tilespmem:$0x1B1E0] =	vst v63  }
0xd3: {  	_ =	swait.ge [sflag:s12], $0x1000  }
0xd4: {  	s11 =	sadd.s32 $0x3, s18;
	p6 =	seq.s32 s22, $0x12C00;
	[sflag:s12] =	ssyncset.done $0x0  }
0xd5: {  	s19 =	sshra.s32 @!p6 s22, $0x2;
	s0 =	sadd.s32 $0x5000, s20;
	[sflag:s12] =	ssyncadd.s32 $0xFFFFF000  }
0xd6: {  	[spmem:s1] =	stream.indirect.scatter.add.f32 [tilespmem:s8], [sflag:$0xA], $0x20, s0, s31, $0xb8;
	[tilespmem:$0x1B1E0] =	vst v63  }
0xd7: {  	s22 =	simm.s32 @!p6 $0x80;
	p1 =	slt.u32 s11, s23;
	_ =	swait.ge [sflag:s6], $0x1000  }
0xd8: {  	s2 =	sadd.s32 @!p6 $0x300, s19;
	p1 =	por p5, p1;
	[sflag:s6] =	ssyncset.done $0x0  }
0xd9: {  	s28 =	simm.s32 @!p6 $0x9D00;
	s11 =	simm.s32 @!p1 $0x10;
	[sflag:s6] =	ssyncadd.s32 $0xFFFFF000  }
0xda: {  	[tilespmem:s28], [sflag:$0x1] =	stream.indirect.gather @!p6 [spmem:s3], $0x20, s2, s22, $0xb8;
	[tilespmem:$0x1B1E0] =	vst v63  }
0xdb: {  	_ =	swait.ge @!p1 [sflag:s11], $0x400  }
0xdc: {  	[sflag:s11] =	ssyncset.done @!p1 $0x0  }
0xdd: {  	[sflag:s11] =	ssyncadd.s32 @!p1 $0xFFFFFC00  }
0xde: {  	[spmem:s4] =	stream.indirect.scatter.add.f32 @p3 [tilespmem:s25], [sflag:$0x10], $0x8, s0, s15, $0xb8;
	[tilespmem:$0x1B1E0] =	vst v63  }
0xdf: {  	_ =	swait.ge [sflag:s13], $0x1000  }
0xe0: {  	s9 =	sadd.s32 @!p6 $0x380, s19;
	s14 =	sadd.s32 @!p6 $0x400, s19;
	[sflag:s13] =	ssyncset.done $0x0  }
0xe1: {  	s19 =	sadd.s32 $0x4, s18;
	s0 =	sadd.s32 $0x5080, s20;
	[sflag:s13] =	ssyncadd.s32 $0xFFFFF000  }
0xe2: {  	[spmem:s1] =	stream.indirect.scatter.add.f32 [tilespmem:s7], [sflag:$0xB], $0x20, s0, s31, $0xb8;
	[tilespmem:$0x1B1E0] =	vst v63  }
0xe3: {  	p1 =	slt.u32 s19, s23;
	_ =	swait.ge [sflag:s16], $0x1000  }
0xe4: {  	p1 =	por p5, p1;
	[sflag:s16] =	ssyncset.done $0x0  }
0xe5: {  	s2 =	simm.s32 @!p6 $0xAD00;
	s11 =	simm.s32 @!p1 $0x11;
	[sflag:s16] =	ssyncadd.s32 $0xFFFFF000  }
0xe6: {  	[tilespmem:s2], [sflag:$0x2] =	stream.indirect.gather @!p6 [spmem:s3], $0x20, s9, s22, $0xb8;
	[tilespmem:$0x1B1E0] =	vst v63  }
0xe7: {  	_ =	swait.ge @!p1 [sflag:s11], $0x400  }
0xe8: {  	[sflag:s11] =	ssyncset.done @!p1 $0x0  }
0xe9: {  	[sflag:s11] =	ssyncadd.s32 @!p1 $0xFFFFFC00  }
0xea: {  	[spmem:s4] =	stream.indirect.scatter.add.f32 @p3 [tilespmem:s25], [sflag:$0x11], $0x8, s0, s15, $0xb8;
	[tilespmem:$0x1B1E0] =	vst v63  }
0xeb: {  	_ =	swait.ge [sflag:s26], $0x1000  }
0xec: {  	s21 =	sadd.s32 $0xC00, s21;
	[sflag:s26] =	ssyncset.done $0x0  }
0xed: {  	p4 =	sne.s32 s21, $0x13800;
	s19 =	sadd.s32 $0x5100, s20;
	[sflag:s26] =	ssyncadd.s32 $0xFFFFF000  }
0xee: {  	[spmem:s1] =	stream.indirect.scatter.add.f32 [tilespmem:s24], [sflag:$0xC], $0x20, s19, s31, $0xb8;
	[tilespmem:$0x1B1E0] =	vst v63  }
.Ltmp2:
0xef: {  	s20 =	sadd.s32 $0x5, s18;
	s18 =	sadd.s32 $0x6, s18;
	(pc) =	sbr.rel @p4 .LBB2_2-.Ltmp2, $4  }
0xf0: {  	s2 =	simm.s32 $0xAD00;
	p1 =	slt.u32 s20, s23;
	_ =	swait.ge [sflag:s17], $0x1000  }
0xf1: {  	s11 =	simm.s32 $0x9D00;
	p1 =	por p5, p1;
	[sflag:s17] =	ssyncset.done $0x0  }
0xf2: {  	s0 =	simm.s32 @!p6 $0xBD00;
	s28 =	simm.s32 @!p1 $0x12;
	[sflag:s17] =	ssyncadd.s32 $0xFFFFF000  }
0xf3: {  	[tilespmem:s0], [sflag:$0x3] =	stream.indirect.gather @!p6 [spmem:s3], $0x20, s14, s22, $0xb8;
	[tilespmem:$0x1B1E0] =	vst v63  }
0xf4: {  	_ =	swait.ge @!p1 [sflag:s28], $0x400  }
0xf5: {  	[sflag:s28] =	ssyncset.done @!p1 $0x0  }
0xf6: {  	s0 =	simm.s32 $0xD;
	[sflag:s28] =	ssyncadd.s32 @!p1 $0xFFFFFC00  }
0xf7: {  	[spmem:s4] =	stream.indirect.scatter.add.f32 @p3 [tilespmem:s25], [sflag:$0x12], $0x8, s19, s15, $0xb8;
	[tilespmem:$0x1B1E0] =	vst v63  }
0xf8: {  	_ =	swait.ge [sflag:s0], $0x400  }
0xf9: {  	[sflag:s0] =	ssyncset.done $0x0  }
0xfa: {  	s15 =	simm.s32 $0xE;
	[sflag:s0] =	ssyncadd.s32 $0xFFFFFC00  }
0xfb: {  	_ =	swait.ge [sflag:s15], $0x400  }
0xfc: {  	[sflag:s15] =	ssyncset.done $0x0  }
0xfd: {  	s18 =	simm.s32 $0xF;
	[sflag:s15] =	ssyncadd.s32 $0xFFFFFC00  }
0xfe: {  	_ =	swait.ge [sflag:s18], $0x400  }
0xff: {  	[sflag:s18] =	ssyncset.done $0x0  }
0x100: {  	s19 =	simm.s32 $0x10;
	[sflag:s18] =	ssyncadd.s32 $0xFFFFFC00  }
0x101: {  	_ =	swait.ge [sflag:s19], $0x400  }
0x102: {  	[sflag:s19] =	ssyncset.done $0x0  }
0x103: {  	s20 =	simm.s32 $0x11;
	[sflag:s19] =	ssyncadd.s32 $0xFFFFFC00  }
0x104: {  	_ =	swait.ge [sflag:s20], $0x400  }
0x105: {  	[sflag:s20] =	ssyncset.done $0x0  }
0x106: {  	s21 =	simm.s32 $0x12;
	[sflag:s20] =	ssyncadd.s32 $0xFFFFFC00  }
0x107: {  	_ =	swait.ge [sflag:s21], $0x400  }
0x108: {  	[sflag:s21] =	ssyncset.done $0x0  }
0x109: {  	s22 =	simm.s32 $0xA;
	[sflag:s21] =	ssyncadd.s32 $0xFFFFFC00  }
0x10a: {  	_ =	swait.ge [sflag:s22], $0x1000  }
0x10b: {  	[sflag:s22] =	ssyncset.done $0x0  }
0x10c: {  	s25 =	simm.s32 $0xB;
	[sflag:s22] =	ssyncadd.s32 $0xFFFFF000  }
0x10d: {  	_ =	swait.ge [sflag:s25], $0x1000  }
.Ltmp3:
0x10e: {  	[sflag:s25] =	ssyncset.done $0x0;
	(pc) =	sbr.rel @p2 .LBB2_7-.Ltmp3, $4  }
0x10f: {  	s28 =	simm.s32 $0xC;
	[sflag:s25] =	ssyncadd.s32 $0xFFFFF000  }
0x110: {  	_ =	swait.ge [sflag:s28], $0x1000  }
0x111: {  	[sflag:s28] =	ssyncset.done $0x0  }
0x112: {  	[sflag:s28] =	ssyncadd.s32 $0xFFFFF000  }
0x113: {  	s0 =	simm.s32 $0x4E00;
	s9 =	simm.s32 $0x13  }
0x114: {  	[tilespmem:s11], [sflag:$0x13] =	stream.indirect.gather [spmem:s3], $0x20, s0, s31, $0xb8;
	[tilespmem:$0x1B1E0] =	vst v63  }
0x115: {  	_ =	swait.ge [sflag:s9], $0x1000  }
0x116: {  	[sflag:s9] =	ssyncset.done $0x0  }
0x117: {  	s2 =	simm.s32 $0x9C80;
	[sflag:s9] =	ssyncadd.s32 $0xFFFFF000  }
0x118: {  	[spmem:s1] =	stream.indirect.scatter.add.f32 [tilespmem:s11], [sflag:$0x13], $0x20, s2, s31, $0xb8;
	[tilespmem:$0x1B1E0] =	vst v63  }
0x119: {  	_ =	swait.ge [sflag:s9], $0x1000  }
0x11a: {  	s28 =	sld [smem:$0x7FD];
	_ =	sdelay $0x2  }
0x11b: {  	p1 =	seq.s32 s28, $0x1  }
.Ltmp4:
0x11c: {  	_ = 	snop;
	(pc) =	sbr.rel @p1 .LBB2_6-.Ltmp4, $4  }
0x11d: {  	_ = 	snop  }
0x11e: {  	s20 =	simm.s32 $0xBD00  }
0x11f: {  	s8 =	simm.s32 $0xCD00;
	s7 =	simm.s32 $0xDD00;
	[sflag:s9] =	ssyncset.done $0x0  }
0x120: {  	s21 =	simm.s32 $0xED00;
	s18 =	rddreg [dreg:$0xf];
	[sflag:s9] =	ssyncadd.s32 $0xFFFFF000  }
.Ltmp5:
0x121: {  	(pc) =	sbr.rel .LBB2_9-.Ltmp5, $4  }
0x122: {  	[bflag:$0x0] =	sbarrier.arrive $0xFFFF  }
0x123: {  	s14 =	rddreg [dreg:$0x9]  }
0x124: {  	s5 =	rddreg [dreg:$0xb]  }
0x125: {  	s2 =	rddreg [dreg:$0x1a]  }
.LBB2_7:
.Ltmp6:
0x126: {  	[bflag:$0x0] =	sbarrier.arrive $0xFFFF;
	(pc) =	sbr.rel @p0 .LBB2_9-.Ltmp6, $4  }
.Ltmp7:
0x127: {  	s14 =	rddreg [dreg:$0x9];
	(pc) =	sbr.rel @!p0 .LBB2_8-.Ltmp7, $4  }
0x128: {  	s9 =	simm.s32 $0x13;
	s5 =	rddreg [dreg:$0xb]  }
0x129: {  	s20 =	simm.s32 $0xBD00;
	s8 =	simm.s32 $0xCD00;
	s18 =	rddreg [dreg:$0xf]  }
0x12a: {  	s7 =	simm.s32 $0xDD00;
	s21 =	simm.s32 $0xED00;
	s2 =	rddreg [dreg:$0x1a]  }
0x12b: {  	_ = 	snop  }
.LBB2_10:
0x12c: {  	_ =	sfence.sel $0x180000  }
0x12d: {  	[bflag:$0x0] =	sbarrier.arrive $0xFFFF  }
0x12e: {  	_ =	strace $0x90000047  }
0x12f: {  	s0 =	stileid.u32;
	[bflag:$0x2] =	sbarrier.arrive $0xFFFF  }
0x130: {  	p0 =	sne.s32 s0, $0x0;
	s0 =	rddreg [dreg:$0x5]  }
0x131: {  	s0 =	sadd.s32 @!p0 $0x100000, s0  }
0x132: {  	[sflag:s0] =	ssyncadd.tile.s32 @!p0 $0x1;
	_ =	shalt  }
.Lfunc_end2:
_tile_overlayer_lowered:
.L_overlay_start_2:
0x133: {  	(tag) =	ssettag $0x2  }
0x134: {  	s0 =	rddreg [dreg:$0x0];
	s2 =	stileid.u32  }
0x135: {  	s1 =	rddreg [dreg:$0x1];
	p0 =	sne.s32 s2, $0x0  }
0x136: {  	s3 =	rddreg [dreg:$0x2];
	[bflag:$0x3] =	sbarrier.arrive $0xFFFF;
	s2 =	simm.s32 @!p0 $0x1C13  }
0x137: {  	[timem:s3], [sflag:s2] =	dma.local @!p0 [hbm:s0], s1  }
0x138: {  	s0 =	simm.s32 @!p0 $0x13  }
0x139: {  	_ =	swait.ge @!p0 [sflag:s0], s1  }
0x13a: {  	s1 =	ssub.s32 @!p0 $0x0, s1;
	[sflag:s0] =	ssyncset.done @!p0 $0x0  }
0x13b: {  	[sflag:s0] =	ssyncadd.s32 @!p0 s1  }
0x13c: {  	[bflag:$0x3] =	sbarrier.arrive $0xFFFF  }
0x13d: {  	_ =	shalt  }

</sc_bundles>
